<compile_context>
chip_gen: v7x
topology: tpu7x:2x2x1
jax: 0.10.2.dev20260603
libtpu: 0.0.44.dev20260713+nightly
codegen_flags: <defaults>
</compile_context>

<pallas_src>
import functools

import jax
import jax.numpy as jnp
from jax import lax
from jax.experimental import pallas as pl
from jax.experimental.pallas import tpu as pltpu
from jax.experimental.pallas import tpu_sc as plsc

_NUM_TRAJ = 2000
_NUM_CHECKIN = 8000
_N = _NUM_TRAJ + _NUM_CHECKIN
_D = 128
_E1 = 160000
_NUM_POI = 5000

_NC = 2
_NS = 16
_NW = _NC * _NS
_CHUNK = 128
_NCHUNK = 40
_EPT = _CHUNK * _NCHUNK
_E_PAD = _EPT * _NW
_SEG_PAD = 8192
_RPT = _SEG_PAD // _NS


def _fast_cos(x):
    q = jnp.round(x * jnp.float32(0.6366197723675814))
    r = x - q * jnp.float32(1.57079601287841796875)
    r = r - q * jnp.float32(3.139164786504813e-7)
    r = r - q * jnp.float32(5.389759655482421e-15)
    r2 = r * r
    s = r + r * r2 * (jnp.float32(-1.6666654611e-1)
                      + r2 * (jnp.float32(8.3321608736e-3)
                              + r2 * jnp.float32(-1.9515295891e-4)))
    c = 1.0 - 0.5 * r2 + r2 * r2 * (jnp.float32(4.166664568298827e-2)
                                    + r2 * (jnp.float32(-1.388731625493765e-3)
                                            + r2 * jnp.float32(2.443315711809948e-5)))
    k = q.astype(jnp.int32)
    odd = (k & 1) == 1
    neg = ((k + (k & 1)) & 2) != 0
    base = jnp.where(odd, s, c)
    return jnp.where(neg, -base, base)


def _fusion_traj_body(dts_ref, dss_ref, timew_ref, timeb_ref, distw_ref,
                      distb_ref, tw_ref, sw_ref, xtraj_ref):
    t_emb = _fast_cos(dts_ref[...] * (1.0 / 3600.0) * timew_ref[...]
                      + timeb_ref[...])
    s_emb = jnp.maximum(dss_ref[...] * distw_ref[...] + distb_ref[...], 0.0)
    fuse = tw_ref[...] * t_emb + sw_ref[...] * s_emb
    xtraj_ref[...] = jnp.maximum(fuse, 0.0)


_fusion_traj_call = pl.pallas_call(
    _fusion_traj_body,
    out_shape=jax.ShapeDtypeStruct((_NUM_TRAJ, _D), jnp.float32),
)


def _fusion_ci_body(dts_ref, dss_ref, ci_ref, timew_ref, timeb_ref, distw_ref,
                    distb_ref, tw_ref, sw_ref, xci_ref, fuse_ref):
    t_emb = _fast_cos(dts_ref[...] * (1.0 / 3600.0) * timew_ref[...]
                      + timeb_ref[...])
    s_emb = jnp.maximum(dss_ref[...] * distw_ref[...] + distb_ref[...], 0.0)
    fuse = tw_ref[...] * t_emb + sw_ref[...] * s_emb
    xci_ref[...] = jnp.maximum(ci_ref[...] + fuse, 0.0)
    fuse_ref[...] = fuse


_fusion_ci_call = pl.pallas_call(
    _fusion_ci_body,
    out_shape=(
        jax.ShapeDtypeStruct((_NUM_CHECKIN, _D), jnp.float32),
        jax.ShapeDtypeStruct((_NUM_CHECKIN, _D), jnp.float32),
    ),
)


def _sc_edge_body(xtraj, rowr, colr, attrr, agg_out, ss_out,
                  agg_sh, ss_sh, tab_sh, row_v, col_v, attr_v, rows_a, rows_b,
                  exp_a, exp_b, zrow_v, sem_a, sem_b, sem_sa, sem_sb,
                  sem_ea, sem_eb):
    c = lax.axis_index("c")
    s = lax.axis_index("s")
    wid = c * _NS + s

    zero16 = jnp.zeros((16,), jnp.float32)

    pltpu.async_copy(rowr.at[pl.ds(wid * _NCHUNK, _NCHUNK)], row_v, sem_a)
    pltpu.async_copy(colr.at[pl.ds(wid * _NCHUNK, _NCHUNK)], col_v, sem_sa)
    pltpu.async_copy(attrr.at[pl.ds(wid * _NCHUNK, _NCHUNK)], attr_v, sem_sb)
    tail = _NUM_TRAJ - 128 * (_NS - 1)

    @pl.when(s < _NS - 1)
    def _load_full():
        off = pl.multiple_of(s * 128, 8)
        pltpu.async_copy(xtraj.at[pl.ds(off, 128)], rows_b, sem_b)

    @pl.when(s == _NS - 1)
    def _load_tail():
        off = pl.multiple_of((_NS - 1) * 128, 8)
        pltpu.async_copy(xtraj.at[pl.ds(off, tail)], rows_b.at[pl.ds(0, tail)],
                         sem_b)

    def _zrow(i, carry):
        for k in range(8):
            rows_a[i, pl.ds(k * 16, 16)] = zero16
        return carry
    lax.fori_loop(0, 128, _zrow, 0)
    for k in range(32):
        zrow_v[pl.ds(k * 16, 16)] = zero16
    for j in range(_RPT // 128):
        pltpu.sync_copy(rows_a, agg_sh.at[pl.ds(s * _RPT + j * 128, 128)])
    pltpu.sync_copy(zrow_v, ss_sh.at[pl.ds(s * _RPT, _RPT)])

    @pl.when(s < _NS - 1)
    def _stage_full():
        off = pl.multiple_of(s * 128, 8)
        pltpu.make_async_copy(xtraj.at[pl.ds(off, 128)], rows_b, sem_b).wait()
        pltpu.sync_copy(rows_b, tab_sh.at[pl.ds(off, 128)])

    @pl.when(s == _NS - 1)
    def _stage_tail():
        off = pl.multiple_of((_NS - 1) * 128, 8)
        pltpu.make_async_copy(xtraj.at[pl.ds(off, tail)],
                              rows_b.at[pl.ds(0, tail)], sem_b).wait()
        pltpu.sync_copy(rows_b.at[pl.ds(0, tail)], tab_sh.at[pl.ds(off, tail)])

    pltpu.make_async_copy(rowr.at[pl.ds(wid * _NCHUNK, _NCHUNK)], row_v,
                          sem_a).wait()
    pltpu.make_async_copy(colr.at[pl.ds(wid * _NCHUNK, _NCHUNK)], col_v,
                          sem_sa).wait()
    pltpu.make_async_copy(attrr.at[pl.ds(wid * _NCHUNK, _NCHUNK)], attr_v,
                          sem_sb).wait()

    plsc.subcore_barrier()

    def _scale(j, buf, ebuf):
        def _group(g, carry2):
            a = attr_v[j, pl.ds(g * 16, 16)]
            w = jnp.exp(a)
            ebuf[pl.ds(g * 16, 16)] = w
            for t in range(16):
                ws = jnp.full((16,), w[t])
                e = g * 16 + t
                for k in range(8):
                    sl = pl.ds(k * 16, 16)
                    buf[e, sl] = buf[e, sl] * ws
            return carry2
        lax.fori_loop(0, 8, _group, 0)

    pltpu.async_copy(tab_sh.at[col_v.at[0]], rows_a, sem_a)

    def _pair(p, carry):
        c0 = 2 * p
        pltpu.make_async_copy(tab_sh.at[col_v.at[c0]], rows_a, sem_a).wait()
        pltpu.async_copy(tab_sh.at[col_v.at[c0 + 1]], rows_b, sem_b)
        _scale(c0, rows_a, exp_a)
        pltpu.async_copy(rows_a, agg_sh.at[row_v.at[c0]], sem_sa, add=True)
        pltpu.async_copy(exp_a, ss_sh.at[row_v.at[c0]], sem_ea, add=True)
        pltpu.make_async_copy(tab_sh.at[col_v.at[c0 + 1]], rows_b, sem_b).wait()
        _scale(c0 + 1, rows_b, exp_b)
        pltpu.async_copy(rows_b, agg_sh.at[row_v.at[c0 + 1]], sem_sb, add=True)
        pltpu.async_copy(exp_b, ss_sh.at[row_v.at[c0 + 1]], sem_eb, add=True)
        pltpu.make_async_copy(rows_a, agg_sh.at[row_v.at[c0]], sem_sa).wait()
        c2 = jnp.minimum(c0 + 2, _NCHUNK - 1)
        pltpu.async_copy(tab_sh.at[col_v.at[c2]], rows_a, sem_a)
        pltpu.make_async_copy(rows_b, agg_sh.at[row_v.at[c0 + 1]], sem_sb).wait()
        pltpu.make_async_copy(exp_a, ss_sh.at[row_v.at[c0]], sem_ea).wait()
        pltpu.make_async_copy(exp_b, ss_sh.at[row_v.at[c0 + 1]], sem_eb).wait()
        return carry
    lax.fori_loop(0, _NCHUNK // 2, _pair, 0)
    pltpu.make_async_copy(
        tab_sh.at[col_v.at[_NCHUNK - 1]], rows_a, sem_a).wait()

    plsc.subcore_barrier()

    pltpu.sync_copy(agg_sh.at[pl.ds(s * _RPT, _RPT)],
                    agg_out.at[c, pl.ds(s * _RPT, _RPT)])
    pltpu.sync_copy(ss_sh.at[pl.ds(s * _RPT, _RPT)],
                    ss_out.at[c, pl.ds(s * _RPT, _RPT)])


_sc_edge_call = pl.kernel(
    _sc_edge_body,
    out_type=(
        jax.ShapeDtypeStruct((_NC, _SEG_PAD, _D), jnp.float32),
        jax.ShapeDtypeStruct((_NC, _SEG_PAD), jnp.float32),
    ),
    mesh=plsc.VectorSubcoreMesh(core_axis_name="c", subcore_axis_name="s",
                                num_cores=_NC, num_subcores=_NS),
    scratch_types=[
        pltpu.VMEM_SHARED((_SEG_PAD, _D), jnp.float32),
        pltpu.VMEM_SHARED((_SEG_PAD,), jnp.float32),
        pltpu.VMEM_SHARED((_NUM_TRAJ, _D), jnp.float32),
        pltpu.VMEM((_NCHUNK, _CHUNK), jnp.int32),
        pltpu.VMEM((_NCHUNK, _CHUNK), jnp.int32),
        pltpu.VMEM((_NCHUNK, _CHUNK), jnp.float32),
        pltpu.VMEM((_CHUNK, _D), jnp.float32),
        pltpu.VMEM((_CHUNK, _D), jnp.float32),
        pltpu.VMEM((_CHUNK,), jnp.float32),
        pltpu.VMEM((_CHUNK,), jnp.float32),
        pltpu.VMEM((_RPT,), jnp.float32),
        pltpu.SemaphoreType.DMA,
        pltpu.SemaphoreType.DMA,
        pltpu.SemaphoreType.DMA,
        pltpu.SemaphoreType.DMA,
        pltpu.SemaphoreType.DMA,
        pltpu.SemaphoreType.DMA,
    ],
)


_BM = 1024
_BN = 1024


def _head_body(xci_ref, fuse_ref, agg0_ref, agg1_ref, ss0_ref, ss1_ref,
               g_ref, b_ref, wt_ref, bias_ref, out_ref, ht_scr):
    @pl.when(pl.program_id(1) == 0)
    def _():
        denom = ss0_ref[...] + ss1_ref[...] + 1e-30
        h = xci_ref[...] + (agg0_ref[...] + agg1_ref[...]) / denom
        mu = jnp.mean(h, axis=1, keepdims=True)
        var = jnp.mean((h - mu) * (h - mu), axis=1, keepdims=True)
        h = (h - mu) * jax.lax.rsqrt(var + 1e-5) * g_ref[...] + b_ref[...]
        ht_scr[...] = (h + fuse_ref[...]).T.astype(jnp.bfloat16)

    out_ref[...] = jnp.dot(wt_ref[...], ht_scr[...],
                           preferred_element_type=jnp.float32) + bias_ref[...]


_head_call = pl.pallas_call(
    _head_body,
    grid=((_NUM_CHECKIN + _BM - 1) // _BM, (_NUM_POI + _BN - 1) // _BN),
    in_specs=[
        pl.BlockSpec((_BM, _D), lambda m, n: (m, 0)),
        pl.BlockSpec((_BM, _D), lambda m, n: (m, 0)),
        pl.BlockSpec((_BM, _D), lambda m, n: (m, 0)),
        pl.BlockSpec((_BM, _D), lambda m, n: (m, 0)),
        pl.BlockSpec((_BM, 1), lambda m, n: (m, 0)),
        pl.BlockSpec((_BM, 1), lambda m, n: (m, 0)),
        pl.BlockSpec((1, _D), lambda m, n: (0, 0)),
        pl.BlockSpec((1, _D), lambda m, n: (0, 0)),
        pl.BlockSpec((_BN, _D), lambda m, n: (n, 0)),
        pl.BlockSpec((_BN, 1), lambda m, n: (n, 0)),
    ],
    out_specs=pl.BlockSpec((_BN, _BM), lambda m, n: (n, m)),
    out_shape=jax.ShapeDtypeStruct((_NUM_POI, _NUM_CHECKIN), jnp.float32),
    scratch_shapes=[pltpu.VMEM((_D, _BM), jnp.bfloat16)],
)


def kernel(checkin_feature, delta_ts, delta_ss, ci2traj_attr, traj2traj_attr,
           time_w, time_b, dist_w, dist_b, tw, sw, ln_g, ln_b, W_out, b_out,
           ci2traj_row, ci2traj_col, traj2traj_row, traj2traj_col):
    del traj2traj_attr, traj2traj_row, traj2traj_col

    dts = delta_ts.reshape(_N, 1)
    dss = delta_ss.reshape(_N, 1)
    tws = (time_w.reshape(1, _D), time_b.reshape(1, _D),
           dist_w.reshape(1, _D), dist_b.reshape(1, _D),
           tw.reshape(1, _D), sw.reshape(1, _D))
    xtraj0 = _fusion_traj_call(dts[:_NUM_TRAJ], dss[:_NUM_TRAJ], *tws)
    xci0, fuse_ci = _fusion_ci_call(
        dts[_NUM_TRAJ:], dss[_NUM_TRAJ:], checkin_feature, *tws)

    pad = _E_PAD - _E1
    row_p = jnp.pad(ci2traj_row.astype(jnp.int32), (0, pad)).reshape(
        _NW * _NCHUNK, _CHUNK)
    col_p = jnp.pad(ci2traj_col.astype(jnp.int32), (0, pad)).reshape(
        _NW * _NCHUNK, _CHUNK)
    attr_p = jnp.pad(ci2traj_attr, (0, pad), constant_values=-1e30).reshape(
        _NW * _NCHUNK, _CHUNK)

    agg_pair, ss_pair = _sc_edge_call(xtraj0, row_p, col_p, attr_p)

    out_t = _head_call(
        xci0, fuse_ci,
        agg_pair[0, :_NUM_CHECKIN], agg_pair[1, :_NUM_CHECKIN],
        ss_pair[0, :_NUM_CHECKIN, None], ss_pair[1, :_NUM_CHECKIN, None],
        ln_g.reshape(1, _D), ln_b.reshape(1, _D),
        W_out.T.astype(jnp.bfloat16), b_out.reshape(_NUM_POI, 1))
    return out_t.T

# --- scband reference (transcript-rebuilt; emitter-appended) ---
"""Pipeline reference for scband-sthgcn-18983755448574 (READ-ONLY COPY).

The authoritative reference and input builder live on the scoring server;
editing this copy changes nothing except your own understanding.
"""

import jax, jax.numpy as jnp
import numpy as np

NUM_TRAJ = 2000
NUM_CHECKIN = 8000
N = NUM_TRAJ + NUM_CHECKIN
D = 128
E1 = 160000
E2 = 160000
NUM_POI = 5000


def layer_norm(h, g, b, eps=1e-5):
    mu = jnp.mean(h, axis=-1, keepdims=True)
    var = jnp.var(h, axis=-1, keepdims=True)
    return (h - mu) / jnp.sqrt(var + eps) * g + b


def segment_softmax(sim, seg, num_seg):
    m = jax.ops.segment_max(sim, seg, num_segments=num_seg)
    e = jnp.exp(sim - m[seg])
    d = jax.ops.segment_sum(e, seg, num_segments=num_seg)
    return e / (d[seg] + 1e-9)


def setup_inputs(seed: int = 0):
    key = jax.random.key(seed)
    ks = jax.random.split(key, 16)
    inp = {}
    inp['checkin_feature'] = jax.random.normal(ks[0], (NUM_CHECKIN, D), dtype=jnp.float32)
    inp['delta_ts'] = jax.random.uniform(ks[1], (N,), dtype=jnp.float32) * 86400.0
    inp['delta_ss'] = jax.random.uniform(ks[2], (N,), dtype=jnp.float32) * 10.0
    inp['ci2traj_attr'] = jax.random.normal(ks[3], (E1,), dtype=jnp.float32)
    inp['traj2traj_attr'] = jax.random.normal(ks[4], (E2,), dtype=jnp.float32)
    inp['time_w'] = jax.random.normal(ks[5], (D,), dtype=jnp.float32)
    inp['time_b'] = jax.random.normal(ks[6], (D,), dtype=jnp.float32)
    inp['dist_w'] = jax.random.normal(ks[7], (D,), dtype=jnp.float32)
    inp['dist_b'] = jax.random.normal(ks[8], (D,), dtype=jnp.float32)
    inp['tw'] = jax.random.normal(ks[9], (D,), dtype=jnp.float32)
    inp['sw'] = jax.random.normal(ks[10], (D,), dtype=jnp.float32)
    inp['ln_g'] = jnp.ones((D,), dtype=jnp.float32)
    inp['ln_b'] = jnp.zeros((D,), dtype=jnp.float32)
    inp['W_out'] = jax.random.normal(ks[11], (D, NUM_POI), dtype=jnp.float32) * 0.02
    inp['b_out'] = jnp.zeros((NUM_POI,), dtype=jnp.float32)
    inp['ci2traj_row'] = jax.random.randint(ks[12], (E1,), 0, NUM_CHECKIN)
    inp['ci2traj_col'] = jax.random.randint(ks[13], (E1,), 0, NUM_TRAJ)
    inp['traj2traj_row'] = jax.random.randint(ks[14], (E2,), 0, NUM_TRAJ)
    inp['traj2traj_col'] = jax.random.randint(ks[15], (E2,), 0, NUM_TRAJ)
    return inp


def reference(checkin_feature, delta_ts, delta_ss, ci2traj_attr, traj2traj_attr, time_w, time_b, dist_w, dist_b, tw, sw, ln_g, ln_b, W_out, b_out, ci2traj_row, ci2traj_col, traj2traj_row, traj2traj_col):
    # x = concat(zeros trajectory placeholder, checkin embedding) as in STHGCN.forward
    x = jnp.concatenate([jnp.zeros((NUM_TRAJ, D), dtype=checkin_feature.dtype), checkin_feature], axis=0)
    # TimeEncoder: functional (cos) time embedding of delta_ts / 3600
    t_emb = jnp.cos((delta_ts / 3600.0)[:, None] * time_w[None, :] + time_b[None, :])
    # DistanceEncoderSimple: linear + relu distance embedding
    s_emb = jax.nn.relu(delta_ss[:, None] * dist_w[None, :] + dist_b[None, :])
    # STChannelAttention fusion + activation (time-filter branch)
    x = jax.nn.relu(x + tw[None, :] * t_emb + sw[None, :] * s_emb)
    # checkin <- trajectory hyperedge message passing (ci2traj): TrajectoryAttention
    # softmax(traj_sim) per destination segment, weighted aggregate, residual + LayerNorm
    w1 = segment_softmax(ci2traj_attr, ci2traj_row, NUM_CHECKIN)
    agg1 = jax.ops.segment_sum(w1[:, None] * x[ci2traj_col], ci2traj_row, num_segments=NUM_CHECKIN)
    x_ci = layer_norm(x[NUM_TRAJ:] + agg1, ln_g, ln_b)
    x = x.at[NUM_TRAJ:].set(x_ci)
    # trajectory <- trajectory similarity-graph message passing (traj2traj)
    w2 = segment_softmax(traj2traj_attr, traj2traj_row, NUM_TRAJ)
    agg2 = jax.ops.segment_sum(w2[:, None] * x[traj2traj_col], traj2traj_row, num_segments=NUM_TRAJ)
    x_tj = layer_norm(x[:NUM_TRAJ] + agg2, ln_g, ln_b)
    x = x.at[:NUM_TRAJ].set(x_tj)
    # second STChannelAttention fusion on both node partitions
    x = x + tw[None, :] * t_emb + sw[None, :] * s_emb
    # POI prediction head over checkin nodes
    logits = x[NUM_TRAJ:] @ W_out + b_out[None, :]
    return logits

if __name__ == "__main__":
    import jax
    _d = setup_inputs()
    print(jax.jit(kernel)(*tuple(_d.values())))

</pallas_src>

<mosaic_0001>
#map = affine_map<(d0, d1) -> (0, 0)>
#map1 = affine_map<(d0, d1) -> (0, 0, 0)>
module attributes {stable_mosaic.version = 14 : i64} {
  func.func @_sc_edge_body(%arg0: i32, %arg1: i32, %arg2: memref<2000x128xf32, #tpu.memory_space<hbm>>, %arg3: memref<1280x128xi32, #tpu.memory_space<hbm>>, %arg4: memref<1280x128xi32, #tpu.memory_space<hbm>>, %arg5: memref<1280x128xf32, #tpu.memory_space<hbm>>, %arg6: memref<2x8192x128xf32, #tpu.memory_space<hbm>>, %arg7: memref<2x8192xf32, #tpu.memory_space<hbm>>, %arg8: memref<8192x128xf32, #tpu.memory_space<vmem_shared>>, %arg9: memref<8192xf32, #tpu.memory_space<vmem_shared>>, %arg10: memref<2000x128xf32, #tpu.memory_space<vmem_shared>>, %arg11: memref<40x128xi32, #tpu.memory_space<vmem>>, %arg12: memref<40x128xi32, #tpu.memory_space<vmem>>, %arg13: memref<40x128xf32, #tpu.memory_space<vmem>>, %arg14: memref<128x128xf32, #tpu.memory_space<vmem>>, %arg15: memref<128x128xf32, #tpu.memory_space<vmem>>, %arg16: memref<128xf32, #tpu.memory_space<vmem>>, %arg17: memref<128xf32, #tpu.memory_space<vmem>>, %arg18: memref<512xf32, #tpu.memory_space<vmem>>, %arg19: memref<!tpu.dma_semaphore, #tpu.memory_space<semaphore_mem>>, %arg20: memref<!tpu.dma_semaphore, #tpu.memory_space<semaphore_mem>>, %arg21: memref<!tpu.dma_semaphore, #tpu.memory_space<semaphore_mem>>, %arg22: memref<!tpu.dma_semaphore, #tpu.memory_space<semaphore_mem>>, %arg23: memref<!tpu.dma_semaphore, #tpu.memory_space<semaphore_mem>>, %arg24: memref<!tpu.dma_semaphore, #tpu.memory_space<semaphore_mem>>) attributes {dimension_semantics = [#tpu.dimension_semantics<core_parallel>, #tpu.dimension_semantics<subcore_parallel>], iteration_bounds = array<i64: 2, 16>, scalar_prefetch = 0 : i64, scratch_operands = 17 : i64, tpu.core_type = #tpu.core_type<sc_vector_subcore>, window_params = [{transform_indices = #map}, {transform_indices = #map}, {transform_indices = #map}, {transform_indices = #map}, {transform_indices = #map1}, {transform_indices = #map}]} {
    %mul3A = arith.constant 16 : i32
    %mul3A_0 = arith.muli %arg0, %mul3A : i32
    %add3A = arith.addi %mul3A_0, %arg1 : i32
    %broadcast_in_dim3A = arith.constant 0.000000e+00 : f32
    %broadcast_in_dim3A_1 = vector.broadcast %broadcast_in_dim3A : f32 to vector<16xf32>
    %mul3A_2 = arith.constant 40 : i32
    %mul3A_3 = arith.muli %add3A, %mul3A_2 : i32
    %dma_start3A = arith.constant 0 : i32
    %dma_start3A_4 = tpu.memref_slice %arg3[%mul3A_3, %dma_start3A] : memref<1280x128xi32, #tpu.memory_space<hbm>> -> memref<40x128xi32, #tpu.memory_space<hbm>>
    %dma_start3A_5 = arith.constant 0 : i32
    %dma_start3A_6 = tpu.memref_slice %arg3[%mul3A_3, %dma_start3A_5] : memref<1280x128xi32, #tpu.memory_space<hbm>> -> memref<40x128xi32, #tpu.memory_space<hbm>>
    tpu.enqueue_dma source(%dma_start3A_6 : memref<40x128xi32, #tpu.memory_space<hbm>>) target(%arg11 : memref<40x128xi32, #tpu.memory_space<vmem>>) target_semaphore(%arg19 : memref<!tpu.dma_semaphore, #tpu.memory_space<semaphore_mem>>)
    %mul3A_7 = arith.constant 40 : i32
    %mul3A_8 = arith.muli %add3A, %mul3A_7 : i32
    %dma_start3A_9 = arith.constant 0 : i32
    %dma_start3A_10 = tpu.memref_slice %arg4[%mul3A_8, %dma_start3A_9] : memref<1280x128xi32, #tpu.memory_space<hbm>> -> memref<40x128xi32, #tpu.memory_space<hbm>>
    %dma_start3A_11 = arith.constant 0 : i32
    %dma_start3A_12 = tpu.memref_slice %arg4[%mul3A_8, %dma_start3A_11] : memref<1280x128xi32, #tpu.memory_space<hbm>> -> memref<40x128xi32, #tpu.memory_space<hbm>>
    tpu.enqueue_dma source(%dma_start3A_12 : memref<40x128xi32, #tpu.memory_space<hbm>>) target(%arg12 : memref<40x128xi32, #tpu.memory_space<vmem>>) target_semaphore(%arg21 : memref<!tpu.dma_semaphore, #tpu.memory_space<semaphore_mem>>)
    %mul3A_13 = arith.constant 40 : i32
    %mul3A_14 = arith.muli %add3A, %mul3A_13 : i32
    %dma_start3A_15 = arith.constant 0 : i32
    %dma_start3A_16 = tpu.memref_slice %arg5[%mul3A_14, %dma_start3A_15] : memref<1280x128xf32, #tpu.memory_space<hbm>> -> memref<40x128xf32, #tpu.memory_space<hbm>>
    %dma_start3A_17 = arith.constant 0 : i32
    %dma_start3A_18 = tpu.memref_slice %arg5[%mul3A_14, %dma_start3A_17] : memref<1280x128xf32, #tpu.memory_space<hbm>> -> memref<40x128xf32, #tpu.memory_space<hbm>>
    tpu.enqueue_dma source(%dma_start3A_18 : memref<40x128xf32, #tpu.memory_space<hbm>>) target(%arg13 : memref<40x128xf32, #tpu.memory_space<vmem>>) target_semaphore(%arg22 : memref<!tpu.dma_semaphore, #tpu.memory_space<semaphore_mem>>)
    %lt3A = arith.constant 15 : i32
    %lt3A_19 = arith.cmpi slt, %arg1, %lt3A : i32
    %convert_element_type3A = arith.extui %lt3A_19 : i1 to i32
    %cond3A = arith.constant 0 : i32
    %cond3A_20 = arith.cmpi ne, %convert_element_type3A, %cond3A : i32
    scf.if %cond3A_20 {
      %mul3A_231 = arith.constant 128 : i32
      %mul3A_232 = arith.muli %arg1, %mul3A_231 : i32
      %multiple_of3A = tpu.assume_multiple %mul3A_232, 8 : i32
      %dma_start3A_233 = arith.constant 0 : i32
      %dma_start3A_234 = tpu.memref_slice %arg2[%multiple_of3A, %dma_start3A_233] : memref<2000x128xf32, #tpu.memory_space<hbm>> -> memref<128x128xf32, #tpu.memory_space<hbm>>
      %dma_start3A_235 = arith.constant 0 : i32
      %dma_start3A_236 = tpu.memref_slice %arg2[%multiple_of3A, %dma_start3A_235] : memref<2000x128xf32, #tpu.memory_space<hbm>> -> memref<128x128xf32, #tpu.memory_space<hbm>>
      tpu.enqueue_dma source(%dma_start3A_236 : memref<128x128xf32, #tpu.memory_space<hbm>>) target(%arg15 : memref<128x128xf32, #tpu.memory_space<vmem>>) target_semaphore(%arg20 : memref<!tpu.dma_semaphore, #tpu.memory_space<semaphore_mem>>)
    } else {
    }
    %eq3A = arith.constant 15 : i32
    %eq3A_21 = arith.cmpi eq, %arg1, %eq3A : i32
    %convert_element_type3A_22 = arith.extui %eq3A_21 : i1 to i32
    %cond3A_23 = arith.constant 0 : i32
    %cond3A_24 = arith.cmpi ne, %convert_element_type3A_22, %cond3A_23 : i32
    scf.if %cond3A_24 {
      %multiple_of3A = arith.constant 1920 : i32
      %multiple_of3A_231 = tpu.assume_multiple %multiple_of3A, 8 : i32
      %dma_start3A_232 = arith.constant 0 : i32
      %dma_start3A_233 = arith.constant 0 : i32
      %dma_start3A_234 = tpu.memref_slice %arg15[%dma_start3A_232, %dma_start3A_233] : memref<128x128xf32, #tpu.memory_space<vmem>> -> memref<80x128xf32, #tpu.memory_space<vmem>>
      %dma_start3A_235 = arith.constant 0 : i32
      %dma_start3A_236 = tpu.memref_slice %arg2[%multiple_of3A_231, %dma_start3A_235] : memref<2000x128xf32, #tpu.memory_space<hbm>> -> memref<80x128xf32, #tpu.memory_space<hbm>>
      %dma_start3A_237 = arith.constant 0 : i32
      %dma_start3A_238 = arith.constant 0 : i32
      %dma_start3A_239 = tpu.memref_slice %arg15[%dma_start3A_237, %dma_start3A_238] : memref<128x128xf32, #tpu.memory_space<vmem>> -> memref<80x128xf32, #tpu.memory_space<vmem>>
      %dma_start3A_240 = arith.constant 0 : i32
      %dma_start3A_241 = tpu.memref_slice %arg2[%multiple_of3A_231, %dma_start3A_240] : memref<2000x128xf32, #tpu.memory_space<hbm>> -> memref<80x128xf32, #tpu.memory_space<hbm>>
      tpu.enqueue_dma source(%dma_start3A_241 : memref<80x128xf32, #tpu.memory_space<hbm>>) target(%dma_start3A_239 : memref<80x128xf32, #tpu.memory_space<vmem>>) target_semaphore(%arg20 : memref<!tpu.dma_semaphore, #tpu.memory_space<semaphore_mem>>)
    } else {
    }
    %scan3A = arith.constant 0 : i32
    %scan3A_25 = arith.constant 0 : i32
    %scan3A_26 = arith.constant 128 : i32
    %scan3A_27 = arith.addi %scan3A_25, %scan3A_26 : i32
    %scan3A_28 = arith.constant 1 : i32
    scf.for %scan3A_231 = %scan3A_25 to %scan3A_27 step %scan3A_28  : i32 {
      %swap3A_232 = arith.index_cast %scan3A_231 : i32 to index
      %swap3A_233 = arith.constant 0 : index
      %swap3A_234 = tpu.vector_load %arg14[%swap3A_232, %swap3A_233] {strides = array<i32>} : memref<128x128xf32, #tpu.memory_space<vmem>>, vector<1x16xf32>,
      %swap3A_235 = vector.shape_cast %swap3A_234 : vector<1x16xf32> to vector<16xf32>
      %swap3A_236 = vector.shape_cast %broadcast_in_dim3A_1 : vector<16xf32> to vector<1x16xf32>
      tpu.vector_store %arg14[%swap3A_232, %swap3A_233], %swap3A_236 {strides = array<i32>} : memref<128x128xf32, #tpu.memory_space<vmem>>, vector<1x16xf32>,
      %swap3A_237 = arith.index_cast %scan3A_231 : i32 to index
      %swap3A_238 = arith.constant 16 : index
      %swap3A_239 = tpu.vector_load %arg14[%swap3A_237, %swap3A_238] {strides = array<i32>} : memref<128x128xf32, #tpu.memory_space<vmem>>, vector<1x16xf32>,
      %swap3A_240 = vector.shape_cast %swap3A_239 : vector<1x16xf32> to vector<16xf32>
      %swap3A_241 = vector.shape_cast %broadcast_in_dim3A_1 : vector<16xf32> to vector<1x16xf32>
      tpu.vector_store %arg14[%swap3A_237, %swap3A_238], %swap3A_241 {strides = array<i32>} : memref<128x128xf32, #tpu.memory_space<vmem>>, vector<1x16xf32>,
      %swap3A_242 = arith.index_cast %scan3A_231 : i32 to index
      %swap3A_243 = arith.constant 32 : index
      %swap3A_244 = tpu.vector_load %arg14[%swap3A_242, %swap3A_243] {strides = array<i32>} : memref<128x128xf32, #tpu.memory_space<vmem>>, vector<1x16xf32>,
      %swap3A_245 = vector.shape_cast %swap3A_244 : vector<1x16xf32> to vector<16xf32>
      %swap3A_246 = vector.shape_cast %broadcast_in_dim3A_1 : vector<16xf32> to vector<1x16xf32>
      tpu.vector_store %arg14[%swap3A_242, %swap3A_243], %swap3A_246 {strides = array<i32>} : memref<128x128xf32, #tpu.memory_space<vmem>>, vector<1x16xf32>,
      %swap3A_247 = arith.index_cast %scan3A_231 : i32 to index
      %swap3A_248 = arith.constant 48 : index
      %swap3A_249 = tpu.vector_load %arg14[%swap3A_247, %swap3A_248] {strides = array<i32>} : memref<128x128xf32, #tpu.memory_space<vmem>>, vector<1x16xf32>,
      %swap3A_250 = vector.shape_cast %swap3A_249 : vector<1x16xf32> to vector<16xf32>
      %swap3A_251 = vector.shape_cast %broadcast_in_dim3A_1 : vector<16xf32> to vector<1x16xf32>
      tpu.vector_store %arg14[%swap3A_247, %swap3A_248], %swap3A_251 {strides = array<i32>} : memref<128x128xf32, #tpu.memory_space<vmem>>, vector<1x16xf32>,
      %swap3A_252 = arith.index_cast %scan3A_231 : i32 to index
      %swap3A_253 = arith.constant 64 : index
      %swap3A_254 = tpu.vector_load %arg14[%swap3A_252, %swap3A_253] {strides = array<i32>} : memref<128x128xf32, #tpu.memory_space<vmem>>, vector<1x16xf32>,
      %swap3A_255 = vector.shape_cast %swap3A_254 : vector<1x16xf32> to vector<16xf32>
      %swap3A_256 = vector.shape_cast %broadcast_in_dim3A_1 : vector<16xf32> to vector<1x16xf32>
      tpu.vector_store %arg14[%swap3A_252, %swap3A_253], %swap3A_256 {strides = array<i32>} : memref<128x128xf32, #tpu.memory_space<vmem>>, vector<1x16xf32>,
      %swap3A_257 = arith.index_cast %scan3A_231 : i32 to index
      %swap3A_258 = arith.constant 80 : index
      %swap3A_259 = tpu.vector_load %arg14[%swap3A_257, %swap3A_258] {strides = array<i32>} : memref<128x128xf32, #tpu.memory_space<vmem>>, vector<1x16xf32>,
      %swap3A_260 = vector.shape_cast %swap3A_259 : vector<1x16xf32> to vector<16xf32>
      %swap3A_261 = vector.shape_cast %broadcast_in_dim3A_1 : vector<16xf32> to vector<1x16xf32>
      tpu.vector_store %arg14[%swap3A_257, %swap3A_258], %swap3A_261 {strides = array<i32>} : memref<128x128xf32, #tpu.memory_space<vmem>>, vector<1x16xf32>,
      %swap3A_262 = arith.index_cast %scan3A_231 : i32 to index
      %swap3A_263 = arith.constant 96 : index
      %swap3A_264 = tpu.vector_load %arg14[%swap3A_262, %swap3A_263] {strides = array<i32>} : memref<128x128xf32, #tpu.memory_space<vmem>>, vector<1x16xf32>,
      %swap3A_265 = vector.shape_cast %swap3A_264 : vector<1x16xf32> to vector<16xf32>
      %swap3A_266 = vector.shape_cast %broadcast_in_dim3A_1 : vector<16xf32> to vector<1x16xf32>
      tpu.vector_store %arg14[%swap3A_262, %swap3A_263], %swap3A_266 {strides = array<i32>} : memref<128x128xf32, #tpu.memory_space<vmem>>, vector<1x16xf32>,
      %swap3A_267 = arith.index_cast %scan3A_231 : i32 to index
      %swap3A_268 = arith.constant 112 : index
      %swap3A_269 = tpu.vector_load %arg14[%swap3A_267, %swap3A_268] {strides = array<i32>} : memref<128x128xf32, #tpu.memory_space<vmem>>, vector<1x16xf32>,
      %swap3A_270 = vector.shape_cast %swap3A_269 : vector<1x16xf32> to vector<16xf32>
      %swap3A_271 = vector.shape_cast %broadcast_in_dim3A_1 : vector<16xf32> to vector<1x16xf32>
      tpu.vector_store %arg14[%swap3A_267, %swap3A_268], %swap3A_271 {strides = array<i32>} : memref<128x128xf32, #tpu.memory_space<vmem>>, vector<1x16xf32>,
    }
    %scan3A_29 = arith.constant 128 : i32
    %swap3A = arith.constant 0 : index
    %swap3A_30 = tpu.vector_load %arg18[%swap3A] {strides = array<i32>} : memref<512xf32, #tpu.memory_space<vmem>>, vector<16xf32>,
    %swap3A_31 = vector.shape_cast %swap3A_30 : vector<16xf32> to vector<16xf32>
    %swap3A_32 = vector.shape_cast %broadcast_in_dim3A_1 : vector<16xf32> to vector<16xf32>
    tpu.vector_store %arg18[%swap3A], %swap3A_32 {strides = array<i32>} : memref<512xf32, #tpu.memory_space<vmem>>, vector<16xf32>,
    %swap3A_33 = arith.constant 16 : index
    %swap3A_34 = tpu.vector_load %arg18[%swap3A_33] {strides = array<i32>} : memref<512xf32, #tpu.memory_space<vmem>>, vector<16xf32>,
    %swap3A_35 = vector.shape_cast %swap3A_34 : vector<16xf32> to vector<16xf32>
    %swap3A_36 = vector.shape_cast %broadcast_in_dim3A_1 : vector<16xf32> to vector<16xf32>
    tpu.vector_store %arg18[%swap3A_33], %swap3A_36 {strides = array<i32>} : memref<512xf32, #tpu.memory_space<vmem>>, vector<16xf32>,
    %swap3A_37 = arith.constant 32 : index
    %swap3A_38 = tpu.vector_load %arg18[%swap3A_37] {strides = array<i32>} : memref<512xf32, #tpu.memory_space<vmem>>, vector<16xf32>,
    %swap3A_39 = vector.shape_cast %swap3A_38 : vector<16xf32> to vector<16xf32>
    %swap3A_40 = vector.shape_cast %broadcast_in_dim3A_1 : vector<16xf32> to vector<16xf32>
    tpu.vector_store %arg18[%swap3A_37], %swap3A_40 {strides = array<i32>} : memref<512xf32, #tpu.memory_space<vmem>>, vector<16xf32>,
    %swap3A_41 = arith.constant 48 : index
    %swap3A_42 = tpu.vector_load %arg18[%swap3A_41] {strides = array<i32>} : memref<512xf32, #tpu.memory_space<vmem>>, vector<16xf32>,
    %swap3A_43 = vector.shape_cast %swap3A_42 : vector<16xf32> to vector<16xf32>
    %swap3A_44 = vector.shape_cast %broadcast_in_dim3A_1 : vector<16xf32> to vector<16xf32>
    tpu.vector_store %arg18[%swap3A_41], %swap3A_44 {strides = array<i32>} : memref<512xf32, #tpu.memory_space<vmem>>, vector<16xf32>,
    %swap3A_45 = arith.constant 64 : index
    %swap3A_46 = tpu.vector_load %arg18[%swap3A_45] {strides = array<i32>} : memref<512xf32, #tpu.memory_space<vmem>>, vector<16xf32>,
    %swap3A_47 = vector.shape_cast %swap3A_46 : vector<16xf32> to vector<16xf32>
    %swap3A_48 = vector.shape_cast %broadcast_in_dim3A_1 : vector<16xf32> to vector<16xf32>
    tpu.vector_store %arg18[%swap3A_45], %swap3A_48 {strides = array<i32>} : memref<512xf32, #tpu.memory_space<vmem>>, vector<16xf32>,
    %swap3A_49 = arith.constant 80 : index
    %swap3A_50 = tpu.vector_load %arg18[%swap3A_49] {strides = array<i32>} : memref<512xf32, #tpu.memory_space<vmem>>, vector<16xf32>,
    %swap3A_51 = vector.shape_cast %swap3A_50 : vector<16xf32> to vector<16xf32>
    %swap3A_52 = vector.shape_cast %broadcast_in_dim3A_1 : vector<16xf32> to vector<16xf32>
    tpu.vector_store %arg18[%swap3A_49], %swap3A_52 {strides = array<i32>} : memref<512xf32, #tpu.memory_space<vmem>>, vector<16xf32>,
    %swap3A_53 = arith.constant 96 : index
    %swap3A_54 = tpu.vector_load %arg18[%swap3A_53] {strides = array<i32>} : memref<512xf32, #tpu.memory_space<vmem>>, vector<16xf32>,
    %swap3A_55 = vector.shape_cast %swap3A_54 : vector<16xf32> to vector<16xf32>
    %swap3A_56 = vector.shape_cast %broadcast_in_dim3A_1 : vector<16xf32> to vector<16xf32>
    tpu.vector_store %arg18[%swap3A_53], %swap3A_56 {strides = array<i32>} : memref<512xf32, #tpu.memory_space<vmem>>, vector<16xf32>,
    %swap3A_57 = arith.constant 112 : index
    %swap3A_58 = tpu.vector_load %arg18[%swap3A_57] {strides = array<i32>} : memref<512xf32, #tpu.memory_space<vmem>>, vector<16xf32>,
    %swap3A_59 = vector.shape_cast %swap3A_58 : vector<16xf32> to vector<16xf32>
    %swap3A_60 = vector.shape_cast %broadcast_in_dim3A_1 : vector<16xf32> to vector<16xf32>
    tpu.vector_store %arg18[%swap3A_57], %swap3A_60 {strides = array<i32>} : memref<512xf32, #tpu.memory_space<vmem>>, vector<16xf32>,
    %swap3A_61 = arith.constant 128 : index
    %swap3A_62 = tpu.vector_load %arg18[%swap3A_61] {strides = array<i32>} : memref<512xf32, #tpu.memory_space<vmem>>, vector<16xf32>,
    %swap3A_63 = vector.shape_cast %swap3A_62 : vector<16xf32> to vector<16xf32>
    %swap3A_64 = vector.shape_cast %broadcast_in_dim3A_1 : vector<16xf32> to vector<16xf32>
    tpu.vector_store %arg18[%swap3A_61], %swap3A_64 {strides = array<i32>} : memref<512xf32, #tpu.memory_space<vmem>>, vector<16xf32>,
    %swap3A_65 = arith.constant 144 : index
    %swap3A_66 = tpu.vector_load %arg18[%swap3A_65] {strides = array<i32>} : memref<512xf32, #tpu.memory_space<vmem>>, vector<16xf32>,
    %swap3A_67 = vector.shape_cast %swap3A_66 : vector<16xf32> to vector<16xf32>
    %swap3A_68 = vector.shape_cast %broadcast_in_dim3A_1 : vector<16xf32> to vector<16xf32>
    tpu.vector_store %arg18[%swap3A_65], %swap3A_68 {strides = array<i32>} : memref<512xf32, #tpu.memory_space<vmem>>, vector<16xf32>,
    %swap3A_69 = arith.constant 160 : index
    %swap3A_70 = tpu.vector_load %arg18[%swap3A_69] {strides = array<i32>} : memref<512xf32, #tpu.memory_space<vmem>>, vector<16xf32>,
    %swap3A_71 = vector.shape_cast %swap3A_70 : vector<16xf32> to vector<16xf32>
    %swap3A_72 = vector.shape_cast %broadcast_in_dim3A_1 : vector<16xf32> to vector<16xf32>
    tpu.vector_store %arg18[%swap3A_69], %swap3A_72 {strides = array<i32>} : memref<512xf32, #tpu.memory_space<vmem>>, vector<16xf32>,
    %swap3A_73 = arith.constant 176 : index
    %swap3A_74 = tpu.vector_load %arg18[%swap3A_73] {strides = array<i32>} : memref<512xf32, #tpu.memory_space<vmem>>, vector<16xf32>,
    %swap3A_75 = vector.shape_cast %swap3A_74 : vector<16xf32> to vector<16xf32>
    %swap3A_76 = vector.shape_cast %broadcast_in_dim3A_1 : vector<16xf32> to vector<16xf32>
    tpu.vector_store %arg18[%swap3A_73], %swap3A_76 {strides = array<i32>} : memref<512xf32, #tpu.memory_space<vmem>>, vector<16xf32>,
    %swap3A_77 = arith.constant 192 : index
    %swap3A_78 = tpu.vector_load %arg18[%swap3A_77] {strides = array<i32>} : memref<512xf32, #tpu.memory_space<vmem>>, vector<16xf32>,
    %swap3A_79 = vector.shape_cast %swap3A_78 : vector<16xf32> to vector<16xf32>
    %swap3A_80 = vector.shape_cast %broadcast_in_dim3A_1 : vector<16xf32> to vector<16xf32>
    tpu.vector_store %arg18[%swap3A_77], %swap3A_80 {strides = array<i32>} : memref<512xf32, #tpu.memory_space<vmem>>, vector<16xf32>,
    %swap3A_81 = arith.constant 208 : index
    %swap3A_82 = tpu.vector_load %arg18[%swap3A_81] {strides = array<i32>} : memref<512xf32, #tpu.memory_space<vmem>>, vector<16xf32>,
    %swap3A_83 = vector.shape_cast %swap3A_82 : vector<16xf32> to vector<16xf32>
    %swap3A_84 = vector.shape_cast %broadcast_in_dim3A_1 : vector<16xf32> to vector<16xf32>
    tpu.vector_store %arg18[%swap3A_81], %swap3A_84 {strides = array<i32>} : memref<512xf32, #tpu.memory_space<vmem>>, vector<16xf32>,
    %swap3A_85 = arith.constant 224 : index
    %swap3A_86 = tpu.vector_load %arg18[%swap3A_85] {strides = array<i32>} : memref<512xf32, #tpu.memory_space<vmem>>, vector<16xf32>,
    %swap3A_87 = vector.shape_cast %swap3A_86 : vector<16xf32> to vector<16xf32>
    %swap3A_88 = vector.shape_cast %broadcast_in_dim3A_1 : vector<16xf32> to vector<16xf32>
    tpu.vector_store %arg18[%swap3A_85], %swap3A_88 {strides = array<i32>} : memref<512xf32, #tpu.memory_space<vmem>>, vector<16xf32>,
    %swap3A_89 = arith.constant 240 : index
    %swap3A_90 = tpu.vector_load %arg18[%swap3A_89] {strides = array<i32>} : memref<512xf32, #tpu.memory_space<vmem>>, vector<16xf32>,
    %swap3A_91 = vector.shape_cast %swap3A_90 : vector<16xf32> to vector<16xf32>
    %swap3A_92 = vector.shape_cast %broadcast_in_dim3A_1 : vector<16xf32> to vector<16xf32>
    tpu.vector_store %arg18[%swap3A_89], %swap3A_92 {strides = array<i32>} : memref<512xf32, #tpu.memory_space<vmem>>, vector<16xf32>,
    %swap3A_93 = arith.constant 256 : index
    %swap3A_94 = tpu.vector_load %arg18[%swap3A_93] {strides = array<i32>} : memref<512xf32, #tpu.memory_space<vmem>>, vector<16xf32>,
    %swap3A_95 = vector.shape_cast %swap3A_94 : vector<16xf32> to vector<16xf32>
    %swap3A_96 = vector.shape_cast %broadcast_in_dim3A_1 : vector<16xf32> to vector<16xf32>
    tpu.vector_store %arg18[%swap3A_93], %swap3A_96 {strides = array<i32>} : memref<512xf32, #tpu.memory_space<vmem>>, vector<16xf32>,
    %swap3A_97 = arith.constant 272 : index
    %swap3A_98 = tpu.vector_load %arg18[%swap3A_97] {strides = array<i32>} : memref<512xf32, #tpu.memory_space<vmem>>, vector<16xf32>,
    %swap3A_99 = vector.shape_cast %swap3A_98 : vector<16xf32> to vector<16xf32>
    %swap3A_100 = vector.shape_cast %broadcast_in_dim3A_1 : vector<16xf32> to vector<16xf32>
    tpu.vector_store %arg18[%swap3A_97], %swap3A_100 {strides = array<i32>} : memref<512xf32, #tpu.memory_space<vmem>>, vector<16xf32>,
    %swap3A_101 = arith.constant 288 : index
    %swap3A_102 = tpu.vector_load %arg18[%swap3A_101] {strides = array<i32>} : memref<512xf32, #tpu.memory_space<vmem>>, vector<16xf32>,
    %swap3A_103 = vector.shape_cast %swap3A_102 : vector<16xf32> to vector<16xf32>
    %swap3A_104 = vector.shape_cast %broadcast_in_dim3A_1 : vector<16xf32> to vector<16xf32>
    tpu.vector_store %arg18[%swap3A_101], %swap3A_104 {strides = array<i32>} : memref<512xf32, #tpu.memory_space<vmem>>, vector<16xf32>,
    %swap3A_105 = arith.constant 304 : index
    %swap3A_106 = tpu.vector_load %arg18[%swap3A_105] {strides = array<i32>} : memref<512xf32, #tpu.memory_space<vmem>>, vector<16xf32>,
    %swap3A_107 = vector.shape_cast %swap3A_106 : vector<16xf32> to vector<16xf32>
    %swap3A_108 = vector.shape_cast %broadcast_in_dim3A_1 : vector<16xf32> to vector<16xf32>
    tpu.vector_store %arg18[%swap3A_105], %swap3A_108 {strides = array<i32>} : memref<512xf32, #tpu.memory_space<vmem>>, vector<16xf32>,
    %swap3A_109 = arith.constant 320 : index
    %swap3A_110 = tpu.vector_load %arg18[%swap3A_109] {strides = array<i32>} : memref<512xf32, #tpu.memory_space<vmem>>, vector<16xf32>,
    %swap3A_111 = vector.shape_cast %swap3A_110 : vector<16xf32> to vector<16xf32>
    %swap3A_112 = vector.shape_cast %broadcast_in_dim3A_1 : vector<16xf32> to vector<16xf32>
    tpu.vector_store %arg18[%swap3A_109], %swap3A_112 {strides = array<i32>} : memref<512xf32, #tpu.memory_space<vmem>>, vector<16xf32>,
    %swap3A_113 = arith.constant 336 : index
    %swap3A_114 = tpu.vector_load %arg18[%swap3A_113] {strides = array<i32>} : memref<512xf32, #tpu.memory_space<vmem>>, vector<16xf32>,
    %swap3A_115 = vector.shape_cast %swap3A_114 : vector<16xf32> to vector<16xf32>
    %swap3A_116 = vector.shape_cast %broadcast_in_dim3A_1 : vector<16xf32> to vector<16xf32>
    tpu.vector_store %arg18[%swap3A_113], %swap3A_116 {strides = array<i32>} : memref<512xf32, #tpu.memory_space<vmem>>, vector<16xf32>,
    %swap3A_117 = arith.constant 352 : index
    %swap3A_118 = tpu.vector_load %arg18[%swap3A_117] {strides = array<i32>} : memref<512xf32, #tpu.memory_space<vmem>>, vector<16xf32>,
    %swap3A_119 = vector.shape_cast %swap3A_118 : vector<16xf32> to vector<16xf32>
    %swap3A_120 = vector.shape_cast %broadcast_in_dim3A_1 : vector<16xf32> to vector<16xf32>
    tpu.vector_store %arg18[%swap3A_117], %swap3A_120 {strides = array<i32>} : memref<512xf32, #tpu.memory_space<vmem>>, vector<16xf32>,
    %swap3A_121 = arith.constant 368 : index
    %swap3A_122 = tpu.vector_load %arg18[%swap3A_121] {strides = array<i32>} : memref<512xf32, #tpu.memory_space<vmem>>, vector<16xf32>,
    %swap3A_123 = vector.shape_cast %swap3A_122 : vector<16xf32> to vector<16xf32>
    %swap3A_124 = vector.shape_cast %broadcast_in_dim3A_1 : vector<16xf32> to vector<16xf32>
    tpu.vector_store %arg18[%swap3A_121], %swap3A_124 {strides = array<i32>} : memref<512xf32, #tpu.memory_space<vmem>>, vector<16xf32>,
    %swap3A_125 = arith.constant 384 : index
    %swap3A_126 = tpu.vector_load %arg18[%swap3A_125] {strides = array<i32>} : memref<512xf32, #tpu.memory_space<vmem>>, vector<16xf32>,
    %swap3A_127 = vector.shape_cast %swap3A_126 : vector<16xf32> to vector<16xf32>
    %swap3A_128 = vector.shape_cast %broadcast_in_dim3A_1 : vector<16xf32> to vector<16xf32>
    tpu.vector_store %arg18[%swap3A_125], %swap3A_128 {strides = array<i32>} : memref<512xf32, #tpu.memory_space<vmem>>, vector<16xf32>,
    %swap3A_129 = arith.constant 400 : index
    %swap3A_130 = tpu.vector_load %arg18[%swap3A_129] {strides = array<i32>} : memref<512xf32, #tpu.memory_space<vmem>>, vector<16xf32>,
    %swap3A_131 = vector.shape_cast %swap3A_130 : vector<16xf32> to vector<16xf32>
    %swap3A_132 = vector.shape_cast %broadcast_in_dim3A_1 : vector<16xf32> to vector<16xf32>
    tpu.vector_store %arg18[%swap3A_129], %swap3A_132 {strides = array<i32>} : memref<512xf32, #tpu.memory_space<vmem>>, vector<16xf32>,
    %swap3A_133 = arith.constant 416 : index
    %swap3A_134 = tpu.vector_load %arg18[%swap3A_133] {strides = array<i32>} : memref<512xf32, #tpu.memory_space<vmem>>, vector<16xf32>,
    %swap3A_135 = vector.shape_cast %swap3A_134 : vector<16xf32> to vector<16xf32>
    %swap3A_136 = vector.shape_cast %broadcast_in_dim3A_1 : vector<16xf32> to vector<16xf32>
    tpu.vector_store %arg18[%swap3A_133], %swap3A_136 {strides = array<i32>} : memref<512xf32, #tpu.memory_space<vmem>>, vector<16xf32>,
    %swap3A_137 = arith.constant 432 : index
    %swap3A_138 = tpu.vector_load %arg18[%swap3A_137] {strides = array<i32>} : memref<512xf32, #tpu.memory_space<vmem>>, vector<16xf32>,
    %swap3A_139 = vector.shape_cast %swap3A_138 : vector<16xf32> to vector<16xf32>
    %swap3A_140 = vector.shape_cast %broadcast_in_dim3A_1 : vector<16xf32> to vector<16xf32>
    tpu.vector_store %arg18[%swap3A_137], %swap3A_140 {strides = array<i32>} : memref<512xf32, #tpu.memory_space<vmem>>, vector<16xf32>,
    %swap3A_141 = arith.constant 448 : index
    %swap3A_142 = tpu.vector_load %arg18[%swap3A_141] {strides = array<i32>} : memref<512xf32, #tpu.memory_space<vmem>>, vector<16xf32>,
    %swap3A_143 = vector.shape_cast %swap3A_142 : vector<16xf32> to vector<16xf32>
    %swap3A_144 = vector.shape_cast %broadcast_in_dim3A_1 : vector<16xf32> to vector<16xf32>
    tpu.vector_store %arg18[%swap3A_141], %swap3A_144 {strides = array<i32>} : memref<512xf32, #tpu.memory_space<vmem>>, vector<16xf32>,
    %swap3A_145 = arith.constant 464 : index
    %swap3A_146 = tpu.vector_load %arg18[%swap3A_145] {strides = array<i32>} : memref<512xf32, #tpu.memory_space<vmem>>, vector<16xf32>,
    %swap3A_147 = vector.shape_cast %swap3A_146 : vector<16xf32> to vector<16xf32>
    %swap3A_148 = vector.shape_cast %broadcast_in_dim3A_1 : vector<16xf32> to vector<16xf32>
    tpu.vector_store %arg18[%swap3A_145], %swap3A_148 {strides = array<i32>} : memref<512xf32, #tpu.memory_space<vmem>>, vector<16xf32>,
    %swap3A_149 = arith.constant 480 : index
    %swap3A_150 = tpu.vector_load %arg18[%swap3A_149] {strides = array<i32>} : memref<512xf32, #tpu.memory_space<vmem>>, vector<16xf32>,
    %swap3A_151 = vector.shape_cast %swap3A_150 : vector<16xf32> to vector<16xf32>
    %swap3A_152 = vector.shape_cast %broadcast_in_dim3A_1 : vector<16xf32> to vector<16xf32>
    tpu.vector_store %arg18[%swap3A_149], %swap3A_152 {strides = array<i32>} : memref<512xf32, #tpu.memory_space<vmem>>, vector<16xf32>,
    %swap3A_153 = arith.constant 496 : index
    %swap3A_154 = tpu.vector_load %arg18[%swap3A_153] {strides = array<i32>} : memref<512xf32, #tpu.memory_space<vmem>>, vector<16xf32>,
    %swap3A_155 = vector.shape_cast %swap3A_154 : vector<16xf32> to vector<16xf32>
    %swap3A_156 = vector.shape_cast %broadcast_in_dim3A_1 : vector<16xf32> to vector<16xf32>
    tpu.vector_store %arg18[%swap3A_153], %swap3A_156 {strides = array<i32>} : memref<512xf32, #tpu.memory_space<vmem>>, vector<16xf32>,
    %mul3A_157 = arith.constant 512 : i32
    %mul3A_158 = arith.muli %arg1, %mul3A_157 : i32
    %add3A_159 = arith.constant 0 : i32
    %add3A_160 = arith.addi %mul3A_158, %add3A_159 : i32
    "tpu.region"() ({
      %run_scoped3A = tpu.sem_alloc : memref<!tpu.dma_semaphore, #tpu.memory_space<semaphore_mem>>
      %dma_start3A_231 = arith.constant 0 : i32
      %dma_start3A_232 = tpu.memref_slice %arg8[%add3A_160, %dma_start3A_231] : memref<8192x128xf32, #tpu.memory_space<vmem_shared>> -> memref<128x128xf32, #tpu.memory_space<vmem_shared>>
      %dma_start3A_233 = arith.constant 0 : i32
      %dma_start3A_234 = tpu.memref_slice %arg8[%add3A_160, %dma_start3A_233] : memref<8192x128xf32, #tpu.memory_space<vmem_shared>> -> memref<128x128xf32, #tpu.memory_space<vmem_shared>>
      tpu.enqueue_dma source(%arg14 : memref<128x128xf32, #tpu.memory_space<vmem>>) target(%dma_start3A_234 : memref<128x128xf32, #tpu.memory_space<vmem_shared>>) target_semaphore(%run_scoped3A : memref<!tpu.dma_semaphore, #tpu.memory_space<semaphore_mem>>)
      %dma_wait3A_235 = arith.constant 0 : i32
      %dma_wait3A_236 = tpu.memref_slice %arg8[%add3A_160, %dma_wait3A_235] : memref<8192x128xf32, #tpu.memory_space<vmem_shared>> -> memref<128x128xf32, #tpu.memory_space<vmem_shared>>
      %dma_wait3A_237 = arith.constant 0 : i32
      %dma_wait3A_238 = tpu.memref_slice %arg8[%add3A_160, %dma_wait3A_237] : memref<8192x128xf32, #tpu.memory_space<vmem_shared>> -> memref<128x128xf32, #tpu.memory_space<vmem_shared>>
      tpu.wait_dma2 semaphore(%run_scoped3A : memref<!tpu.dma_semaphore, #tpu.memory_space<semaphore_mem>>) src(%arg14 : memref<128x128xf32, #tpu.memory_space<vmem>>) dst(%dma_wait3A_238 : memref<128x128xf32, #tpu.memory_space<vmem_shared>>)
      tpu.yield
    }) : () -> ()
    %mul3A_161 = arith.constant 512 : i32
    %mul3A_162 = arith.muli %arg1, %mul3A_161 : i32
    %add3A_163 = arith.constant 128 : i32
    %add3A_164 = arith.addi %mul3A_162, %add3A_163 : i32
    "tpu.region"() ({
      %run_scoped3A = tpu.sem_alloc : memref<!tpu.dma_semaphore, #tpu.memory_space<semaphore_mem>>
      %dma_start3A_231 = arith.constant 0 : i32
      %dma_start3A_232 = tpu.memref_slice %arg8[%add3A_164, %dma_start3A_231] : memref<8192x128xf32, #tpu.memory_space<vmem_shared>> -> memref<128x128xf32, #tpu.memory_space<vmem_shared>>
      %dma_start3A_233 = arith.constant 0 : i32
      %dma_start3A_234 = tpu.memref_slice %arg8[%add3A_164, %dma_start3A_233] : memref<8192x128xf32, #tpu.memory_space<vmem_shared>> -> memref<128x128xf32, #tpu.memory_space<vmem_shared>>
      tpu.enqueue_dma source(%arg14 : memref<128x128xf32, #tpu.memory_space<vmem>>) target(%dma_start3A_234 : memref<128x128xf32, #tpu.memory_space<vmem_shared>>) target_semaphore(%run_scoped3A : memref<!tpu.dma_semaphore, #tpu.memory_space<semaphore_mem>>)
      %dma_wait3A_235 = arith.constant 0 : i32
      %dma_wait3A_236 = tpu.memref_slice %arg8[%add3A_164, %dma_wait3A_235] : memref<8192x128xf32, #tpu.memory_space<vmem_shared>> -> memref<128x128xf32, #tpu.memory_space<vmem_shared>>
      %dma_wait3A_237 = arith.constant 0 : i32
      %dma_wait3A_238 = tpu.memref_slice %arg8[%add3A_164, %dma_wait3A_237] : memref<8192x128xf32, #tpu.memory_space<vmem_shared>> -> memref<128x128xf32, #tpu.memory_space<vmem_shared>>
      tpu.wait_dma2 semaphore(%run_scoped3A : memref<!tpu.dma_semaphore, #tpu.memory_space<semaphore_mem>>) src(%arg14 : memref<128x128xf32, #tpu.memory_space<vmem>>) dst(%dma_wait3A_238 : memref<128x128xf32, #tpu.memory_space<vmem_shared>>)
      tpu.yield
    }) : () -> ()
    %mul3A_165 = arith.constant 512 : i32
    %mul3A_166 = arith.muli %arg1, %mul3A_165 : i32
    %add3A_167 = arith.constant 256 : i32
    %add3A_168 = arith.addi %mul3A_166, %add3A_167 : i32
    "tpu.region"() ({
      %run_scoped3A = tpu.sem_alloc : memref<!tpu.dma_semaphore, #tpu.memory_space<semaphore_mem>>
      %dma_start3A_231 = arith.constant 0 : i32
      %dma_start3A_232 = tpu.memref_slice %arg8[%add3A_168, %dma_start3A_231] : memref<8192x128xf32, #tpu.memory_space<vmem_shared>> -> memref<128x128xf32, #tpu.memory_space<vmem_shared>>
      %dma_start3A_233 = arith.constant 0 : i32
      %dma_start3A_234 = tpu.memref_slice %arg8[%add3A_168, %dma_start3A_233] : memref<8192x128xf32, #tpu.memory_space<vmem_shared>> -> memref<128x128xf32, #tpu.memory_space<vmem_shared>>
      tpu.enqueue_dma source(%arg14 : memref<128x128xf32, #tpu.memory_space<vmem>>) target(%dma_start3A_234 : memref<128x128xf32, #tpu.memory_space<vmem_shared>>) target_semaphore(%run_scoped3A : memref<!tpu.dma_semaphore, #tpu.memory_space<semaphore_mem>>)
      %dma_wait3A_235 = arith.constant 0 : i32
      %dma_wait3A_236 = tpu.memref_slice %arg8[%add3A_168, %dma_wait3A_235] : memref<8192x128xf32, #tpu.memory_space<vmem_shared>> -> memref<128x128xf32, #tpu.memory_space<vmem_shared>>
      %dma_wait3A_237 = arith.constant 0 : i32
      %dma_wait3A_238 = tpu.memref_slice %arg8[%add3A_168, %dma_wait3A_237] : memref<8192x128xf32, #tpu.memory_space<vmem_shared>> -> memref<128x128xf32, #tpu.memory_space<vmem_shared>>
      tpu.wait_dma2 semaphore(%run_scoped3A : memref<!tpu.dma_semaphore, #tpu.memory_space<semaphore_mem>>) src(%arg14 : memref<128x128xf32, #tpu.memory_space<vmem>>) dst(%dma_wait3A_238 : memref<128x128xf32, #tpu.memory_space<vmem_shared>>)
      tpu.yield
    }) : () -> ()
    %mul3A_169 = arith.constant 512 : i32
    %mul3A_170 = arith.muli %arg1, %mul3A_169 : i32
    %add3A_171 = arith.constant 384 : i32
    %add3A_172 = arith.addi %mul3A_170, %add3A_171 : i32
    "tpu.region"() ({
      %run_scoped3A = tpu.sem_alloc : memref<!tpu.dma_semaphore, #tpu.memory_space<semaphore_mem>>
      %dma_start3A_231 = arith.constant 0 : i32
      %dma_start3A_232 = tpu.memref_slice %arg8[%add3A_172, %dma_start3A_231] : memref<8192x128xf32, #tpu.memory_space<vmem_shared>> -> memref<128x128xf32, #tpu.memory_space<vmem_shared>>
      %dma_start3A_233 = arith.constant 0 : i32
      %dma_start3A_234 = tpu.memref_slice %arg8[%add3A_172, %dma_start3A_233] : memref<8192x128xf32, #tpu.memory_space<vmem_shared>> -> memref<128x128xf32, #tpu.memory_space<vmem_shared>>
      tpu.enqueue_dma source(%arg14 : memref<128x128xf32, #tpu.memory_space<vmem>>) target(%dma_start3A_234 : memref<128x128xf32, #tpu.memory_space<vmem_shared>>) target_semaphore(%run_scoped3A : memref<!tpu.dma_semaphore, #tpu.memory_space<semaphore_mem>>)
      %dma_wait3A_235 = arith.constant 0 : i32
      %dma_wait3A_236 = tpu.memref_slice %arg8[%add3A_172, %dma_wait3A_235] : memref<8192x128xf32, #tpu.memory_space<vmem_shared>> -> memref<128x128xf32, #tpu.memory_space<vmem_shared>>
      %dma_wait3A_237 = arith.constant 0 : i32
      %dma_wait3A_238 = tpu.memref_slice %arg8[%add3A_172, %dma_wait3A_237] : memref<8192x128xf32, #tpu.memory_space<vmem_shared>> -> memref<128x128xf32, #tpu.memory_space<vmem_shared>>
      tpu.wait_dma2 semaphore(%run_scoped3A : memref<!tpu.dma_semaphore, #tpu.memory_space<semaphore_mem>>) src(%arg14 : memref<128x128xf32, #tpu.memory_space<vmem>>) dst(%dma_wait3A_238 : memref<128x128xf32, #tpu.memory_space<vmem_shared>>)
      tpu.yield
    }) : () -> ()
    %mul3A_173 = arith.constant 512 : i32
    %mul3A_174 = arith.muli %arg1, %mul3A_173 : i32
    "tpu.region"() ({
      %run_scoped3A = tpu.sem_alloc : memref<!tpu.dma_semaphore, #tpu.memory_space<semaphore_mem>>
      %dma_start3A_231 = tpu.memref_slice %arg9[%mul3A_174] : memref<8192xf32, #tpu.memory_space<vmem_shared>> -> memref<512xf32, #tpu.memory_space<vmem_shared>>
      %dma_start3A_232 = tpu.memref_slice %arg9[%mul3A_174] : memref<8192xf32, #tpu.memory_space<vmem_shared>> -> memref<512xf32, #tpu.memory_space<vmem_shared>>
      tpu.enqueue_dma source(%arg18 : memref<512xf32, #tpu.memory_space<vmem>>) target(%dma_start3A_232 : memref<512xf32, #tpu.memory_space<vmem_shared>>) target_semaphore(%run_scoped3A : memref<!tpu.dma_semaphore, #tpu.memory_space<semaphore_mem>>)
      %dma_wait3A_233 = tpu.memref_slice %arg9[%mul3A_174] : memref<8192xf32, #tpu.memory_space<vmem_shared>> -> memref<512xf32, #tpu.memory_space<vmem_shared>>
      %dma_wait3A_234 = tpu.memref_slice %arg9[%mul3A_174] : memref<8192xf32, #tpu.memory_space<vmem_shared>> -> memref<512xf32, #tpu.memory_space<vmem_shared>>
      tpu.wait_dma2 semaphore(%run_scoped3A : memref<!tpu.dma_semaphore, #tpu.memory_space<semaphore_mem>>) src(%arg18 : memref<512xf32, #tpu.memory_space<vmem>>) dst(%dma_wait3A_234 : memref<512xf32, #tpu.memory_space<vmem_shared>>)
      tpu.yield
    }) : () -> ()
    %lt3A_175 = arith.constant 15 : i32
    %lt3A_176 = arith.cmpi slt, %arg1, %lt3A_175 : i32
    %convert_element_type3A_177 = arith.extui %lt3A_176 : i1 to i32
    %cond3A_178 = arith.constant 0 : i32
    %cond3A_179 = arith.cmpi ne, %convert_element_type3A_177, %cond3A_178 : i32
    scf.if %cond3A_179 {
      %mul3A_231 = arith.constant 128 : i32
      %mul3A_232 = arith.muli %arg1, %mul3A_231 : i32
      %multiple_of3A = tpu.assume_multiple %mul3A_232, 8 : i32
      %dma_wait3A_233 = arith.constant 0 : i32
      %dma_wait3A_234 = tpu.memref_slice %arg2[%multiple_of3A, %dma_wait3A_233] : memref<2000x128xf32, #tpu.memory_space<hbm>> -> memref<128x128xf32, #tpu.memory_space<hbm>>
      %dma_wait3A_235 = arith.constant 0 : i32
      %dma_wait3A_236 = tpu.memref_slice %arg2[%multiple_of3A, %dma_wait3A_235] : memref<2000x128xf32, #tpu.memory_space<hbm>> -> memref<128x128xf32, #tpu.memory_space<hbm>>
      tpu.wait_dma2 semaphore(%arg20 : memref<!tpu.dma_semaphore, #tpu.memory_space<semaphore_mem>>) src(%dma_wait3A_236 : memref<128x128xf32, #tpu.memory_space<hbm>>) dst(%arg15 : memref<128x128xf32, #tpu.memory_space<vmem>>)
      "tpu.region"() ({
        %run_scoped3A = tpu.sem_alloc : memref<!tpu.dma_semaphore, #tpu.memory_space<semaphore_mem>>
        %dma_start3A_237 = arith.constant 0 : i32
        %dma_start3A_238 = tpu.memref_slice %arg10[%multiple_of3A, %dma_start3A_237] : memref<2000x128xf32, #tpu.memory_space<vmem_shared>> -> memref<128x128xf32, #tpu.memory_space<vmem_shared>>
        %dma_start3A_239 = arith.constant 0 : i32
        %dma_start3A_240 = tpu.memref_slice %arg10[%multiple_of3A, %dma_start3A_239] : memref<2000x128xf32, #tpu.memory_space<vmem_shared>> -> memref<128x128xf32, #tpu.memory_space<vmem_shared>>
        tpu.enqueue_dma source(%arg15 : memref<128x128xf32, #tpu.memory_space<vmem>>) target(%dma_start3A_240 : memref<128x128xf32, #tpu.memory_space<vmem_shared>>) target_semaphore(%run_scoped3A : memref<!tpu.dma_semaphore, #tpu.memory_space<semaphore_mem>>)
        %dma_wait3A_241 = arith.constant 0 : i32
        %dma_wait3A_242 = tpu.memref_slice %arg10[%multiple_of3A, %dma_wait3A_241] : memref<2000x128xf32, #tpu.memory_space<vmem_shared>> -> memref<128x128xf32, #tpu.memory_space<vmem_shared>>
        %dma_wait3A_243 = arith.constant 0 : i32
        %dma_wait3A_244 = tpu.memref_slice %arg10[%multiple_of3A, %dma_wait3A_243] : memref<2000x128xf32, #tpu.memory_space<vmem_shared>> -> memref<128x128xf32, #tpu.memory_space<vmem_shared>>
        tpu.wait_dma2 semaphore(%run_scoped3A : memref<!tpu.dma_semaphore, #tpu.memory_space<semaphore_mem>>) src(%arg15 : memref<128x128xf32, #tpu.memory_space<vmem>>) dst(%dma_wait3A_244 : memref<128x128xf32, #tpu.memory_space<vmem_shared>>)
        tpu.yield
      }) : () -> ()
    } else {
    }
    %eq3A_180 = arith.constant 15 : i32
    %eq3A_181 = arith.cmpi eq, %arg1, %eq3A_180 : i32
    %convert_element_type3A_182 = arith.extui %eq3A_181 : i1 to i32
    %cond3A_183 = arith.constant 0 : i32
    %cond3A_184 = arith.cmpi ne, %convert_element_type3A_182, %cond3A_183 : i32
    scf.if %cond3A_184 {
      %multiple_of3A = arith.constant 1920 : i32
      %multiple_of3A_231 = tpu.assume_multiple %multiple_of3A, 8 : i32
      %dma_wait3A_232 = arith.constant 0 : i32
      %dma_wait3A_233 = arith.constant 0 : i32
      %dma_wait3A_234 = tpu.memref_slice %arg15[%dma_wait3A_232, %dma_wait3A_233] : memref<128x128xf32, #tpu.memory_space<vmem>> -> memref<80x128xf32, #tpu.memory_space<vmem>>
      %dma_wait3A_235 = arith.constant 0 : i32
      %dma_wait3A_236 = tpu.memref_slice %arg2[%multiple_of3A_231, %dma_wait3A_235] : memref<2000x128xf32, #tpu.memory_space<hbm>> -> memref<80x128xf32, #tpu.memory_space<hbm>>
      %dma_wait3A_237 = arith.constant 0 : i32
      %dma_wait3A_238 = arith.constant 0 : i32
      %dma_wait3A_239 = tpu.memref_slice %arg15[%dma_wait3A_237, %dma_wait3A_238] : memref<128x128xf32, #tpu.memory_space<vmem>> -> memref<80x128xf32, #tpu.memory_space<vmem>>
      %dma_wait3A_240 = arith.constant 0 : i32
      %dma_wait3A_241 = tpu.memref_slice %arg2[%multiple_of3A_231, %dma_wait3A_240] : memref<2000x128xf32, #tpu.memory_space<hbm>> -> memref<80x128xf32, #tpu.memory_space<hbm>>
      tpu.wait_dma2 semaphore(%arg20 : memref<!tpu.dma_semaphore, #tpu.memory_space<semaphore_mem>>) src(%dma_wait3A_241 : memref<80x128xf32, #tpu.memory_space<hbm>>) dst(%dma_wait3A_239 : memref<80x128xf32, #tpu.memory_space<vmem>>)
      "tpu.region"() ({
        %run_scoped3A = tpu.sem_alloc : memref<!tpu.dma_semaphore, #tpu.memory_space<semaphore_mem>>
        %dma_start3A_242 = arith.constant 0 : i32
        %dma_start3A_243 = arith.constant 0 : i32
        %dma_start3A_244 = tpu.memref_slice %arg15[%dma_start3A_242, %dma_start3A_243] : memref<128x128xf32, #tpu.memory_space<vmem>> -> memref<80x128xf32, #tpu.memory_space<vmem>>
        %dma_start3A_245 = arith.constant 0 : i32
        %dma_start3A_246 = tpu.memref_slice %arg10[%multiple_of3A_231, %dma_start3A_245] : memref<2000x128xf32, #tpu.memory_space<vmem_shared>> -> memref<80x128xf32, #tpu.memory_space<vmem_shared>>
        %dma_start3A_247 = arith.constant 0 : i32
        %dma_start3A_248 = tpu.memref_slice %arg10[%multiple_of3A_231, %dma_start3A_247] : memref<2000x128xf32, #tpu.memory_space<vmem_shared>> -> memref<80x128xf32, #tpu.memory_space<vmem_shared>>
        %dma_start3A_249 = arith.constant 0 : i32
        %dma_start3A_250 = arith.constant 0 : i32
        %dma_start3A_251 = tpu.memref_slice %arg15[%dma_start3A_249, %dma_start3A_250] : memref<128x128xf32, #tpu.memory_space<vmem>> -> memref<80x128xf32, #tpu.memory_space<vmem>>
        tpu.enqueue_dma source(%dma_start3A_251 : memref<80x128xf32, #tpu.memory_space<vmem>>) target(%dma_start3A_248 : memref<80x128xf32, #tpu.memory_space<vmem_shared>>) target_semaphore(%run_scoped3A : memref<!tpu.dma_semaphore, #tpu.memory_space<semaphore_mem>>)
        %dma_wait3A_252 = arith.constant 0 : i32
        %dma_wait3A_253 = arith.constant 0 : i32
        %dma_wait3A_254 = tpu.memref_slice %arg15[%dma_wait3A_252, %dma_wait3A_253] : memref<128x128xf32, #tpu.memory_space<vmem>> -> memref<80x128xf32, #tpu.memory_space<vmem>>
        %dma_wait3A_255 = arith.constant 0 : i32
        %dma_wait3A_256 = tpu.memref_slice %arg10[%multiple_of3A_231, %dma_wait3A_255] : memref<2000x128xf32, #tpu.memory_space<vmem_shared>> -> memref<80x128xf32, #tpu.memory_space<vmem_shared>>
        %dma_wait3A_257 = arith.constant 0 : i32
        %dma_wait3A_258 = tpu.memref_slice %arg10[%multiple_of3A_231, %dma_wait3A_257] : memref<2000x128xf32, #tpu.memory_space<vmem_shared>> -> memref<80x128xf32, #tpu.memory_space<vmem_shared>>
        %dma_wait3A_259 = arith.constant 0 : i32
        %dma_wait3A_260 = arith.constant 0 : i32
        %dma_wait3A_261 = tpu.memref_slice %arg15[%dma_wait3A_259, %dma_wait3A_260] : memref<128x128xf32, #tpu.memory_space<vmem>> -> memref<80x128xf32, #tpu.memory_space<vmem>>
        tpu.wait_dma2 semaphore(%run_scoped3A : memref<!tpu.dma_semaphore, #tpu.memory_space<semaphore_mem>>) src(%dma_wait3A_261 : memref<80x128xf32, #tpu.memory_space<vmem>>) dst(%dma_wait3A_258 : memref<80x128xf32, #tpu.memory_space<vmem_shared>>)
        tpu.yield
      }) : () -> ()
    } else {
    }
    %mul3A_185 = arith.constant 40 : i32
    %mul3A_186 = arith.muli %add3A, %mul3A_185 : i32
    %dma_wait3A = arith.constant 0 : i32
    %dma_wait3A_187 = tpu.memref_slice %arg3[%mul3A_186, %dma_wait3A] : memref<1280x128xi32, #tpu.memory_space<hbm>> -> memref<40x128xi32, #tpu.memory_space<hbm>>
    %dma_wait3A_188 = arith.constant 0 : i32
    %dma_wait3A_189 = tpu.memref_slice %arg3[%mul3A_186, %dma_wait3A_188] : memref<1280x128xi32, #tpu.memory_space<hbm>> -> memref<40x128xi32, #tpu.memory_space<hbm>>
    tpu.wait_dma2 semaphore(%arg19 : memref<!tpu.dma_semaphore, #tpu.memory_space<semaphore_mem>>) src(%dma_wait3A_189 : memref<40x128xi32, #tpu.memory_space<hbm>>) dst(%arg11 : memref<40x128xi32, #tpu.memory_space<vmem>>)
    %mul3A_190 = arith.constant 40 : i32
    %mul3A_191 = arith.muli %add3A, %mul3A_190 : i32
    %dma_wait3A_192 = arith.constant 0 : i32
    %dma_wait3A_193 = tpu.memref_slice %arg4[%mul3A_191, %dma_wait3A_192] : memref<1280x128xi32, #tpu.memory_space<hbm>> -> memref<40x128xi32, #tpu.memory_space<hbm>>
    %dma_wait3A_194 = arith.constant 0 : i32
    %dma_wait3A_195 = tpu.memref_slice %arg4[%mul3A_191, %dma_wait3A_194] : memref<1280x128xi32, #tpu.memory_space<hbm>> -> memref<40x128xi32, #tpu.memory_space<hbm>>
    tpu.wait_dma2 semaphore(%arg21 : memref<!tpu.dma_semaphore, #tpu.memory_space<semaphore_mem>>) src(%dma_wait3A_195 : memref<40x128xi32, #tpu.memory_space<hbm>>) dst(%arg12 : memref<40x128xi32, #tpu.memory_space<vmem>>)
    %mul3A_196 = arith.constant 40 : i32
    %mul3A_197 = arith.muli %add3A, %mul3A_196 : i32
    %dma_wait3A_198 = arith.constant 0 : i32
    %dma_wait3A_199 = tpu.memref_slice %arg5[%mul3A_197, %dma_wait3A_198] : memref<1280x128xf32, #tpu.memory_space<hbm>> -> memref<40x128xf32, #tpu.memory_space<hbm>>
    %dma_wait3A_200 = arith.constant 0 : i32
    %dma_wait3A_201 = tpu.memref_slice %arg5[%mul3A_197, %dma_wait3A_200] : memref<1280x128xf32, #tpu.memory_space<hbm>> -> memref<40x128xf32, #tpu.memory_space<hbm>>
    tpu.wait_dma2 semaphore(%arg22 : memref<!tpu.dma_semaphore, #tpu.memory_space<semaphore_mem>>) src(%dma_wait3A_201 : memref<40x128xf32, #tpu.memory_space<hbm>>) dst(%arg13 : memref<40x128xf32, #tpu.memory_space<vmem>>)
    %barrier3A = arith.constant 0 : index
    tpu.barrier barrier_id(%barrier3A)
    %dma_start3A_202 = arith.constant 0 : i32
    %dma_start3A_203 = arith.constant 0 : i32
    %dma_start3A_204 = tpu.memref_slice %arg12[%dma_start3A_202, %dma_start3A_203] : memref<40x128xi32, #tpu.memory_space<vmem>> -> memref<1x128xi32, #tpu.memory_space<vmem>>
    %dma_start3A_205 = tpu.memref_squeeze %dma_start3A_204 : memref<1x128xi32, #tpu.memory_space<vmem>> -> memref<128xi32, #tpu.memory_space<vmem>>
    %dma_start3A_206 = arith.constant 0 : i32
    %dma_start3A_207 = arith.constant 0 : i32
    %dma_start3A_208 = tpu.memref_slice %arg10[%dma_start3A_206, %dma_start3A_207] : memref<2000x128xf32, #tpu.memory_space<vmem_shared>> -> memref<2000x128xf32, #tpu.memory_space<vmem_shared>>
    tpu.enqueue_indirect_dma source(%dma_start3A_208 : memref<2000x128xf32, #tpu.memory_space<vmem_shared>>) target(%arg14 : memref<128x128xf32, #tpu.memory_space<vmem>>) offsets(%dma_start3A_205 : memref<128xi32, #tpu.memory_space<vmem>>) semaphore(%arg19 : memref<!tpu.dma_semaphore, #tpu.memory_space<semaphore_mem>>)
    %scan3A_209 = arith.constant 0 : i32
    %scan3A_210 = arith.constant 0 : i32
    %scan3A_211 = arith.constant 20 : i32
    %scan3A_212 = arith.addi %scan3A_210, %scan3A_211 : i32
    %scan3A_213 = arith.constant 1 : i32
    scf.for %scan3A_231 = %scan3A_210 to %scan3A_212 step %scan3A_213  : i32 {
      %mul3A_232 = arith.constant 2 : i32
      %mul3A_233 = arith.muli %mul3A_232, %scan3A_231 : i32
      %dma_wait3A_234 = arith.constant 0 : i32
      %dma_wait3A_235 = tpu.memref_slice %arg12[%mul3A_233, %dma_wait3A_234] : memref<40x128xi32, #tpu.memory_space<vmem>> -> memref<1x128xi32, #tpu.memory_space<vmem>>
      %dma_wait3A_236 = tpu.memref_squeeze %dma_wait3A_235 : memref<1x128xi32, #tpu.memory_space<vmem>> -> memref<128xi32, #tpu.memory_space<vmem>>
      %dma_wait3A_237 = arith.constant 0 : i32
      %dma_wait3A_238 = arith.constant 0 : i32
      %dma_wait3A_239 = tpu.memref_slice %arg10[%dma_wait3A_237, %dma_wait3A_238] : memref<2000x128xf32, #tpu.memory_space<vmem_shared>> -> memref<2000x128xf32, #tpu.memory_space<vmem_shared>>
      tpu.wait_indirect_dma semaphore(%arg19 : memref<!tpu.dma_semaphore, #tpu.memory_space<semaphore_mem>>) src(%dma_wait3A_239 : memref<2000x128xf32, #tpu.memory_space<vmem_shared>>) dst(%arg14 : memref<128x128xf32, #tpu.memory_space<vmem>>)
      %add3A_240 = arith.constant 1 : i32
      %add3A_241 = arith.addi %mul3A_233, %add3A_240 : i32
      %dma_start3A_242 = arith.constant 0 : i32
      %dma_start3A_243 = tpu.memref_slice %arg12[%add3A_241, %dma_start3A_242] : memref<40x128xi32, #tpu.memory_space<vmem>> -> memref<1x128xi32, #tpu.memory_space<vmem>>
      %dma_start3A_244 = tpu.memref_squeeze %dma_start3A_243 : memref<1x128xi32, #tpu.memory_space<vmem>> -> memref<128xi32, #tpu.memory_space<vmem>>
      %dma_start3A_245 = arith.constant 0 : i32
      %dma_start3A_246 = arith.constant 0 : i32
      %dma_start3A_247 = tpu.memref_slice %arg10[%dma_start3A_245, %dma_start3A_246] : memref<2000x128xf32, #tpu.memory_space<vmem_shared>> -> memref<2000x128xf32, #tpu.memory_space<vmem_shared>>
      tpu.enqueue_indirect_dma source(%dma_start3A_247 : memref<2000x128xf32, #tpu.memory_space<vmem_shared>>) target(%arg15 : memref<128x128xf32, #tpu.memory_space<vmem>>) offsets(%dma_start3A_244 : memref<128xi32, #tpu.memory_space<vmem>>) semaphore(%arg20 : memref<!tpu.dma_semaphore, #tpu.memory_space<semaphore_mem>>)
      %scan3A_248 = arith.constant 0 : i32
      %scan3A_249 = arith.constant 0 : i32
      %scan3A_250 = arith.constant 8 : i32
      %scan3A_251 = arith.addi %scan3A_249, %scan3A_250 : i32
      %scan3A_252 = arith.constant 1 : i32
      scf.for %scan3A_331 = %scan3A_249 to %scan3A_251 step %scan3A_252  : i32 {
        %mul3A_332 = arith.constant 16 : i32
        %mul3A_333 = arith.muli %scan3A_331, %mul3A_332 : i32
        %get3A = arith.index_cast %mul3A_233 : i32 to index
        %get3A_334 = arith.index_cast %mul3A_333 : i32 to index
        %get3A_335 = tpu.vector_load %arg13[%get3A, %get3A_334] {strides = array<i32>} : memref<40x128xf32, #tpu.memory_space<vmem>>, vector<1x16xf32>,
        %get3A_336 = vector.shape_cast %get3A_335 : vector<1x16xf32> to vector<16xf32>
        %exp3A = math.exp %get3A_336 : vector<16xf32>
        %mul3A_337 = arith.constant 16 : i32
        %mul3A_338 = arith.muli %scan3A_331, %mul3A_337 : i32
        %swap3A_339 = arith.index_cast %mul3A_338 : i32 to index
        %swap3A_340 = tpu.vector_load %arg16[%swap3A_339] {strides = array<i32>} : memref<128xf32, #tpu.memory_space<vmem>>, vector<16xf32>,
        %swap3A_341 = vector.shape_cast %swap3A_340 : vector<16xf32> to vector<16xf32>
        %swap3A_342 = vector.shape_cast %exp3A : vector<16xf32> to vector<16xf32>
        tpu.vector_store %arg16[%swap3A_339], %swap3A_342 {strides = array<i32>} : memref<128xf32, #tpu.memory_space<vmem>>, vector<16xf32>,
        %slice3A = vector.extract_strided_slice %exp3A {offsets = [0], sizes = [1], strides = [1]} : vector<16xf32> to vector<1xf32>
        %squeeze3A = vector.extract %slice3A[0] : f32 from vector<1xf32>
        %broadcast_in_dim3A_343 = vector.broadcast %squeeze3A : f32 to vector<16xf32>
        %mul3A_344 = arith.constant 16 : i32
        %mul3A_345 = arith.muli %scan3A_331, %mul3A_344 : i32
        %add3A_346 = arith.constant 0 : i32
        %add3A_347 = arith.addi %mul3A_345, %add3A_346 : i32
        %get3A_348 = arith.index_cast %add3A_347 : i32 to index
        %get3A_349 = arith.constant 0 : index
        %get3A_350 = tpu.vector_load %arg14[%get3A_348, %get3A_349] {strides = array<i32>} : memref<128x128xf32, #tpu.memory_space<vmem>>, vector<1x16xf32>,
        %get3A_351 = vector.shape_cast %get3A_350 : vector<1x16xf32> to vector<16xf32>
        %mul3A_352 = arith.mulf %get3A_351, %broadcast_in_dim3A_343 : vector<16xf32>
        %swap3A_353 = arith.index_cast %add3A_347 : i32 to index
        %swap3A_354 = arith.constant 0 : index
        %swap3A_355 = tpu.vector_load %arg14[%swap3A_353, %swap3A_354] {strides = array<i32>} : memref<128x128xf32, #tpu.memory_space<vmem>>, vector<1x16xf32>,
        %swap3A_356 = vector.shape_cast %swap3A_355 : vector<1x16xf32> to vector<16xf32>
        %swap3A_357 = vector.shape_cast %mul3A_352 : vector<16xf32> to vector<1x16xf32>
        tpu.vector_store %arg14[%swap3A_353, %swap3A_354], %swap3A_357 {strides = array<i32>} : memref<128x128xf32, #tpu.memory_space<vmem>>, vector<1x16xf32>,
        %get3A_358 = arith.index_cast %add3A_347 : i32 to index
        %get3A_359 = arith.constant 16 : index
        %get3A_360 = tpu.vector_load %arg14[%get3A_358, %get3A_359] {strides = array<i32>} : memref<128x128xf32, #tpu.memory_space<vmem>>, vector<1x16xf32>,
        %get3A_361 = vector.shape_cast %get3A_360 : vector<1x16xf32> to vector<16xf32>
        %mul3A_362 = arith.mulf %get3A_361, %broadcast_in_dim3A_343 : vector<16xf32>
        %swap3A_363 = arith.index_cast %add3A_347 : i32 to index
        %swap3A_364 = arith.constant 16 : index
        %swap3A_365 = tpu.vector_load %arg14[%swap3A_363, %swap3A_364] {strides = array<i32>} : memref<128x128xf32, #tpu.memory_space<vmem>>, vector<1x16xf32>,
        %swap3A_366 = vector.shape_cast %swap3A_365 : vector<1x16xf32> to vector<16xf32>
        %swap3A_367 = vector.shape_cast %mul3A_362 : vector<16xf32> to vector<1x16xf32>
        tpu.vector_store %arg14[%swap3A_363, %swap3A_364], %swap3A_367 {strides = array<i32>} : memref<128x128xf32, #tpu.memory_space<vmem>>, vector<1x16xf32>,
        %get3A_368 = arith.index_cast %add3A_347 : i32 to index
        %get3A_369 = arith.constant 32 : index
        %get3A_370 = tpu.vector_load %arg14[%get3A_368, %get3A_369] {strides = array<i32>} : memref<128x128xf32, #tpu.memory_space<vmem>>, vector<1x16xf32>,
        %get3A_371 = vector.shape_cast %get3A_370 : vector<1x16xf32> to vector<16xf32>
        %mul3A_372 = arith.mulf %get3A_371, %broadcast_in_dim3A_343 : vector<16xf32>
        %swap3A_373 = arith.index_cast %add3A_347 : i32 to index
        %swap3A_374 = arith.constant 32 : index
        %swap3A_375 = tpu.vector_load %arg14[%swap3A_373, %swap3A_374] {strides = array<i32>} : memref<128x128xf32, #tpu.memory_space<vmem>>, vector<1x16xf32>,
        %swap3A_376 = vector.shape_cast %swap3A_375 : vector<1x16xf32> to vector<16xf32>
        %swap3A_377 = vector.shape_cast %mul3A_372 : vector<16xf32> to vector<1x16xf32>
        tpu.vector_store %arg14[%swap3A_373, %swap3A_374], %swap3A_377 {strides = array<i32>} : memref<128x128xf32, #tpu.memory_space<vmem>>, vector<1x16xf32>,
        %get3A_378 = arith.index_cast %add3A_347 : i32 to index
        %get3A_379 = arith.constant 48 : index
        %get3A_380 = tpu.vector_load %arg14[%get3A_378, %get3A_379] {strides = array<i32>} : memref<128x128xf32, #tpu.memory_space<vmem>>, vector<1x16xf32>,
        %get3A_381 = vector.shape_cast %get3A_380 : vector<1x16xf32> to vector<16xf32>
        %mul3A_382 = arith.mulf %get3A_381, %broadcast_in_dim3A_343 : vector<16xf32>
        %swap3A_383 = arith.index_cast %add3A_347 : i32 to index
        %swap3A_384 = arith.constant 48 : index
        %swap3A_385 = tpu.vector_load %arg14[%swap3A_383, %swap3A_384] {strides = array<i32>} : memref<128x128xf32, #tpu.memory_space<vmem>>, vector<1x16xf32>,
        %swap3A_386 = vector.shape_cast %swap3A_385 : vector<1x16xf32> to vector<16xf32>
        %swap3A_387 = vector.shape_cast %mul3A_382 : vector<16xf32> to vector<1x16xf32>
        tpu.vector_store %arg14[%swap3A_383, %swap3A_384], %swap3A_387 {strides = array<i32>} : memref<128x128xf32, #tpu.memory_space<vmem>>, vector<1x16xf32>,
        %get3A_388 = arith.index_cast %add3A_347 : i32 to index
        %get3A_389 = arith.constant 64 : index
        %get3A_390 = tpu.vector_load %arg14[%get3A_388, %get3A_389] {strides = array<i32>} : memref<128x128xf32, #tpu.memory_space<vmem>>, vector<1x16xf32>,
        %get3A_391 = vector.shape_cast %get3A_390 : vector<1x16xf32> to vector<16xf32>
        %mul3A_392 = arith.mulf %get3A_391, %broadcast_in_dim3A_343 : vector<16xf32>
        %swap3A_393 = arith.index_cast %add3A_347 : i32 to index
        %swap3A_394 = arith.constant 64 : index
        %swap3A_395 = tpu.vector_load %arg14[%swap3A_393, %swap3A_394] {strides = array<i32>} : memref<128x128xf32, #tpu.memory_space<vmem>>, vector<1x16xf32>,
        %swap3A_396 = vector.shape_cast %swap3A_395 : vector<1x16xf32> to vector<16xf32>
        %swap3A_397 = vector.shape_cast %mul3A_392 : vector<16xf32> to vector<1x16xf32>
        tpu.vector_store %arg14[%swap3A_393, %swap3A_394], %swap3A_397 {strides = array<i32>} : memref<128x128xf32, #tpu.memory_space<vmem>>, vector<1x16xf32>,
        %get3A_398 = arith.index_cast %add3A_347 : i32 to index
        %get3A_399 = arith.constant 80 : index
        %get3A_400 = tpu.vector_load %arg14[%get3A_398, %get3A_399] {strides = array<i32>} : memref<128x128xf32, #tpu.memory_space<vmem>>, vector<1x16xf32>,
        %get3A_401 = vector.shape_cast %get3A_400 : vector<1x16xf32> to vector<16xf32>
        %mul3A_402 = arith.mulf %get3A_401, %broadcast_in_dim3A_343 : vector<16xf32>
        %swap3A_403 = arith.index_cast %add3A_347 : i32 to index
        %swap3A_404 = arith.constant 80 : index
        %swap3A_405 = tpu.vector_load %arg14[%swap3A_403, %swap3A_404] {strides = array<i32>} : memref<128x128xf32, #tpu.memory_space<vmem>>, vector<1x16xf32>,
        %swap3A_406 = vector.shape_cast %swap3A_405 : vector<1x16xf32> to vector<16xf32>
        %swap3A_407 = vector.shape_cast %mul3A_402 : vector<16xf32> to vector<1x16xf32>
        tpu.vector_store %arg14[%swap3A_403, %swap3A_404], %swap3A_407 {strides = array<i32>} : memref<128x128xf32, #tpu.memory_space<vmem>>, vector<1x16xf32>,
        %get3A_408 = arith.index_cast %add3A_347 : i32 to index
        %get3A_409 = arith.constant 96 : index
        %get3A_410 = tpu.vector_load %arg14[%get3A_408, %get3A_409] {strides = array<i32>} : memref<128x128xf32, #tpu.memory_space<vmem>>, vector<1x16xf32>,
        %get3A_411 = vector.shape_cast %get3A_410 : vector<1x16xf32> to vector<16xf32>
        %mul3A_412 = arith.mulf %get3A_411, %broadcast_in_dim3A_343 : vector<16xf32>
        %swap3A_413 = arith.index_cast %add3A_347 : i32 to index
        %swap3A_414 = arith.constant 96 : index
        %swap3A_415 = tpu.vector_load %arg14[%swap3A_413, %swap3A_414] {strides = array<i32>} : memref<128x128xf32, #tpu.memory_space<vmem>>, vector<1x16xf32>,
        %swap3A_416 = vector.shape_cast %swap3A_415 : vector<1x16xf32> to vector<16xf32>
        %swap3A_417 = vector.shape_cast %mul3A_412 : vector<16xf32> to vector<1x16xf32>
        tpu.vector_store %arg14[%swap3A_413, %swap3A_414], %swap3A_417 {strides = array<i32>} : memref<128x128xf32, #tpu.memory_space<vmem>>, vector<1x16xf32>,
        %get3A_418 = arith.index_cast %add3A_347 : i32 to index
        %get3A_419 = arith.constant 112 : index
        %get3A_420 = tpu.vector_load %arg14[%get3A_418, %get3A_419] {strides = array<i32>} : memref<128x128xf32, #tpu.memory_space<vmem>>, vector<1x16xf32>,
        %get3A_421 = vector.shape_cast %get3A_420 : vector<1x16xf32> to vector<16xf32>
        %mul3A_422 = arith.mulf %get3A_421, %broadcast_in_dim3A_343 : vector<16xf32>
        %swap3A_423 = arith.index_cast %add3A_347 : i32 to index
        %swap3A_424 = arith.constant 112 : index
        %swap3A_425 = tpu.vector_load %arg14[%swap3A_423, %swap3A_424] {strides = array<i32>} : memref<128x128xf32, #tpu.memory_space<vmem>>, vector<1x16xf32>,
        %swap3A_426 = vector.shape_cast %swap3A_425 : vector<1x16xf32> to vector<16xf32>
        %swap3A_427 = vector.shape_cast %mul3A_422 : vector<16xf32> to vector<1x16xf32>
        tpu.vector_store %arg14[%swap3A_423, %swap3A_424], %swap3A_427 {strides = array<i32>} : memref<128x128xf32, #tpu.memory_space<vmem>>, vector<1x16xf32>,
        %slice3A_428 = vector.extract_strided_slice %exp3A {offsets = [1], sizes = [1], strides = [1]} : vector<16xf32> to vector<1xf32>
        %squeeze3A_429 = vector.extract %slice3A_428[0] : f32 from vector<1xf32>
        %broadcast_in_dim3A_430 = vector.broadcast %squeeze3A_429 : f32 to vector<16xf32>
        %mul3A_431 = arith.constant 16 : i32
        %mul3A_432 = arith.muli %scan3A_331, %mul3A_431 : i32
        %add3A_433 = arith.constant 1 : i32
        %add3A_434 = arith.addi %mul3A_432, %add3A_433 : i32
        %get3A_435 = arith.index_cast %add3A_434 : i32 to index
        %get3A_436 = arith.constant 0 : index
        %get3A_437 = tpu.vector_load %arg14[%get3A_435, %get3A_436] {strides = array<i32>} : memref<128x128xf32, #tpu.memory_space<vmem>>, vector<1x16xf32>,
        %get3A_438 = vector.shape_cast %get3A_437 : vector<1x16xf32> to vector<16xf32>
        %mul3A_439 = arith.mulf %get3A_438, %broadcast_in_dim3A_430 : vector<16xf32>
        %swap3A_440 = arith.index_cast %add3A_434 : i32 to index
        %swap3A_441 = arith.constant 0 : index
        %swap3A_442 = tpu.vector_load %arg14[%swap3A_440, %swap3A_441] {strides = array<i32>} : memref<128x128xf32, #tpu.memory_space<vmem>>, vector<1x16xf32>,
        %swap3A_443 = vector.shape_cast %swap3A_442 : vector<1x16xf32> to vector<16xf32>
        %swap3A_444 = vector.shape_cast %mul3A_439 : vector<16xf32> to vector<1x16xf32>
        tpu.vector_store %arg14[%swap3A_440, %swap3A_441], %swap3A_444 {strides = array<i32>} : memref<128x128xf32, #tpu.memory_space<vmem>>, vector<1x16xf32>,
        %get3A_445 = arith.index_cast %add3A_434 : i32 to index
        %get3A_446 = arith.constant 16 : index
        %get3A_447 = tpu.vector_load %arg14[%get3A_445, %get3A_446] {strides = array<i32>} : memref<128x128xf32, #tpu.memory_space<vmem>>, vector<1x16xf32>,
        %get3A_448 = vector.shape_cast %get3A_447 : vector<1x16xf32> to vector<16xf32>
        %mul3A_449 = arith.mulf %get3A_448, %broadcast_in_dim3A_430 : vector<16xf32>
        %swap3A_450 = arith.index_cast %add3A_434 : i32 to index
        %swap3A_451 = arith.constant 16 : index
        %swap3A_452 = tpu.vector_load %arg14[%swap3A_450, %swap3A_451] {strides = array<i32>} : memref<128x128xf32, #tpu.memory_space<vmem>>, vector<1x16xf32>,
        %swap3A_453 = vector.shape_cast %swap3A_452 : vector<1x16xf32> to vector<16xf32>
        %swap3A_454 = vector.shape_cast %mul3A_449 : vector<16xf32> to vector<1x16xf32>
        tpu.vector_store %arg14[%swap3A_450, %swap3A_451], %swap3A_454 {strides = array<i32>} : memref<128x128xf32, #tpu.memory_space<vmem>>, vector<1x16xf32>,
        %get3A_455 = arith.index_cast %add3A_434 : i32 to index
        %get3A_456 = arith.constant 32 : index
        %get3A_457 = tpu.vector_load %arg14[%get3A_455, %get3A_456] {strides = array<i32>} : memref<128x128xf32, #tpu.memory_space<vmem>>, vector<1x16xf32>,
        %get3A_458 = vector.shape_cast %get3A_457 : vector<1x16xf32> to vector<16xf32>
        %mul3A_459 = arith.mulf %get3A_458, %broadcast_in_dim3A_430 : vector<16xf32>
        %swap3A_460 = arith.index_cast %add3A_434 : i32 to index
        %swap3A_461 = arith.constant 32 : index
        %swap3A_462 = tpu.vector_load %arg14[%swap3A_460, %swap3A_461] {strides = array<i32>} : memref<128x128xf32, #tpu.memory_space<vmem>>, vector<1x16xf32>,
        %swap3A_463 = vector.shape_cast %swap3A_462 : vector<1x16xf32> to vector<16xf32>
        %swap3A_464 = vector.shape_cast %mul3A_459 : vector<16xf32> to vector<1x16xf32>
        tpu.vector_store %arg14[%swap3A_460, %swap3A_461], %swap3A_464 {strides = array<i32>} : memref<128x128xf32, #tpu.memory_space<vmem>>, vector<1x16xf32>,
        %get3A_465 = arith.index_cast %add3A_434 : i32 to index
        %get3A_466 = arith.constant 48 : index
        %get3A_467 = tpu.vector_load %arg14[%get3A_465, %get3A_466] {strides = array<i32>} : memref<128x128xf32, #tpu.memory_space<vmem>>, vector<1x16xf32>,
        %get3A_468 = vector.shape_cast %get3A_467 : vector<1x16xf32> to vector<16xf32>
        %mul3A_469 = arith.mulf %get3A_468, %broadcast_in_dim3A_430 : vector<16xf32>
        %swap3A_470 = arith.index_cast %add3A_434 : i32 to index
        %swap3A_471 = arith.constant 48 : index
        %swap3A_472 = tpu.vector_load %arg14[%swap3A_470, %swap3A_471] {strides = array<i32>} : memref<128x128xf32, #tpu.memory_space<vmem>>, vector<1x16xf32>,
        %swap3A_473 = vector.shape_cast %swap3A_472 : vector<1x16xf32> to vector<16xf32>
        %swap3A_474 = vector.shape_cast %mul3A_469 : vector<16xf32> to vector<1x16xf32>
        tpu.vector_store %arg14[%swap3A_470, %swap3A_471], %swap3A_474 {strides = array<i32>} : memref<128x128xf32, #tpu.memory_space<vmem>>, vector<1x16xf32>,
        %get3A_475 = arith.index_cast %add3A_434 : i32 to index
        %get3A_476 = arith.constant 64 : index
        %get3A_477 = tpu.vector_load %arg14[%get3A_475, %get3A_476] {strides = array<i32>} : memref<128x128xf32, #tpu.memory_space<vmem>>, vector<1x16xf32>,
        %get3A_478 = vector.shape_cast %get3A_477 : vector<1x16xf32> to vector<16xf32>
        %mul3A_479 = arith.mulf %get3A_478, %broadcast_in_dim3A_430 : vector<16xf32>
        %swap3A_480 = arith.index_cast %add3A_434 : i32 to index
        %swap3A_481 = arith.constant 64 : index
        %swap3A_482 = tpu.vector_load %arg14[%swap3A_480, %swap3A_481] {strides = array<i32>} : memref<128x128xf32, #tpu.memory_space<vmem>>, vector<1x16xf32>,
        %swap3A_483 = vector.shape_cast %swap3A_482 : vector<1x16xf32> to vector<16xf32>
        %swap3A_484 = vector.shape_cast %mul3A_479 : vector<16xf32> to vector<1x16xf32>
        tpu.vector_store %arg14[%swap3A_480, %swap3A_481], %swap3A_484 {strides = array<i32>} : memref<128x128xf32, #tpu.memory_space<vmem>>, vector<1x16xf32>,
        %get3A_485 = arith.index_cast %add3A_434 : i32 to index
        %get3A_486 = arith.constant 80 : index
        %get3A_487 = tpu.vector_load %arg14[%get3A_485, %get3A_486] {strides = array<i32>} : memref<128x128xf32, #tpu.memory_space<vmem>>, vector<1x16xf32>,
        %get3A_488 = vector.shape_cast %get3A_487 : vector<1x16xf32> to vector<16xf32>
        %mul3A_489 = arith.mulf %get3A_488, %broadcast_in_dim3A_430 : vector<16xf32>
        %swap3A_490 = arith.index_cast %add3A_434 : i32 to index
        %swap3A_491 = arith.constant 80 : index
        %swap3A_492 = tpu.vector_load %arg14[%swap3A_490, %swap3A_491] {strides = array<i32>} : memref<128x128xf32, #tpu.memory_space<vmem>>, vector<1x16xf32>,
        %swap3A_493 = vector.shape_cast %swap3A_492 : vector<1x16xf32> to vector<16xf32>
        %swap3A_494 = vector.shape_cast %mul3A_489 : vector<16xf32> to vector<1x16xf32>
        tpu.vector_store %arg14[%swap3A_490, %swap3A_491], %swap3A_494 {strides = array<i32>} : memref<128x128xf32, #tpu.memory_space<vmem>>, vector<1x16xf32>,
        %get3A_495 = arith.index_cast %add3A_434 : i32 to index
        %get3A_496 = arith.constant 96 : index
        %get3A_497 = tpu.vector_load %arg14[%get3A_495, %get3A_496] {strides = array<i32>} : memref<128x128xf32, #tpu.memory_space<vmem>>, vector<1x16xf32>,
        %get3A_498 = vector.shape_cast %get3A_497 : vector<1x16xf32> to vector<16xf32>
        %mul3A_499 = arith.mulf %get3A_498, %broadcast_in_dim3A_430 : vector<16xf32>
        %swap3A_500 = arith.index_cast %add3A_434 : i32 to index
        %swap3A_501 = arith.constant 96 : index
        %swap3A_502 = tpu.vector_load %arg14[%swap3A_500, %swap3A_501] {strides = array<i32>} : memref<128x128xf32, #tpu.memory_space<vmem>>, vector<1x16xf32>,
        %swap3A_503 = vector.shape_cast %swap3A_502 : vector<1x16xf32> to vector<16xf32>
        %swap3A_504 = vector.shape_cast %mul3A_499 : vector<16xf32> to vector<1x16xf32>
        tpu.vector_store %arg14[%swap3A_500, %swap3A_501], %swap3A_504 {strides = array<i32>} : memref<128x128xf32, #tpu.memory_space<vmem>>, vector<1x16xf32>,
        %get3A_505 = arith.index_cast %add3A_434 : i32 to index
        %get3A_506 = arith.constant 112 : index
        %get3A_507 = tpu.vector_load %arg14[%get3A_505, %get3A_506] {strides = array<i32>} : memref<128x128xf32, #tpu.memory_space<vmem>>, vector<1x16xf32>,
        %get3A_508 = vector.shape_cast %get3A_507 : vector<1x16xf32> to vector<16xf32>
        %mul3A_509 = arith.mulf %get3A_508, %broadcast_in_dim3A_430 : vector<16xf32>
        %swap3A_510 = arith.index_cast %add3A_434 : i32 to index
        %swap3A_511 = arith.constant 112 : index
        %swap3A_512 = tpu.vector_load %arg14[%swap3A_510, %swap3A_511] {strides = array<i32>} : memref<128x128xf32, #tpu.memory_space<vmem>>, vector<1x16xf32>,
        %swap3A_513 = vector.shape_cast %swap3A_512 : vector<1x16xf32> to vector<16xf32>
        %swap3A_514 = vector.shape_cast %mul3A_509 : vector<16xf32> to vector<1x16xf32>
        tpu.vector_store %arg14[%swap3A_510, %swap3A_511], %swap3A_514 {strides = array<i32>} : memref<128x128xf32, #tpu.memory_space<vmem>>, vector<1x16xf32>,
        %slice3A_515 = vector.extract_strided_slice %exp3A {offsets = [2], sizes = [1], strides = [1]} : vector<16xf32> to vector<1xf32>
        %squeeze3A_516 = vector.extract %slice3A_515[0] : f32 from vector<1xf32>
        %broadcast_in_dim3A_517 = vector.broadcast %squeeze3A_516 : f32 to vector<16xf32>
        %mul3A_518 = arith.constant 16 : i32
        %mul3A_519 = arith.muli %scan3A_331, %mul3A_518 : i32
        %add3A_520 = arith.constant 2 : i32
        %add3A_521 = arith.addi %mul3A_519, %add3A_520 : i32
        %get3A_522 = arith.index_cast %add3A_521 : i32 to index
        %get3A_523 = arith.constant 0 : index
        %get3A_524 = tpu.vector_load %arg14[%get3A_522, %get3A_523] {strides = array<i32>} : memref<128x128xf32, #tpu.memory_space<vmem>>, vector<1x16xf32>,
        %get3A_525 = vector.shape_cast %get3A_524 : vector<1x16xf32> to vector<16xf32>
        %mul3A_526 = arith.mulf %get3A_525, %broadcast_in_dim3A_517 : vector<16xf32>
        %swap3A_527 = arith.index_cast %add3A_521 : i32 to index
        %swap3A_528 = arith.constant 0 : index
        %swap3A_529 = tpu.vector_load %arg14[%swap3A_527, %swap3A_528] {strides = array<i32>} : memref<128x128xf32, #tpu.memory_space<vmem>>, vector<1x16xf32>,
        %swap3A_530 = vector.shape_cast %swap3A_529 : vector<1x16xf32> to vector<16xf32>
        %swap3A_531 = vector.shape_cast %mul3A_526 : vector<16xf32> to vector<1x16xf32>
        tpu.vector_store %arg14[%swap3A_527, %swap3A_528], %swap3A_531 {strides = array<i32>} : memref<128x128xf32, #tpu.memory_space<vmem>>, vector<1x16xf32>,
        %get3A_532 = arith.index_cast %add3A_521 : i32 to index
        %get3A_533 = arith.constant 16 : index
        %get3A_534 = tpu.vector_load %arg14[%get3A_532, %get3A_533] {strides = array<i32>} : memref<128x128xf32, #tpu.memory_space<vmem>>, vector<1x16xf32>,
        %get3A_535 = vector.shape_cast %get3A_534 : vector<1x16xf32> to vector<16xf32>
        %mul3A_536 = arith.mulf %get3A_535, %broadcast_in_dim3A_517 : vector<16xf32>
        %swap3A_537 = arith.index_cast %add3A_521 : i32 to index
        %swap3A_538 = arith.constant 16 : index
        %swap3A_539 = tpu.vector_load %arg14[%swap3A_537, %swap3A_538] {strides = array<i32>} : memref<128x128xf32, #tpu.memory_space<vmem>>, vector<1x16xf32>,
        %swap3A_540 = vector.shape_cast %swap3A_539 : vector<1x16xf32> to vector<16xf32>
        %swap3A_541 = vector.shape_cast %mul3A_536 : vector<16xf32> to vector<1x16xf32>
        tpu.vector_store %arg14[%swap3A_537, %swap3A_538], %swap3A_541 {strides = array<i32>} : memref<128x128xf32, #tpu.memory_space<vmem>>, vector<1x16xf32>,
        %get3A_542 = arith.index_cast %add3A_521 : i32 to index
        %get3A_543 = arith.constant 32 : index
        %get3A_544 = tpu.vector_load %arg14[%get3A_542, %get3A_543] {strides = array<i32>} : memref<128x128xf32, #tpu.memory_space<vmem>>, vector<1x16xf32>,
        %get3A_545 = vector.shape_cast %get3A_544 : vector<1x16xf32> to vector<16xf32>
        %mul3A_546 = arith.mulf %get3A_545, %broadcast_in_dim3A_517 : vector<16xf32>
        %swap3A_547 = arith.index_cast %add3A_521 : i32 to index
        %swap3A_548 = arith.constant 32 : index
        %swap3A_549 = tpu.vector_load %arg14[%swap3A_547, %swap3A_548] {strides = array<i32>} : memref<128x128xf32, #tpu.memory_space<vmem>>, vector<1x16xf32>,
        %swap3A_550 = vector.shape_cast %swap3A_549 : vector<1x16xf32> to vector<16xf32>
        %swap3A_551 = vector.shape_cast %mul3A_546 : vector<16xf32> to vector<1x16xf32>
        tpu.vector_store %arg14[%swap3A_547, %swap3A_548], %swap3A_551 {strides = array<i32>} : memref<128x128xf32, #tpu.memory_space<vmem>>, vector<1x16xf32>,
        %get3A_552 = arith.index_cast %add3A_521 : i32 to index
        %get3A_553 = arith.constant 48 : index
        %get3A_554 = tpu.vector_load %arg14[%get3A_552, %get3A_553] {strides = array<i32>} : memref<128x128xf32, #tpu.memory_space<vmem>>, vector<1x16xf32>,
        %get3A_555 = vector.shape_cast %get3A_554 : vector<1x16xf32> to vector<16xf32>
        %mul3A_556 = arith.mulf %get3A_555, %broadcast_in_dim3A_517 : vector<16xf32>
        %swap3A_557 = arith.index_cast %add3A_521 : i32 to index
        %swap3A_558 = arith.constant 48 : index
        %swap3A_559 = tpu.vector_load %arg14[%swap3A_557, %swap3A_558] {strides = array<i32>} : memref<128x128xf32, #tpu.memory_space<vmem>>, vector<1x16xf32>,
        %swap3A_560 = vector.shape_cast %swap3A_559 : vector<1x16xf32> to vector<16xf32>
        %swap3A_561 = vector.shape_cast %mul3A_556 : vector<16xf32> to vector<1x16xf32>
        tpu.vector_store %arg14[%swap3A_557, %swap3A_558], %swap3A_561 {strides = array<i32>} : memref<128x128xf32, #tpu.memory_space<vmem>>, vector<1x16xf32>,
        %get3A_562 = arith.index_cast %add3A_521 : i32 to index
        %get3A_563 = arith.constant 64 : index
        %get3A_564 = tpu.vector_load %arg14[%get3A_562, %get3A_563] {strides = array<i32>} : memref<128x128xf32, #tpu.memory_space<vmem>>, vector<1x16xf32>,
        %get3A_565 = vector.shape_cast %get3A_564 : vector<1x16xf32> to vector<16xf32>
        %mul3A_566 = arith.mulf %get3A_565, %broadcast_in_dim3A_517 : vector<16xf32>
        %swap3A_567 = arith.index_cast %add3A_521 : i32 to index
        %swap3A_568 = arith.constant 64 : index
        %swap3A_569 = tpu.vector_load %arg14[%swap3A_567, %swap3A_568] {strides = array<i32>} : memref<128x128xf32, #tpu.memory_space<vmem>>, vector<1x16xf32>,
        %swap3A_570 = vector.shape_cast %swap3A_569 : vector<1x16xf32> to vector<16xf32>
        %swap3A_571 = vector.shape_cast %mul3A_566 : vector<16xf32> to vector<1x16xf32>
        tpu.vector_store %arg14[%swap3A_567, %swap3A_568], %swap3A_571 {strides = array<i32>} : memref<128x128xf32, #tpu.memory_space<vmem>>, vector<1x16xf32>,
        %get3A_572 = arith.index_cast %add3A_521 : i32 to index
        %get3A_573 = arith.constant 80 : index
        %get3A_574 = tpu.vector_load %arg14[%get3A_572, %get3A_573] {strides = array<i32>} : memref<128x128xf32, #tpu.memory_space<vmem>>, vector<1x16xf32>,
        %get3A_575 = vector.shape_cast %get3A_574 : vector<1x16xf32> to vector<16xf32>
        %mul3A_576 = arith.mulf %get3A_575, %broadcast_in_dim3A_517 : vector<16xf32>
        %swap3A_577 = arith.index_cast %add3A_521 : i32 to index
        %swap3A_578 = arith.constant 80 : index
        %swap3A_579 = tpu.vector_load %arg14[%swap3A_577, %swap3A_578] {strides = array<i32>} : memref<128x128xf32, #tpu.memory_space<vmem>>, vector<1x16xf32>,
        %swap3A_580 = vector.shape_cast %swap3A_579 : vector<1x16xf32> to vector<16xf32>
        %swap3A_581 = vector.shape_cast %mul3A_576 : vector<16xf32> to vector<1x16xf32>
        tpu.vector_store %arg14[%swap3A_577, %swap3A_578], %swap3A_581 {strides = array<i32>} : memref<128x128xf32, #tpu.memory_space<vmem>>, vector<1x16xf32>,
        %get3A_582 = arith.index_cast %add3A_521 : i32 to index
        %get3A_583 = arith.constant 96 : index
        %get3A_584 = tpu.vector_load %arg14[%get3A_582, %get3A_583] {strides = array<i32>} : memref<128x128xf32, #tpu.memory_space<vmem>>, vector<1x16xf32>,
        %get3A_585 = vector.shape_cast %get3A_584 : vector<1x16xf32> to vector<16xf32>
        %mul3A_586 = arith.mulf %get3A_585, %broadcast_in_dim3A_517 : vector<16xf32>
        %swap3A_587 = arith.index_cast %add3A_521 : i32 to index
        %swap3A_588 = arith.constant 96 : index
        %swap3A_589 = tpu.vector_load %arg14[%swap3A_587, %swap3A_588] {strides = array<i32>} : memref<128x128xf32, #tpu.memory_space<vmem>>, vector<1x16xf32>,
        %swap3A_590 = vector.shape_cast %swap3A_589 : vector<1x16xf32> to vector<16xf32>
        %swap3A_591 = vector.shape_cast %mul3A_586 : vector<16xf32> to vector<1x16xf32>
        tpu.vector_store %arg14[%swap3A_587, %swap3A_588], %swap3A_591 {strides = array<i32>} : memref<128x128xf32, #tpu.memory_space<vmem>>, vector<1x16xf32>,
        %get3A_592 = arith.index_cast %add3A_521 : i32 to index
        %get3A_593 = arith.constant 112 : index
        %get3A_594 = tpu.vector_load %arg14[%get3A_592, %get3A_593] {strides = array<i32>} : memref<128x128xf32, #tpu.memory_space<vmem>>, vector<1x16xf32>,
        %get3A_595 = vector.shape_cast %get3A_594 : vector<1x16xf32> to vector<16xf32>
        %mul3A_596 = arith.mulf %get3A_595, %broadcast_in_dim3A_517 : vector<16xf32>
        %swap3A_597 = arith.index_cast %add3A_521 : i32 to index
        %swap3A_598 = arith.constant 112 : index
        %swap3A_599 = tpu.vector_load %arg14[%swap3A_597, %swap3A_598] {strides = array<i32>} : memref<128x128xf32, #tpu.memory_space<vmem>>, vector<1x16xf32>,
        %swap3A_600 = vector.shape_cast %swap3A_599 : vector<1x16xf32> to vector<16xf32>
        %swap3A_601 = vector.shape_cast %mul3A_596 : vector<16xf32> to vector<1x16xf32>
        tpu.vector_store %arg14[%swap3A_597, %swap3A_598], %swap3A_601 {strides = array<i32>} : memref<128x128xf32, #tpu.memory_space<vmem>>, vector<1x16xf32>,
        %slice3A_602 = vector.extract_strided_slice %exp3A {offsets = [3], sizes = [1], strides = [1]} : vector<16xf32> to vector<1xf32>
        %squeeze3A_603 = vector.extract %slice3A_602[0] : f32 from vector<1xf32>
        %broadcast_in_dim3A_604 = vector.broadcast %squeeze3A_603 : f32 to vector<16xf32>
        %mul3A_605 = arith.constant 16 : i32
        %mul3A_606 = arith.muli %scan3A_331, %mul3A_605 : i32
        %add3A_607 = arith.constant 3 : i32
        %add3A_608 = arith.addi %mul3A_606, %add3A_607 : i32
        %get3A_609 = arith.index_cast %add3A_608 : i32 to index
        %get3A_610 = arith.constant 0 : index
        %get3A_611 = tpu.vector_load %arg14[%get3A_609, %get3A_610] {strides = array<i32>} : memref<128x128xf32, #tpu.memory_space<vmem>>, vector<1x16xf32>,
        %get3A_612 = vector.shape_cast %get3A_611 : vector<1x16xf32> to vector<16xf32>
        %mul3A_613 = arith.mulf %get3A_612, %broadcast_in_dim3A_604 : vector<16xf32>
        %swap3A_614 = arith.index_cast %add3A_608 : i32 to index
        %swap3A_615 = arith.constant 0 : index
        %swap3A_616 = tpu.vector_load %arg14[%swap3A_614, %swap3A_615] {strides = array<i32>} : memref<128x128xf32, #tpu.memory_space<vmem>>, vector<1x16xf32>,
        %swap3A_617 = vector.shape_cast %swap3A_616 : vector<1x16xf32> to vector<16xf32>
        %swap3A_618 = vector.shape_cast %mul3A_613 : vector<16xf32> to vector<1x16xf32>
        tpu.vector_store %arg14[%swap3A_614, %swap3A_615], %swap3A_618 {strides = array<i32>} : memref<128x128xf32, #tpu.memory_space<vmem>>, vector<1x16xf32>,
        %get3A_619 = arith.index_cast %add3A_608 : i32 to index
        %get3A_620 = arith.constant 16 : index
        %get3A_621 = tpu.vector_load %arg14[%get3A_619, %get3A_620] {strides = array<i32>} : memref<128x128xf32, #tpu.memory_space<vmem>>, vector<1x16xf32>,
        %get3A_622 = vector.shape_cast %get3A_621 : vector<1x16xf32> to vector<16xf32>
        %mul3A_623 = arith.mulf %get3A_622, %broadcast_in_dim3A_604 : vector<16xf32>
        %swap3A_624 = arith.index_cast %add3A_608 : i32 to index
        %swap3A_625 = arith.constant 16 : index
        %swap3A_626 = tpu.vector_load %arg14[%swap3A_624, %swap3A_625] {strides = array<i32>} : memref<128x128xf32, #tpu.memory_space<vmem>>, vector<1x16xf32>,
        %swap3A_627 = vector.shape_cast %swap3A_626 : vector<1x16xf32> to vector<16xf32>
        %swap3A_628 = vector.shape_cast %mul3A_623 : vector<16xf32> to vector<1x16xf32>
        tpu.vector_store %arg14[%swap3A_624, %swap3A_625], %swap3A_628 {strides = array<i32>} : memref<128x128xf32, #tpu.memory_space<vmem>>, vector<1x16xf32>,
        %get3A_629 = arith.index_cast %add3A_608 : i32 to index
        %get3A_630 = arith.constant 32 : index
        %get3A_631 = tpu.vector_load %arg14[%get3A_629, %get3A_630] {strides = array<i32>} : memref<128x128xf32, #tpu.memory_space<vmem>>, vector<1x16xf32>,
        %get3A_632 = vector.shape_cast %get3A_631 : vector<1x16xf32> to vector<16xf32>
        %mul3A_633 = arith.mulf %get3A_632, %broadcast_in_dim3A_604 : vector<16xf32>
        %swap3A_634 = arith.index_cast %add3A_608 : i32 to index
        %swap3A_635 = arith.constant 32 : index
        %swap3A_636 = tpu.vector_load %arg14[%swap3A_634, %swap3A_635] {strides = array<i32>} : memref<128x128xf32, #tpu.memory_space<vmem>>, vector<1x16xf32>,
        %swap3A_637 = vector.shape_cast %swap3A_636 : vector<1x16xf32> to vector<16xf32>
        %swap3A_638 = vector.shape_cast %mul3A_633 : vector<16xf32> to vector<1x16xf32>
        tpu.vector_store %arg14[%swap3A_634, %swap3A_635], %swap3A_638 {strides = array<i32>} : memref<128x128xf32, #tpu.memory_space<vmem>>, vector<1x16xf32>,
        %get3A_639 = arith.index_cast %add3A_608 : i32 to index
        %get3A_640 = arith.constant 48 : index
        %get3A_641 = tpu.vector_load %arg14[%get3A_639, %get3A_640] {strides = array<i32>} : memref<128x128xf32, #tpu.memory_space<vmem>>, vector<1x16xf32>,
        %get3A_642 = vector.shape_cast %get3A_641 : vector<1x16xf32> to vector<16xf32>
        %mul3A_643 = arith.mulf %get3A_642, %broadcast_in_dim3A_604 : vector<16xf32>
        %swap3A_644 = arith.index_cast %add3A_608 : i32 to index
        %swap3A_645 = arith.constant 48 : index
        %swap3A_646 = tpu.vector_load %arg14[%swap3A_644, %swap3A_645] {strides = array<i32>} : memref<128x128xf32, #tpu.memory_space<vmem>>, vector<1x16xf32>,
        %swap3A_647 = vector.shape_cast %swap3A_646 : vector<1x16xf32> to vector<16xf32>
        %swap3A_648 = vector.shape_cast %mul3A_643 : vector<16xf32> to vector<1x16xf32>
        tpu.vector_store %arg14[%swap3A_644, %swap3A_645], %swap3A_648 {strides = array<i32>} : memref<128x128xf32, #tpu.memory_space<vmem>>, vector<1x16xf32>,
        %get3A_649 = arith.index_cast %add3A_608 : i32 to index
        %get3A_650 = arith.constant 64 : index
        %get3A_651 = tpu.vector_load %arg14[%get3A_649, %get3A_650] {strides = array<i32>} : memref<128x128xf32, #tpu.memory_space<vmem>>, vector<1x16xf32>,
        %get3A_652 = vector.shape_cast %get3A_651 : vector<1x16xf32> to vector<16xf32>
        %mul3A_653 = arith.mulf %get3A_652, %broadcast_in_dim3A_604 : vector<16xf32>
        %swap3A_654 = arith.index_cast %add3A_608 : i32 to index
        %swap3A_655 = arith.constant 64 : index
        %swap3A_656 = tpu.vector_load %arg14[%swap3A_654, %swap3A_655] {strides = array<i32>} : memref<128x128xf32, #tpu.memory_space<vmem>>, vector<1x16xf32>,
        %swap3A_657 = vector.shape_cast %swap3A_656 : vector<1x16xf32> to vector<16xf32>
        %swap3A_658 = vector.shape_cast %mul3A_653 : vector<16xf32> to vector<1x16xf32>
        tpu.vector_store %arg14[%swap3A_654, %swap3A_655], %swap3A_658 {strides = array<i32>} : memref<128x128xf32, #tpu.memory_space<vmem>>, vector<1x16xf32>,
        %get3A_659 = arith.index_cast %add3A_608 : i32 to index
        %get3A_660 = arith.constant 80 : index
        %get3A_661 = tpu.vector_load %arg14[%get3A_659, %get3A_660] {strides = array<i32>} : memref<128x128xf32, #tpu.memory_space<vmem>>, vector<1x16xf32>,
        %get3A_662 = vector.shape_cast %get3A_661 : vector<1x16xf32> to vector<16xf32>
        %mul3A_663 = arith.mulf %get3A_662, %broadcast_in_dim3A_604 : vector<16xf32>
        %swap3A_664 = arith.index_cast %add3A_608 : i32 to index
        %swap3A_665 = arith.constant 80 : index
        %swap3A_666 = tpu.vector_load %arg14[%swap3A_664, %swap3A_665] {strides = array<i32>} : memref<128x128xf32, #tpu.memory_space<vmem>>, vector<1x16xf32>,
        %swap3A_667 = vector.shape_cast %swap3A_666 : vector<1x16xf32> to vector<16xf32>
        %swap3A_668 = vector.shape_cast %mul3A_663 : vector<16xf32> to vector<1x16xf32>
        tpu.vector_store %arg14[%swap3A_664, %swap3A_665], %swap3A_668 {strides = array<i32>} : memref<128x128xf32, #tpu.memory_space<vmem>>, vector<1x16xf32>,
        %get3A_669 = arith.index_cast %add3A_608 : i32 to index
        %get3A_670 = arith.constant 96 : index
        %get3A_671 = tpu.vector_load %arg14[%get3A_669, %get3A_670] {strides = array<i32>} : memref<128x128xf32, #tpu.memory_space<vmem>>, vector<1x16xf32>,
        %get3A_672 = vector.shape_cast %get3A_671 : vector<1x16xf32> to vector<16xf32>
        %mul3A_673 = arith.mulf %get3A_672, %broadcast_in_dim3A_604 : vector<16xf32>
        %swap3A_674 = arith.index_cast %add3A_608 : i32 to index
        %swap3A_675 = arith.constant 96 : index
        %swap3A_676 = tpu.vector_load %arg14[%swap3A_674, %swap3A_675] {strides = array<i32>} : memref<128x128xf32, #tpu.memory_space<vmem>>, vector<1x16xf32>,
        %swap3A_677 = vector.shape_cast %swap3A_676 : vector<1x16xf32> to vector<16xf32>
        %swap3A_678 = vector.shape_cast %mul3A_673 : vector<16xf32> to vector<1x16xf32>
        tpu.vector_store %arg14[%swap3A_674, %swap3A_675], %swap3A_678 {strides = array<i32>} : memref<128x128xf32, #tpu.memory_space<vmem>>, vector<1x16xf32>,
        %get3A_679 = arith.index_cast %add3A_608 : i32 to index
        %get3A_680 = arith.constant 112 : index
        %get3A_681 = tpu.vector_load %arg14[%get3A_679, %get3A_680] {strides = array<i32>} : memref<128x128xf32, #tpu.memory_space<vmem>>, vector<1x16xf32>,
        %get3A_682 = vector.shape_cast %get3A_681 : vector<1x16xf32> to vector<16xf32>
        %mul3A_683 = arith.mulf %get3A_682, %broadcast_in_dim3A_604 : vector<16xf32>
        %swap3A_684 = arith.index_cast %add3A_608 : i32 to index
        %swap3A_685 = arith.constant 112 : index
        %swap3A_686 = tpu.vector_load %arg14[%swap3A_684, %swap3A_685] {strides = array<i32>} : memref<128x128xf32, #tpu.memory_space<vmem>>, vector<1x16xf32>,
        %swap3A_687 = vector.shape_cast %swap3A_686 : vector<1x16xf32> to vector<16xf32>
        %swap3A_688 = vector.shape_cast %mul3A_683 : vector<16xf32> to vector<1x16xf32>
        tpu.vector_store %arg14[%swap3A_684, %swap3A_685], %swap3A_688 {strides = array<i32>} : memref<128x128xf32, #tpu.memory_space<vmem>>, vector<1x16xf32>,
        %slice3A_689 = vector.extract_strided_slice %exp3A {offsets = [4], sizes = [1], strides = [1]} : vector<16xf32> to vector<1xf32>
        %squeeze3A_690 = vector.extract %slice3A_689[0] : f32 from vector<1xf32>
        %broadcast_in_dim3A_691 = vector.broadcast %squeeze3A_690 : f32 to vector<16xf32>
        %mul3A_692 = arith.constant 16 : i32
        %mul3A_693 = arith.muli %scan3A_331, %mul3A_692 : i32
        %add3A_694 = arith.constant 4 : i32
        %add3A_695 = arith.addi %mul3A_693, %add3A_694 : i32
        %get3A_696 = arith.index_cast %add3A_695 : i32 to index
        %get3A_697 = arith.constant 0 : index
        %get3A_698 = tpu.vector_load %arg14[%get3A_696, %get3A_697] {strides = array<i32>} : memref<128x128xf32, #tpu.memory_space<vmem>>, vector<1x16xf32>,
        %get3A_699 = vector.shape_cast %get3A_698 : vector<1x16xf32> to vector<16xf32>
        %mul3A_700 = arith.mulf %get3A_699, %broadcast_in_dim3A_691 : vector<16xf32>
        %swap3A_701 = arith.index_cast %add3A_695 : i32 to index
        %swap3A_702 = arith.constant 0 : index
        %swap3A_703 = tpu.vector_load %arg14[%swap3A_701, %swap3A_702] {strides = array<i32>} : memref<128x128xf32, #tpu.memory_space<vmem>>, vector<1x16xf32>,
        %swap3A_704 = vector.shape_cast %swap3A_703 : vector<1x16xf32> to vector<16xf32>
        %swap3A_705 = vector.shape_cast %mul3A_700 : vector<16xf32> to vector<1x16xf32>
        tpu.vector_store %arg14[%swap3A_701, %swap3A_702], %swap3A_705 {strides = array<i32>} : memref<128x128xf32, #tpu.memory_space<vmem>>, vector<1x16xf32>,
        %get3A_706 = arith.index_cast %add3A_695 : i32 to index
        %get3A_707 = arith.constant 16 : index
        %get3A_708 = tpu.vector_load %arg14[%get3A_706, %get3A_707] {strides = array<i32>} : memref<128x128xf32, #tpu.memory_space<vmem>>, vector<1x16xf32>,
        %get3A_709 = vector.shape_cast %get3A_708 : vector<1x16xf32> to vector<16xf32>
        %mul3A_710 = arith.mulf %get3A_709, %broadcast_in_dim3A_691 : vector<16xf32>
        %swap3A_711 = arith.index_cast %add3A_695 : i32 to index
        %swap3A_712 = arith.constant 16 : index
        %swap3A_713 = tpu.vector_load %arg14[%swap3A_711, %swap3A_712] {strides = array<i32>} : memref<128x128xf32, #tpu.memory_space<vmem>>, vector<1x16xf32>,
        %swap3A_714 = vector.shape_cast %swap3A_713 : vector<1x16xf32> to vector<16xf32>
        %swap3A_715 = vector.shape_cast %mul3A_710 : vector<16xf32> to vector<1x16xf32>
        tpu.vector_store %arg14[%swap3A_711, %swap3A_712], %swap3A_715 {strides = array<i32>} : memref<128x128xf32, #tpu.memory_space<vmem>>, vector<1x16xf32>,
        %get3A_716 = arith.index_cast %add3A_695 : i32 to index
        %get3A_717 = arith.constant 32 : index
        %get3A_718 = tpu.vector_load %arg14[%get3A_716, %get3A_717] {strides = array<i32>} : memref<128x128xf32, #tpu.memory_space<vmem>>, vector<1x16xf32>,
        %get3A_719 = vector.shape_cast %get3A_718 : vector<1x16xf32> to vector<16xf32>
        %mul3A_720 = arith.mulf %get3A_719, %broadcast_in_dim3A_691 : vector<16xf32>
        %swap3A_721 = arith.index_cast %add3A_695 : i32 to index
        %swap3A_722 = arith.constant 32 : index
        %swap3A_723 = tpu.vector_load %arg14[%swap3A_721, %swap3A_722] {strides = array<i32>} : memref<128x128xf32, #tpu.memory_space<vmem>>, vector<1x16xf32>,
        %swap3A_724 = vector.shape_cast %swap3A_723 : vector<1x16xf32> to vector<16xf32>
        %swap3A_725 = vector.shape_cast %mul3A_720 : vector<16xf32> to vector<1x16xf32>
        tpu.vector_store %arg14[%swap3A_721, %swap3A_722], %swap3A_725 {strides = array<i32>} : memref<128x128xf32, #tpu.memory_space<vmem>>, vector<1x16xf32>,
        %get3A_726 = arith.index_cast %add3A_695 : i32 to index
        %get3A_727 = arith.constant 48 : index
        %get3A_728 = tpu.vector_load %arg14[%get3A_726, %get3A_727] {strides = array<i32>} : memref<128x128xf32, #tpu.memory_space<vmem>>, vector<1x16xf32>,
        %get3A_729 = vector.shape_cast %get3A_728 : vector<1x16xf32> to vector<16xf32>
        %mul3A_730 = arith.mulf %get3A_729, %broadcast_in_dim3A_691 : vector<16xf32>
        %swap3A_731 = arith.index_cast %add3A_695 : i32 to index
        %swap3A_732 = arith.constant 48 : index
        %swap3A_733 = tpu.vector_load %arg14[%swap3A_731, %swap3A_732] {strides = array<i32>} : memref<128x128xf32, #tpu.memory_space<vmem>>, vector<1x16xf32>,
        %swap3A_734 = vector.shape_cast %swap3A_733 : vector<1x16xf32> to vector<16xf32>
        %swap3A_735 = vector.shape_cast %mul3A_730 : vector<16xf32> to vector<1x16xf32>
        tpu.vector_store %arg14[%swap3A_731, %swap3A_732], %swap3A_735 {strides = array<i32>} : memref<128x128xf32, #tpu.memory_space<vmem>>, vector<1x16xf32>,
        %get3A_736 = arith.index_cast %add3A_695 : i32 to index
        %get3A_737 = arith.constant 64 : index
        %get3A_738 = tpu.vector_load %arg14[%get3A_736, %get3A_737] {strides = array<i32>} : memref<128x128xf32, #tpu.memory_space<vmem>>, vector<1x16xf32>,
        %get3A_739 = vector.shape_cast %get3A_738 : vector<1x16xf32> to vector<16xf32>
        %mul3A_740 = arith.mulf %get3A_739, %broadcast_in_dim3A_691 : vector<16xf32>
        %swap3A_741 = arith.index_cast %add3A_695 : i32 to index
        %swap3A_742 = arith.constant 64 : index
        %swap3A_743 = tpu.vector_load %arg14[%swap3A_741, %swap3A_742] {strides = array<i32>} : memref<128x128xf32, #tpu.memory_space<vmem>>, vector<1x16xf32>,
        %swap3A_744 = vector.shape_cast %swap3A_743 : vector<1x16xf32> to vector<16xf32>
        %swap3A_745 = vector.shape_cast %mul3A_740 : vector<16xf32> to vector<1x16xf32>
        tpu.vector_store %arg14[%swap3A_741, %swap3A_742], %swap3A_745 {strides = array<i32>} : memref<128x128xf32, #tpu.memory_space<vmem>>, vector<1x16xf32>,
        %get3A_746 = arith.index_cast %add3A_695 : i32 to index
        %get3A_747 = arith.constant 80 : index
        %get3A_748 = tpu.vector_load %arg14[%get3A_746, %get3A_747] {strides = array<i32>} : memref<128x128xf32, #tpu.memory_space<vmem>>, vector<1x16xf32>,
        %get3A_749 = vector.shape_cast %get3A_748 : vector<1x16xf32> to vector<16xf32>
        %mul3A_750 = arith.mulf %get3A_749, %broadcast_in_dim3A_691 : vector<16xf32>
        %swap3A_751 = arith.index_cast %add3A_695 : i32 to index
        %swap3A_752 = arith.constant 80 : index
        %swap3A_753 = tpu.vector_load %arg14[%swap3A_751, %swap3A_752] {strides = array<i32>} : memref<128x128xf32, #tpu.memory_space<vmem>>, vector<1x16xf32>,
        %swap3A_754 = vector.shape_cast %swap3A_753 : vector<1x16xf32> to vector<16xf32>
        %swap3A_755 = vector.shape_cast %mul3A_750 : vector<16xf32> to vector<1x16xf32>
        tpu.vector_store %arg14[%swap3A_751, %swap3A_752], %swap3A_755 {strides = array<i32>} : memref<128x128xf32, #tpu.memory_space<vmem>>, vector<1x16xf32>,
        %get3A_756 = arith.index_cast %add3A_695 : i32 to index
        %get3A_757 = arith.constant 96 : index
        %get3A_758 = tpu.vector_load %arg14[%get3A_756, %get3A_757] {strides = array<i32>} : memref<128x128xf32, #tpu.memory_space<vmem>>, vector<1x16xf32>,
        %get3A_759 = vector.shape_cast %get3A_758 : vector<1x16xf32> to vector<16xf32>
        %mul3A_760 = arith.mulf %get3A_759, %broadcast_in_dim3A_691 : vector<16xf32>
        %swap3A_761 = arith.index_cast %add3A_695 : i32 to index
        %swap3A_762 = arith.constant 96 : index
        %swap3A_763 = tpu.vector_load %arg14[%swap3A_761, %swap3A_762] {strides = array<i32>} : memref<128x128xf32, #tpu.memory_space<vmem>>, vector<1x16xf32>,
        %swap3A_764 = vector.shape_cast %swap3A_763 : vector<1x16xf32> to vector<16xf32>
        %swap3A_765 = vector.shape_cast %mul3A_760 : vector<16xf32> to vector<1x16xf32>
        tpu.vector_store %arg14[%swap3A_761, %swap3A_762], %swap3A_765 {strides = array<i32>} : memref<128x128xf32, #tpu.memory_space<vmem>>, vector<1x16xf32>,
        %get3A_766 = arith.index_cast %add3A_695 : i32 to index
        %get3A_767 = arith.constant 112 : index
        %get3A_768 = tpu.vector_load %arg14[%get3A_766, %get3A_767] {strides = array<i32>} : memref<128x128xf32, #tpu.memory_space<vmem>>, vector<1x16xf32>,
        %get3A_769 = vector.shape_cast %get3A_768 : vector<1x16xf32> to vector<16xf32>
        %mul3A_770 = arith.mulf %get3A_769, %broadcast_in_dim3A_691 : vector<16xf32>
        %swap3A_771 = arith.index_cast %add3A_695 : i32 to index
        %swap3A_772 = arith.constant 112 : index
        %swap3A_773 = tpu.vector_load %arg14[%swap3A_771, %swap3A_772] {strides = array<i32>} : memref<128x128xf32, #tpu.memory_space<vmem>>, vector<1x16xf32>,
        %swap3A_774 = vector.shape_cast %swap3A_773 : vector<1x16xf32> to vector<16xf32>
        %swap3A_775 = vector.shape_cast %mul3A_770 : vector<16xf32> to vector<1x16xf32>
        tpu.vector_store %arg14[%swap3A_771, %swap3A_772], %swap3A_775 {strides = array<i32>} : memref<128x128xf32, #tpu.memory_space<vmem>>, vector<1x16xf32>,
        %slice3A_776 = vector.extract_strided_slice %exp3A {offsets = [5], sizes = [1], strides = [1]} : vector<16xf32> to vector<1xf32>
        %squeeze3A_777 = vector.extract %slice3A_776[0] : f32 from vector<1xf32>
        %broadcast_in_dim3A_778 = vector.broadcast %squeeze3A_777 : f32 to vector<16xf32>
        %mul3A_779 = arith.constant 16 : i32
        %mul3A_780 = arith.muli %scan3A_331, %mul3A_779 : i32
        %add3A_781 = arith.constant 5 : i32
        %add3A_782 = arith.addi %mul3A_780, %add3A_781 : i32
        %get3A_783 = arith.index_cast %add3A_782 : i32 to index
        %get3A_784 = arith.constant 0 : index
        %get3A_785 = tpu.vector_load %arg14[%get3A_783, %get3A_784] {strides = array<i32>} : memref<128x128xf32, #tpu.memory_space<vmem>>, vector<1x16xf32>,
        %get3A_786 = vector.shape_cast %get3A_785 : vector<1x16xf32> to vector<16xf32>
        %mul3A_787 = arith.mulf %get3A_786, %broadcast_in_dim3A_778 : vector<16xf32>
        %swap3A_788 = arith.index_cast %add3A_782 : i32 to index
        %swap3A_789 = arith.constant 0 : index
        %swap3A_790 = tpu.vector_load %arg14[%swap3A_788, %swap3A_789] {strides = array<i32>} : memref<128x128xf32, #tpu.memory_space<vmem>>, vector<1x16xf32>,
        %swap3A_791 = vector.shape_cast %swap3A_790 : vector<1x16xf32> to vector<16xf32>
        %swap3A_792 = vector.shape_cast %mul3A_787 : vector<16xf32> to vector<1x16xf32>
        tpu.vector_store %arg14[%swap3A_788, %swap3A_789], %swap3A_792 {strides = array<i32>} : memref<128x128xf32, #tpu.memory_space<vmem>>, vector<1x16xf32>,
        %get3A_793 = arith.index_cast %add3A_782 : i32 to index
        %get3A_794 = arith.constant 16 : index
        %get3A_795 = tpu.vector_load %arg14[%get3A_793, %get3A_794] {strides = array<i32>} : memref<128x128xf32, #tpu.memory_space<vmem>>, vector<1x16xf32>,
        %get3A_796 = vector.shape_cast %get3A_795 : vector<1x16xf32> to vector<16xf32>
        %mul3A_797 = arith.mulf %get3A_796, %broadcast_in_dim3A_778 : vector<16xf32>
        %swap3A_798 = arith.index_cast %add3A_782 : i32 to index
        %swap3A_799 = arith.constant 16 : index
        %swap3A_800 = tpu.vector_load %arg14[%swap3A_798, %swap3A_799] {strides = array<i32>} : memref<128x128xf32, #tpu.memory_space<vmem>>, vector<1x16xf32>,
        %swap3A_801 = vector.shape_cast %swap3A_800 : vector<1x16xf32> to vector<16xf32>
        %swap3A_802 = vector.shape_cast %mul3A_797 : vector<16xf32> to vector<1x16xf32>
        tpu.vector_store %arg14[%swap3A_798, %swap3A_799], %swap3A_802 {strides = array<i32>} : memref<128x128xf32, #tpu.memory_space<vmem>>, vector<1x16xf32>,
        %get3A_803 = arith.index_cast %add3A_782 : i32 to index
        %get3A_804 = arith.constant 32 : index
        %get3A_805 = tpu.vector_load %arg14[%get3A_803, %get3A_804] {strides = array<i32>} : memref<128x128xf32, #tpu.memory_space<vmem>>, vector<1x16xf32>,
        %get3A_806 = vector.shape_cast %get3A_805 : vector<1x16xf32> to vector<16xf32>
        %mul3A_807 = arith.mulf %get3A_806, %broadcast_in_dim3A_778 : vector<16xf32>
        %swap3A_808 = arith.index_cast %add3A_782 : i32 to index
        %swap3A_809 = arith.constant 32 : index
        %swap3A_810 = tpu.vector_load %arg14[%swap3A_808, %swap3A_809] {strides = array<i32>} : memref<128x128xf32, #tpu.memory_space<vmem>>, vector<1x16xf32>,
        %swap3A_811 = vector.shape_cast %swap3A_810 : vector<1x16xf32> to vector<16xf32>
        %swap3A_812 = vector.shape_cast %mul3A_807 : vector<16xf32> to vector<1x16xf32>
        tpu.vector_store %arg14[%swap3A_808, %swap3A_809], %swap3A_812 {strides = array<i32>} : memref<128x128xf32, #tpu.memory_space<vmem>>, vector<1x16xf32>,
        %get3A_813 = arith.index_cast %add3A_782 : i32 to index
        %get3A_814 = arith.constant 48 : index
        %get3A_815 = tpu.vector_load %arg14[%get3A_813, %get3A_814] {strides = array<i32>} : memref<128x128xf32, #tpu.memory_space<vmem>>, vector<1x16xf32>,
        %get3A_816 = vector.shape_cast %get3A_815 : vector<1x16xf32> to vector<16xf32>
        %mul3A_817 = arith.mulf %get3A_816, %broadcast_in_dim3A_778 : vector<16xf32>
        %swap3A_818 = arith.index_cast %add3A_782 : i32 to index
        %swap3A_819 = arith.constant 48 : index
        %swap3A_820 = tpu.vector_load %arg14[%swap3A_818, %swap3A_819] {strides = array<i32>} : memref<128x128xf32, #tpu.memory_space<vmem>>, vector<1x16xf32>,
        %swap3A_821 = vector.shape_cast %swap3A_820 : vector<1x16xf32> to vector<16xf32>
        %swap3A_822 = vector.shape_cast %mul3A_817 : vector<16xf32> to vector<1x16xf32>
        tpu.vector_store %arg14[%swap3A_818, %swap3A_819], %swap3A_822 {strides = array<i32>} : memref<128x128xf32, #tpu.memory_space<vmem>>, vector<1x16xf32>,
        %get3A_823 = arith.index_cast %add3A_782 : i32 to index
        %get3A_824 = arith.constant 64 : index
        %get3A_825 = tpu.vector_load %arg14[%get3A_823, %get3A_824] {strides = array<i32>} : memref<128x128xf32, #tpu.memory_space<vmem>>, vector<1x16xf32>,
        %get3A_826 = vector.shape_cast %get3A_825 : vector<1x16xf32> to vector<16xf32>
        %mul3A_827 = arith.mulf %get3A_826, %broadcast_in_dim3A_778 : vector<16xf32>
        %swap3A_828 = arith.index_cast %add3A_782 : i32 to index
        %swap3A_829 = arith.constant 64 : index
        %swap3A_830 = tpu.vector_load %arg14[%swap3A_828, %swap3A_829] {strides = array<i32>} : memref<128x128xf32, #tpu.memory_space<vmem>>, vector<1x16xf32>,
        %swap3A_831 = vector.shape_cast %swap3A_830 : vector<1x16xf32> to vector<16xf32>
        %swap3A_832 = vector.shape_cast %mul3A_827 : vector<16xf32> to vector<1x16xf32>
        tpu.vector_store %arg14[%swap3A_828, %swap3A_829], %swap3A_832 {strides = array<i32>} : memref<128x128xf32, #tpu.memory_space<vmem>>, vector<1x16xf32>,
        %get3A_833 = arith.index_cast %add3A_782 : i32 to index
        %get3A_834 = arith.constant 80 : index
        %get3A_835 = tpu.vector_load %arg14[%get3A_833, %get3A_834] {strides = array<i32>} : memref<128x128xf32, #tpu.memory_space<vmem>>, vector<1x16xf32>,
        %get3A_836 = vector.shape_cast %get3A_835 : vector<1x16xf32> to vector<16xf32>
        %mul3A_837 = arith.mulf %get3A_836, %broadcast_in_dim3A_778 : vector<16xf32>
        %swap3A_838 = arith.index_cast %add3A_782 : i32 to index
        %swap3A_839 = arith.constant 80 : index
        %swap3A_840 = tpu.vector_load %arg14[%swap3A_838, %swap3A_839] {strides = array<i32>} : memref<128x128xf32, #tpu.memory_space<vmem>>, vector<1x16xf32>,
        %swap3A_841 = vector.shape_cast %swap3A_840 : vector<1x16xf32> to vector<16xf32>
        %swap3A_842 = vector.shape_cast %mul3A_837 : vector<16xf32> to vector<1x16xf32>
        tpu.vector_store %arg14[%swap3A_838, %swap3A_839], %swap3A_842 {strides = array<i32>} : memref<128x128xf32, #tpu.memory_space<vmem>>, vector<1x16xf32>,
        %get3A_843 = arith.index_cast %add3A_782 : i32 to index
        %get3A_844 = arith.constant 96 : index
        %get3A_845 = tpu.vector_load %arg14[%get3A_843, %get3A_844] {strides = array<i32>} : memref<128x128xf32, #tpu.memory_space<vmem>>, vector<1x16xf32>,
        %get3A_846 = vector.shape_cast %get3A_845 : vector<1x16xf32> to vector<16xf32>
        %mul3A_847 = arith.mulf %get3A_846, %broadcast_in_dim3A_778 : vector<16xf32>
        %swap3A_848 = arith.index_cast %add3A_782 : i32 to index
        %swap3A_849 = arith.constant 96 : index
        %swap3A_850 = tpu.vector_load %arg14[%swap3A_848, %swap3A_849] {strides = array<i32>} : memref<128x128xf32, #tpu.memory_space<vmem>>, vector<1x16xf32>,
        %swap3A_851 = vector.shape_cast %swap3A_850 : vector<1x16xf32> to vector<16xf32>
        %swap3A_852 = vector.shape_cast %mul3A_847 : vector<16xf32> to vector<1x16xf32>
        tpu.vector_store %arg14[%swap3A_848, %swap3A_849], %swap3A_852 {strides = array<i32>} : memref<128x128xf32, #tpu.memory_space<vmem>>, vector<1x16xf32>,
        %get3A_853 = arith.index_cast %add3A_782 : i32 to index
        %get3A_854 = arith.constant 112 : index
        %get3A_855 = tpu.vector_load %arg14[%get3A_853, %get3A_854] {strides = array<i32>} : memref<128x128xf32, #tpu.memory_space<vmem>>, vector<1x16xf32>,
        %get3A_856 = vector.shape_cast %get3A_855 : vector<1x16xf32> to vector<16xf32>
        %mul3A_857 = arith.mulf %get3A_856, %broadcast_in_dim3A_778 : vector<16xf32>
        %swap3A_858 = arith.index_cast %add3A_782 : i32 to index
        %swap3A_859 = arith.constant 112 : index
        %swap3A_860 = tpu.vector_load %arg14[%swap3A_858, %swap3A_859] {strides = array<i32>} : memref<128x128xf32, #tpu.memory_space<vmem>>, vector<1x16xf32>,
        %swap3A_861 = vector.shape_cast %swap3A_860 : vector<1x16xf32> to vector<16xf32>
        %swap3A_862 = vector.shape_cast %mul3A_857 : vector<16xf32> to vector<1x16xf32>
        tpu.vector_store %arg14[%swap3A_858, %swap3A_859], %swap3A_862 {strides = array<i32>} : memref<128x128xf32, #tpu.memory_space<vmem>>, vector<1x16xf32>,
        %slice3A_863 = vector.extract_strided_slice %exp3A {offsets = [6], sizes = [1], strides = [1]} : vector<16xf32> to vector<1xf32>
        %squeeze3A_864 = vector.extract %slice3A_863[0] : f32 from vector<1xf32>
        %broadcast_in_dim3A_865 = vector.broadcast %squeeze3A_864 : f32 to vector<16xf32>
        %mul3A_866 = arith.constant 16 : i32
        %mul3A_867 = arith.muli %scan3A_331, %mul3A_866 : i32
        %add3A_868 = arith.constant 6 : i32
        %add3A_869 = arith.addi %mul3A_867, %add3A_868 : i32
        %get3A_870 = arith.index_cast %add3A_869 : i32 to index
        %get3A_871 = arith.constant 0 : index
        %get3A_872 = tpu.vector_load %arg14[%get3A_870, %get3A_871] {strides = array<i32>} : memref<128x128xf32, #tpu.memory_space<vmem>>, vector<1x16xf32>,
        %get3A_873 = vector.shape_cast %get3A_872 : vector<1x16xf32> to vector<16xf32>
        %mul3A_874 = arith.mulf %get3A_873, %broadcast_in_dim3A_865 : vector<16xf32>
        %swap3A_875 = arith.index_cast %add3A_869 : i32 to index
        %swap3A_876 = arith.constant 0 : index
        %swap3A_877 = tpu.vector_load %arg14[%swap3A_875, %swap3A_876] {strides = array<i32>} : memref<128x128xf32, #tpu.memory_space<vmem>>, vector<1x16xf32>,
        %swap3A_878 = vector.shape_cast %swap3A_877 : vector<1x16xf32> to vector<16xf32>
        %swap3A_879 = vector.shape_cast %mul3A_874 : vector<16xf32> to vector<1x16xf32>
        tpu.vector_store %arg14[%swap3A_875, %swap3A_876], %swap3A_879 {strides = array<i32>} : memref<128x128xf32, #tpu.memory_space<vmem>>, vector<1x16xf32>,
        %get3A_880 = arith.index_cast %add3A_869 : i32 to index
        %get3A_881 = arith.constant 16 : index
        %get3A_882 = tpu.vector_load %arg14[%get3A_880, %get3A_881] {strides = array<i32>} : memref<128x128xf32, #tpu.memory_space<vmem>>, vector<1x16xf32>,
        %get3A_883 = vector.shape_cast %get3A_882 : vector<1x16xf32> to vector<16xf32>
        %mul3A_884 = arith.mulf %get3A_883, %broadcast_in_dim3A_865 : vector<16xf32>
        %swap3A_885 = arith.index_cast %add3A_869 : i32 to index
        %swap3A_886 = arith.constant 16 : index
        %swap3A_887 = tpu.vector_load %arg14[%swap3A_885, %swap3A_886] {strides = array<i32>} : memref<128x128xf32, #tpu.memory_space<vmem>>, vector<1x16xf32>,
        %swap3A_888 = vector.shape_cast %swap3A_887 : vector<1x16xf32> to vector<16xf32>
        %swap3A_889 = vector.shape_cast %mul3A_884 : vector<16xf32> to vector<1x16xf32>
        tpu.vector_store %arg14[%swap3A_885, %swap3A_886], %swap3A_889 {strides = array<i32>} : memref<128x128xf32, #tpu.memory_space<vmem>>, vector<1x16xf32>,
        %get3A_890 = arith.index_cast %add3A_869 : i32 to index
        %get3A_891 = arith.constant 32 : index
        %get3A_892 = tpu.vector_load %arg14[%get3A_890, %get3A_891] {strides = array<i32>} : memref<128x128xf32, #tpu.memory_space<vmem>>, vector<1x16xf32>,
        %get3A_893 = vector.shape_cast %get3A_892 : vector<1x16xf32> to vector<16xf32>
        %mul3A_894 = arith.mulf %get3A_893, %broadcast_in_dim3A_865 : vector<16xf32>
        %swap3A_895 = arith.index_cast %add3A_869 : i32 to index
        %swap3A_896 = arith.constant 32 : index
        %swap3A_897 = tpu.vector_load %arg14[%swap3A_895, %swap3A_896] {strides = array<i32>} : memref<128x128xf32, #tpu.memory_space<vmem>>, vector<1x16xf32>,
        %swap3A_898 = vector.shape_cast %swap3A_897 : vector<1x16xf32> to vector<16xf32>
        %swap3A_899 = vector.shape_cast %mul3A_894 : vector<16xf32> to vector<1x16xf32>
        tpu.vector_store %arg14[%swap3A_895, %swap3A_896], %swap3A_899 {strides = array<i32>} : memref<128x128xf32, #tpu.memory_space<vmem>>, vector<1x16xf32>,
        %get3A_900 = arith.index_cast %add3A_869 : i32 to index
        %get3A_901 = arith.constant 48 : index
        %get3A_902 = tpu.vector_load %arg14[%get3A_900, %get3A_901] {strides = array<i32>} : memref<128x128xf32, #tpu.memory_space<vmem>>, vector<1x16xf32>,
        %get3A_903 = vector.shape_cast %get3A_902 : vector<1x16xf32> to vector<16xf32>
        %mul3A_904 = arith.mulf %get3A_903, %broadcast_in_dim3A_865 : vector<16xf32>
        %swap3A_905 = arith.index_cast %add3A_869 : i32 to index
        %swap3A_906 = arith.constant 48 : index
        %swap3A_907 = tpu.vector_load %arg14[%swap3A_905, %swap3A_906] {strides = array<i32>} : memref<128x128xf32, #tpu.memory_space<vmem>>, vector<1x16xf32>,
        %swap3A_908 = vector.shape_cast %swap3A_907 : vector<1x16xf32> to vector<16xf32>
        %swap3A_909 = vector.shape_cast %mul3A_904 : vector<16xf32> to vector<1x16xf32>
        tpu.vector_store %arg14[%swap3A_905, %swap3A_906], %swap3A_909 {strides = array<i32>} : memref<128x128xf32, #tpu.memory_space<vmem>>, vector<1x16xf32>,
        %get3A_910 = arith.index_cast %add3A_869 : i32 to index
        %get3A_911 = arith.constant 64 : index
        %get3A_912 = tpu.vector_load %arg14[%get3A_910, %get3A_911] {strides = array<i32>} : memref<128x128xf32, #tpu.memory_space<vmem>>, vector<1x16xf32>,
        %get3A_913 = vector.shape_cast %get3A_912 : vector<1x16xf32> to vector<16xf32>
        %mul3A_914 = arith.mulf %get3A_913, %broadcast_in_dim3A_865 : vector<16xf32>
        %swap3A_915 = arith.index_cast %add3A_869 : i32 to index
        %swap3A_916 = arith.constant 64 : index
        %swap3A_917 = tpu.vector_load %arg14[%swap3A_915, %swap3A_916] {strides = array<i32>} : memref<128x128xf32, #tpu.memory_space<vmem>>, vector<1x16xf32>,
        %swap3A_918 = vector.shape_cast %swap3A_917 : vector<1x16xf32> to vector<16xf32>
        %swap3A_919 = vector.shape_cast %mul3A_914 : vector<16xf32> to vector<1x16xf32>
        tpu.vector_store %arg14[%swap3A_915, %swap3A_916], %swap3A_919 {strides = array<i32>} : memref<128x128xf32, #tpu.memory_space<vmem>>, vector<1x16xf32>,
        %get3A_920 = arith.index_cast %add3A_869 : i32 to index
        %get3A_921 = arith.constant 80 : index
        %get3A_922 = tpu.vector_load %arg14[%get3A_920, %get3A_921] {strides = array<i32>} : memref<128x128xf32, #tpu.memory_space<vmem>>, vector<1x16xf32>,
        %get3A_923 = vector.shape_cast %get3A_922 : vector<1x16xf32> to vector<16xf32>
        %mul3A_924 = arith.mulf %get3A_923, %broadcast_in_dim3A_865 : vector<16xf32>
        %swap3A_925 = arith.index_cast %add3A_869 : i32 to index
        %swap3A_926 = arith.constant 80 : index
        %swap3A_927 = tpu.vector_load %arg14[%swap3A_925, %swap3A_926] {strides = array<i32>} : memref<128x128xf32, #tpu.memory_space<vmem>>, vector<1x16xf32>,
        %swap3A_928 = vector.shape_cast %swap3A_927 : vector<1x16xf32> to vector<16xf32>
        %swap3A_929 = vector.shape_cast %mul3A_924 : vector<16xf32> to vector<1x16xf32>
        tpu.vector_store %arg14[%swap3A_925, %swap3A_926], %swap3A_929 {strides = array<i32>} : memref<128x128xf32, #tpu.memory_space<vmem>>, vector<1x16xf32>,
        %get3A_930 = arith.index_cast %add3A_869 : i32 to index
        %get3A_931 = arith.constant 96 : index
        %get3A_932 = tpu.vector_load %arg14[%get3A_930, %get3A_931] {strides = array<i32>} : memref<128x128xf32, #tpu.memory_space<vmem>>, vector<1x16xf32>,
        %get3A_933 = vector.shape_cast %get3A_932 : vector<1x16xf32> to vector<16xf32>
        %mul3A_934 = arith.mulf %get3A_933, %broadcast_in_dim3A_865 : vector<16xf32>
        %swap3A_935 = arith.index_cast %add3A_869 : i32 to index
        %swap3A_936 = arith.constant 96 : index
        %swap3A_937 = tpu.vector_load %arg14[%swap3A_935, %swap3A_936] {strides = array<i32>} : memref<128x128xf32, #tpu.memory_space<vmem>>, vector<1x16xf32>,
        %swap3A_938 = vector.shape_cast %swap3A_937 : vector<1x16xf32> to vector<16xf32>
        %swap3A_939 = vector.shape_cast %mul3A_934 : vector<16xf32> to vector<1x16xf32>
        tpu.vector_store %arg14[%swap3A_935, %swap3A_936], %swap3A_939 {strides = array<i32>} : memref<128x128xf32, #tpu.memory_space<vmem>>, vector<1x16xf32>,
        %get3A_940 = arith.index_cast %add3A_869 : i32 to index
        %get3A_941 = arith.constant 112 : index
        %get3A_942 = tpu.vector_load %arg14[%get3A_940, %get3A_941] {strides = array<i32>} : memref<128x128xf32, #tpu.memory_space<vmem>>, vector<1x16xf32>,
        %get3A_943 = vector.shape_cast %get3A_942 : vector<1x16xf32> to vector<16xf32>
        %mul3A_944 = arith.mulf %get3A_943, %broadcast_in_dim3A_865 : vector<16xf32>
        %swap3A_945 = arith.index_cast %add3A_869 : i32 to index
        %swap3A_946 = arith.constant 112 : index
        %swap3A_947 = tpu.vector_load %arg14[%swap3A_945, %swap3A_946] {strides = array<i32>} : memref<128x128xf32, #tpu.memory_space<vmem>>, vector<1x16xf32>,
        %swap3A_948 = vector.shape_cast %swap3A_947 : vector<1x16xf32> to vector<16xf32>
        %swap3A_949 = vector.shape_cast %mul3A_944 : vector<16xf32> to vector<1x16xf32>
        tpu.vector_store %arg14[%swap3A_945, %swap3A_946], %swap3A_949 {strides = array<i32>} : memref<128x128xf32, #tpu.memory_space<vmem>>, vector<1x16xf32>,
        %slice3A_950 = vector.extract_strided_slice %exp3A {offsets = [7], sizes = [1], strides = [1]} : vector<16xf32> to vector<1xf32>
        %squeeze3A_951 = vector.extract %slice3A_950[0] : f32 from vector<1xf32>
        %broadcast_in_dim3A_952 = vector.broadcast %squeeze3A_951 : f32 to vector<16xf32>
        %mul3A_953 = arith.constant 16 : i32
        %mul3A_954 = arith.muli %scan3A_331, %mul3A_953 : i32
        %add3A_955 = arith.constant 7 : i32
        %add3A_956 = arith.addi %mul3A_954, %add3A_955 : i32
        %get3A_957 = arith.index_cast %add3A_956 : i32 to index
        %get3A_958 = arith.constant 0 : index
        %get3A_959 = tpu.vector_load %arg14[%get3A_957, %get3A_958] {strides = array<i32>} : memref<128x128xf32, #tpu.memory_space<vmem>>, vector<1x16xf32>,
        %get3A_960 = vector.shape_cast %get3A_959 : vector<1x16xf32> to vector<16xf32>
        %mul3A_961 = arith.mulf %get3A_960, %broadcast_in_dim3A_952 : vector<16xf32>
        %swap3A_962 = arith.index_cast %add3A_956 : i32 to index
        %swap3A_963 = arith.constant 0 : index
        %swap3A_964 = tpu.vector_load %arg14[%swap3A_962, %swap3A_963] {strides = array<i32>} : memref<128x128xf32, #tpu.memory_space<vmem>>, vector<1x16xf32>,
        %swap3A_965 = vector.shape_cast %swap3A_964 : vector<1x16xf32> to vector<16xf32>
        %swap3A_966 = vector.shape_cast %mul3A_961 : vector<16xf32> to vector<1x16xf32>
        tpu.vector_store %arg14[%swap3A_962, %swap3A_963], %swap3A_966 {strides = array<i32>} : memref<128x128xf32, #tpu.memory_space<vmem>>, vector<1x16xf32>,
        %get3A_967 = arith.index_cast %add3A_956 : i32 to index
        %get3A_968 = arith.constant 16 : index
        %get3A_969 = tpu.vector_load %arg14[%get3A_967, %get3A_968] {strides = array<i32>} : memref<128x128xf32, #tpu.memory_space<vmem>>, vector<1x16xf32>,
        %get3A_970 = vector.shape_cast %get3A_969 : vector<1x16xf32> to vector<16xf32>
        %mul3A_971 = arith.mulf %get3A_970, %broadcast_in_dim3A_952 : vector<16xf32>
        %swap3A_972 = arith.index_cast %add3A_956 : i32 to index
        %swap3A_973 = arith.constant 16 : index
        %swap3A_974 = tpu.vector_load %arg14[%swap3A_972, %swap3A_973] {strides = array<i32>} : memref<128x128xf32, #tpu.memory_space<vmem>>, vector<1x16xf32>,
        %swap3A_975 = vector.shape_cast %swap3A_974 : vector<1x16xf32> to vector<16xf32>
        %swap3A_976 = vector.shape_cast %mul3A_971 : vector<16xf32> to vector<1x16xf32>
        tpu.vector_store %arg14[%swap3A_972, %swap3A_973], %swap3A_976 {strides = array<i32>} : memref<128x128xf32, #tpu.memory_space<vmem>>, vector<1x16xf32>,
        %get3A_977 = arith.index_cast %add3A_956 : i32 to index
        %get3A_978 = arith.constant 32 : index
        %get3A_979 = tpu.vector_load %arg14[%get3A_977, %get3A_978] {strides = array<i32>} : memref<128x128xf32, #tpu.memory_space<vmem>>, vector<1x16xf32>,
        %get3A_980 = vector.shape_cast %get3A_979 : vector<1x16xf32> to vector<16xf32>
        %mul3A_981 = arith.mulf %get3A_980, %broadcast_in_dim3A_952 : vector<16xf32>
        %swap3A_982 = arith.index_cast %add3A_956 : i32 to index
        %swap3A_983 = arith.constant 32 : index
        %swap3A_984 = tpu.vector_load %arg14[%swap3A_982, %swap3A_983] {strides = array<i32>} : memref<128x128xf32, #tpu.memory_space<vmem>>, vector<1x16xf32>,
        %swap3A_985 = vector.shape_cast %swap3A_984 : vector<1x16xf32> to vector<16xf32>
        %swap3A_986 = vector.shape_cast %mul3A_981 : vector<16xf32> to vector<1x16xf32>
        tpu.vector_store %arg14[%swap3A_982, %swap3A_983], %swap3A_986 {strides = array<i32>} : memref<128x128xf32, #tpu.memory_space<vmem>>, vector<1x16xf32>,
        %get3A_987 = arith.index_cast %add3A_956 : i32 to index
        %get3A_988 = arith.constant 48 : index
        %get3A_989 = tpu.vector_load %arg14[%get3A_987, %get3A_988] {strides = array<i32>} : memref<128x128xf32, #tpu.memory_space<vmem>>, vector<1x16xf32>,
        %get3A_990 = vector.shape_cast %get3A_989 : vector<1x16xf32> to vector<16xf32>
        %mul3A_991 = arith.mulf %get3A_990, %broadcast_in_dim3A_952 : vector<16xf32>
        %swap3A_992 = arith.index_cast %add3A_956 : i32 to index
        %swap3A_993 = arith.constant 48 : index
        %swap3A_994 = tpu.vector_load %arg14[%swap3A_992, %swap3A_993] {strides = array<i32>} : memref<128x128xf32, #tpu.memory_space<vmem>>, vector<1x16xf32>,
        %swap3A_995 = vector.shape_cast %swap3A_994 : vector<1x16xf32> to vector<16xf32>
        %swap3A_996 = vector.shape_cast %mul3A_991 : vector<16xf32> to vector<1x16xf32>
        tpu.vector_store %arg14[%swap3A_992, %swap3A_993], %swap3A_996 {strides = array<i32>} : memref<128x128xf32, #tpu.memory_space<vmem>>, vector<1x16xf32>,
        %get3A_997 = arith.index_cast %add3A_956 : i32 to index
        %get3A_998 = arith.constant 64 : index
        %get3A_999 = tpu.vector_load %arg14[%get3A_997, %get3A_998] {strides = array<i32>} : memref<128x128xf32, #tpu.memory_space<vmem>>, vector<1x16xf32>,
        %get3A_1000 = vector.shape_cast %get3A_999 : vector<1x16xf32> to vector<16xf32>
        %mul3A_1001 = arith.mulf %get3A_1000, %broadcast_in_dim3A_952 : vector<16xf32>
        %swap3A_1002 = arith.index_cast %add3A_956 : i32 to index
        %swap3A_1003 = arith.constant 64 : index
        %swap3A_1004 = tpu.vector_load %arg14[%swap3A_1002, %swap3A_1003] {strides = array<i32>} : memref<128x128xf32, #tpu.memory_space<vmem>>, vector<1x16xf32>,
        %swap3A_1005 = vector.shape_cast %swap3A_1004 : vector<1x16xf32> to vector<16xf32>
        %swap3A_1006 = vector.shape_cast %mul3A_1001 : vector<16xf32> to vector<1x16xf32>
        tpu.vector_store %arg14[%swap3A_1002, %swap3A_1003], %swap3A_1006 {strides = array<i32>} : memref<128x128xf32, #tpu.memory_space<vmem>>, vector<1x16xf32>,
        %get3A_1007 = arith.index_cast %add3A_956 : i32 to index
        %get3A_1008 = arith.constant 80 : index
        %get3A_1009 = tpu.vector_load %arg14[%get3A_1007, %get3A_1008] {strides = array<i32>} : memref<128x128xf32, #tpu.memory_space<vmem>>, vector<1x16xf32>,
        %get3A_1010 = vector.shape_cast %get3A_1009 : vector<1x16xf32> to vector<16xf32>
        %mul3A_1011 = arith.mulf %get3A_1010, %broadcast_in_dim3A_952 : vector<16xf32>
        %swap3A_1012 = arith.index_cast %add3A_956 : i32 to index
        %swap3A_1013 = arith.constant 80 : index
        %swap3A_1014 = tpu.vector_load %arg14[%swap3A_1012, %swap3A_1013] {strides = array<i32>} : memref<128x128xf32, #tpu.memory_space<vmem>>, vector<1x16xf32>,
        %swap3A_1015 = vector.shape_cast %swap3A_1014 : vector<1x16xf32> to vector<16xf32>
        %swap3A_1016 = vector.shape_cast %mul3A_1011 : vector<16xf32> to vector<1x16xf32>
        tpu.vector_store %arg14[%swap3A_1012, %swap3A_1013], %swap3A_1016 {strides = array<i32>} : memref<128x128xf32, #tpu.memory_space<vmem>>, vector<1x16xf32>,
        %get3A_1017 = arith.index_cast %add3A_956 : i32 to index
        %get3A_1018 = arith.constant 96 : index
        %get3A_1019 = tpu.vector_load %arg14[%get3A_1017, %get3A_1018] {strides = array<i32>} : memref<128x128xf32, #tpu.memory_space<vmem>>, vector<1x16xf32>,
        %get3A_1020 = vector.shape_cast %get3A_1019 : vector<1x16xf32> to vector<16xf32>
        %mul3A_1021 = arith.mulf %get3A_1020, %broadcast_in_dim3A_952 : vector<16xf32>
        %swap3A_1022 = arith.index_cast %add3A_956 : i32 to index
        %swap3A_1023 = arith.constant 96 : index
        %swap3A_1024 = tpu.vector_load %arg14[%swap3A_1022, %swap3A_1023] {strides = array<i32>} : memref<128x128xf32, #tpu.memory_space<vmem>>, vector<1x16xf32>,
        %swap3A_1025 = vector.shape_cast %swap3A_1024 : vector<1x16xf32> to vector<16xf32>
        %swap3A_1026 = vector.shape_cast %mul3A_1021 : vector<16xf32> to vector<1x16xf32>
        tpu.vector_store %arg14[%swap3A_1022, %swap3A_1023], %swap3A_1026 {strides = array<i32>} : memref<128x128xf32, #tpu.memory_space<vmem>>, vector<1x16xf32>,
        %get3A_1027 = arith.index_cast %add3A_956 : i32 to index
        %get3A_1028 = arith.constant 112 : index
        %get3A_1029 = tpu.vector_load %arg14[%get3A_1027, %get3A_1028] {strides = array<i32>} : memref<128x128xf32, #tpu.memory_space<vmem>>, vector<1x16xf32>,
        %get3A_1030 = vector.shape_cast %get3A_1029 : vector<1x16xf32> to vector<16xf32>
        %mul3A_1031 = arith.mulf %get3A_1030, %broadcast_in_dim3A_952 : vector<16xf32>
        %swap3A_1032 = arith.index_cast %add3A_956 : i32 to index
        %swap3A_1033 = arith.constant 112 : index
        %swap3A_1034 = tpu.vector_load %arg14[%swap3A_1032, %swap3A_1033] {strides = array<i32>} : memref<128x128xf32, #tpu.memory_space<vmem>>, vector<1x16xf32>,
        %swap3A_1035 = vector.shape_cast %swap3A_1034 : vector<1x16xf32> to vector<16xf32>
        %swap3A_1036 = vector.shape_cast %mul3A_1031 : vector<16xf32> to vector<1x16xf32>
        tpu.vector_store %arg14[%swap3A_1032, %swap3A_1033], %swap3A_1036 {strides = array<i32>} : memref<128x128xf32, #tpu.memory_space<vmem>>, vector<1x16xf32>,
        %slice3A_1037 = vector.extract_strided_slice %exp3A {offsets = [8], sizes = [1], strides = [1]} : vector<16xf32> to vector<1xf32>
        %squeeze3A_1038 = vector.extract %slice3A_1037[0] : f32 from vector<1xf32>
        %broadcast_in_dim3A_1039 = vector.broadcast %squeeze3A_1038 : f32 to vector<16xf32>
        %mul3A_1040 = arith.constant 16 : i32
        %mul3A_1041 = arith.muli %scan3A_331, %mul3A_1040 : i32
        %add3A_1042 = arith.constant 8 : i32
        %add3A_1043 = arith.addi %mul3A_1041, %add3A_1042 : i32
        %get3A_1044 = arith.index_cast %add3A_1043 : i32 to index
        %get3A_1045 = arith.constant 0 : index
        %get3A_1046 = tpu.vector_load %arg14[%get3A_1044, %get3A_1045] {strides = array<i32>} : memref<128x128xf32, #tpu.memory_space<vmem>>, vector<1x16xf32>,
        %get3A_1047 = vector.shape_cast %get3A_1046 : vector<1x16xf32> to vector<16xf32>
        %mul3A_1048 = arith.mulf %get3A_1047, %broadcast_in_dim3A_1039 : vector<16xf32>
        %swap3A_1049 = arith.index_cast %add3A_1043 : i32 to index
        %swap3A_1050 = arith.constant 0 : index
        %swap3A_1051 = tpu.vector_load %arg14[%swap3A_1049, %swap3A_1050] {strides = array<i32>} : memref<128x128xf32, #tpu.memory_space<vmem>>, vector<1x16xf32>,
        %swap3A_1052 = vector.shape_cast %swap3A_1051 : vector<1x16xf32> to vector<16xf32>
        %swap3A_1053 = vector.shape_cast %mul3A_1048 : vector<16xf32> to vector<1x16xf32>
        tpu.vector_store %arg14[%swap3A_1049, %swap3A_1050], %swap3A_1053 {strides = array<i32>} : memref<128x128xf32, #tpu.memory_space<vmem>>, vector<1x16xf32>,
        %get3A_1054 = arith.index_cast %add3A_1043 : i32 to index
        %get3A_1055 = arith.constant 16 : index
        %get3A_1056 = tpu.vector_load %arg14[%get3A_1054, %get3A_1055] {strides = array<i32>} : memref<128x128xf32, #tpu.memory_space<vmem>>, vector<1x16xf32>,
        %get3A_1057 = vector.shape_cast %get3A_1056 : vector<1x16xf32> to vector<16xf32>
        %mul3A_1058 = arith.mulf %get3A_1057, %broadcast_in_dim3A_1039 : vector<16xf32>
        %swap3A_1059 = arith.index_cast %add3A_1043 : i32 to index
        %swap3A_1060 = arith.constant 16 : index
        %swap3A_1061 = tpu.vector_load %arg14[%swap3A_1059, %swap3A_1060] {strides = array<i32>} : memref<128x128xf32, #tpu.memory_space<vmem>>, vector<1x16xf32>,
        %swap3A_1062 = vector.shape_cast %swap3A_1061 : vector<1x16xf32> to vector<16xf32>
        %swap3A_1063 = vector.shape_cast %mul3A_1058 : vector<16xf32> to vector<1x16xf32>
        tpu.vector_store %arg14[%swap3A_1059, %swap3A_1060], %swap3A_1063 {strides = array<i32>} : memref<128x128xf32, #tpu.memory_space<vmem>>, vector<1x16xf32>,
        %get3A_1064 = arith.index_cast %add3A_1043 : i32 to index
        %get3A_1065 = arith.constant 32 : index
        %get3A_1066 = tpu.vector_load %arg14[%get3A_1064, %get3A_1065] {strides = array<i32>} : memref<128x128xf32, #tpu.memory_space<vmem>>, vector<1x16xf32>,
        %get3A_1067 = vector.shape_cast %get3A_1066 : vector<1x16xf32> to vector<16xf32>
        %mul3A_1068 = arith.mulf %get3A_1067, %broadcast_in_dim3A_1039 : vector<16xf32>
        %swap3A_1069 = arith.index_cast %add3A_1043 : i32 to index
        %swap3A_1070 = arith.constant 32 : index
        %swap3A_1071 = tpu.vector_load %arg14[%swap3A_1069, %swap3A_1070] {strides = array<i32>} : memref<128x128xf32, #tpu.memory_space<vmem>>, vector<1x16xf32>,
        %swap3A_1072 = vector.shape_cast %swap3A_1071 : vector<1x16xf32> to vector<16xf32>
        %swap3A_1073 = vector.shape_cast %mul3A_1068 : vector<16xf32> to vector<1x16xf32>
        tpu.vector_store %arg14[%swap3A_1069, %swap3A_1070], %swap3A_1073 {strides = array<i32>} : memref<128x128xf32, #tpu.memory_space<vmem>>, vector<1x16xf32>,
        %get3A_1074 = arith.index_cast %add3A_1043 : i32 to index
        %get3A_1075 = arith.constant 48 : index
        %get3A_1076 = tpu.vector_load %arg14[%get3A_1074, %get3A_1075] {strides = array<i32>} : memref<128x128xf32, #tpu.memory_space<vmem>>, vector<1x16xf32>,
        %get3A_1077 = vector.shape_cast %get3A_1076 : vector<1x16xf32> to vector<16xf32>
        %mul3A_1078 = arith.mulf %get3A_1077, %broadcast_in_dim3A_1039 : vector<16xf32>
        %swap3A_1079 = arith.index_cast %add3A_1043 : i32 to index
        %swap3A_1080 = arith.constant 48 : index
        %swap3A_1081 = tpu.vector_load %arg14[%swap3A_1079, %swap3A_1080] {strides = array<i32>} : memref<128x128xf32, #tpu.memory_space<vmem>>, vector<1x16xf32>,
        %swap3A_1082 = vector.shape_cast %swap3A_1081 : vector<1x16xf32> to vector<16xf32>
        %swap3A_1083 = vector.shape_cast %mul3A_1078 : vector<16xf32> to vector<1x16xf32>
        tpu.vector_store %arg14[%swap3A_1079, %swap3A_1080], %swap3A_1083 {strides = array<i32>} : memref<128x128xf32, #tpu.memory_space<vmem>>, vector<1x16xf32>,
        %get3A_1084 = arith.index_cast %add3A_1043 : i32 to index
        %get3A_1085 = arith.constant 64 : index
        %get3A_1086 = tpu.vector_load %arg14[%get3A_1084, %get3A_1085] {strides = array<i32>} : memref<128x128xf32, #tpu.memory_space<vmem>>, vector<1x16xf32>,
        %get3A_1087 = vector.shape_cast %get3A_1086 : vector<1x16xf32> to vector<16xf32>
        %mul3A_1088 = arith.mulf %get3A_1087, %broadcast_in_dim3A_1039 : vector<16xf32>
        %swap3A_1089 = arith.index_cast %add3A_1043 : i32 to index
        %swap3A_1090 = arith.constant 64 : index
        %swap3A_1091 = tpu.vector_load %arg14[%swap3A_1089, %swap3A_1090] {strides = array<i32>} : memref<128x128xf32, #tpu.memory_space<vmem>>, vector<1x16xf32>,
        %swap3A_1092 = vector.shape_cast %swap3A_1091 : vector<1x16xf32> to vector<16xf32>
        %swap3A_1093 = vector.shape_cast %mul3A_1088 : vector<16xf32> to vector<1x16xf32>
        tpu.vector_store %arg14[%swap3A_1089, %swap3A_1090], %swap3A_1093 {strides = array<i32>} : memref<128x128xf32, #tpu.memory_space<vmem>>, vector<1x16xf32>,
        %get3A_1094 = arith.index_cast %add3A_1043 : i32 to index
        %get3A_1095 = arith.constant 80 : index
        %get3A_1096 = tpu.vector_load %arg14[%get3A_1094, %get3A_1095] {strides = array<i32>} : memref<128x128xf32, #tpu.memory_space<vmem>>, vector<1x16xf32>,
        %get3A_1097 = vector.shape_cast %get3A_1096 : vector<1x16xf32> to vector<16xf32>
        %mul3A_1098 = arith.mulf %get3A_1097, %broadcast_in_dim3A_1039 : vector<16xf32>
        %swap3A_1099 = arith.index_cast %add3A_1043 : i32 to index
        %swap3A_1100 = arith.constant 80 : index
        %swap3A_1101 = tpu.vector_load %arg14[%swap3A_1099, %swap3A_1100] {strides = array<i32>} : memref<128x128xf32, #tpu.memory_space<vmem>>, vector<1x16xf32>,
        %swap3A_1102 = vector.shape_cast %swap3A_1101 : vector<1x16xf32> to vector<16xf32>
        %swap3A_1103 = vector.shape_cast %mul3A_1098 : vector<16xf32> to vector<1x16xf32>
        tpu.vector_store %arg14[%swap3A_1099, %swap3A_1100], %swap3A_1103 {strides = array<i32>} : memref<128x128xf32, #tpu.memory_space<vmem>>, vector<1x16xf32>,
        %get3A_1104 = arith.index_cast %add3A_1043 : i32 to index
        %get3A_1105 = arith.constant 96 : index
        %get3A_1106 = tpu.vector_load %arg14[%get3A_1104, %get3A_1105] {strides = array<i32>} : memref<128x128xf32, #tpu.memory_space<vmem>>, vector<1x16xf32>,
        %get3A_1107 = vector.shape_cast %get3A_1106 : vector<1x16xf32> to vector<16xf32>
        %mul3A_1108 = arith.mulf %get3A_1107, %broadcast_in_dim3A_1039 : vector<16xf32>
        %swap3A_1109 = arith.index_cast %add3A_1043 : i32 to index
        %swap3A_1110 = arith.constant 96 : index
        %swap3A_1111 = tpu.vector_load %arg14[%swap3A_1109, %swap3A_1110] {strides = array<i32>} : memref<128x128xf32, #tpu.memory_space<vmem>>, vector<1x16xf32>,
        %swap3A_1112 = vector.shape_cast %swap3A_1111 : vector<1x16xf32> to vector<16xf32>
        %swap3A_1113 = vector.shape_cast %mul3A_1108 : vector<16xf32> to vector<1x16xf32>
        tpu.vector_store %arg14[%swap3A_1109, %swap3A_1110], %swap3A_1113 {strides = array<i32>} : memref<128x128xf32, #tpu.memory_space<vmem>>, vector<1x16xf32>,
        %get3A_1114 = arith.index_cast %add3A_1043 : i32 to index
        %get3A_1115 = arith.constant 112 : index
        %get3A_1116 = tpu.vector_load %arg14[%get3A_1114, %get3A_1115] {strides = array<i32>} : memref<128x128xf32, #tpu.memory_space<vmem>>, vector<1x16xf32>,
        %get3A_1117 = vector.shape_cast %get3A_1116 : vector<1x16xf32> to vector<16xf32>
        %mul3A_1118 = arith.mulf %get3A_1117, %broadcast_in_dim3A_1039 : vector<16xf32>
        %swap3A_1119 = arith.index_cast %add3A_1043 : i32 to index
        %swap3A_1120 = arith.constant 112 : index
        %swap3A_1121 = tpu.vector_load %arg14[%swap3A_1119, %swap3A_1120] {strides = array<i32>} : memref<128x128xf32, #tpu.memory_space<vmem>>, vector<1x16xf32>,
        %swap3A_1122 = vector.shape_cast %swap3A_1121 : vector<1x16xf32> to vector<16xf32>
        %swap3A_1123 = vector.shape_cast %mul3A_1118 : vector<16xf32> to vector<1x16xf32>
        tpu.vector_store %arg14[%swap3A_1119, %swap3A_1120], %swap3A_1123 {strides = array<i32>} : memref<128x128xf32, #tpu.memory_space<vmem>>, vector<1x16xf32>,
        %slice3A_1124 = vector.extract_strided_slice %exp3A {offsets = [9], sizes = [1], strides = [1]} : vector<16xf32> to vector<1xf32>
        %squeeze3A_1125 = vector.extract %slice3A_1124[0] : f32 from vector<1xf32>
        %broadcast_in_dim3A_1126 = vector.broadcast %squeeze3A_1125 : f32 to vector<16xf32>
        %mul3A_1127 = arith.constant 16 : i32
        %mul3A_1128 = arith.muli %scan3A_331, %mul3A_1127 : i32
        %add3A_1129 = arith.constant 9 : i32
        %add3A_1130 = arith.addi %mul3A_1128, %add3A_1129 : i32
        %get3A_1131 = arith.index_cast %add3A_1130 : i32 to index
        %get3A_1132 = arith.constant 0 : index
        %get3A_1133 = tpu.vector_load %arg14[%get3A_1131, %get3A_1132] {strides = array<i32>} : memref<128x128xf32, #tpu.memory_space<vmem>>, vector<1x16xf32>,
        %get3A_1134 = vector.shape_cast %get3A_1133 : vector<1x16xf32> to vector<16xf32>
        %mul3A_1135 = arith.mulf %get3A_1134, %broadcast_in_dim3A_1126 : vector<16xf32>
        %swap3A_1136 = arith.index_cast %add3A_1130 : i32 to index
        %swap3A_1137 = arith.constant 0 : index
        %swap3A_1138 = tpu.vector_load %arg14[%swap3A_1136, %swap3A_1137] {strides = array<i32>} : memref<128x128xf32, #tpu.memory_space<vmem>>, vector<1x16xf32>,
        %swap3A_1139 = vector.shape_cast %swap3A_1138 : vector<1x16xf32> to vector<16xf32>
        %swap3A_1140 = vector.shape_cast %mul3A_1135 : vector<16xf32> to vector<1x16xf32>
        tpu.vector_store %arg14[%swap3A_1136, %swap3A_1137], %swap3A_1140 {strides = array<i32>} : memref<128x128xf32, #tpu.memory_space<vmem>>, vector<1x16xf32>,
        %get3A_1141 = arith.index_cast %add3A_1130 : i32 to index
        %get3A_1142 = arith.constant 16 : index
        %get3A_1143 = tpu.vector_load %arg14[%get3A_1141, %get3A_1142] {strides = array<i32>} : memref<128x128xf32, #tpu.memory_space<vmem>>, vector<1x16xf32>,
        %get3A_1144 = vector.shape_cast %get3A_1143 : vector<1x16xf32> to vector<16xf32>
        %mul3A_1145 = arith.mulf %get3A_1144, %broadcast_in_dim3A_1126 : vector<16xf32>
        %swap3A_1146 = arith.index_cast %add3A_1130 : i32 to index
        %swap3A_1147 = arith.constant 16 : index
        %swap3A_1148 = tpu.vector_load %arg14[%swap3A_1146, %swap3A_1147] {strides = array<i32>} : memref<128x128xf32, #tpu.memory_space<vmem>>, vector<1x16xf32>,
        %swap3A_1149 = vector.shape_cast %swap3A_1148 : vector<1x16xf32> to vector<16xf32>
        %swap3A_1150 = vector.shape_cast %mul3A_1145 : vector<16xf32> to vector<1x16xf32>
        tpu.vector_store %arg14[%swap3A_1146, %swap3A_1147], %swap3A_1150 {strides = array<i32>} : memref<128x128xf32, #tpu.memory_space<vmem>>, vector<1x16xf32>,
        %get3A_1151 = arith.index_cast %add3A_1130 : i32 to index
        %get3A_1152 = arith.constant 32 : index
        %get3A_1153 = tpu.vector_load %arg14[%get3A_1151, %get3A_1152] {strides = array<i32>} : memref<128x128xf32, #tpu.memory_space<vmem>>, vector<1x16xf32>,
        %get3A_1154 = vector.shape_cast %get3A_1153 : vector<1x16xf32> to vector<16xf32>
        %mul3A_1155 = arith.mulf %get3A_1154, %broadcast_in_dim3A_1126 : vector<16xf32>
        %swap3A_1156 = arith.index_cast %add3A_1130 : i32 to index
        %swap3A_1157 = arith.constant 32 : index
        %swap3A_1158 = tpu.vector_load %arg14[%swap3A_1156, %swap3A_1157] {strides = array<i32>} : memref<128x128xf32, #tpu.memory_space<vmem>>, vector<1x16xf32>,
        %swap3A_1159 = vector.shape_cast %swap3A_1158 : vector<1x16xf32> to vector<16xf32>
        %swap3A_1160 = vector.shape_cast %mul3A_1155 : vector<16xf32> to vector<1x16xf32>
        tpu.vector_store %arg14[%swap3A_1156, %swap3A_1157], %swap3A_1160 {strides = array<i32>} : memref<128x128xf32, #tpu.memory_space<vmem>>, vector<1x16xf32>,
        %get3A_1161 = arith.index_cast %add3A_1130 : i32 to index
        %get3A_1162 = arith.constant 48 : index
        %get3A_1163 = tpu.vector_load %arg14[%get3A_1161, %get3A_1162] {strides = array<i32>} : memref<128x128xf32, #tpu.memory_space<vmem>>, vector<1x16xf32>,
        %get3A_1164 = vector.shape_cast %get3A_1163 : vector<1x16xf32> to vector<16xf32>
        %mul3A_1165 = arith.mulf %get3A_1164, %broadcast_in_dim3A_1126 : vector<16xf32>
        %swap3A_1166 = arith.index_cast %add3A_1130 : i32 to index
        %swap3A_1167 = arith.constant 48 : index
        %swap3A_1168 = tpu.vector_load %arg14[%swap3A_1166, %swap3A_1167] {strides = array<i32>} : memref<128x128xf32, #tpu.memory_space<vmem>>, vector<1x16xf32>,
        %swap3A_1169 = vector.shape_cast %swap3A_1168 : vector<1x16xf32> to vector<16xf32>
        %swap3A_1170 = vector.shape_cast %mul3A_1165 : vector<16xf32> to vector<1x16xf32>
        tpu.vector_store %arg14[%swap3A_1166, %swap3A_1167], %swap3A_1170 {strides = array<i32>} : memref<128x128xf32, #tpu.memory_space<vmem>>, vector<1x16xf32>,
        %get3A_1171 = arith.index_cast %add3A_1130 : i32 to index
        %get3A_1172 = arith.constant 64 : index
        %get3A_1173 = tpu.vector_load %arg14[%get3A_1171, %get3A_1172] {strides = array<i32>} : memref<128x128xf32, #tpu.memory_space<vmem>>, vector<1x16xf32>,
        %get3A_1174 = vector.shape_cast %get3A_1173 : vector<1x16xf32> to vector<16xf32>
        %mul3A_1175 = arith.mulf %get3A_1174, %broadcast_in_dim3A_1126 : vector<16xf32>
        %swap3A_1176 = arith.index_cast %add3A_1130 : i32 to index
        %swap3A_1177 = arith.constant 64 : index
        %swap3A_1178 = tpu.vector_load %arg14[%swap3A_1176, %swap3A_1177] {strides = array<i32>} : memref<128x128xf32, #tpu.memory_space<vmem>>, vector<1x16xf32>,
        %swap3A_1179 = vector.shape_cast %swap3A_1178 : vector<1x16xf32> to vector<16xf32>
        %swap3A_1180 = vector.shape_cast %mul3A_1175 : vector<16xf32> to vector<1x16xf32>
        tpu.vector_store %arg14[%swap3A_1176, %swap3A_1177], %swap3A_1180 {strides = array<i32>} : memref<128x128xf32, #tpu.memory_space<vmem>>, vector<1x16xf32>,
        %get3A_1181 = arith.index_cast %add3A_1130 : i32 to index
        %get3A_1182 = arith.constant 80 : index
        %get3A_1183 = tpu.vector_load %arg14[%get3A_1181, %get3A_1182] {strides = array<i32>} : memref<128x128xf32, #tpu.memory_space<vmem>>, vector<1x16xf32>,
        %get3A_1184 = vector.shape_cast %get3A_1183 : vector<1x16xf32> to vector<16xf32>
        %mul3A_1185 = arith.mulf %get3A_1184, %broadcast_in_dim3A_1126 : vector<16xf32>
        %swap3A_1186 = arith.index_cast %add3A_1130 : i32 to index
        %swap3A_1187 = arith.constant 80 : index
        %swap3A_1188 = tpu.vector_load %arg14[%swap3A_1186, %swap3A_1187] {strides = array<i32>} : memref<128x128xf32, #tpu.memory_space<vmem>>, vector<1x16xf32>,
        %swap3A_1189 = vector.shape_cast %swap3A_1188 : vector<1x16xf32> to vector<16xf32>
        %swap3A_1190 = vector.shape_cast %mul3A_1185 : vector<16xf32> to vector<1x16xf32>
        tpu.vector_store %arg14[%swap3A_1186, %swap3A_1187], %swap3A_1190 {strides = array<i32>} : memref<128x128xf32, #tpu.memory_space<vmem>>, vector<1x16xf32>,
        %get3A_1191 = arith.index_cast %add3A_1130 : i32 to index
        %get3A_1192 = arith.constant 96 : index
        %get3A_1193 = tpu.vector_load %arg14[%get3A_1191, %get3A_1192] {strides = array<i32>} : memref<128x128xf32, #tpu.memory_space<vmem>>, vector<1x16xf32>,
        %get3A_1194 = vector.shape_cast %get3A_1193 : vector<1x16xf32> to vector<16xf32>
        %mul3A_1195 = arith.mulf %get3A_1194, %broadcast_in_dim3A_1126 : vector<16xf32>
        %swap3A_1196 = arith.index_cast %add3A_1130 : i32 to index
        %swap3A_1197 = arith.constant 96 : index
        %swap3A_1198 = tpu.vector_load %arg14[%swap3A_1196, %swap3A_1197] {strides = array<i32>} : memref<128x128xf32, #tpu.memory_space<vmem>>, vector<1x16xf32>,
        %swap3A_1199 = vector.shape_cast %swap3A_1198 : vector<1x16xf32> to vector<16xf32>
        %swap3A_1200 = vector.shape_cast %mul3A_1195 : vector<16xf32> to vector<1x16xf32>
        tpu.vector_store %arg14[%swap3A_1196, %swap3A_1197], %swap3A_1200 {strides = array<i32>} : memref<128x128xf32, #tpu.memory_space<vmem>>, vector<1x16xf32>,
        %get3A_1201 = arith.index_cast %add3A_1130 : i32 to index
        %get3A_1202 = arith.constant 112 : index
        %get3A_1203 = tpu.vector_load %arg14[%get3A_1201, %get3A_1202] {strides = array<i32>} : memref<128x128xf32, #tpu.memory_space<vmem>>, vector<1x16xf32>,
        %get3A_1204 = vector.shape_cast %get3A_1203 : vector<1x16xf32> to vector<16xf32>
        %mul3A_1205 = arith.mulf %get3A_1204, %broadcast_in_dim3A_1126 : vector<16xf32>
        %swap3A_1206 = arith.index_cast %add3A_1130 : i32 to index
        %swap3A_1207 = arith.constant 112 : index
        %swap3A_1208 = tpu.vector_load %arg14[%swap3A_1206, %swap3A_1207] {strides = array<i32>} : memref<128x128xf32, #tpu.memory_space<vmem>>, vector<1x16xf32>,
        %swap3A_1209 = vector.shape_cast %swap3A_1208 : vector<1x16xf32> to vector<16xf32>
        %swap3A_1210 = vector.shape_cast %mul3A_1205 : vector<16xf32> to vector<1x16xf32>
        tpu.vector_store %arg14[%swap3A_1206, %swap3A_1207], %swap3A_1210 {strides = array<i32>} : memref<128x128xf32, #tpu.memory_space<vmem>>, vector<1x16xf32>,
        %slice3A_1211 = vector.extract_strided_slice %exp3A {offsets = [10], sizes = [1], strides = [1]} : vector<16xf32> to vector<1xf32>
        %squeeze3A_1212 = vector.extract %slice3A_1211[0] : f32 from vector<1xf32>
        %broadcast_in_dim3A_1213 = vector.broadcast %squeeze3A_1212 : f32 to vector<16xf32>
        %mul3A_1214 = arith.constant 16 : i32
        %mul3A_1215 = arith.muli %scan3A_331, %mul3A_1214 : i32
        %add3A_1216 = arith.constant 10 : i32
        %add3A_1217 = arith.addi %mul3A_1215, %add3A_1216 : i32
        %get3A_1218 = arith.index_cast %add3A_1217 : i32 to index
        %get3A_1219 = arith.constant 0 : index
        %get3A_1220 = tpu.vector_load %arg14[%get3A_1218, %get3A_1219] {strides = array<i32>} : memref<128x128xf32, #tpu.memory_space<vmem>>, vector<1x16xf32>,
        %get3A_1221 = vector.shape_cast %get3A_1220 : vector<1x16xf32> to vector<16xf32>
        %mul3A_1222 = arith.mulf %get3A_1221, %broadcast_in_dim3A_1213 : vector<16xf32>
        %swap3A_1223 = arith.index_cast %add3A_1217 : i32 to index
        %swap3A_1224 = arith.constant 0 : index
        %swap3A_1225 = tpu.vector_load %arg14[%swap3A_1223, %swap3A_1224] {strides = array<i32>} : memref<128x128xf32, #tpu.memory_space<vmem>>, vector<1x16xf32>,
        %swap3A_1226 = vector.shape_cast %swap3A_1225 : vector<1x16xf32> to vector<16xf32>
        %swap3A_1227 = vector.shape_cast %mul3A_1222 : vector<16xf32> to vector<1x16xf32>
        tpu.vector_store %arg14[%swap3A_1223, %swap3A_1224], %swap3A_1227 {strides = array<i32>} : memref<128x128xf32, #tpu.memory_space<vmem>>, vector<1x16xf32>,
        %get3A_1228 = arith.index_cast %add3A_1217 : i32 to index
        %get3A_1229 = arith.constant 16 : index
        %get3A_1230 = tpu.vector_load %arg14[%get3A_1228, %get3A_1229] {strides = array<i32>} : memref<128x128xf32, #tpu.memory_space<vmem>>, vector<1x16xf32>,
        %get3A_1231 = vector.shape_cast %get3A_1230 : vector<1x16xf32> to vector<16xf32>
        %mul3A_1232 = arith.mulf %get3A_1231, %broadcast_in_dim3A_1213 : vector<16xf32>
        %swap3A_1233 = arith.index_cast %add3A_1217 : i32 to index
        %swap3A_1234 = arith.constant 16 : index
        %swap3A_1235 = tpu.vector_load %arg14[%swap3A_1233, %swap3A_1234] {strides = array<i32>} : memref<128x128xf32, #tpu.memory_space<vmem>>, vector<1x16xf32>,
        %swap3A_1236 = vector.shape_cast %swap3A_1235 : vector<1x16xf32> to vector<16xf32>
        %swap3A_1237 = vector.shape_cast %mul3A_1232 : vector<16xf32> to vector<1x16xf32>
        tpu.vector_store %arg14[%swap3A_1233, %swap3A_1234], %swap3A_1237 {strides = array<i32>} : memref<128x128xf32, #tpu.memory_space<vmem>>, vector<1x16xf32>,
        %get3A_1238 = arith.index_cast %add3A_1217 : i32 to index
        %get3A_1239 = arith.constant 32 : index
        %get3A_1240 = tpu.vector_load %arg14[%get3A_1238, %get3A_1239] {strides = array<i32>} : memref<128x128xf32, #tpu.memory_space<vmem>>, vector<1x16xf32>,
        %get3A_1241 = vector.shape_cast %get3A_1240 : vector<1x16xf32> to vector<16xf32>
        %mul3A_1242 = arith.mulf %get3A_1241, %broadcast_in_dim3A_1213 : vector<16xf32>
        %swap3A_1243 = arith.index_cast %add3A_1217 : i32 to index
        %swap3A_1244 = arith.constant 32 : index
        %swap3A_1245 = tpu.vector_load %arg14[%swap3A_1243, %swap3A_1244] {strides = array<i32>} : memref<128x128xf32, #tpu.memory_space<vmem>>, vector<1x16xf32>,
        %swap3A_1246 = vector.shape_cast %swap3A_1245 : vector<1x16xf32> to vector<16xf32>
        %swap3A_1247 = vector.shape_cast %mul3A_1242 : vector<16xf32> to vector<1x16xf32>
        tpu.vector_store %arg14[%swap3A_1243, %swap3A_1244], %swap3A_1247 {strides = array<i32>} : memref<128x128xf32, #tpu.memory_space<vmem>>, vector<1x16xf32>,
        %get3A_1248 = arith.index_cast %add3A_1217 : i32 to index
        %get3A_1249 = arith.constant 48 : index
        %get3A_1250 = tpu.vector_load %arg14[%get3A_1248, %get3A_1249] {strides = array<i32>} : memref<128x128xf32, #tpu.memory_space<vmem>>, vector<1x16xf32>,
        %get3A_1251 = vector.shape_cast %get3A_1250 : vector<1x16xf32> to vector<16xf32>
        %mul3A_1252 = arith.mulf %get3A_1251, %broadcast_in_dim3A_1213 : vector<16xf32>
        %swap3A_1253 = arith.index_cast %add3A_1217 : i32 to index
        %swap3A_1254 = arith.constant 48 : index
        %swap3A_1255 = tpu.vector_load %arg14[%swap3A_1253, %swap3A_1254] {strides = array<i32>} : memref<128x128xf32, #tpu.memory_space<vmem>>, vector<1x16xf32>,
        %swap3A_1256 = vector.shape_cast %swap3A_1255 : vector<1x16xf32> to vector<16xf32>
        %swap3A_1257 = vector.shape_cast %mul3A_1252 : vector<16xf32> to vector<1x16xf32>
        tpu.vector_store %arg14[%swap3A_1253, %swap3A_1254], %swap3A_1257 {strides = array<i32>} : memref<128x128xf32, #tpu.memory_space<vmem>>, vector<1x16xf32>,
        %get3A_1258 = arith.index_cast %add3A_1217 : i32 to index
        %get3A_1259 = arith.constant 64 : index
        %get3A_1260 = tpu.vector_load %arg14[%get3A_1258, %get3A_1259] {strides = array<i32>} : memref<128x128xf32, #tpu.memory_space<vmem>>, vector<1x16xf32>,
        %get3A_1261 = vector.shape_cast %get3A_1260 : vector<1x16xf32> to vector<16xf32>
        %mul3A_1262 = arith.mulf %get3A_1261, %broadcast_in_dim3A_1213 : vector<16xf32>
        %swap3A_1263 = arith.index_cast %add3A_1217 : i32 to index
        %swap3A_1264 = arith.constant 64 : index
        %swap3A_1265 = tpu.vector_load %arg14[%swap3A_1263, %swap3A_1264] {strides = array<i32>} : memref<128x128xf32, #tpu.memory_space<vmem>>, vector<1x16xf32>,
        %swap3A_1266 = vector.shape_cast %swap3A_1265 : vector<1x16xf32> to vector<16xf32>
        %swap3A_1267 = vector.shape_cast %mul3A_1262 : vector<16xf32> to vector<1x16xf32>
        tpu.vector_store %arg14[%swap3A_1263, %swap3A_1264], %swap3A_1267 {strides = array<i32>} : memref<128x128xf32, #tpu.memory_space<vmem>>, vector<1x16xf32>,
        %get3A_1268 = arith.index_cast %add3A_1217 : i32 to index
        %get3A_1269 = arith.constant 80 : index
        %get3A_1270 = tpu.vector_load %arg14[%get3A_1268, %get3A_1269] {strides = array<i32>} : memref<128x128xf32, #tpu.memory_space<vmem>>, vector<1x16xf32>,
        %get3A_1271 = vector.shape_cast %get3A_1270 : vector<1x16xf32> to vector<16xf32>
        %mul3A_1272 = arith.mulf %get3A_1271, %broadcast_in_dim3A_1213 : vector<16xf32>
        %swap3A_1273 = arith.index_cast %add3A_1217 : i32 to index
        %swap3A_1274 = arith.constant 80 : index
        %swap3A_1275 = tpu.vector_load %arg14[%swap3A_1273, %swap3A_1274] {strides = array<i32>} : memref<128x128xf32, #tpu.memory_space<vmem>>, vector<1x16xf32>,
        %swap3A_1276 = vector.shape_cast %swap3A_1275 : vector<1x16xf32> to vector<16xf32>
        %swap3A_1277 = vector.shape_cast %mul3A_1272 : vector<16xf32> to vector<1x16xf32>
        tpu.vector_store %arg14[%swap3A_1273, %swap3A_1274], %swap3A_1277 {strides = array<i32>} : memref<128x128xf32, #tpu.memory_space<vmem>>, vector<1x16xf32>,
        %get3A_1278 = arith.index_cast %add3A_1217 : i32 to index
        %get3A_1279 = arith.constant 96 : index
        %get3A_1280 = tpu.vector_load %arg14[%get3A_1278, %get3A_1279] {strides = array<i32>} : memref<128x128xf32, #tpu.memory_space<vmem>>, vector<1x16xf32>,
        %get3A_1281 = vector.shape_cast %get3A_1280 : vector<1x16xf32> to vector<16xf32>
        %mul3A_1282 = arith.mulf %get3A_1281, %broadcast_in_dim3A_1213 : vector<16xf32>
        %swap3A_1283 = arith.index_cast %add3A_1217 : i32 to index
        %swap3A_1284 = arith.constant 96 : index
        %swap3A_1285 = tpu.vector_load %arg14[%swap3A_1283, %swap3A_1284] {strides = array<i32>} : memref<128x128xf32, #tpu.memory_space<vmem>>, vector<1x16xf32>,
        %swap3A_1286 = vector.shape_cast %swap3A_1285 : vector<1x16xf32> to vector<16xf32>
        %swap3A_1287 = vector.shape_cast %mul3A_1282 : vector<16xf32> to vector<1x16xf32>
        tpu.vector_store %arg14[%swap3A_1283, %swap3A_1284], %swap3A_1287 {strides = array<i32>} : memref<128x128xf32, #tpu.memory_space<vmem>>, vector<1x16xf32>,
        %get3A_1288 = arith.index_cast %add3A_1217 : i32 to index
        %get3A_1289 = arith.constant 112 : index
        %get3A_1290 = tpu.vector_load %arg14[%get3A_1288, %get3A_1289] {strides = array<i32>} : memref<128x128xf32, #tpu.memory_space<vmem>>, vector<1x16xf32>,
        %get3A_1291 = vector.shape_cast %get3A_1290 : vector<1x16xf32> to vector<16xf32>
        %mul3A_1292 = arith.mulf %get3A_1291, %broadcast_in_dim3A_1213 : vector<16xf32>
        %swap3A_1293 = arith.index_cast %add3A_1217 : i32 to index
        %swap3A_1294 = arith.constant 112 : index
        %swap3A_1295 = tpu.vector_load %arg14[%swap3A_1293, %swap3A_1294] {strides = array<i32>} : memref<128x128xf32, #tpu.memory_space<vmem>>, vector<1x16xf32>,
        %swap3A_1296 = vector.shape_cast %swap3A_1295 : vector<1x16xf32> to vector<16xf32>
        %swap3A_1297 = vector.shape_cast %mul3A_1292 : vector<16xf32> to vector<1x16xf32>
        tpu.vector_store %arg14[%swap3A_1293, %swap3A_1294], %swap3A_1297 {strides = array<i32>} : memref<128x128xf32, #tpu.memory_space<vmem>>, vector<1x16xf32>,
        %slice3A_1298 = vector.extract_strided_slice %exp3A {offsets = [11], sizes = [1], strides = [1]} : vector<16xf32> to vector<1xf32>
        %squeeze3A_1299 = vector.extract %slice3A_1298[0] : f32 from vector<1xf32>
        %broadcast_in_dim3A_1300 = vector.broadcast %squeeze3A_1299 : f32 to vector<16xf32>
        %mul3A_1301 = arith.constant 16 : i32
        %mul3A_1302 = arith.muli %scan3A_331, %mul3A_1301 : i32
        %add3A_1303 = arith.constant 11 : i32
        %add3A_1304 = arith.addi %mul3A_1302, %add3A_1303 : i32
        %get3A_1305 = arith.index_cast %add3A_1304 : i32 to index
        %get3A_1306 = arith.constant 0 : index
        %get3A_1307 = tpu.vector_load %arg14[%get3A_1305, %get3A_1306] {strides = array<i32>} : memref<128x128xf32, #tpu.memory_space<vmem>>, vector<1x16xf32>,
        %get3A_1308 = vector.shape_cast %get3A_1307 : vector<1x16xf32> to vector<16xf32>
        %mul3A_1309 = arith.mulf %get3A_1308, %broadcast_in_dim3A_1300 : vector<16xf32>
        %swap3A_1310 = arith.index_cast %add3A_1304 : i32 to index
        %swap3A_1311 = arith.constant 0 : index
        %swap3A_1312 = tpu.vector_load %arg14[%swap3A_1310, %swap3A_1311] {strides = array<i32>} : memref<128x128xf32, #tpu.memory_space<vmem>>, vector<1x16xf32>,
        %swap3A_1313 = vector.shape_cast %swap3A_1312 : vector<1x16xf32> to vector<16xf32>
        %swap3A_1314 = vector.shape_cast %mul3A_1309 : vector<16xf32> to vector<1x16xf32>
        tpu.vector_store %arg14[%swap3A_1310, %swap3A_1311], %swap3A_1314 {strides = array<i32>} : memref<128x128xf32, #tpu.memory_space<vmem>>, vector<1x16xf32>,
        %get3A_1315 = arith.index_cast %add3A_1304 : i32 to index
        %get3A_1316 = arith.constant 16 : index
        %get3A_1317 = tpu.vector_load %arg14[%get3A_1315, %get3A_1316] {strides = array<i32>} : memref<128x128xf32, #tpu.memory_space<vmem>>, vector<1x16xf32>,
        %get3A_1318 = vector.shape_cast %get3A_1317 : vector<1x16xf32> to vector<16xf32>
        %mul3A_1319 = arith.mulf %get3A_1318, %broadcast_in_dim3A_1300 : vector<16xf32>
        %swap3A_1320 = arith.index_cast %add3A_1304 : i32 to index
        %swap3A_1321 = arith.constant 16 : index
        %swap3A_1322 = tpu.vector_load %arg14[%swap3A_1320, %swap3A_1321] {strides = array<i32>} : memref<128x128xf32, #tpu.memory_space<vmem>>, vector<1x16xf32>,
        %swap3A_1323 = vector.shape_cast %swap3A_1322 : vector<1x16xf32> to vector<16xf32>
        %swap3A_1324 = vector.shape_cast %mul3A_1319 : vector<16xf32> to vector<1x16xf32>
        tpu.vector_store %arg14[%swap3A_1320, %swap3A_1321], %swap3A_1324 {strides = array<i32>} : memref<128x128xf32, #tpu.memory_space<vmem>>, vector<1x16xf32>,
        %get3A_1325 = arith.index_cast %add3A_1304 : i32 to index
        %get3A_1326 = arith.constant 32 : index
        %get3A_1327 = tpu.vector_load %arg14[%get3A_1325, %get3A_1326] {strides = array<i32>} : memref<128x128xf32, #tpu.memory_space<vmem>>, vector<1x16xf32>,
        %get3A_1328 = vector.shape_cast %get3A_1327 : vector<1x16xf32> to vector<16xf32>
        %mul3A_1329 = arith.mulf %get3A_1328, %broadcast_in_dim3A_1300 : vector<16xf32>
        %swap3A_1330 = arith.index_cast %add3A_1304 : i32 to index
        %swap3A_1331 = arith.constant 32 : index
        %swap3A_1332 = tpu.vector_load %arg14[%swap3A_1330, %swap3A_1331] {strides = array<i32>} : memref<128x128xf32, #tpu.memory_space<vmem>>, vector<1x16xf32>,
        %swap3A_1333 = vector.shape_cast %swap3A_1332 : vector<1x16xf32> to vector<16xf32>
        %swap3A_1334 = vector.shape_cast %mul3A_1329 : vector<16xf32> to vector<1x16xf32>
        tpu.vector_store %arg14[%swap3A_1330, %swap3A_1331], %swap3A_1334 {strides = array<i32>} : memref<128x128xf32, #tpu.memory_space<vmem>>, vector<1x16xf32>,
        %get3A_1335 = arith.index_cast %add3A_1304 : i32 to index
        %get3A_1336 = arith.constant 48 : index
        %get3A_1337 = tpu.vector_load %arg14[%get3A_1335, %get3A_1336] {strides = array<i32>} : memref<128x128xf32, #tpu.memory_space<vmem>>, vector<1x16xf32>,
        %get3A_1338 = vector.shape_cast %get3A_1337 : vector<1x16xf32> to vector<16xf32>
        %mul3A_1339 = arith.mulf %get3A_1338, %broadcast_in_dim3A_1300 : vector<16xf32>
        %swap3A_1340 = arith.index_cast %add3A_1304 : i32 to index
        %swap3A_1341 = arith.constant 48 : index
        %swap3A_1342 = tpu.vector_load %arg14[%swap3A_1340, %swap3A_1341] {strides = array<i32>} : memref<128x128xf32, #tpu.memory_space<vmem>>, vector<1x16xf32>,
        %swap3A_1343 = vector.shape_cast %swap3A_1342 : vector<1x16xf32> to vector<16xf32>
        %swap3A_1344 = vector.shape_cast %mul3A_1339 : vector<16xf32> to vector<1x16xf32>
        tpu.vector_store %arg14[%swap3A_1340, %swap3A_1341], %swap3A_1344 {strides = array<i32>} : memref<128x128xf32, #tpu.memory_space<vmem>>, vector<1x16xf32>,
        %get3A_1345 = arith.index_cast %add3A_1304 : i32 to index
        %get3A_1346 = arith.constant 64 : index
        %get3A_1347 = tpu.vector_load %arg14[%get3A_1345, %get3A_1346] {strides = array<i32>} : memref<128x128xf32, #tpu.memory_space<vmem>>, vector<1x16xf32>,
        %get3A_1348 = vector.shape_cast %get3A_1347 : vector<1x16xf32> to vector<16xf32>
        %mul3A_1349 = arith.mulf %get3A_1348, %broadcast_in_dim3A_1300 : vector<16xf32>
        %swap3A_1350 = arith.index_cast %add3A_1304 : i32 to index
        %swap3A_1351 = arith.constant 64 : index
        %swap3A_1352 = tpu.vector_load %arg14[%swap3A_1350, %swap3A_1351] {strides = array<i32>} : memref<128x128xf32, #tpu.memory_space<vmem>>, vector<1x16xf32>,
        %swap3A_1353 = vector.shape_cast %swap3A_1352 : vector<1x16xf32> to vector<16xf32>
        %swap3A_1354 = vector.shape_cast %mul3A_1349 : vector<16xf32> to vector<1x16xf32>
        tpu.vector_store %arg14[%swap3A_1350, %swap3A_1351], %swap3A_1354 {strides = array<i32>} : memref<128x128xf32, #tpu.memory_space<vmem>>, vector<1x16xf32>,
        %get3A_1355 = arith.index_cast %add3A_1304 : i32 to index
        %get3A_1356 = arith.constant 80 : index
        %get3A_1357 = tpu.vector_load %arg14[%get3A_1355, %get3A_1356] {strides = array<i32>} : memref<128x128xf32, #tpu.memory_space<vmem>>, vector<1x16xf32>,
        %get3A_1358 = vector.shape_cast %get3A_1357 : vector<1x16xf32> to vector<16xf32>
        %mul3A_1359 = arith.mulf %get3A_1358, %broadcast_in_dim3A_1300 : vector<16xf32>
        %swap3A_1360 = arith.index_cast %add3A_1304 : i32 to index
        %swap3A_1361 = arith.constant 80 : index
        %swap3A_1362 = tpu.vector_load %arg14[%swap3A_1360, %swap3A_1361] {strides = array<i32>} : memref<128x128xf32, #tpu.memory_space<vmem>>, vector<1x16xf32>,
        %swap3A_1363 = vector.shape_cast %swap3A_1362 : vector<1x16xf32> to vector<16xf32>
        %swap3A_1364 = vector.shape_cast %mul3A_1359 : vector<16xf32> to vector<1x16xf32>
        tpu.vector_store %arg14[%swap3A_1360, %swap3A_1361], %swap3A_1364 {strides = array<i32>} : memref<128x128xf32, #tpu.memory_space<vmem>>, vector<1x16xf32>,
        %get3A_1365 = arith.index_cast %add3A_1304 : i32 to index
        %get3A_1366 = arith.constant 96 : index
        %get3A_1367 = tpu.vector_load %arg14[%get3A_1365, %get3A_1366] {strides = array<i32>} : memref<128x128xf32, #tpu.memory_space<vmem>>, vector<1x16xf32>,
        %get3A_1368 = vector.shape_cast %get3A_1367 : vector<1x16xf32> to vector<16xf32>
        %mul3A_1369 = arith.mulf %get3A_1368, %broadcast_in_dim3A_1300 : vector<16xf32>
        %swap3A_1370 = arith.index_cast %add3A_1304 : i32 to index
        %swap3A_1371 = arith.constant 96 : index
        %swap3A_1372 = tpu.vector_load %arg14[%swap3A_1370, %swap3A_1371] {strides = array<i32>} : memref<128x128xf32, #tpu.memory_space<vmem>>, vector<1x16xf32>,
        %swap3A_1373 = vector.shape_cast %swap3A_1372 : vector<1x16xf32> to vector<16xf32>
        %swap3A_1374 = vector.shape_cast %mul3A_1369 : vector<16xf32> to vector<1x16xf32>
        tpu.vector_store %arg14[%swap3A_1370, %swap3A_1371], %swap3A_1374 {strides = array<i32>} : memref<128x128xf32, #tpu.memory_space<vmem>>, vector<1x16xf32>,
        %get3A_1375 = arith.index_cast %add3A_1304 : i32 to index
        %get3A_1376 = arith.constant 112 : index
        %get3A_1377 = tpu.vector_load %arg14[%get3A_1375, %get3A_1376] {strides = array<i32>} : memref<128x128xf32, #tpu.memory_space<vmem>>, vector<1x16xf32>,
        %get3A_1378 = vector.shape_cast %get3A_1377 : vector<1x16xf32> to vector<16xf32>
        %mul3A_1379 = arith.mulf %get3A_1378, %broadcast_in_dim3A_1300 : vector<16xf32>
        %swap3A_1380 = arith.index_cast %add3A_1304 : i32 to index
        %swap3A_1381 = arith.constant 112 : index
        %swap3A_1382 = tpu.vector_load %arg14[%swap3A_1380, %swap3A_1381] {strides = array<i32>} : memref<128x128xf32, #tpu.memory_space<vmem>>, vector<1x16xf32>,
        %swap3A_1383 = vector.shape_cast %swap3A_1382 : vector<1x16xf32> to vector<16xf32>
        %swap3A_1384 = vector.shape_cast %mul3A_1379 : vector<16xf32> to vector<1x16xf32>
        tpu.vector_store %arg14[%swap3A_1380, %swap3A_1381], %swap3A_1384 {strides = array<i32>} : memref<128x128xf32, #tpu.memory_space<vmem>>, vector<1x16xf32>,
        %slice3A_1385 = vector.extract_strided_slice %exp3A {offsets = [12], sizes = [1], strides = [1]} : vector<16xf32> to vector<1xf32>
        %squeeze3A_1386 = vector.extract %slice3A_1385[0] : f32 from vector<1xf32>
        %broadcast_in_dim3A_1387 = vector.broadcast %squeeze3A_1386 : f32 to vector<16xf32>
        %mul3A_1388 = arith.constant 16 : i32
        %mul3A_1389 = arith.muli %scan3A_331, %mul3A_1388 : i32
        %add3A_1390 = arith.constant 12 : i32
        %add3A_1391 = arith.addi %mul3A_1389, %add3A_1390 : i32
        %get3A_1392 = arith.index_cast %add3A_1391 : i32 to index
        %get3A_1393 = arith.constant 0 : index
        %get3A_1394 = tpu.vector_load %arg14[%get3A_1392, %get3A_1393] {strides = array<i32>} : memref<128x128xf32, #tpu.memory_space<vmem>>, vector<1x16xf32>,
        %get3A_1395 = vector.shape_cast %get3A_1394 : vector<1x16xf32> to vector<16xf32>
        %mul3A_1396 = arith.mulf %get3A_1395, %broadcast_in_dim3A_1387 : vector<16xf32>
        %swap3A_1397 = arith.index_cast %add3A_1391 : i32 to index
        %swap3A_1398 = arith.constant 0 : index
        %swap3A_1399 = tpu.vector_load %arg14[%swap3A_1397, %swap3A_1398] {strides = array<i32>} : memref<128x128xf32, #tpu.memory_space<vmem>>, vector<1x16xf32>,
        %swap3A_1400 = vector.shape_cast %swap3A_1399 : vector<1x16xf32> to vector<16xf32>
        %swap3A_1401 = vector.shape_cast %mul3A_1396 : vector<16xf32> to vector<1x16xf32>
        tpu.vector_store %arg14[%swap3A_1397, %swap3A_1398], %swap3A_1401 {strides = array<i32>} : memref<128x128xf32, #tpu.memory_space<vmem>>, vector<1x16xf32>,
        %get3A_1402 = arith.index_cast %add3A_1391 : i32 to index
        %get3A_1403 = arith.constant 16 : index
        %get3A_1404 = tpu.vector_load %arg14[%get3A_1402, %get3A_1403] {strides = array<i32>} : memref<128x128xf32, #tpu.memory_space<vmem>>, vector<1x16xf32>,
        %get3A_1405 = vector.shape_cast %get3A_1404 : vector<1x16xf32> to vector<16xf32>
        %mul3A_1406 = arith.mulf %get3A_1405, %broadcast_in_dim3A_1387 : vector<16xf32>
        %swap3A_1407 = arith.index_cast %add3A_1391 : i32 to index
        %swap3A_1408 = arith.constant 16 : index
        %swap3A_1409 = tpu.vector_load %arg14[%swap3A_1407, %swap3A_1408] {strides = array<i32>} : memref<128x128xf32, #tpu.memory_space<vmem>>, vector<1x16xf32>,
        %swap3A_1410 = vector.shape_cast %swap3A_1409 : vector<1x16xf32> to vector<16xf32>
        %swap3A_1411 = vector.shape_cast %mul3A_1406 : vector<16xf32> to vector<1x16xf32>
        tpu.vector_store %arg14[%swap3A_1407, %swap3A_1408], %swap3A_1411 {strides = array<i32>} : memref<128x128xf32, #tpu.memory_space<vmem>>, vector<1x16xf32>,
        %get3A_1412 = arith.index_cast %add3A_1391 : i32 to index
        %get3A_1413 = arith.constant 32 : index
        %get3A_1414 = tpu.vector_load %arg14[%get3A_1412, %get3A_1413] {strides = array<i32>} : memref<128x128xf32, #tpu.memory_space<vmem>>, vector<1x16xf32>,
        %get3A_1415 = vector.shape_cast %get3A_1414 : vector<1x16xf32> to vector<16xf32>
        %mul3A_1416 = arith.mulf %get3A_1415, %broadcast_in_dim3A_1387 : vector<16xf32>
        %swap3A_1417 = arith.index_cast %add3A_1391 : i32 to index
        %swap3A_1418 = arith.constant 32 : index
        %swap3A_1419 = tpu.vector_load %arg14[%swap3A_1417, %swap3A_1418] {strides = array<i32>} : memref<128x128xf32, #tpu.memory_space<vmem>>, vector<1x16xf32>,
        %swap3A_1420 = vector.shape_cast %swap3A_1419 : vector<1x16xf32> to vector<16xf32>
        %swap3A_1421 = vector.shape_cast %mul3A_1416 : vector<16xf32> to vector<1x16xf32>
        tpu.vector_store %arg14[%swap3A_1417, %swap3A_1418], %swap3A_1421 {strides = array<i32>} : memref<128x128xf32, #tpu.memory_space<vmem>>, vector<1x16xf32>,
        %get3A_1422 = arith.index_cast %add3A_1391 : i32 to index
        %get3A_1423 = arith.constant 48 : index
        %get3A_1424 = tpu.vector_load %arg14[%get3A_1422, %get3A_1423] {strides = array<i32>} : memref<128x128xf32, #tpu.memory_space<vmem>>, vector<1x16xf32>,
        %get3A_1425 = vector.shape_cast %get3A_1424 : vector<1x16xf32> to vector<16xf32>
        %mul3A_1426 = arith.mulf %get3A_1425, %broadcast_in_dim3A_1387 : vector<16xf32>
        %swap3A_1427 = arith.index_cast %add3A_1391 : i32 to index
        %swap3A_1428 = arith.constant 48 : index
        %swap3A_1429 = tpu.vector_load %arg14[%swap3A_1427, %swap3A_1428] {strides = array<i32>} : memref<128x128xf32, #tpu.memory_space<vmem>>, vector<1x16xf32>,
        %swap3A_1430 = vector.shape_cast %swap3A_1429 : vector<1x16xf32> to vector<16xf32>
        %swap3A_1431 = vector.shape_cast %mul3A_1426 : vector<16xf32> to vector<1x16xf32>
        tpu.vector_store %arg14[%swap3A_1427, %swap3A_1428], %swap3A_1431 {strides = array<i32>} : memref<128x128xf32, #tpu.memory_space<vmem>>, vector<1x16xf32>,
        %get3A_1432 = arith.index_cast %add3A_1391 : i32 to index
        %get3A_1433 = arith.constant 64 : index
        %get3A_1434 = tpu.vector_load %arg14[%get3A_1432, %get3A_1433] {strides = array<i32>} : memref<128x128xf32, #tpu.memory_space<vmem>>, vector<1x16xf32>,
        %get3A_1435 = vector.shape_cast %get3A_1434 : vector<1x16xf32> to vector<16xf32>
        %mul3A_1436 = arith.mulf %get3A_1435, %broadcast_in_dim3A_1387 : vector<16xf32>
        %swap3A_1437 = arith.index_cast %add3A_1391 : i32 to index
        %swap3A_1438 = arith.constant 64 : index
        %swap3A_1439 = tpu.vector_load %arg14[%swap3A_1437, %swap3A_1438] {strides = array<i32>} : memref<128x128xf32, #tpu.memory_space<vmem>>, vector<1x16xf32>,
        %swap3A_1440 = vector.shape_cast %swap3A_1439 : vector<1x16xf32> to vector<16xf32>
        %swap3A_1441 = vector.shape_cast %mul3A_1436 : vector<16xf32> to vector<1x16xf32>
        tpu.vector_store %arg14[%swap3A_1437, %swap3A_1438], %swap3A_1441 {strides = array<i32>} : memref<128x128xf32, #tpu.memory_space<vmem>>, vector<1x16xf32>,
        %get3A_1442 = arith.index_cast %add3A_1391 : i32 to index
        %get3A_1443 = arith.constant 80 : index
        %get3A_1444 = tpu.vector_load %arg14[%get3A_1442, %get3A_1443] {strides = array<i32>} : memref<128x128xf32, #tpu.memory_space<vmem>>, vector<1x16xf32>,
        %get3A_1445 = vector.shape_cast %get3A_1444 : vector<1x16xf32> to vector<16xf32>
        %mul3A_1446 = arith.mulf %get3A_1445, %broadcast_in_dim3A_1387 : vector<16xf32>
        %swap3A_1447 = arith.index_cast %add3A_1391 : i32 to index
        %swap3A_1448 = arith.constant 80 : index
        %swap3A_1449 = tpu.vector_load %arg14[%swap3A_1447, %swap3A_1448] {strides = array<i32>} : memref<128x128xf32, #tpu.memory_space<vmem>>, vector<1x16xf32>,
        %swap3A_1450 = vector.shape_cast %swap3A_1449 : vector<1x16xf32> to vector<16xf32>
        %swap3A_1451 = vector.shape_cast %mul3A_1446 : vector<16xf32> to vector<1x16xf32>
        tpu.vector_store %arg14[%swap3A_1447, %swap3A_1448], %swap3A_1451 {strides = array<i32>} : memref<128x128xf32, #tpu.memory_space<vmem>>, vector<1x16xf32>,
        %get3A_1452 = arith.index_cast %add3A_1391 : i32 to index
        %get3A_1453 = arith.constant 96 : index
        %get3A_1454 = tpu.vector_load %arg14[%get3A_1452, %get3A_1453] {strides = array<i32>} : memref<128x128xf32, #tpu.memory_space<vmem>>, vector<1x16xf32>,
        %get3A_1455 = vector.shape_cast %get3A_1454 : vector<1x16xf32> to vector<16xf32>
        %mul3A_1456 = arith.mulf %get3A_1455, %broadcast_in_dim3A_1387 : vector<16xf32>
        %swap3A_1457 = arith.index_cast %add3A_1391 : i32 to index
        %swap3A_1458 = arith.constant 96 : index
        %swap3A_1459 = tpu.vector_load %arg14[%swap3A_1457, %swap3A_1458] {strides = array<i32>} : memref<128x128xf32, #tpu.memory_space<vmem>>, vector<1x16xf32>,
        %swap3A_1460 = vector.shape_cast %swap3A_1459 : vector<1x16xf32> to vector<16xf32>
        %swap3A_1461 = vector.shape_cast %mul3A_1456 : vector<16xf32> to vector<1x16xf32>
        tpu.vector_store %arg14[%swap3A_1457, %swap3A_1458], %swap3A_1461 {strides = array<i32>} : memref<128x128xf32, #tpu.memory_space<vmem>>, vector<1x16xf32>,
        %get3A_1462 = arith.index_cast %add3A_1391 : i32 to index
        %get3A_1463 = arith.constant 112 : index
        %get3A_1464 = tpu.vector_load %arg14[%get3A_1462, %get3A_1463] {strides = array<i32>} : memref<128x128xf32, #tpu.memory_space<vmem>>, vector<1x16xf32>,
        %get3A_1465 = vector.shape_cast %get3A_1464 : vector<1x16xf32> to vector<16xf32>
        %mul3A_1466 = arith.mulf %get3A_1465, %broadcast_in_dim3A_1387 : vector<16xf32>
        %swap3A_1467 = arith.index_cast %add3A_1391 : i32 to index
        %swap3A_1468 = arith.constant 112 : index
        %swap3A_1469 = tpu.vector_load %arg14[%swap3A_1467, %swap3A_1468] {strides = array<i32>} : memref<128x128xf32, #tpu.memory_space<vmem>>, vector<1x16xf32>,
        %swap3A_1470 = vector.shape_cast %swap3A_1469 : vector<1x16xf32> to vector<16xf32>
        %swap3A_1471 = vector.shape_cast %mul3A_1466 : vector<16xf32> to vector<1x16xf32>
        tpu.vector_store %arg14[%swap3A_1467, %swap3A_1468], %swap3A_1471 {strides = array<i32>} : memref<128x128xf32, #tpu.memory_space<vmem>>, vector<1x16xf32>,
        %slice3A_1472 = vector.extract_strided_slice %exp3A {offsets = [13], sizes = [1], strides = [1]} : vector<16xf32> to vector<1xf32>
        %squeeze3A_1473 = vector.extract %slice3A_1472[0] : f32 from vector<1xf32>
        %broadcast_in_dim3A_1474 = vector.broadcast %squeeze3A_1473 : f32 to vector<16xf32>
        %mul3A_1475 = arith.constant 16 : i32
        %mul3A_1476 = arith.muli %scan3A_331, %mul3A_1475 : i32
        %add3A_1477 = arith.constant 13 : i32
        %add3A_1478 = arith.addi %mul3A_1476, %add3A_1477 : i32
        %get3A_1479 = arith.index_cast %add3A_1478 : i32 to index
        %get3A_1480 = arith.constant 0 : index
        %get3A_1481 = tpu.vector_load %arg14[%get3A_1479, %get3A_1480] {strides = array<i32>} : memref<128x128xf32, #tpu.memory_space<vmem>>, vector<1x16xf32>,
        %get3A_1482 = vector.shape_cast %get3A_1481 : vector<1x16xf32> to vector<16xf32>
        %mul3A_1483 = arith.mulf %get3A_1482, %broadcast_in_dim3A_1474 : vector<16xf32>
        %swap3A_1484 = arith.index_cast %add3A_1478 : i32 to index
        %swap3A_1485 = arith.constant 0 : index
        %swap3A_1486 = tpu.vector_load %arg14[%swap3A_1484, %swap3A_1485] {strides = array<i32>} : memref<128x128xf32, #tpu.memory_space<vmem>>, vector<1x16xf32>,
        %swap3A_1487 = vector.shape_cast %swap3A_1486 : vector<1x16xf32> to vector<16xf32>
        %swap3A_1488 = vector.shape_cast %mul3A_1483 : vector<16xf32> to vector<1x16xf32>
        tpu.vector_store %arg14[%swap3A_1484, %swap3A_1485], %swap3A_1488 {strides = array<i32>} : memref<128x128xf32, #tpu.memory_space<vmem>>, vector<1x16xf32>,
        %get3A_1489 = arith.index_cast %add3A_1478 : i32 to index
        %get3A_1490 = arith.constant 16 : index
        %get3A_1491 = tpu.vector_load %arg14[%get3A_1489, %get3A_1490] {strides = array<i32>} : memref<128x128xf32, #tpu.memory_space<vmem>>, vector<1x16xf32>,
        %get3A_1492 = vector.shape_cast %get3A_1491 : vector<1x16xf32> to vector<16xf32>
        %mul3A_1493 = arith.mulf %get3A_1492, %broadcast_in_dim3A_1474 : vector<16xf32>
        %swap3A_1494 = arith.index_cast %add3A_1478 : i32 to index
        %swap3A_1495 = arith.constant 16 : index
        %swap3A_1496 = tpu.vector_load %arg14[%swap3A_1494, %swap3A_1495] {strides = array<i32>} : memref<128x128xf32, #tpu.memory_space<vmem>>, vector<1x16xf32>,
        %swap3A_1497 = vector.shape_cast %swap3A_1496 : vector<1x16xf32> to vector<16xf32>
        %swap3A_1498 = vector.shape_cast %mul3A_1493 : vector<16xf32> to vector<1x16xf32>
        tpu.vector_store %arg14[%swap3A_1494, %swap3A_1495], %swap3A_1498 {strides = array<i32>} : memref<128x128xf32, #tpu.memory_space<vmem>>, vector<1x16xf32>,
        %get3A_1499 = arith.index_cast %add3A_1478 : i32 to index
        %get3A_1500 = arith.constant 32 : index
        %get3A_1501 = tpu.vector_load %arg14[%get3A_1499, %get3A_1500] {strides = array<i32>} : memref<128x128xf32, #tpu.memory_space<vmem>>, vector<1x16xf32>,
        %get3A_1502 = vector.shape_cast %get3A_1501 : vector<1x16xf32> to vector<16xf32>
        %mul3A_1503 = arith.mulf %get3A_1502, %broadcast_in_dim3A_1474 : vector<16xf32>
        %swap3A_1504 = arith.index_cast %add3A_1478 : i32 to index
        %swap3A_1505 = arith.constant 32 : index
        %swap3A_1506 = tpu.vector_load %arg14[%swap3A_1504, %swap3A_1505] {strides = array<i32>} : memref<128x128xf32, #tpu.memory_space<vmem>>, vector<1x16xf32>,
        %swap3A_1507 = vector.shape_cast %swap3A_1506 : vector<1x16xf32> to vector<16xf32>
        %swap3A_1508 = vector.shape_cast %mul3A_1503 : vector<16xf32> to vector<1x16xf32>
        tpu.vector_store %arg14[%swap3A_1504, %swap3A_1505], %swap3A_1508 {strides = array<i32>} : memref<128x128xf32, #tpu.memory_space<vmem>>, vector<1x16xf32>,
        %get3A_1509 = arith.index_cast %add3A_1478 : i32 to index
        %get3A_1510 = arith.constant 48 : index
        %get3A_1511 = tpu.vector_load %arg14[%get3A_1509, %get3A_1510] {strides = array<i32>} : memref<128x128xf32, #tpu.memory_space<vmem>>, vector<1x16xf32>,
        %get3A_1512 = vector.shape_cast %get3A_1511 : vector<1x16xf32> to vector<16xf32>
        %mul3A_1513 = arith.mulf %get3A_1512, %broadcast_in_dim3A_1474 : vector<16xf32>
        %swap3A_1514 = arith.index_cast %add3A_1478 : i32 to index
        %swap3A_1515 = arith.constant 48 : index
        %swap3A_1516 = tpu.vector_load %arg14[%swap3A_1514, %swap3A_1515] {strides = array<i32>} : memref<128x128xf32, #tpu.memory_space<vmem>>, vector<1x16xf32>,
        %swap3A_1517 = vector.shape_cast %swap3A_1516 : vector<1x16xf32> to vector<16xf32>
        %swap3A_1518 = vector.shape_cast %mul3A_1513 : vector<16xf32> to vector<1x16xf32>
        tpu.vector_store %arg14[%swap3A_1514, %swap3A_1515], %swap3A_1518 {strides = array<i32>} : memref<128x128xf32, #tpu.memory_space<vmem>>, vector<1x16xf32>,
        %get3A_1519 = arith.index_cast %add3A_1478 : i32 to index
        %get3A_1520 = arith.constant 64 : index
        %get3A_1521 = tpu.vector_load %arg14[%get3A_1519, %get3A_1520] {strides = array<i32>} : memref<128x128xf32, #tpu.memory_space<vmem>>, vector<1x16xf32>,
        %get3A_1522 = vector.shape_cast %get3A_1521 : vector<1x16xf32> to vector<16xf32>
        %mul3A_1523 = arith.mulf %get3A_1522, %broadcast_in_dim3A_1474 : vector<16xf32>
        %swap3A_1524 = arith.index_cast %add3A_1478 : i32 to index
        %swap3A_1525 = arith.constant 64 : index
        %swap3A_1526 = tpu.vector_load %arg14[%swap3A_1524, %swap3A_1525] {strides = array<i32>} : memref<128x128xf32, #tpu.memory_space<vmem>>, vector<1x16xf32>,
        %swap3A_1527 = vector.shape_cast %swap3A_1526 : vector<1x16xf32> to vector<16xf32>
        %swap3A_1528 = vector.shape_cast %mul3A_1523 : vector<16xf32> to vector<1x16xf32>
        tpu.vector_store %arg14[%swap3A_1524, %swap3A_1525], %swap3A_1528 {strides = array<i32>} : memref<128x128xf32, #tpu.memory_space<vmem>>, vector<1x16xf32>,
        %get3A_1529 = arith.index_cast %add3A_1478 : i32 to index
        %get3A_1530 = arith.constant 80 : index
        %get3A_1531 = tpu.vector_load %arg14[%get3A_1529, %get3A_1530] {strides = array<i32>} : memref<128x128xf32, #tpu.memory_space<vmem>>, vector<1x16xf32>,
        %get3A_1532 = vector.shape_cast %get3A_1531 : vector<1x16xf32> to vector<16xf32>
        %mul3A_1533 = arith.mulf %get3A_1532, %broadcast_in_dim3A_1474 : vector<16xf32>
        %swap3A_1534 = arith.index_cast %add3A_1478 : i32 to index
        %swap3A_1535 = arith.constant 80 : index
        %swap3A_1536 = tpu.vector_load %arg14[%swap3A_1534, %swap3A_1535] {strides = array<i32>} : memref<128x128xf32, #tpu.memory_space<vmem>>, vector<1x16xf32>,
        %swap3A_1537 = vector.shape_cast %swap3A_1536 : vector<1x16xf32> to vector<16xf32>
        %swap3A_1538 = vector.shape_cast %mul3A_1533 : vector<16xf32> to vector<1x16xf32>
        tpu.vector_store %arg14[%swap3A_1534, %swap3A_1535], %swap3A_1538 {strides = array<i32>} : memref<128x128xf32, #tpu.memory_space<vmem>>, vector<1x16xf32>,
        %get3A_1539 = arith.index_cast %add3A_1478 : i32 to index
        %get3A_1540 = arith.constant 96 : index
        %get3A_1541 = tpu.vector_load %arg14[%get3A_1539, %get3A_1540] {strides = array<i32>} : memref<128x128xf32, #tpu.memory_space<vmem>>, vector<1x16xf32>,
        %get3A_1542 = vector.shape_cast %get3A_1541 : vector<1x16xf32> to vector<16xf32>
        %mul3A_1543 = arith.mulf %get3A_1542, %broadcast_in_dim3A_1474 : vector<16xf32>
        %swap3A_1544 = arith.index_cast %add3A_1478 : i32 to index
        %swap3A_1545 = arith.constant 96 : index
        %swap3A_1546 = tpu.vector_load %arg14[%swap3A_1544, %swap3A_1545] {strides = array<i32>} : memref<128x128xf32, #tpu.memory_space<vmem>>, vector<1x16xf32>,
        %swap3A_1547 = vector.shape_cast %swap3A_1546 : vector<1x16xf32> to vector<16xf32>
        %swap3A_1548 = vector.shape_cast %mul3A_1543 : vector<16xf32> to vector<1x16xf32>
        tpu.vector_store %arg14[%swap3A_1544, %swap3A_1545], %swap3A_1548 {strides = array<i32>} : memref<128x128xf32, #tpu.memory_space<vmem>>, vector<1x16xf32>,
        %get3A_1549 = arith.index_cast %add3A_1478 : i32 to index
        %get3A_1550 = arith.constant 112 : index
        %get3A_1551 = tpu.vector_load %arg14[%get3A_1549, %get3A_1550] {strides = array<i32>} : memref<128x128xf32, #tpu.memory_space<vmem>>, vector<1x16xf32>,
        %get3A_1552 = vector.shape_cast %get3A_1551 : vector<1x16xf32> to vector<16xf32>
        %mul3A_1553 = arith.mulf %get3A_1552, %broadcast_in_dim3A_1474 : vector<16xf32>
        %swap3A_1554 = arith.index_cast %add3A_1478 : i32 to index
        %swap3A_1555 = arith.constant 112 : index
        %swap3A_1556 = tpu.vector_load %arg14[%swap3A_1554, %swap3A_1555] {strides = array<i32>} : memref<128x128xf32, #tpu.memory_space<vmem>>, vector<1x16xf32>,
        %swap3A_1557 = vector.shape_cast %swap3A_1556 : vector<1x16xf32> to vector<16xf32>
        %swap3A_1558 = vector.shape_cast %mul3A_1553 : vector<16xf32> to vector<1x16xf32>
        tpu.vector_store %arg14[%swap3A_1554, %swap3A_1555], %swap3A_1558 {strides = array<i32>} : memref<128x128xf32, #tpu.memory_space<vmem>>, vector<1x16xf32>,
        %slice3A_1559 = vector.extract_strided_slice %exp3A {offsets = [14], sizes = [1], strides = [1]} : vector<16xf32> to vector<1xf32>
        %squeeze3A_1560 = vector.extract %slice3A_1559[0] : f32 from vector<1xf32>
        %broadcast_in_dim3A_1561 = vector.broadcast %squeeze3A_1560 : f32 to vector<16xf32>
        %mul3A_1562 = arith.constant 16 : i32
        %mul3A_1563 = arith.muli %scan3A_331, %mul3A_1562 : i32
        %add3A_1564 = arith.constant 14 : i32
        %add3A_1565 = arith.addi %mul3A_1563, %add3A_1564 : i32
        %get3A_1566 = arith.index_cast %add3A_1565 : i32 to index
        %get3A_1567 = arith.constant 0 : index
        %get3A_1568 = tpu.vector_load %arg14[%get3A_1566, %get3A_1567] {strides = array<i32>} : memref<128x128xf32, #tpu.memory_space<vmem>>, vector<1x16xf32>,
        %get3A_1569 = vector.shape_cast %get3A_1568 : vector<1x16xf32> to vector<16xf32>
        %mul3A_1570 = arith.mulf %get3A_1569, %broadcast_in_dim3A_1561 : vector<16xf32>
        %swap3A_1571 = arith.index_cast %add3A_1565 : i32 to index
        %swap3A_1572 = arith.constant 0 : index
        %swap3A_1573 = tpu.vector_load %arg14[%swap3A_1571, %swap3A_1572] {strides = array<i32>} : memref<128x128xf32, #tpu.memory_space<vmem>>, vector<1x16xf32>,
        %swap3A_1574 = vector.shape_cast %swap3A_1573 : vector<1x16xf32> to vector<16xf32>
        %swap3A_1575 = vector.shape_cast %mul3A_1570 : vector<16xf32> to vector<1x16xf32>
        tpu.vector_store %arg14[%swap3A_1571, %swap3A_1572], %swap3A_1575 {strides = array<i32>} : memref<128x128xf32, #tpu.memory_space<vmem>>, vector<1x16xf32>,
        %get3A_1576 = arith.index_cast %add3A_1565 : i32 to index
        %get3A_1577 = arith.constant 16 : index
        %get3A_1578 = tpu.vector_load %arg14[%get3A_1576, %get3A_1577] {strides = array<i32>} : memref<128x128xf32, #tpu.memory_space<vmem>>, vector<1x16xf32>,
        %get3A_1579 = vector.shape_cast %get3A_1578 : vector<1x16xf32> to vector<16xf32>
        %mul3A_1580 = arith.mulf %get3A_1579, %broadcast_in_dim3A_1561 : vector<16xf32>
        %swap3A_1581 = arith.index_cast %add3A_1565 : i32 to index
        %swap3A_1582 = arith.constant 16 : index
        %swap3A_1583 = tpu.vector_load %arg14[%swap3A_1581, %swap3A_1582] {strides = array<i32>} : memref<128x128xf32, #tpu.memory_space<vmem>>, vector<1x16xf32>,
        %swap3A_1584 = vector.shape_cast %swap3A_1583 : vector<1x16xf32> to vector<16xf32>
        %swap3A_1585 = vector.shape_cast %mul3A_1580 : vector<16xf32> to vector<1x16xf32>
        tpu.vector_store %arg14[%swap3A_1581, %swap3A_1582], %swap3A_1585 {strides = array<i32>} : memref<128x128xf32, #tpu.memory_space<vmem>>, vector<1x16xf32>,
        %get3A_1586 = arith.index_cast %add3A_1565 : i32 to index
        %get3A_1587 = arith.constant 32 : index
        %get3A_1588 = tpu.vector_load %arg14[%get3A_1586, %get3A_1587] {strides = array<i32>} : memref<128x128xf32, #tpu.memory_space<vmem>>, vector<1x16xf32>,
        %get3A_1589 = vector.shape_cast %get3A_1588 : vector<1x16xf32> to vector<16xf32>
        %mul3A_1590 = arith.mulf %get3A_1589, %broadcast_in_dim3A_1561 : vector<16xf32>
        %swap3A_1591 = arith.index_cast %add3A_1565 : i32 to index
        %swap3A_1592 = arith.constant 32 : index
        %swap3A_1593 = tpu.vector_load %arg14[%swap3A_1591, %swap3A_1592] {strides = array<i32>} : memref<128x128xf32, #tpu.memory_space<vmem>>, vector<1x16xf32>,
        %swap3A_1594 = vector.shape_cast %swap3A_1593 : vector<1x16xf32> to vector<16xf32>
        %swap3A_1595 = vector.shape_cast %mul3A_1590 : vector<16xf32> to vector<1x16xf32>
        tpu.vector_store %arg14[%swap3A_1591, %swap3A_1592], %swap3A_1595 {strides = array<i32>} : memref<128x128xf32, #tpu.memory_space<vmem>>, vector<1x16xf32>,
        %get3A_1596 = arith.index_cast %add3A_1565 : i32 to index
        %get3A_1597 = arith.constant 48 : index
        %get3A_1598 = tpu.vector_load %arg14[%get3A_1596, %get3A_1597] {strides = array<i32>} : memref<128x128xf32, #tpu.memory_space<vmem>>, vector<1x16xf32>,
        %get3A_1599 = vector.shape_cast %get3A_1598 : vector<1x16xf32> to vector<16xf32>
        %mul3A_1600 = arith.mulf %get3A_1599, %broadcast_in_dim3A_1561 : vector<16xf32>
        %swap3A_1601 = arith.index_cast %add3A_1565 : i32 to index
        %swap3A_1602 = arith.constant 48 : index
        %swap3A_1603 = tpu.vector_load %arg14[%swap3A_1601, %swap3A_1602] {strides = array<i32>} : memref<128x128xf32, #tpu.memory_space<vmem>>, vector<1x16xf32>,
        %swap3A_1604 = vector.shape_cast %swap3A_1603 : vector<1x16xf32> to vector<16xf32>
        %swap3A_1605 = vector.shape_cast %mul3A_1600 : vector<16xf32> to vector<1x16xf32>
        tpu.vector_store %arg14[%swap3A_1601, %swap3A_1602], %swap3A_1605 {strides = array<i32>} : memref<128x128xf32, #tpu.memory_space<vmem>>, vector<1x16xf32>,
        %get3A_1606 = arith.index_cast %add3A_1565 : i32 to index
        %get3A_1607 = arith.constant 64 : index
        %get3A_1608 = tpu.vector_load %arg14[%get3A_1606, %get3A_1607] {strides = array<i32>} : memref<128x128xf32, #tpu.memory_space<vmem>>, vector<1x16xf32>,
        %get3A_1609 = vector.shape_cast %get3A_1608 : vector<1x16xf32> to vector<16xf32>
        %mul3A_1610 = arith.mulf %get3A_1609, %broadcast_in_dim3A_1561 : vector<16xf32>
        %swap3A_1611 = arith.index_cast %add3A_1565 : i32 to index
        %swap3A_1612 = arith.constant 64 : index
        %swap3A_1613 = tpu.vector_load %arg14[%swap3A_1611, %swap3A_1612] {strides = array<i32>} : memref<128x128xf32, #tpu.memory_space<vmem>>, vector<1x16xf32>,
        %swap3A_1614 = vector.shape_cast %swap3A_1613 : vector<1x16xf32> to vector<16xf32>
        %swap3A_1615 = vector.shape_cast %mul3A_1610 : vector<16xf32> to vector<1x16xf32>
        tpu.vector_store %arg14[%swap3A_1611, %swap3A_1612], %swap3A_1615 {strides = array<i32>} : memref<128x128xf32, #tpu.memory_space<vmem>>, vector<1x16xf32>,
        %get3A_1616 = arith.index_cast %add3A_1565 : i32 to index
        %get3A_1617 = arith.constant 80 : index
        %get3A_1618 = tpu.vector_load %arg14[%get3A_1616, %get3A_1617] {strides = array<i32>} : memref<128x128xf32, #tpu.memory_space<vmem>>, vector<1x16xf32>,
        %get3A_1619 = vector.shape_cast %get3A_1618 : vector<1x16xf32> to vector<16xf32>
        %mul3A_1620 = arith.mulf %get3A_1619, %broadcast_in_dim3A_1561 : vector<16xf32>
        %swap3A_1621 = arith.index_cast %add3A_1565 : i32 to index
        %swap3A_1622 = arith.constant 80 : index
        %swap3A_1623 = tpu.vector_load %arg14[%swap3A_1621, %swap3A_1622] {strides = array<i32>} : memref<128x128xf32, #tpu.memory_space<vmem>>, vector<1x16xf32>,
        %swap3A_1624 = vector.shape_cast %swap3A_1623 : vector<1x16xf32> to vector<16xf32>
        %swap3A_1625 = vector.shape_cast %mul3A_1620 : vector<16xf32> to vector<1x16xf32>
        tpu.vector_store %arg14[%swap3A_1621, %swap3A_1622], %swap3A_1625 {strides = array<i32>} : memref<128x128xf32, #tpu.memory_space<vmem>>, vector<1x16xf32>,
        %get3A_1626 = arith.index_cast %add3A_1565 : i32 to index
        %get3A_1627 = arith.constant 96 : index
        %get3A_1628 = tpu.vector_load %arg14[%get3A_1626, %get3A_1627] {strides = array<i32>} : memref<128x128xf32, #tpu.memory_space<vmem>>, vector<1x16xf32>,
        %get3A_1629 = vector.shape_cast %get3A_1628 : vector<1x16xf32> to vector<16xf32>
        %mul3A_1630 = arith.mulf %get3A_1629, %broadcast_in_dim3A_1561 : vector<16xf32>
        %swap3A_1631 = arith.index_cast %add3A_1565 : i32 to index
        %swap3A_1632 = arith.constant 96 : index
        %swap3A_1633 = tpu.vector_load %arg14[%swap3A_1631, %swap3A_1632] {strides = array<i32>} : memref<128x128xf32, #tpu.memory_space<vmem>>, vector<1x16xf32>,
        %swap3A_1634 = vector.shape_cast %swap3A_1633 : vector<1x16xf32> to vector<16xf32>
        %swap3A_1635 = vector.shape_cast %mul3A_1630 : vector<16xf32> to vector<1x16xf32>
        tpu.vector_store %arg14[%swap3A_1631, %swap3A_1632], %swap3A_1635 {strides = array<i32>} : memref<128x128xf32, #tpu.memory_space<vmem>>, vector<1x16xf32>,
        %get3A_1636 = arith.index_cast %add3A_1565 : i32 to index
        %get3A_1637 = arith.constant 112 : index
        %get3A_1638 = tpu.vector_load %arg14[%get3A_1636, %get3A_1637] {strides = array<i32>} : memref<128x128xf32, #tpu.memory_space<vmem>>, vector<1x16xf32>,
        %get3A_1639 = vector.shape_cast %get3A_1638 : vector<1x16xf32> to vector<16xf32>
        %mul3A_1640 = arith.mulf %get3A_1639, %broadcast_in_dim3A_1561 : vector<16xf32>
        %swap3A_1641 = arith.index_cast %add3A_1565 : i32 to index
        %swap3A_1642 = arith.constant 112 : index
        %swap3A_1643 = tpu.vector_load %arg14[%swap3A_1641, %swap3A_1642] {strides = array<i32>} : memref<128x128xf32, #tpu.memory_space<vmem>>, vector<1x16xf32>,
        %swap3A_1644 = vector.shape_cast %swap3A_1643 : vector<1x16xf32> to vector<16xf32>
        %swap3A_1645 = vector.shape_cast %mul3A_1640 : vector<16xf32> to vector<1x16xf32>
        tpu.vector_store %arg14[%swap3A_1641, %swap3A_1642], %swap3A_1645 {strides = array<i32>} : memref<128x128xf32, #tpu.memory_space<vmem>>, vector<1x16xf32>,
        %slice3A_1646 = vector.extract_strided_slice %exp3A {offsets = [15], sizes = [1], strides = [1]} : vector<16xf32> to vector<1xf32>
        %squeeze3A_1647 = vector.extract %slice3A_1646[0] : f32 from vector<1xf32>
        %broadcast_in_dim3A_1648 = vector.broadcast %squeeze3A_1647 : f32 to vector<16xf32>
        %mul3A_1649 = arith.constant 16 : i32
        %mul3A_1650 = arith.muli %scan3A_331, %mul3A_1649 : i32
        %add3A_1651 = arith.constant 15 : i32
        %add3A_1652 = arith.addi %mul3A_1650, %add3A_1651 : i32
        %get3A_1653 = arith.index_cast %add3A_1652 : i32 to index
        %get3A_1654 = arith.constant 0 : index
        %get3A_1655 = tpu.vector_load %arg14[%get3A_1653, %get3A_1654] {strides = array<i32>} : memref<128x128xf32, #tpu.memory_space<vmem>>, vector<1x16xf32>,
        %get3A_1656 = vector.shape_cast %get3A_1655 : vector<1x16xf32> to vector<16xf32>
        %mul3A_1657 = arith.mulf %get3A_1656, %broadcast_in_dim3A_1648 : vector<16xf32>
        %swap3A_1658 = arith.index_cast %add3A_1652 : i32 to index
        %swap3A_1659 = arith.constant 0 : index
        %swap3A_1660 = tpu.vector_load %arg14[%swap3A_1658, %swap3A_1659] {strides = array<i32>} : memref<128x128xf32, #tpu.memory_space<vmem>>, vector<1x16xf32>,
        %swap3A_1661 = vector.shape_cast %swap3A_1660 : vector<1x16xf32> to vector<16xf32>
        %swap3A_1662 = vector.shape_cast %mul3A_1657 : vector<16xf32> to vector<1x16xf32>
        tpu.vector_store %arg14[%swap3A_1658, %swap3A_1659], %swap3A_1662 {strides = array<i32>} : memref<128x128xf32, #tpu.memory_space<vmem>>, vector<1x16xf32>,
        %get3A_1663 = arith.index_cast %add3A_1652 : i32 to index
        %get3A_1664 = arith.constant 16 : index
        %get3A_1665 = tpu.vector_load %arg14[%get3A_1663, %get3A_1664] {strides = array<i32>} : memref<128x128xf32, #tpu.memory_space<vmem>>, vector<1x16xf32>,
        %get3A_1666 = vector.shape_cast %get3A_1665 : vector<1x16xf32> to vector<16xf32>
        %mul3A_1667 = arith.mulf %get3A_1666, %broadcast_in_dim3A_1648 : vector<16xf32>
        %swap3A_1668 = arith.index_cast %add3A_1652 : i32 to index
        %swap3A_1669 = arith.constant 16 : index
        %swap3A_1670 = tpu.vector_load %arg14[%swap3A_1668, %swap3A_1669] {strides = array<i32>} : memref<128x128xf32, #tpu.memory_space<vmem>>, vector<1x16xf32>,
        %swap3A_1671 = vector.shape_cast %swap3A_1670 : vector<1x16xf32> to vector<16xf32>
        %swap3A_1672 = vector.shape_cast %mul3A_1667 : vector<16xf32> to vector<1x16xf32>
        tpu.vector_store %arg14[%swap3A_1668, %swap3A_1669], %swap3A_1672 {strides = array<i32>} : memref<128x128xf32, #tpu.memory_space<vmem>>, vector<1x16xf32>,
        %get3A_1673 = arith.index_cast %add3A_1652 : i32 to index
        %get3A_1674 = arith.constant 32 : index
        %get3A_1675 = tpu.vector_load %arg14[%get3A_1673, %get3A_1674] {strides = array<i32>} : memref<128x128xf32, #tpu.memory_space<vmem>>, vector<1x16xf32>,
        %get3A_1676 = vector.shape_cast %get3A_1675 : vector<1x16xf32> to vector<16xf32>
        %mul3A_1677 = arith.mulf %get3A_1676, %broadcast_in_dim3A_1648 : vector<16xf32>
        %swap3A_1678 = arith.index_cast %add3A_1652 : i32 to index
        %swap3A_1679 = arith.constant 32 : index
        %swap3A_1680 = tpu.vector_load %arg14[%swap3A_1678, %swap3A_1679] {strides = array<i32>} : memref<128x128xf32, #tpu.memory_space<vmem>>, vector<1x16xf32>,
        %swap3A_1681 = vector.shape_cast %swap3A_1680 : vector<1x16xf32> to vector<16xf32>
        %swap3A_1682 = vector.shape_cast %mul3A_1677 : vector<16xf32> to vector<1x16xf32>
        tpu.vector_store %arg14[%swap3A_1678, %swap3A_1679], %swap3A_1682 {strides = array<i32>} : memref<128x128xf32, #tpu.memory_space<vmem>>, vector<1x16xf32>,
        %get3A_1683 = arith.index_cast %add3A_1652 : i32 to index
        %get3A_1684 = arith.constant 48 : index
        %get3A_1685 = tpu.vector_load %arg14[%get3A_1683, %get3A_1684] {strides = array<i32>} : memref<128x128xf32, #tpu.memory_space<vmem>>, vector<1x16xf32>,
        %get3A_1686 = vector.shape_cast %get3A_1685 : vector<1x16xf32> to vector<16xf32>
        %mul3A_1687 = arith.mulf %get3A_1686, %broadcast_in_dim3A_1648 : vector<16xf32>
        %swap3A_1688 = arith.index_cast %add3A_1652 : i32 to index
        %swap3A_1689 = arith.constant 48 : index
        %swap3A_1690 = tpu.vector_load %arg14[%swap3A_1688, %swap3A_1689] {strides = array<i32>} : memref<128x128xf32, #tpu.memory_space<vmem>>, vector<1x16xf32>,
        %swap3A_1691 = vector.shape_cast %swap3A_1690 : vector<1x16xf32> to vector<16xf32>
        %swap3A_1692 = vector.shape_cast %mul3A_1687 : vector<16xf32> to vector<1x16xf32>
        tpu.vector_store %arg14[%swap3A_1688, %swap3A_1689], %swap3A_1692 {strides = array<i32>} : memref<128x128xf32, #tpu.memory_space<vmem>>, vector<1x16xf32>,
        %get3A_1693 = arith.index_cast %add3A_1652 : i32 to index
        %get3A_1694 = arith.constant 64 : index
        %get3A_1695 = tpu.vector_load %arg14[%get3A_1693, %get3A_1694] {strides = array<i32>} : memref<128x128xf32, #tpu.memory_space<vmem>>, vector<1x16xf32>,
        %get3A_1696 = vector.shape_cast %get3A_1695 : vector<1x16xf32> to vector<16xf32>
        %mul3A_1697 = arith.mulf %get3A_1696, %broadcast_in_dim3A_1648 : vector<16xf32>
        %swap3A_1698 = arith.index_cast %add3A_1652 : i32 to index
        %swap3A_1699 = arith.constant 64 : index
        %swap3A_1700 = tpu.vector_load %arg14[%swap3A_1698, %swap3A_1699] {strides = array<i32>} : memref<128x128xf32, #tpu.memory_space<vmem>>, vector<1x16xf32>,
        %swap3A_1701 = vector.shape_cast %swap3A_1700 : vector<1x16xf32> to vector<16xf32>
        %swap3A_1702 = vector.shape_cast %mul3A_1697 : vector<16xf32> to vector<1x16xf32>
        tpu.vector_store %arg14[%swap3A_1698, %swap3A_1699], %swap3A_1702 {strides = array<i32>} : memref<128x128xf32, #tpu.memory_space<vmem>>, vector<1x16xf32>,
        %get3A_1703 = arith.index_cast %add3A_1652 : i32 to index
        %get3A_1704 = arith.constant 80 : index
        %get3A_1705 = tpu.vector_load %arg14[%get3A_1703, %get3A_1704] {strides = array<i32>} : memref<128x128xf32, #tpu.memory_space<vmem>>, vector<1x16xf32>,
        %get3A_1706 = vector.shape_cast %get3A_1705 : vector<1x16xf32> to vector<16xf32>
        %mul3A_1707 = arith.mulf %get3A_1706, %broadcast_in_dim3A_1648 : vector<16xf32>
        %swap3A_1708 = arith.index_cast %add3A_1652 : i32 to index
        %swap3A_1709 = arith.constant 80 : index
        %swap3A_1710 = tpu.vector_load %arg14[%swap3A_1708, %swap3A_1709] {strides = array<i32>} : memref<128x128xf32, #tpu.memory_space<vmem>>, vector<1x16xf32>,
        %swap3A_1711 = vector.shape_cast %swap3A_1710 : vector<1x16xf32> to vector<16xf32>
        %swap3A_1712 = vector.shape_cast %mul3A_1707 : vector<16xf32> to vector<1x16xf32>
        tpu.vector_store %arg14[%swap3A_1708, %swap3A_1709], %swap3A_1712 {strides = array<i32>} : memref<128x128xf32, #tpu.memory_space<vmem>>, vector<1x16xf32>,
        %get3A_1713 = arith.index_cast %add3A_1652 : i32 to index
        %get3A_1714 = arith.constant 96 : index
        %get3A_1715 = tpu.vector_load %arg14[%get3A_1713, %get3A_1714] {strides = array<i32>} : memref<128x128xf32, #tpu.memory_space<vmem>>, vector<1x16xf32>,
        %get3A_1716 = vector.shape_cast %get3A_1715 : vector<1x16xf32> to vector<16xf32>
        %mul3A_1717 = arith.mulf %get3A_1716, %broadcast_in_dim3A_1648 : vector<16xf32>
        %swap3A_1718 = arith.index_cast %add3A_1652 : i32 to index
        %swap3A_1719 = arith.constant 96 : index
        %swap3A_1720 = tpu.vector_load %arg14[%swap3A_1718, %swap3A_1719] {strides = array<i32>} : memref<128x128xf32, #tpu.memory_space<vmem>>, vector<1x16xf32>,
        %swap3A_1721 = vector.shape_cast %swap3A_1720 : vector<1x16xf32> to vector<16xf32>
        %swap3A_1722 = vector.shape_cast %mul3A_1717 : vector<16xf32> to vector<1x16xf32>
        tpu.vector_store %arg14[%swap3A_1718, %swap3A_1719], %swap3A_1722 {strides = array<i32>} : memref<128x128xf32, #tpu.memory_space<vmem>>, vector<1x16xf32>,
        %get3A_1723 = arith.index_cast %add3A_1652 : i32 to index
        %get3A_1724 = arith.constant 112 : index
        %get3A_1725 = tpu.vector_load %arg14[%get3A_1723, %get3A_1724] {strides = array<i32>} : memref<128x128xf32, #tpu.memory_space<vmem>>, vector<1x16xf32>,
        %get3A_1726 = vector.shape_cast %get3A_1725 : vector<1x16xf32> to vector<16xf32>
        %mul3A_1727 = arith.mulf %get3A_1726, %broadcast_in_dim3A_1648 : vector<16xf32>
        %swap3A_1728 = arith.index_cast %add3A_1652 : i32 to index
        %swap3A_1729 = arith.constant 112 : index
        %swap3A_1730 = tpu.vector_load %arg14[%swap3A_1728, %swap3A_1729] {strides = array<i32>} : memref<128x128xf32, #tpu.memory_space<vmem>>, vector<1x16xf32>,
        %swap3A_1731 = vector.shape_cast %swap3A_1730 : vector<1x16xf32> to vector<16xf32>
        %swap3A_1732 = vector.shape_cast %mul3A_1727 : vector<16xf32> to vector<1x16xf32>
        tpu.vector_store %arg14[%swap3A_1728, %swap3A_1729], %swap3A_1732 {strides = array<i32>} : memref<128x128xf32, #tpu.memory_space<vmem>>, vector<1x16xf32>,
      }
      %scan3A_253 = arith.constant 8 : i32
      %dma_start3A_254 = arith.constant 0 : i32
      %dma_start3A_255 = tpu.memref_slice %arg11[%mul3A_233, %dma_start3A_254] : memref<40x128xi32, #tpu.memory_space<vmem>> -> memref<1x128xi32, #tpu.memory_space<vmem>>
      %dma_start3A_256 = tpu.memref_squeeze %dma_start3A_255 : memref<1x128xi32, #tpu.memory_space<vmem>> -> memref<128xi32, #tpu.memory_space<vmem>>
      %dma_start3A_257 = arith.constant 0 : i32
      %dma_start3A_258 = arith.constant 0 : i32
      %dma_start3A_259 = tpu.memref_slice %arg8[%dma_start3A_257, %dma_start3A_258] : memref<8192x128xf32, #tpu.memory_space<vmem_shared>> -> memref<8192x128xf32, #tpu.memory_space<vmem_shared>>
      tpu.enqueue_indirect_dma source(%arg14 : memref<128x128xf32, #tpu.memory_space<vmem>>) target(%dma_start3A_259 : memref<8192x128xf32, #tpu.memory_space<vmem_shared>>) offsets(%dma_start3A_256 : memref<128xi32, #tpu.memory_space<vmem>>) semaphore(%arg21 : memref<!tpu.dma_semaphore, #tpu.memory_space<semaphore_mem>>) {add = true}
      %dma_start3A_260 = arith.constant 0 : i32
      %dma_start3A_261 = tpu.memref_slice %arg11[%mul3A_233, %dma_start3A_260] : memref<40x128xi32, #tpu.memory_space<vmem>> -> memref<1x128xi32, #tpu.memory_space<vmem>>
      %dma_start3A_262 = tpu.memref_squeeze %dma_start3A_261 : memref<1x128xi32, #tpu.memory_space<vmem>> -> memref<128xi32, #tpu.memory_space<vmem>>
      %dma_start3A_263 = arith.constant 0 : i32
      %dma_start3A_264 = tpu.memref_slice %arg9[%dma_start3A_263] : memref<8192xf32, #tpu.memory_space<vmem_shared>> -> memref<8192xf32, #tpu.memory_space<vmem_shared>>
      tpu.enqueue_indirect_dma source(%arg16 : memref<128xf32, #tpu.memory_space<vmem>>) target(%dma_start3A_264 : memref<8192xf32, #tpu.memory_space<vmem_shared>>) offsets(%dma_start3A_262 : memref<128xi32, #tpu.memory_space<vmem>>) semaphore(%arg23 : memref<!tpu.dma_semaphore, #tpu.memory_space<semaphore_mem>>) {add = true}
      %add3A_265 = arith.constant 1 : i32
      %add3A_266 = arith.addi %mul3A_233, %add3A_265 : i32
      %dma_wait3A_267 = arith.constant 0 : i32
      %dma_wait3A_268 = tpu.memref_slice %arg12[%add3A_266, %dma_wait3A_267] : memref<40x128xi32, #tpu.memory_space<vmem>> -> memref<1x128xi32, #tpu.memory_space<vmem>>
      %dma_wait3A_269 = tpu.memref_squeeze %dma_wait3A_268 : memref<1x128xi32, #tpu.memory_space<vmem>> -> memref<128xi32, #tpu.memory_space<vmem>>
      %dma_wait3A_270 = arith.constant 0 : i32
      %dma_wait3A_271 = arith.constant 0 : i32
      %dma_wait3A_272 = tpu.memref_slice %arg10[%dma_wait3A_270, %dma_wait3A_271] : memref<2000x128xf32, #tpu.memory_space<vmem_shared>> -> memref<2000x128xf32, #tpu.memory_space<vmem_shared>>
      tpu.wait_indirect_dma semaphore(%arg20 : memref<!tpu.dma_semaphore, #tpu.memory_space<semaphore_mem>>) src(%dma_wait3A_272 : memref<2000x128xf32, #tpu.memory_space<vmem_shared>>) dst(%arg15 : memref<128x128xf32, #tpu.memory_space<vmem>>)
      %add3A_273 = arith.constant 1 : i32
      %add3A_274 = arith.addi %mul3A_233, %add3A_273 : i32
      %scan3A_275 = arith.constant 0 : i32
      %scan3A_276 = arith.constant 0 : i32
      %scan3A_277 = arith.constant 8 : i32
      %scan3A_278 = arith.addi %scan3A_276, %scan3A_277 : i32
      %scan3A_279 = arith.constant 1 : i32
      scf.for %scan3A_331 = %scan3A_276 to %scan3A_278 step %scan3A_279  : i32 {
        %mul3A_332 = arith.constant 16 : i32
        %mul3A_333 = arith.muli %scan3A_331, %mul3A_332 : i32
        %get3A = arith.index_cast %add3A_274 : i32 to index
        %get3A_334 = arith.index_cast %mul3A_333 : i32 to index
        %get3A_335 = tpu.vector_load %arg13[%get3A, %get3A_334] {strides = array<i32>} : memref<40x128xf32, #tpu.memory_space<vmem>>, vector<1x16xf32>,
        %get3A_336 = vector.shape_cast %get3A_335 : vector<1x16xf32> to vector<16xf32>
        %exp3A = math.exp %get3A_336 : vector<16xf32>
        %mul3A_337 = arith.constant 16 : i32
        %mul3A_338 = arith.muli %scan3A_331, %mul3A_337 : i32
        %swap3A_339 = arith.index_cast %mul3A_338 : i32 to index
        %swap3A_340 = tpu.vector_load %arg17[%swap3A_339] {strides = array<i32>} : memref<128xf32, #tpu.memory_space<vmem>>, vector<16xf32>,
        %swap3A_341 = vector.shape_cast %swap3A_340 : vector<16xf32> to vector<16xf32>
        %swap3A_342 = vector.shape_cast %exp3A : vector<16xf32> to vector<16xf32>
        tpu.vector_store %arg17[%swap3A_339], %swap3A_342 {strides = array<i32>} : memref<128xf32, #tpu.memory_space<vmem>>, vector<16xf32>,
        %slice3A = vector.extract_strided_slice %exp3A {offsets = [0], sizes = [1], strides = [1]} : vector<16xf32> to vector<1xf32>
        %squeeze3A = vector.extract %slice3A[0] : f32 from vector<1xf32>
        %broadcast_in_dim3A_343 = vector.broadcast %squeeze3A : f32 to vector<16xf32>
        %mul3A_344 = arith.constant 16 : i32
        %mul3A_345 = arith.muli %scan3A_331, %mul3A_344 : i32
        %add3A_346 = arith.constant 0 : i32
        %add3A_347 = arith.addi %mul3A_345, %add3A_346 : i32
        %get3A_348 = arith.index_cast %add3A_347 : i32 to index
        %get3A_349 = arith.constant 0 : index
        %get3A_350 = tpu.vector_load %arg15[%get3A_348, %get3A_349] {strides = array<i32>} : memref<128x128xf32, #tpu.memory_space<vmem>>, vector<1x16xf32>,
        %get3A_351 = vector.shape_cast %get3A_350 : vector<1x16xf32> to vector<16xf32>
        %mul3A_352 = arith.mulf %get3A_351, %broadcast_in_dim3A_343 : vector<16xf32>
        %swap3A_353 = arith.index_cast %add3A_347 : i32 to index
        %swap3A_354 = arith.constant 0 : index
        %swap3A_355 = tpu.vector_load %arg15[%swap3A_353, %swap3A_354] {strides = array<i32>} : memref<128x128xf32, #tpu.memory_space<vmem>>, vector<1x16xf32>,
        %swap3A_356 = vector.shape_cast %swap3A_355 : vector<1x16xf32> to vector<16xf32>
        %swap3A_357 = vector.shape_cast %mul3A_352 : vector<16xf32> to vector<1x16xf32>
        tpu.vector_store %arg15[%swap3A_353, %swap3A_354], %swap3A_357 {strides = array<i32>} : memref<128x128xf32, #tpu.memory_space<vmem>>, vector<1x16xf32>,
        %get3A_358 = arith.index_cast %add3A_347 : i32 to index
        %get3A_359 = arith.constant 16 : index
        %get3A_360 = tpu.vector_load %arg15[%get3A_358, %get3A_359] {strides = array<i32>} : memref<128x128xf32, #tpu.memory_space<vmem>>, vector<1x16xf32>,
        %get3A_361 = vector.shape_cast %get3A_360 : vector<1x16xf32> to vector<16xf32>
        %mul3A_362 = arith.mulf %get3A_361, %broadcast_in_dim3A_343 : vector<16xf32>
        %swap3A_363 = arith.index_cast %add3A_347 : i32 to index
        %swap3A_364 = arith.constant 16 : index
        %swap3A_365 = tpu.vector_load %arg15[%swap3A_363, %swap3A_364] {strides = array<i32>} : memref<128x128xf32, #tpu.memory_space<vmem>>, vector<1x16xf32>,
        %swap3A_366 = vector.shape_cast %swap3A_365 : vector<1x16xf32> to vector<16xf32>
        %swap3A_367 = vector.shape_cast %mul3A_362 : vector<16xf32> to vector<1x16xf32>
        tpu.vector_store %arg15[%swap3A_363, %swap3A_364], %swap3A_367 {strides = array<i32>} : memref<128x128xf32, #tpu.memory_space<vmem>>, vector<1x16xf32>,
        %get3A_368 = arith.index_cast %add3A_347 : i32 to index
        %get3A_369 = arith.constant 32 : index
        %get3A_370 = tpu.vector_load %arg15[%get3A_368, %get3A_369] {strides = array<i32>} : memref<128x128xf32, #tpu.memory_space<vmem>>, vector<1x16xf32>,
        %get3A_371 = vector.shape_cast %get3A_370 : vector<1x16xf32> to vector<16xf32>
        %mul3A_372 = arith.mulf %get3A_371, %broadcast_in_dim3A_343 : vector<16xf32>
        %swap3A_373 = arith.index_cast %add3A_347 : i32 to index
        %swap3A_374 = arith.constant 32 : index
        %swap3A_375 = tpu.vector_load %arg15[%swap3A_373, %swap3A_374] {strides = array<i32>} : memref<128x128xf32, #tpu.memory_space<vmem>>, vector<1x16xf32>,
        %swap3A_376 = vector.shape_cast %swap3A_375 : vector<1x16xf32> to vector<16xf32>
        %swap3A_377 = vector.shape_cast %mul3A_372 : vector<16xf32> to vector<1x16xf32>
        tpu.vector_store %arg15[%swap3A_373, %swap3A_374], %swap3A_377 {strides = array<i32>} : memref<128x128xf32, #tpu.memory_space<vmem>>, vector<1x16xf32>,
        %get3A_378 = arith.index_cast %add3A_347 : i32 to index
        %get3A_379 = arith.constant 48 : index
        %get3A_380 = tpu.vector_load %arg15[%get3A_378, %get3A_379] {strides = array<i32>} : memref<128x128xf32, #tpu.memory_space<vmem>>, vector<1x16xf32>,
        %get3A_381 = vector.shape_cast %get3A_380 : vector<1x16xf32> to vector<16xf32>
        %mul3A_382 = arith.mulf %get3A_381, %broadcast_in_dim3A_343 : vector<16xf32>
        %swap3A_383 = arith.index_cast %add3A_347 : i32 to index
        %swap3A_384 = arith.constant 48 : index
        %swap3A_385 = tpu.vector_load %arg15[%swap3A_383, %swap3A_384] {strides = array<i32>} : memref<128x128xf32, #tpu.memory_space<vmem>>, vector<1x16xf32>,
        %swap3A_386 = vector.shape_cast %swap3A_385 : vector<1x16xf32> to vector<16xf32>
        %swap3A_387 = vector.shape_cast %mul3A_382 : vector<16xf32> to vector<1x16xf32>
        tpu.vector_store %arg15[%swap3A_383, %swap3A_384], %swap3A_387 {strides = array<i32>} : memref<128x128xf32, #tpu.memory_space<vmem>>, vector<1x16xf32>,
        %get3A_388 = arith.index_cast %add3A_347 : i32 to index
        %get3A_389 = arith.constant 64 : index
        %get3A_390 = tpu.vector_load %arg15[%get3A_388, %get3A_389] {strides = array<i32>} : memref<128x128xf32, #tpu.memory_space<vmem>>, vector<1x16xf32>,
        %get3A_391 = vector.shape_cast %get3A_390 : vector<1x16xf32> to vector<16xf32>
        %mul3A_392 = arith.mulf %get3A_391, %broadcast_in_dim3A_343 : vector<16xf32>
        %swap3A_393 = arith.index_cast %add3A_347 : i32 to index
        %swap3A_394 = arith.constant 64 : index
        %swap3A_395 = tpu.vector_load %arg15[%swap3A_393, %swap3A_394] {strides = array<i32>} : memref<128x128xf32, #tpu.memory_space<vmem>>, vector<1x16xf32>,
        %swap3A_396 = vector.shape_cast %swap3A_395 : vector<1x16xf32> to vector<16xf32>
        %swap3A_397 = vector.shape_cast %mul3A_392 : vector<16xf32> to vector<1x16xf32>
        tpu.vector_store %arg15[%swap3A_393, %swap3A_394], %swap3A_397 {strides = array<i32>} : memref<128x128xf32, #tpu.memory_space<vmem>>, vector<1x16xf32>,
        %get3A_398 = arith.index_cast %add3A_347 : i32 to index
        %get3A_399 = arith.constant 80 : index
        %get3A_400 = tpu.vector_load %arg15[%get3A_398, %get3A_399] {strides = array<i32>} : memref<128x128xf32, #tpu.memory_space<vmem>>, vector<1x16xf32>,
        %get3A_401 = vector.shape_cast %get3A_400 : vector<1x16xf32> to vector<16xf32>
        %mul3A_402 = arith.mulf %get3A_401, %broadcast_in_dim3A_343 : vector<16xf32>
        %swap3A_403 = arith.index_cast %add3A_347 : i32 to index
        %swap3A_404 = arith.constant 80 : index
        %swap3A_405 = tpu.vector_load %arg15[%swap3A_403, %swap3A_404] {strides = array<i32>} : memref<128x128xf32, #tpu.memory_space<vmem>>, vector<1x16xf32>,
        %swap3A_406 = vector.shape_cast %swap3A_405 : vector<1x16xf32> to vector<16xf32>
        %swap3A_407 = vector.shape_cast %mul3A_402 : vector<16xf32> to vector<1x16xf32>
        tpu.vector_store %arg15[%swap3A_403, %swap3A_404], %swap3A_407 {strides = array<i32>} : memref<128x128xf32, #tpu.memory_space<vmem>>, vector<1x16xf32>,
        %get3A_408 = arith.index_cast %add3A_347 : i32 to index
        %get3A_409 = arith.constant 96 : index
        %get3A_410 = tpu.vector_load %arg15[%get3A_408, %get3A_409] {strides = array<i32>} : memref<128x128xf32, #tpu.memory_space<vmem>>, vector<1x16xf32>,
        %get3A_411 = vector.shape_cast %get3A_410 : vector<1x16xf32> to vector<16xf32>
        %mul3A_412 = arith.mulf %get3A_411, %broadcast_in_dim3A_343 : vector<16xf32>
        %swap3A_413 = arith.index_cast %add3A_347 : i32 to index
        %swap3A_414 = arith.constant 96 : index
        %swap3A_415 = tpu.vector_load %arg15[%swap3A_413, %swap3A_414] {strides = array<i32>} : memref<128x128xf32, #tpu.memory_space<vmem>>, vector<1x16xf32>,
        %swap3A_416 = vector.shape_cast %swap3A_415 : vector<1x16xf32> to vector<16xf32>
        %swap3A_417 = vector.shape_cast %mul3A_412 : vector<16xf32> to vector<1x16xf32>
        tpu.vector_store %arg15[%swap3A_413, %swap3A_414], %swap3A_417 {strides = array<i32>} : memref<128x128xf32, #tpu.memory_space<vmem>>, vector<1x16xf32>,
        %get3A_418 = arith.index_cast %add3A_347 : i32 to index
        %get3A_419 = arith.constant 112 : index
        %get3A_420 = tpu.vector_load %arg15[%get3A_418, %get3A_419] {strides = array<i32>} : memref<128x128xf32, #tpu.memory_space<vmem>>, vector<1x16xf32>,
        %get3A_421 = vector.shape_cast %get3A_420 : vector<1x16xf32> to vector<16xf32>
        %mul3A_422 = arith.mulf %get3A_421, %broadcast_in_dim3A_343 : vector<16xf32>
        %swap3A_423 = arith.index_cast %add3A_347 : i32 to index
        %swap3A_424 = arith.constant 112 : index
        %swap3A_425 = tpu.vector_load %arg15[%swap3A_423, %swap3A_424] {strides = array<i32>} : memref<128x128xf32, #tpu.memory_space<vmem>>, vector<1x16xf32>,
        %swap3A_426 = vector.shape_cast %swap3A_425 : vector<1x16xf32> to vector<16xf32>
        %swap3A_427 = vector.shape_cast %mul3A_422 : vector<16xf32> to vector<1x16xf32>
        tpu.vector_store %arg15[%swap3A_423, %swap3A_424], %swap3A_427 {strides = array<i32>} : memref<128x128xf32, #tpu.memory_space<vmem>>, vector<1x16xf32>,
        %slice3A_428 = vector.extract_strided_slice %exp3A {offsets = [1], sizes = [1], strides = [1]} : vector<16xf32> to vector<1xf32>
        %squeeze3A_429 = vector.extract %slice3A_428[0] : f32 from vector<1xf32>
        %broadcast_in_dim3A_430 = vector.broadcast %squeeze3A_429 : f32 to vector<16xf32>
        %mul3A_431 = arith.constant 16 : i32
        %mul3A_432 = arith.muli %scan3A_331, %mul3A_431 : i32
        %add3A_433 = arith.constant 1 : i32
        %add3A_434 = arith.addi %mul3A_432, %add3A_433 : i32
        %get3A_435 = arith.index_cast %add3A_434 : i32 to index
        %get3A_436 = arith.constant 0 : index
        %get3A_437 = tpu.vector_load %arg15[%get3A_435, %get3A_436] {strides = array<i32>} : memref<128x128xf32, #tpu.memory_space<vmem>>, vector<1x16xf32>,
        %get3A_438 = vector.shape_cast %get3A_437 : vector<1x16xf32> to vector<16xf32>
        %mul3A_439 = arith.mulf %get3A_438, %broadcast_in_dim3A_430 : vector<16xf32>
        %swap3A_440 = arith.index_cast %add3A_434 : i32 to index
        %swap3A_441 = arith.constant 0 : index
        %swap3A_442 = tpu.vector_load %arg15[%swap3A_440, %swap3A_441] {strides = array<i32>} : memref<128x128xf32, #tpu.memory_space<vmem>>, vector<1x16xf32>,
        %swap3A_443 = vector.shape_cast %swap3A_442 : vector<1x16xf32> to vector<16xf32>
        %swap3A_444 = vector.shape_cast %mul3A_439 : vector<16xf32> to vector<1x16xf32>
        tpu.vector_store %arg15[%swap3A_440, %swap3A_441], %swap3A_444 {strides = array<i32>} : memref<128x128xf32, #tpu.memory_space<vmem>>, vector<1x16xf32>,
        %get3A_445 = arith.index_cast %add3A_434 : i32 to index
        %get3A_446 = arith.constant 16 : index
        %get3A_447 = tpu.vector_load %arg15[%get3A_445, %get3A_446] {strides = array<i32>} : memref<128x128xf32, #tpu.memory_space<vmem>>, vector<1x16xf32>,
        %get3A_448 = vector.shape_cast %get3A_447 : vector<1x16xf32> to vector<16xf32>
        %mul3A_449 = arith.mulf %get3A_448, %broadcast_in_dim3A_430 : vector<16xf32>
        %swap3A_450 = arith.index_cast %add3A_434 : i32 to index
        %swap3A_451 = arith.constant 16 : index
        %swap3A_452 = tpu.vector_load %arg15[%swap3A_450, %swap3A_451] {strides = array<i32>} : memref<128x128xf32, #tpu.memory_space<vmem>>, vector<1x16xf32>,
        %swap3A_453 = vector.shape_cast %swap3A_452 : vector<1x16xf32> to vector<16xf32>
        %swap3A_454 = vector.shape_cast %mul3A_449 : vector<16xf32> to vector<1x16xf32>
        tpu.vector_store %arg15[%swap3A_450, %swap3A_451], %swap3A_454 {strides = array<i32>} : memref<128x128xf32, #tpu.memory_space<vmem>>, vector<1x16xf32>,
        %get3A_455 = arith.index_cast %add3A_434 : i32 to index
        %get3A_456 = arith.constant 32 : index
        %get3A_457 = tpu.vector_load %arg15[%get3A_455, %get3A_456] {strides = array<i32>} : memref<128x128xf32, #tpu.memory_space<vmem>>, vector<1x16xf32>,
        %get3A_458 = vector.shape_cast %get3A_457 : vector<1x16xf32> to vector<16xf32>
        %mul3A_459 = arith.mulf %get3A_458, %broadcast_in_dim3A_430 : vector<16xf32>
        %swap3A_460 = arith.index_cast %add3A_434 : i32 to index
        %swap3A_461 = arith.constant 32 : index
        %swap3A_462 = tpu.vector_load %arg15[%swap3A_460, %swap3A_461] {strides = array<i32>} : memref<128x128xf32, #tpu.memory_space<vmem>>, vector<1x16xf32>,
        %swap3A_463 = vector.shape_cast %swap3A_462 : vector<1x16xf32> to vector<16xf32>
        %swap3A_464 = vector.shape_cast %mul3A_459 : vector<16xf32> to vector<1x16xf32>
        tpu.vector_store %arg15[%swap3A_460, %swap3A_461], %swap3A_464 {strides = array<i32>} : memref<128x128xf32, #tpu.memory_space<vmem>>, vector<1x16xf32>,
        %get3A_465 = arith.index_cast %add3A_434 : i32 to index
        %get3A_466 = arith.constant 48 : index
        %get3A_467 = tpu.vector_load %arg15[%get3A_465, %get3A_466] {strides = array<i32>} : memref<128x128xf32, #tpu.memory_space<vmem>>, vector<1x16xf32>,
        %get3A_468 = vector.shape_cast %get3A_467 : vector<1x16xf32> to vector<16xf32>
        %mul3A_469 = arith.mulf %get3A_468, %broadcast_in_dim3A_430 : vector<16xf32>
        %swap3A_470 = arith.index_cast %add3A_434 : i32 to index
        %swap3A_471 = arith.constant 48 : index
        %swap3A_472 = tpu.vector_load %arg15[%swap3A_470, %swap3A_471] {strides = array<i32>} : memref<128x128xf32, #tpu.memory_space<vmem>>, vector<1x16xf32>,
        %swap3A_473 = vector.shape_cast %swap3A_472 : vector<1x16xf32> to vector<16xf32>
        %swap3A_474 = vector.shape_cast %mul3A_469 : vector<16xf32> to vector<1x16xf32>
        tpu.vector_store %arg15[%swap3A_470, %swap3A_471], %swap3A_474 {strides = array<i32>} : memref<128x128xf32, #tpu.memory_space<vmem>>, vector<1x16xf32>,
        %get3A_475 = arith.index_cast %add3A_434 : i32 to index
        %get3A_476 = arith.constant 64 : index
        %get3A_477 = tpu.vector_load %arg15[%get3A_475, %get3A_476] {strides = array<i32>} : memref<128x128xf32, #tpu.memory_space<vmem>>, vector<1x16xf32>,
        %get3A_478 = vector.shape_cast %get3A_477 : vector<1x16xf32> to vector<16xf32>
        %mul3A_479 = arith.mulf %get3A_478, %broadcast_in_dim3A_430 : vector<16xf32>
        %swap3A_480 = arith.index_cast %add3A_434 : i32 to index
        %swap3A_481 = arith.constant 64 : index
        %swap3A_482 = tpu.vector_load %arg15[%swap3A_480, %swap3A_481] {strides = array<i32>} : memref<128x128xf32, #tpu.memory_space<vmem>>, vector<1x16xf32>,
        %swap3A_483 = vector.shape_cast %swap3A_482 : vector<1x16xf32> to vector<16xf32>
        %swap3A_484 = vector.shape_cast %mul3A_479 : vector<16xf32> to vector<1x16xf32>
        tpu.vector_store %arg15[%swap3A_480, %swap3A_481], %swap3A_484 {strides = array<i32>} : memref<128x128xf32, #tpu.memory_space<vmem>>, vector<1x16xf32>,
        %get3A_485 = arith.index_cast %add3A_434 : i32 to index
        %get3A_486 = arith.constant 80 : index
        %get3A_487 = tpu.vector_load %arg15[%get3A_485, %get3A_486] {strides = array<i32>} : memref<128x128xf32, #tpu.memory_space<vmem>>, vector<1x16xf32>,
        %get3A_488 = vector.shape_cast %get3A_487 : vector<1x16xf32> to vector<16xf32>
        %mul3A_489 = arith.mulf %get3A_488, %broadcast_in_dim3A_430 : vector<16xf32>
        %swap3A_490 = arith.index_cast %add3A_434 : i32 to index
        %swap3A_491 = arith.constant 80 : index
        %swap3A_492 = tpu.vector_load %arg15[%swap3A_490, %swap3A_491] {strides = array<i32>} : memref<128x128xf32, #tpu.memory_space<vmem>>, vector<1x16xf32>,
        %swap3A_493 = vector.shape_cast %swap3A_492 : vector<1x16xf32> to vector<16xf32>
        %swap3A_494 = vector.shape_cast %mul3A_489 : vector<16xf32> to vector<1x16xf32>
        tpu.vector_store %arg15[%swap3A_490, %swap3A_491], %swap3A_494 {strides = array<i32>} : memref<128x128xf32, #tpu.memory_space<vmem>>, vector<1x16xf32>,
        %get3A_495 = arith.index_cast %add3A_434 : i32 to index
        %get3A_496 = arith.constant 96 : index
        %get3A_497 = tpu.vector_load %arg15[%get3A_495, %get3A_496] {strides = array<i32>} : memref<128x128xf32, #tpu.memory_space<vmem>>, vector<1x16xf32>,
        %get3A_498 = vector.shape_cast %get3A_497 : vector<1x16xf32> to vector<16xf32>
        %mul3A_499 = arith.mulf %get3A_498, %broadcast_in_dim3A_430 : vector<16xf32>
        %swap3A_500 = arith.index_cast %add3A_434 : i32 to index
        %swap3A_501 = arith.constant 96 : index
        %swap3A_502 = tpu.vector_load %arg15[%swap3A_500, %swap3A_501] {strides = array<i32>} : memref<128x128xf32, #tpu.memory_space<vmem>>, vector<1x16xf32>,
        %swap3A_503 = vector.shape_cast %swap3A_502 : vector<1x16xf32> to vector<16xf32>
        %swap3A_504 = vector.shape_cast %mul3A_499 : vector<16xf32> to vector<1x16xf32>
        tpu.vector_store %arg15[%swap3A_500, %swap3A_501], %swap3A_504 {strides = array<i32>} : memref<128x128xf32, #tpu.memory_space<vmem>>, vector<1x16xf32>,
        %get3A_505 = arith.index_cast %add3A_434 : i32 to index
        %get3A_506 = arith.constant 112 : index
        %get3A_507 = tpu.vector_load %arg15[%get3A_505, %get3A_506] {strides = array<i32>} : memref<128x128xf32, #tpu.memory_space<vmem>>, vector<1x16xf32>,
        %get3A_508 = vector.shape_cast %get3A_507 : vector<1x16xf32> to vector<16xf32>
        %mul3A_509 = arith.mulf %get3A_508, %broadcast_in_dim3A_430 : vector<16xf32>
        %swap3A_510 = arith.index_cast %add3A_434 : i32 to index
        %swap3A_511 = arith.constant 112 : index
        %swap3A_512 = tpu.vector_load %arg15[%swap3A_510, %swap3A_511] {strides = array<i32>} : memref<128x128xf32, #tpu.memory_space<vmem>>, vector<1x16xf32>,
        %swap3A_513 = vector.shape_cast %swap3A_512 : vector<1x16xf32> to vector<16xf32>
        %swap3A_514 = vector.shape_cast %mul3A_509 : vector<16xf32> to vector<1x16xf32>
        tpu.vector_store %arg15[%swap3A_510, %swap3A_511], %swap3A_514 {strides = array<i32>} : memref<128x128xf32, #tpu.memory_space<vmem>>, vector<1x16xf32>,
        %slice3A_515 = vector.extract_strided_slice %exp3A {offsets = [2], sizes = [1], strides = [1]} : vector<16xf32> to vector<1xf32>
        %squeeze3A_516 = vector.extract %slice3A_515[0] : f32 from vector<1xf32>
        %broadcast_in_dim3A_517 = vector.broadcast %squeeze3A_516 : f32 to vector<16xf32>
        %mul3A_518 = arith.constant 16 : i32
        %mul3A_519 = arith.muli %scan3A_331, %mul3A_518 : i32
        %add3A_520 = arith.constant 2 : i32
        %add3A_521 = arith.addi %mul3A_519, %add3A_520 : i32
        %get3A_522 = arith.index_cast %add3A_521 : i32 to index
        %get3A_523 = arith.constant 0 : index
        %get3A_524 = tpu.vector_load %arg15[%get3A_522, %get3A_523] {strides = array<i32>} : memref<128x128xf32, #tpu.memory_space<vmem>>, vector<1x16xf32>,
        %get3A_525 = vector.shape_cast %get3A_524 : vector<1x16xf32> to vector<16xf32>
        %mul3A_526 = arith.mulf %get3A_525, %broadcast_in_dim3A_517 : vector<16xf32>
        %swap3A_527 = arith.index_cast %add3A_521 : i32 to index
        %swap3A_528 = arith.constant 0 : index
        %swap3A_529 = tpu.vector_load %arg15[%swap3A_527, %swap3A_528] {strides = array<i32>} : memref<128x128xf32, #tpu.memory_space<vmem>>, vector<1x16xf32>,
        %swap3A_530 = vector.shape_cast %swap3A_529 : vector<1x16xf32> to vector<16xf32>
        %swap3A_531 = vector.shape_cast %mul3A_526 : vector<16xf32> to vector<1x16xf32>
        tpu.vector_store %arg15[%swap3A_527, %swap3A_528], %swap3A_531 {strides = array<i32>} : memref<128x128xf32, #tpu.memory_space<vmem>>, vector<1x16xf32>,
        %get3A_532 = arith.index_cast %add3A_521 : i32 to index
        %get3A_533 = arith.constant 16 : index
        %get3A_534 = tpu.vector_load %arg15[%get3A_532, %get3A_533] {strides = array<i32>} : memref<128x128xf32, #tpu.memory_space<vmem>>, vector<1x16xf32>,
        %get3A_535 = vector.shape_cast %get3A_534 : vector<1x16xf32> to vector<16xf32>
        %mul3A_536 = arith.mulf %get3A_535, %broadcast_in_dim3A_517 : vector<16xf32>
        %swap3A_537 = arith.index_cast %add3A_521 : i32 to index
        %swap3A_538 = arith.constant 16 : index
        %swap3A_539 = tpu.vector_load %arg15[%swap3A_537, %swap3A_538] {strides = array<i32>} : memref<128x128xf32, #tpu.memory_space<vmem>>, vector<1x16xf32>,
        %swap3A_540 = vector.shape_cast %swap3A_539 : vector<1x16xf32> to vector<16xf32>
        %swap3A_541 = vector.shape_cast %mul3A_536 : vector<16xf32> to vector<1x16xf32>
        tpu.vector_store %arg15[%swap3A_537, %swap3A_538], %swap3A_541 {strides = array<i32>} : memref<128x128xf32, #tpu.memory_space<vmem>>, vector<1x16xf32>,
        %get3A_542 = arith.index_cast %add3A_521 : i32 to index
        %get3A_543 = arith.constant 32 : index
        %get3A_544 = tpu.vector_load %arg15[%get3A_542, %get3A_543] {strides = array<i32>} : memref<128x128xf32, #tpu.memory_space<vmem>>, vector<1x16xf32>,
        %get3A_545 = vector.shape_cast %get3A_544 : vector<1x16xf32> to vector<16xf32>
        %mul3A_546 = arith.mulf %get3A_545, %broadcast_in_dim3A_517 : vector<16xf32>
        %swap3A_547 = arith.index_cast %add3A_521 : i32 to index
        %swap3A_548 = arith.constant 32 : index
        %swap3A_549 = tpu.vector_load %arg15[%swap3A_547, %swap3A_548] {strides = array<i32>} : memref<128x128xf32, #tpu.memory_space<vmem>>, vector<1x16xf32>,
        %swap3A_550 = vector.shape_cast %swap3A_549 : vector<1x16xf32> to vector<16xf32>
        %swap3A_551 = vector.shape_cast %mul3A_546 : vector<16xf32> to vector<1x16xf32>
        tpu.vector_store %arg15[%swap3A_547, %swap3A_548], %swap3A_551 {strides = array<i32>} : memref<128x128xf32, #tpu.memory_space<vmem>>, vector<1x16xf32>,
        %get3A_552 = arith.index_cast %add3A_521 : i32 to index
        %get3A_553 = arith.constant 48 : index
        %get3A_554 = tpu.vector_load %arg15[%get3A_552, %get3A_553] {strides = array<i32>} : memref<128x128xf32, #tpu.memory_space<vmem>>, vector<1x16xf32>,
        %get3A_555 = vector.shape_cast %get3A_554 : vector<1x16xf32> to vector<16xf32>
        %mul3A_556 = arith.mulf %get3A_555, %broadcast_in_dim3A_517 : vector<16xf32>
        %swap3A_557 = arith.index_cast %add3A_521 : i32 to index
        %swap3A_558 = arith.constant 48 : index
        %swap3A_559 = tpu.vector_load %arg15[%swap3A_557, %swap3A_558] {strides = array<i32>} : memref<128x128xf32, #tpu.memory_space<vmem>>, vector<1x16xf32>,
        %swap3A_560 = vector.shape_cast %swap3A_559 : vector<1x16xf32> to vector<16xf32>
        %swap3A_561 = vector.shape_cast %mul3A_556 : vector<16xf32> to vector<1x16xf32>
        tpu.vector_store %arg15[%swap3A_557, %swap3A_558], %swap3A_561 {strides = array<i32>} : memref<128x128xf32, #tpu.memory_space<vmem>>, vector<1x16xf32>,
        %get3A_562 = arith.index_cast %add3A_521 : i32 to index
        %get3A_563 = arith.constant 64 : index
        %get3A_564 = tpu.vector_load %arg15[%get3A_562, %get3A_563] {strides = array<i32>} : memref<128x128xf32, #tpu.memory_space<vmem>>, vector<1x16xf32>,
        %get3A_565 = vector.shape_cast %get3A_564 : vector<1x16xf32> to vector<16xf32>
        %mul3A_566 = arith.mulf %get3A_565, %broadcast_in_dim3A_517 : vector<16xf32>
        %swap3A_567 = arith.index_cast %add3A_521 : i32 to index
        %swap3A_568 = arith.constant 64 : index
        %swap3A_569 = tpu.vector_load %arg15[%swap3A_567, %swap3A_568] {strides = array<i32>} : memref<128x128xf32, #tpu.memory_space<vmem>>, vector<1x16xf32>,
        %swap3A_570 = vector.shape_cast %swap3A_569 : vector<1x16xf32> to vector<16xf32>
        %swap3A_571 = vector.shape_cast %mul3A_566 : vector<16xf32> to vector<1x16xf32>
        tpu.vector_store %arg15[%swap3A_567, %swap3A_568], %swap3A_571 {strides = array<i32>} : memref<128x128xf32, #tpu.memory_space<vmem>>, vector<1x16xf32>,
        %get3A_572 = arith.index_cast %add3A_521 : i32 to index
        %get3A_573 = arith.constant 80 : index
        %get3A_574 = tpu.vector_load %arg15[%get3A_572, %get3A_573] {strides = array<i32>} : memref<128x128xf32, #tpu.memory_space<vmem>>, vector<1x16xf32>,
        %get3A_575 = vector.shape_cast %get3A_574 : vector<1x16xf32> to vector<16xf32>
        %mul3A_576 = arith.mulf %get3A_575, %broadcast_in_dim3A_517 : vector<16xf32>
        %swap3A_577 = arith.index_cast %add3A_521 : i32 to index
        %swap3A_578 = arith.constant 80 : index
        %swap3A_579 = tpu.vector_load %arg15[%swap3A_577, %swap3A_578] {strides = array<i32>} : memref<128x128xf32, #tpu.memory_space<vmem>>, vector<1x16xf32>,
        %swap3A_580 = vector.shape_cast %swap3A_579 : vector<1x16xf32> to vector<16xf32>
        %swap3A_581 = vector.shape_cast %mul3A_576 : vector<16xf32> to vector<1x16xf32>
        tpu.vector_store %arg15[%swap3A_577, %swap3A_578], %swap3A_581 {strides = array<i32>} : memref<128x128xf32, #tpu.memory_space<vmem>>, vector<1x16xf32>,
        %get3A_582 = arith.index_cast %add3A_521 : i32 to index
        %get3A_583 = arith.constant 96 : index
        %get3A_584 = tpu.vector_load %arg15[%get3A_582, %get3A_583] {strides = array<i32>} : memref<128x128xf32, #tpu.memory_space<vmem>>, vector<1x16xf32>,
        %get3A_585 = vector.shape_cast %get3A_584 : vector<1x16xf32> to vector<16xf32>
        %mul3A_586 = arith.mulf %get3A_585, %broadcast_in_dim3A_517 : vector<16xf32>
        %swap3A_587 = arith.index_cast %add3A_521 : i32 to index
        %swap3A_588 = arith.constant 96 : index
        %swap3A_589 = tpu.vector_load %arg15[%swap3A_587, %swap3A_588] {strides = array<i32>} : memref<128x128xf32, #tpu.memory_space<vmem>>, vector<1x16xf32>,
        %swap3A_590 = vector.shape_cast %swap3A_589 : vector<1x16xf32> to vector<16xf32>
        %swap3A_591 = vector.shape_cast %mul3A_586 : vector<16xf32> to vector<1x16xf32>
        tpu.vector_store %arg15[%swap3A_587, %swap3A_588], %swap3A_591 {strides = array<i32>} : memref<128x128xf32, #tpu.memory_space<vmem>>, vector<1x16xf32>,
        %get3A_592 = arith.index_cast %add3A_521 : i32 to index
        %get3A_593 = arith.constant 112 : index
        %get3A_594 = tpu.vector_load %arg15[%get3A_592, %get3A_593] {strides = array<i32>} : memref<128x128xf32, #tpu.memory_space<vmem>>, vector<1x16xf32>,
        %get3A_595 = vector.shape_cast %get3A_594 : vector<1x16xf32> to vector<16xf32>
        %mul3A_596 = arith.mulf %get3A_595, %broadcast_in_dim3A_517 : vector<16xf32>
        %swap3A_597 = arith.index_cast %add3A_521 : i32 to index
        %swap3A_598 = arith.constant 112 : index
        %swap3A_599 = tpu.vector_load %arg15[%swap3A_597, %swap3A_598] {strides = array<i32>} : memref<128x128xf32, #tpu.memory_space<vmem>>, vector<1x16xf32>,
        %swap3A_600 = vector.shape_cast %swap3A_599 : vector<1x16xf32> to vector<16xf32>
        %swap3A_601 = vector.shape_cast %mul3A_596 : vector<16xf32> to vector<1x16xf32>
        tpu.vector_store %arg15[%swap3A_597, %swap3A_598], %swap3A_601 {strides = array<i32>} : memref<128x128xf32, #tpu.memory_space<vmem>>, vector<1x16xf32>,
        %slice3A_602 = vector.extract_strided_slice %exp3A {offsets = [3], sizes = [1], strides = [1]} : vector<16xf32> to vector<1xf32>
        %squeeze3A_603 = vector.extract %slice3A_602[0] : f32 from vector<1xf32>
        %broadcast_in_dim3A_604 = vector.broadcast %squeeze3A_603 : f32 to vector<16xf32>
        %mul3A_605 = arith.constant 16 : i32
        %mul3A_606 = arith.muli %scan3A_331, %mul3A_605 : i32
        %add3A_607 = arith.constant 3 : i32
        %add3A_608 = arith.addi %mul3A_606, %add3A_607 : i32
        %get3A_609 = arith.index_cast %add3A_608 : i32 to index
        %get3A_610 = arith.constant 0 : index
        %get3A_611 = tpu.vector_load %arg15[%get3A_609, %get3A_610] {strides = array<i32>} : memref<128x128xf32, #tpu.memory_space<vmem>>, vector<1x16xf32>,
        %get3A_612 = vector.shape_cast %get3A_611 : vector<1x16xf32> to vector<16xf32>
        %mul3A_613 = arith.mulf %get3A_612, %broadcast_in_dim3A_604 : vector<16xf32>
        %swap3A_614 = arith.index_cast %add3A_608 : i32 to index
        %swap3A_615 = arith.constant 0 : index
        %swap3A_616 = tpu.vector_load %arg15[%swap3A_614, %swap3A_615] {strides = array<i32>} : memref<128x128xf32, #tpu.memory_space<vmem>>, vector<1x16xf32>,
        %swap3A_617 = vector.shape_cast %swap3A_616 : vector<1x16xf32> to vector<16xf32>
        %swap3A_618 = vector.shape_cast %mul3A_613 : vector<16xf32> to vector<1x16xf32>
        tpu.vector_store %arg15[%swap3A_614, %swap3A_615], %swap3A_618 {strides = array<i32>} : memref<128x128xf32, #tpu.memory_space<vmem>>, vector<1x16xf32>,
        %get3A_619 = arith.index_cast %add3A_608 : i32 to index
        %get3A_620 = arith.constant 16 : index
        %get3A_621 = tpu.vector_load %arg15[%get3A_619, %get3A_620] {strides = array<i32>} : memref<128x128xf32, #tpu.memory_space<vmem>>, vector<1x16xf32>,
        %get3A_622 = vector.shape_cast %get3A_621 : vector<1x16xf32> to vector<16xf32>
        %mul3A_623 = arith.mulf %get3A_622, %broadcast_in_dim3A_604 : vector<16xf32>
        %swap3A_624 = arith.index_cast %add3A_608 : i32 to index
        %swap3A_625 = arith.constant 16 : index
        %swap3A_626 = tpu.vector_load %arg15[%swap3A_624, %swap3A_625] {strides = array<i32>} : memref<128x128xf32, #tpu.memory_space<vmem>>, vector<1x16xf32>,
        %swap3A_627 = vector.shape_cast %swap3A_626 : vector<1x16xf32> to vector<16xf32>
        %swap3A_628 = vector.shape_cast %mul3A_623 : vector<16xf32> to vector<1x16xf32>
        tpu.vector_store %arg15[%swap3A_624, %swap3A_625], %swap3A_628 {strides = array<i32>} : memref<128x128xf32, #tpu.memory_space<vmem>>, vector<1x16xf32>,
        %get3A_629 = arith.index_cast %add3A_608 : i32 to index
        %get3A_630 = arith.constant 32 : index
        %get3A_631 = tpu.vector_load %arg15[%get3A_629, %get3A_630] {strides = array<i32>} : memref<128x128xf32, #tpu.memory_space<vmem>>, vector<1x16xf32>,
        %get3A_632 = vector.shape_cast %get3A_631 : vector<1x16xf32> to vector<16xf32>
        %mul3A_633 = arith.mulf %get3A_632, %broadcast_in_dim3A_604 : vector<16xf32>
        %swap3A_634 = arith.index_cast %add3A_608 : i32 to index
        %swap3A_635 = arith.constant 32 : index
        %swap3A_636 = tpu.vector_load %arg15[%swap3A_634, %swap3A_635] {strides = array<i32>} : memref<128x128xf32, #tpu.memory_space<vmem>>, vector<1x16xf32>,
        %swap3A_637 = vector.shape_cast %swap3A_636 : vector<1x16xf32> to vector<16xf32>
        %swap3A_638 = vector.shape_cast %mul3A_633 : vector<16xf32> to vector<1x16xf32>
        tpu.vector_store %arg15[%swap3A_634, %swap3A_635], %swap3A_638 {strides = array<i32>} : memref<128x128xf32, #tpu.memory_space<vmem>>, vector<1x16xf32>,
        %get3A_639 = arith.index_cast %add3A_608 : i32 to index
        %get3A_640 = arith.constant 48 : index
        %get3A_641 = tpu.vector_load %arg15[%get3A_639, %get3A_640] {strides = array<i32>} : memref<128x128xf32, #tpu.memory_space<vmem>>, vector<1x16xf32>,
        %get3A_642 = vector.shape_cast %get3A_641 : vector<1x16xf32> to vector<16xf32>
        %mul3A_643 = arith.mulf %get3A_642, %broadcast_in_dim3A_604 : vector<16xf32>
        %swap3A_644 = arith.index_cast %add3A_608 : i32 to index
        %swap3A_645 = arith.constant 48 : index
        %swap3A_646 = tpu.vector_load %arg15[%swap3A_644, %swap3A_645] {strides = array<i32>} : memref<128x128xf32, #tpu.memory_space<vmem>>, vector<1x16xf32>,
        %swap3A_647 = vector.shape_cast %swap3A_646 : vector<1x16xf32> to vector<16xf32>
        %swap3A_648 = vector.shape_cast %mul3A_643 : vector<16xf32> to vector<1x16xf32>
        tpu.vector_store %arg15[%swap3A_644, %swap3A_645], %swap3A_648 {strides = array<i32>} : memref<128x128xf32, #tpu.memory_space<vmem>>, vector<1x16xf32>,
        %get3A_649 = arith.index_cast %add3A_608 : i32 to index
        %get3A_650 = arith.constant 64 : index
        %get3A_651 = tpu.vector_load %arg15[%get3A_649, %get3A_650] {strides = array<i32>} : memref<128x128xf32, #tpu.memory_space<vmem>>, vector<1x16xf32>,
        %get3A_652 = vector.shape_cast %get3A_651 : vector<1x16xf32> to vector<16xf32>
        %mul3A_653 = arith.mulf %get3A_652, %broadcast_in_dim3A_604 : vector<16xf32>
        %swap3A_654 = arith.index_cast %add3A_608 : i32 to index
        %swap3A_655 = arith.constant 64 : index
        %swap3A_656 = tpu.vector_load %arg15[%swap3A_654, %swap3A_655] {strides = array<i32>} : memref<128x128xf32, #tpu.memory_space<vmem>>, vector<1x16xf32>,
        %swap3A_657 = vector.shape_cast %swap3A_656 : vector<1x16xf32> to vector<16xf32>
        %swap3A_658 = vector.shape_cast %mul3A_653 : vector<16xf32> to vector<1x16xf32>
        tpu.vector_store %arg15[%swap3A_654, %swap3A_655], %swap3A_658 {strides = array<i32>} : memref<128x128xf32, #tpu.memory_space<vmem>>, vector<1x16xf32>,
        %get3A_659 = arith.index_cast %add3A_608 : i32 to index
        %get3A_660 = arith.constant 80 : index
        %get3A_661 = tpu.vector_load %arg15[%get3A_659, %get3A_660] {strides = array<i32>} : memref<128x128xf32, #tpu.memory_space<vmem>>, vector<1x16xf32>,
        %get3A_662 = vector.shape_cast %get3A_661 : vector<1x16xf32> to vector<16xf32>
        %mul3A_663 = arith.mulf %get3A_662, %broadcast_in_dim3A_604 : vector<16xf32>
        %swap3A_664 = arith.index_cast %add3A_608 : i32 to index
        %swap3A_665 = arith.constant 80 : index
        %swap3A_666 = tpu.vector_load %arg15[%swap3A_664, %swap3A_665] {strides = array<i32>} : memref<128x128xf32, #tpu.memory_space<vmem>>, vector<1x16xf32>,
        %swap3A_667 = vector.shape_cast %swap3A_666 : vector<1x16xf32> to vector<16xf32>
        %swap3A_668 = vector.shape_cast %mul3A_663 : vector<16xf32> to vector<1x16xf32>
        tpu.vector_store %arg15[%swap3A_664, %swap3A_665], %swap3A_668 {strides = array<i32>} : memref<128x128xf32, #tpu.memory_space<vmem>>, vector<1x16xf32>,
        %get3A_669 = arith.index_cast %add3A_608 : i32 to index
        %get3A_670 = arith.constant 96 : index
        %get3A_671 = tpu.vector_load %arg15[%get3A_669, %get3A_670] {strides = array<i32>} : memref<128x128xf32, #tpu.memory_space<vmem>>, vector<1x16xf32>,
        %get3A_672 = vector.shape_cast %get3A_671 : vector<1x16xf32> to vector<16xf32>
        %mul3A_673 = arith.mulf %get3A_672, %broadcast_in_dim3A_604 : vector<16xf32>
        %swap3A_674 = arith.index_cast %add3A_608 : i32 to index
        %swap3A_675 = arith.constant 96 : index
        %swap3A_676 = tpu.vector_load %arg15[%swap3A_674, %swap3A_675] {strides = array<i32>} : memref<128x128xf32, #tpu.memory_space<vmem>>, vector<1x16xf32>,
        %swap3A_677 = vector.shape_cast %swap3A_676 : vector<1x16xf32> to vector<16xf32>
        %swap3A_678 = vector.shape_cast %mul3A_673 : vector<16xf32> to vector<1x16xf32>
        tpu.vector_store %arg15[%swap3A_674, %swap3A_675], %swap3A_678 {strides = array<i32>} : memref<128x128xf32, #tpu.memory_space<vmem>>, vector<1x16xf32>,
        %get3A_679 = arith.index_cast %add3A_608 : i32 to index
        %get3A_680 = arith.constant 112 : index
        %get3A_681 = tpu.vector_load %arg15[%get3A_679, %get3A_680] {strides = array<i32>} : memref<128x128xf32, #tpu.memory_space<vmem>>, vector<1x16xf32>,
        %get3A_682 = vector.shape_cast %get3A_681 : vector<1x16xf32> to vector<16xf32>
        %mul3A_683 = arith.mulf %get3A_682, %broadcast_in_dim3A_604 : vector<16xf32>
        %swap3A_684 = arith.index_cast %add3A_608 : i32 to index
        %swap3A_685 = arith.constant 112 : index
        %swap3A_686 = tpu.vector_load %arg15[%swap3A_684, %swap3A_685] {strides = array<i32>} : memref<128x128xf32, #tpu.memory_space<vmem>>, vector<1x16xf32>,
        %swap3A_687 = vector.shape_cast %swap3A_686 : vector<1x16xf32> to vector<16xf32>
        %swap3A_688 = vector.shape_cast %mul3A_683 : vector<16xf32> to vector<1x16xf32>
        tpu.vector_store %arg15[%swap3A_684, %swap3A_685], %swap3A_688 {strides = array<i32>} : memref<128x128xf32, #tpu.memory_space<vmem>>, vector<1x16xf32>,
        %slice3A_689 = vector.extract_strided_slice %exp3A {offsets = [4], sizes = [1], strides = [1]} : vector<16xf32> to vector<1xf32>
        %squeeze3A_690 = vector.extract %slice3A_689[0] : f32 from vector<1xf32>
        %broadcast_in_dim3A_691 = vector.broadcast %squeeze3A_690 : f32 to vector<16xf32>
        %mul3A_692 = arith.constant 16 : i32
        %mul3A_693 = arith.muli %scan3A_331, %mul3A_692 : i32
        %add3A_694 = arith.constant 4 : i32
        %add3A_695 = arith.addi %mul3A_693, %add3A_694 : i32
        %get3A_696 = arith.index_cast %add3A_695 : i32 to index
        %get3A_697 = arith.constant 0 : index
        %get3A_698 = tpu.vector_load %arg15[%get3A_696, %get3A_697] {strides = array<i32>} : memref<128x128xf32, #tpu.memory_space<vmem>>, vector<1x16xf32>,
        %get3A_699 = vector.shape_cast %get3A_698 : vector<1x16xf32> to vector<16xf32>
        %mul3A_700 = arith.mulf %get3A_699, %broadcast_in_dim3A_691 : vector<16xf32>
        %swap3A_701 = arith.index_cast %add3A_695 : i32 to index
        %swap3A_702 = arith.constant 0 : index
        %swap3A_703 = tpu.vector_load %arg15[%swap3A_701, %swap3A_702] {strides = array<i32>} : memref<128x128xf32, #tpu.memory_space<vmem>>, vector<1x16xf32>,
        %swap3A_704 = vector.shape_cast %swap3A_703 : vector<1x16xf32> to vector<16xf32>
        %swap3A_705 = vector.shape_cast %mul3A_700 : vector<16xf32> to vector<1x16xf32>
        tpu.vector_store %arg15[%swap3A_701, %swap3A_702], %swap3A_705 {strides = array<i32>} : memref<128x128xf32, #tpu.memory_space<vmem>>, vector<1x16xf32>,
        %get3A_706 = arith.index_cast %add3A_695 : i32 to index
        %get3A_707 = arith.constant 16 : index
        %get3A_708 = tpu.vector_load %arg15[%get3A_706, %get3A_707] {strides = array<i32>} : memref<128x128xf32, #tpu.memory_space<vmem>>, vector<1x16xf32>,
        %get3A_709 = vector.shape_cast %get3A_708 : vector<1x16xf32> to vector<16xf32>
        %mul3A_710 = arith.mulf %get3A_709, %broadcast_in_dim3A_691 : vector<16xf32>
        %swap3A_711 = arith.index_cast %add3A_695 : i32 to index
        %swap3A_712 = arith.constant 16 : index
        %swap3A_713 = tpu.vector_load %arg15[%swap3A_711, %swap3A_712] {strides = array<i32>} : memref<128x128xf32, #tpu.memory_space<vmem>>, vector<1x16xf32>,
        %swap3A_714 = vector.shape_cast %swap3A_713 : vector<1x16xf32> to vector<16xf32>
        %swap3A_715 = vector.shape_cast %mul3A_710 : vector<16xf32> to vector<1x16xf32>
        tpu.vector_store %arg15[%swap3A_711, %swap3A_712], %swap3A_715 {strides = array<i32>} : memref<128x128xf32, #tpu.memory_space<vmem>>, vector<1x16xf32>,
        %get3A_716 = arith.index_cast %add3A_695 : i32 to index
        %get3A_717 = arith.constant 32 : index
        %get3A_718 = tpu.vector_load %arg15[%get3A_716, %get3A_717] {strides = array<i32>} : memref<128x128xf32, #tpu.memory_space<vmem>>, vector<1x16xf32>,
        %get3A_719 = vector.shape_cast %get3A_718 : vector<1x16xf32> to vector<16xf32>
        %mul3A_720 = arith.mulf %get3A_719, %broadcast_in_dim3A_691 : vector<16xf32>
        %swap3A_721 = arith.index_cast %add3A_695 : i32 to index
        %swap3A_722 = arith.constant 32 : index
        %swap3A_723 = tpu.vector_load %arg15[%swap3A_721, %swap3A_722] {strides = array<i32>} : memref<128x128xf32, #tpu.memory_space<vmem>>, vector<1x16xf32>,
        %swap3A_724 = vector.shape_cast %swap3A_723 : vector<1x16xf32> to vector<16xf32>
        %swap3A_725 = vector.shape_cast %mul3A_720 : vector<16xf32> to vector<1x16xf32>
        tpu.vector_store %arg15[%swap3A_721, %swap3A_722], %swap3A_725 {strides = array<i32>} : memref<128x128xf32, #tpu.memory_space<vmem>>, vector<1x16xf32>,
        %get3A_726 = arith.index_cast %add3A_695 : i32 to index
        %get3A_727 = arith.constant 48 : index
        %get3A_728 = tpu.vector_load %arg15[%get3A_726, %get3A_727] {strides = array<i32>} : memref<128x128xf32, #tpu.memory_space<vmem>>, vector<1x16xf32>,
        %get3A_729 = vector.shape_cast %get3A_728 : vector<1x16xf32> to vector<16xf32>
        %mul3A_730 = arith.mulf %get3A_729, %broadcast_in_dim3A_691 : vector<16xf32>
        %swap3A_731 = arith.index_cast %add3A_695 : i32 to index
        %swap3A_732 = arith.constant 48 : index
        %swap3A_733 = tpu.vector_load %arg15[%swap3A_731, %swap3A_732] {strides = array<i32>} : memref<128x128xf32, #tpu.memory_space<vmem>>, vector<1x16xf32>,
        %swap3A_734 = vector.shape_cast %swap3A_733 : vector<1x16xf32> to vector<16xf32>
        %swap3A_735 = vector.shape_cast %mul3A_730 : vector<16xf32> to vector<1x16xf32>
        tpu.vector_store %arg15[%swap3A_731, %swap3A_732], %swap3A_735 {strides = array<i32>} : memref<128x128xf32, #tpu.memory_space<vmem>>, vector<1x16xf32>,
        %get3A_736 = arith.index_cast %add3A_695 : i32 to index
        %get3A_737 = arith.constant 64 : index
        %get3A_738 = tpu.vector_load %arg15[%get3A_736, %get3A_737] {strides = array<i32>} : memref<128x128xf32, #tpu.memory_space<vmem>>, vector<1x16xf32>,
        %get3A_739 = vector.shape_cast %get3A_738 : vector<1x16xf32> to vector<16xf32>
        %mul3A_740 = arith.mulf %get3A_739, %broadcast_in_dim3A_691 : vector<16xf32>
        %swap3A_741 = arith.index_cast %add3A_695 : i32 to index
        %swap3A_742 = arith.constant 64 : index
        %swap3A_743 = tpu.vector_load %arg15[%swap3A_741, %swap3A_742] {strides = array<i32>} : memref<128x128xf32, #tpu.memory_space<vmem>>, vector<1x16xf32>,
        %swap3A_744 = vector.shape_cast %swap3A_743 : vector<1x16xf32> to vector<16xf32>
        %swap3A_745 = vector.shape_cast %mul3A_740 : vector<16xf32> to vector<1x16xf32>
        tpu.vector_store %arg15[%swap3A_741, %swap3A_742], %swap3A_745 {strides = array<i32>} : memref<128x128xf32, #tpu.memory_space<vmem>>, vector<1x16xf32>,
        %get3A_746 = arith.index_cast %add3A_695 : i32 to index
        %get3A_747 = arith.constant 80 : index
        %get3A_748 = tpu.vector_load %arg15[%get3A_746, %get3A_747] {strides = array<i32>} : memref<128x128xf32, #tpu.memory_space<vmem>>, vector<1x16xf32>,
        %get3A_749 = vector.shape_cast %get3A_748 : vector<1x16xf32> to vector<16xf32>
        %mul3A_750 = arith.mulf %get3A_749, %broadcast_in_dim3A_691 : vector<16xf32>
        %swap3A_751 = arith.index_cast %add3A_695 : i32 to index
        %swap3A_752 = arith.constant 80 : index
        %swap3A_753 = tpu.vector_load %arg15[%swap3A_751, %swap3A_752] {strides = array<i32>} : memref<128x128xf32, #tpu.memory_space<vmem>>, vector<1x16xf32>,
        %swap3A_754 = vector.shape_cast %swap3A_753 : vector<1x16xf32> to vector<16xf32>
        %swap3A_755 = vector.shape_cast %mul3A_750 : vector<16xf32> to vector<1x16xf32>
        tpu.vector_store %arg15[%swap3A_751, %swap3A_752], %swap3A_755 {strides = array<i32>} : memref<128x128xf32, #tpu.memory_space<vmem>>, vector<1x16xf32>,
        %get3A_756 = arith.index_cast %add3A_695 : i32 to index
        %get3A_757 = arith.constant 96 : index
        %get3A_758 = tpu.vector_load %arg15[%get3A_756, %get3A_757] {strides = array<i32>} : memref<128x128xf32, #tpu.memory_space<vmem>>, vector<1x16xf32>,
        %get3A_759 = vector.shape_cast %get3A_758 : vector<1x16xf32> to vector<16xf32>
        %mul3A_760 = arith.mulf %get3A_759, %broadcast_in_dim3A_691 : vector<16xf32>
        %swap3A_761 = arith.index_cast %add3A_695 : i32 to index
        %swap3A_762 = arith.constant 96 : index
        %swap3A_763 = tpu.vector_load %arg15[%swap3A_761, %swap3A_762] {strides = array<i32>} : memref<128x128xf32, #tpu.memory_space<vmem>>, vector<1x16xf32>,
        %swap3A_764 = vector.shape_cast %swap3A_763 : vector<1x16xf32> to vector<16xf32>
        %swap3A_765 = vector.shape_cast %mul3A_760 : vector<16xf32> to vector<1x16xf32>
        tpu.vector_store %arg15[%swap3A_761, %swap3A_762], %swap3A_765 {strides = array<i32>} : memref<128x128xf32, #tpu.memory_space<vmem>>, vector<1x16xf32>,
        %get3A_766 = arith.index_cast %add3A_695 : i32 to index
        %get3A_767 = arith.constant 112 : index
        %get3A_768 = tpu.vector_load %arg15[%get3A_766, %get3A_767] {strides = array<i32>} : memref<128x128xf32, #tpu.memory_space<vmem>>, vector<1x16xf32>,
        %get3A_769 = vector.shape_cast %get3A_768 : vector<1x16xf32> to vector<16xf32>
        %mul3A_770 = arith.mulf %get3A_769, %broadcast_in_dim3A_691 : vector<16xf32>
        %swap3A_771 = arith.index_cast %add3A_695 : i32 to index
        %swap3A_772 = arith.constant 112 : index
        %swap3A_773 = tpu.vector_load %arg15[%swap3A_771, %swap3A_772] {strides = array<i32>} : memref<128x128xf32, #tpu.memory_space<vmem>>, vector<1x16xf32>,
        %swap3A_774 = vector.shape_cast %swap3A_773 : vector<1x16xf32> to vector<16xf32>
        %swap3A_775 = vector.shape_cast %mul3A_770 : vector<16xf32> to vector<1x16xf32>
        tpu.vector_store %arg15[%swap3A_771, %swap3A_772], %swap3A_775 {strides = array<i32>} : memref<128x128xf32, #tpu.memory_space<vmem>>, vector<1x16xf32>,
        %slice3A_776 = vector.extract_strided_slice %exp3A {offsets = [5], sizes = [1], strides = [1]} : vector<16xf32> to vector<1xf32>
        %squeeze3A_777 = vector.extract %slice3A_776[0] : f32 from vector<1xf32>
        %broadcast_in_dim3A_778 = vector.broadcast %squeeze3A_777 : f32 to vector<16xf32>
        %mul3A_779 = arith.constant 16 : i32
        %mul3A_780 = arith.muli %scan3A_331, %mul3A_779 : i32
        %add3A_781 = arith.constant 5 : i32
        %add3A_782 = arith.addi %mul3A_780, %add3A_781 : i32
        %get3A_783 = arith.index_cast %add3A_782 : i32 to index
        %get3A_784 = arith.constant 0 : index
        %get3A_785 = tpu.vector_load %arg15[%get3A_783, %get3A_784] {strides = array<i32>} : memref<128x128xf32, #tpu.memory_space<vmem>>, vector<1x16xf32>,
        %get3A_786 = vector.shape_cast %get3A_785 : vector<1x16xf32> to vector<16xf32>
        %mul3A_787 = arith.mulf %get3A_786, %broadcast_in_dim3A_778 : vector<16xf32>
        %swap3A_788 = arith.index_cast %add3A_782 : i32 to index
        %swap3A_789 = arith.constant 0 : index
        %swap3A_790 = tpu.vector_load %arg15[%swap3A_788, %swap3A_789] {strides = array<i32>} : memref<128x128xf32, #tpu.memory_space<vmem>>, vector<1x16xf32>,
        %swap3A_791 = vector.shape_cast %swap3A_790 : vector<1x16xf32> to vector<16xf32>
        %swap3A_792 = vector.shape_cast %mul3A_787 : vector<16xf32> to vector<1x16xf32>
        tpu.vector_store %arg15[%swap3A_788, %swap3A_789], %swap3A_792 {strides = array<i32>} : memref<128x128xf32, #tpu.memory_space<vmem>>, vector<1x16xf32>,
        %get3A_793 = arith.index_cast %add3A_782 : i32 to index
        %get3A_794 = arith.constant 16 : index
        %get3A_795 = tpu.vector_load %arg15[%get3A_793, %get3A_794] {strides = array<i32>} : memref<128x128xf32, #tpu.memory_space<vmem>>, vector<1x16xf32>,
        %get3A_796 = vector.shape_cast %get3A_795 : vector<1x16xf32> to vector<16xf32>
        %mul3A_797 = arith.mulf %get3A_796, %broadcast_in_dim3A_778 : vector<16xf32>
        %swap3A_798 = arith.index_cast %add3A_782 : i32 to index
        %swap3A_799 = arith.constant 16 : index
        %swap3A_800 = tpu.vector_load %arg15[%swap3A_798, %swap3A_799] {strides = array<i32>} : memref<128x128xf32, #tpu.memory_space<vmem>>, vector<1x16xf32>,
        %swap3A_801 = vector.shape_cast %swap3A_800 : vector<1x16xf32> to vector<16xf32>
        %swap3A_802 = vector.shape_cast %mul3A_797 : vector<16xf32> to vector<1x16xf32>
        tpu.vector_store %arg15[%swap3A_798, %swap3A_799], %swap3A_802 {strides = array<i32>} : memref<128x128xf32, #tpu.memory_space<vmem>>, vector<1x16xf32>,
        %get3A_803 = arith.index_cast %add3A_782 : i32 to index
        %get3A_804 = arith.constant 32 : index
        %get3A_805 = tpu.vector_load %arg15[%get3A_803, %get3A_804] {strides = array<i32>} : memref<128x128xf32, #tpu.memory_space<vmem>>, vector<1x16xf32>,
        %get3A_806 = vector.shape_cast %get3A_805 : vector<1x16xf32> to vector<16xf32>
        %mul3A_807 = arith.mulf %get3A_806, %broadcast_in_dim3A_778 : vector<16xf32>
        %swap3A_808 = arith.index_cast %add3A_782 : i32 to index
        %swap3A_809 = arith.constant 32 : index
        %swap3A_810 = tpu.vector_load %arg15[%swap3A_808, %swap3A_809] {strides = array<i32>} : memref<128x128xf32, #tpu.memory_space<vmem>>, vector<1x16xf32>,
        %swap3A_811 = vector.shape_cast %swap3A_810 : vector<1x16xf32> to vector<16xf32>
        %swap3A_812 = vector.shape_cast %mul3A_807 : vector<16xf32> to vector<1x16xf32>
        tpu.vector_store %arg15[%swap3A_808, %swap3A_809], %swap3A_812 {strides = array<i32>} : memref<128x128xf32, #tpu.memory_space<vmem>>, vector<1x16xf32>,
        %get3A_813 = arith.index_cast %add3A_782 : i32 to index
        %get3A_814 = arith.constant 48 : index
        %get3A_815 = tpu.vector_load %arg15[%get3A_813, %get3A_814] {strides = array<i32>} : memref<128x128xf32, #tpu.memory_space<vmem>>, vector<1x16xf32>,
        %get3A_816 = vector.shape_cast %get3A_815 : vector<1x16xf32> to vector<16xf32>
        %mul3A_817 = arith.mulf %get3A_816, %broadcast_in_dim3A_778 : vector<16xf32>
        %swap3A_818 = arith.index_cast %add3A_782 : i32 to index
        %swap3A_819 = arith.constant 48 : index
        %swap3A_820 = tpu.vector_load %arg15[%swap3A_818, %swap3A_819] {strides = array<i32>} : memref<128x128xf32, #tpu.memory_space<vmem>>, vector<1x16xf32>,
        %swap3A_821 = vector.shape_cast %swap3A_820 : vector<1x16xf32> to vector<16xf32>
        %swap3A_822 = vector.shape_cast %mul3A_817 : vector<16xf32> to vector<1x16xf32>
        tpu.vector_store %arg15[%swap3A_818, %swap3A_819], %swap3A_822 {strides = array<i32>} : memref<128x128xf32, #tpu.memory_space<vmem>>, vector<1x16xf32>,
        %get3A_823 = arith.index_cast %add3A_782 : i32 to index
        %get3A_824 = arith.constant 64 : index
        %get3A_825 = tpu.vector_load %arg15[%get3A_823, %get3A_824] {strides = array<i32>} : memref<128x128xf32, #tpu.memory_space<vmem>>, vector<1x16xf32>,
        %get3A_826 = vector.shape_cast %get3A_825 : vector<1x16xf32> to vector<16xf32>
        %mul3A_827 = arith.mulf %get3A_826, %broadcast_in_dim3A_778 : vector<16xf32>
        %swap3A_828 = arith.index_cast %add3A_782 : i32 to index
        %swap3A_829 = arith.constant 64 : index
        %swap3A_830 = tpu.vector_load %arg15[%swap3A_828, %swap3A_829] {strides = array<i32>} : memref<128x128xf32, #tpu.memory_space<vmem>>, vector<1x16xf32>,
        %swap3A_831 = vector.shape_cast %swap3A_830 : vector<1x16xf32> to vector<16xf32>
        %swap3A_832 = vector.shape_cast %mul3A_827 : vector<16xf32> to vector<1x16xf32>
        tpu.vector_store %arg15[%swap3A_828, %swap3A_829], %swap3A_832 {strides = array<i32>} : memref<128x128xf32, #tpu.memory_space<vmem>>, vector<1x16xf32>,
        %get3A_833 = arith.index_cast %add3A_782 : i32 to index
        %get3A_834 = arith.constant 80 : index
        %get3A_835 = tpu.vector_load %arg15[%get3A_833, %get3A_834] {strides = array<i32>} : memref<128x128xf32, #tpu.memory_space<vmem>>, vector<1x16xf32>,
        %get3A_836 = vector.shape_cast %get3A_835 : vector<1x16xf32> to vector<16xf32>
        %mul3A_837 = arith.mulf %get3A_836, %broadcast_in_dim3A_778 : vector<16xf32>
        %swap3A_838 = arith.index_cast %add3A_782 : i32 to index
        %swap3A_839 = arith.constant 80 : index
        %swap3A_840 = tpu.vector_load %arg15[%swap3A_838, %swap3A_839] {strides = array<i32>} : memref<128x128xf32, #tpu.memory_space<vmem>>, vector<1x16xf32>,
        %swap3A_841 = vector.shape_cast %swap3A_840 : vector<1x16xf32> to vector<16xf32>
        %swap3A_842 = vector.shape_cast %mul3A_837 : vector<16xf32> to vector<1x16xf32>
        tpu.vector_store %arg15[%swap3A_838, %swap3A_839], %swap3A_842 {strides = array<i32>} : memref<128x128xf32, #tpu.memory_space<vmem>>, vector<1x16xf32>,
        %get3A_843 = arith.index_cast %add3A_782 : i32 to index
        %get3A_844 = arith.constant 96 : index
        %get3A_845 = tpu.vector_load %arg15[%get3A_843, %get3A_844] {strides = array<i32>} : memref<128x128xf32, #tpu.memory_space<vmem>>, vector<1x16xf32>,
        %get3A_846 = vector.shape_cast %get3A_845 : vector<1x16xf32> to vector<16xf32>
        %mul3A_847 = arith.mulf %get3A_846, %broadcast_in_dim3A_778 : vector<16xf32>
        %swap3A_848 = arith.index_cast %add3A_782 : i32 to index
        %swap3A_849 = arith.constant 96 : index
        %swap3A_850 = tpu.vector_load %arg15[%swap3A_848, %swap3A_849] {strides = array<i32>} : memref<128x128xf32, #tpu.memory_space<vmem>>, vector<1x16xf32>,
        %swap3A_851 = vector.shape_cast %swap3A_850 : vector<1x16xf32> to vector<16xf32>
        %swap3A_852 = vector.shape_cast %mul3A_847 : vector<16xf32> to vector<1x16xf32>
        tpu.vector_store %arg15[%swap3A_848, %swap3A_849], %swap3A_852 {strides = array<i32>} : memref<128x128xf32, #tpu.memory_space<vmem>>, vector<1x16xf32>,
        %get3A_853 = arith.index_cast %add3A_782 : i32 to index
        %get3A_854 = arith.constant 112 : index
        %get3A_855 = tpu.vector_load %arg15[%get3A_853, %get3A_854] {strides = array<i32>} : memref<128x128xf32, #tpu.memory_space<vmem>>, vector<1x16xf32>,
        %get3A_856 = vector.shape_cast %get3A_855 : vector<1x16xf32> to vector<16xf32>
        %mul3A_857 = arith.mulf %get3A_856, %broadcast_in_dim3A_778 : vector<16xf32>
        %swap3A_858 = arith.index_cast %add3A_782 : i32 to index
        %swap3A_859 = arith.constant 112 : index
        %swap3A_860 = tpu.vector_load %arg15[%swap3A_858, %swap3A_859] {strides = array<i32>} : memref<128x128xf32, #tpu.memory_space<vmem>>, vector<1x16xf32>,
        %swap3A_861 = vector.shape_cast %swap3A_860 : vector<1x16xf32> to vector<16xf32>
        %swap3A_862 = vector.shape_cast %mul3A_857 : vector<16xf32> to vector<1x16xf32>
        tpu.vector_store %arg15[%swap3A_858, %swap3A_859], %swap3A_862 {strides = array<i32>} : memref<128x128xf32, #tpu.memory_space<vmem>>, vector<1x16xf32>,
        %slice3A_863 = vector.extract_strided_slice %exp3A {offsets = [6], sizes = [1], strides = [1]} : vector<16xf32> to vector<1xf32>
        %squeeze3A_864 = vector.extract %slice3A_863[0] : f32 from vector<1xf32>
        %broadcast_in_dim3A_865 = vector.broadcast %squeeze3A_864 : f32 to vector<16xf32>
        %mul3A_866 = arith.constant 16 : i32
        %mul3A_867 = arith.muli %scan3A_331, %mul3A_866 : i32
        %add3A_868 = arith.constant 6 : i32
        %add3A_869 = arith.addi %mul3A_867, %add3A_868 : i32
        %get3A_870 = arith.index_cast %add3A_869 : i32 to index
        %get3A_871 = arith.constant 0 : index
        %get3A_872 = tpu.vector_load %arg15[%get3A_870, %get3A_871] {strides = array<i32>} : memref<128x128xf32, #tpu.memory_space<vmem>>, vector<1x16xf32>,
        %get3A_873 = vector.shape_cast %get3A_872 : vector<1x16xf32> to vector<16xf32>
        %mul3A_874 = arith.mulf %get3A_873, %broadcast_in_dim3A_865 : vector<16xf32>
        %swap3A_875 = arith.index_cast %add3A_869 : i32 to index
        %swap3A_876 = arith.constant 0 : index
        %swap3A_877 = tpu.vector_load %arg15[%swap3A_875, %swap3A_876] {strides = array<i32>} : memref<128x128xf32, #tpu.memory_space<vmem>>, vector<1x16xf32>,
        %swap3A_878 = vector.shape_cast %swap3A_877 : vector<1x16xf32> to vector<16xf32>
        %swap3A_879 = vector.shape_cast %mul3A_874 : vector<16xf32> to vector<1x16xf32>
        tpu.vector_store %arg15[%swap3A_875, %swap3A_876], %swap3A_879 {strides = array<i32>} : memref<128x128xf32, #tpu.memory_space<vmem>>, vector<1x16xf32>,
        %get3A_880 = arith.index_cast %add3A_869 : i32 to index
        %get3A_881 = arith.constant 16 : index
        %get3A_882 = tpu.vector_load %arg15[%get3A_880, %get3A_881] {strides = array<i32>} : memref<128x128xf32, #tpu.memory_space<vmem>>, vector<1x16xf32>,
        %get3A_883 = vector.shape_cast %get3A_882 : vector<1x16xf32> to vector<16xf32>
        %mul3A_884 = arith.mulf %get3A_883, %broadcast_in_dim3A_865 : vector<16xf32>
        %swap3A_885 = arith.index_cast %add3A_869 : i32 to index
        %swap3A_886 = arith.constant 16 : index
        %swap3A_887 = tpu.vector_load %arg15[%swap3A_885, %swap3A_886] {strides = array<i32>} : memref<128x128xf32, #tpu.memory_space<vmem>>, vector<1x16xf32>,
        %swap3A_888 = vector.shape_cast %swap3A_887 : vector<1x16xf32> to vector<16xf32>
        %swap3A_889 = vector.shape_cast %mul3A_884 : vector<16xf32> to vector<1x16xf32>
        tpu.vector_store %arg15[%swap3A_885, %swap3A_886], %swap3A_889 {strides = array<i32>} : memref<128x128xf32, #tpu.memory_space<vmem>>, vector<1x16xf32>,
        %get3A_890 = arith.index_cast %add3A_869 : i32 to index
        %get3A_891 = arith.constant 32 : index
        %get3A_892 = tpu.vector_load %arg15[%get3A_890, %get3A_891] {strides = array<i32>} : memref<128x128xf32, #tpu.memory_space<vmem>>, vector<1x16xf32>,
        %get3A_893 = vector.shape_cast %get3A_892 : vector<1x16xf32> to vector<16xf32>
        %mul3A_894 = arith.mulf %get3A_893, %broadcast_in_dim3A_865 : vector<16xf32>
        %swap3A_895 = arith.index_cast %add3A_869 : i32 to index
        %swap3A_896 = arith.constant 32 : index
        %swap3A_897 = tpu.vector_load %arg15[%swap3A_895, %swap3A_896] {strides = array<i32>} : memref<128x128xf32, #tpu.memory_space<vmem>>, vector<1x16xf32>,
        %swap3A_898 = vector.shape_cast %swap3A_897 : vector<1x16xf32> to vector<16xf32>
        %swap3A_899 = vector.shape_cast %mul3A_894 : vector<16xf32> to vector<1x16xf32>
        tpu.vector_store %arg15[%swap3A_895, %swap3A_896], %swap3A_899 {strides = array<i32>} : memref<128x128xf32, #tpu.memory_space<vmem>>, vector<1x16xf32>,
        %get3A_900 = arith.index_cast %add3A_869 : i32 to index
        %get3A_901 = arith.constant 48 : index
        %get3A_902 = tpu.vector_load %arg15[%get3A_900, %get3A_901] {strides = array<i32>} : memref<128x128xf32, #tpu.memory_space<vmem>>, vector<1x16xf32>,
        %get3A_903 = vector.shape_cast %get3A_902 : vector<1x16xf32> to vector<16xf32>
        %mul3A_904 = arith.mulf %get3A_903, %broadcast_in_dim3A_865 : vector<16xf32>
        %swap3A_905 = arith.index_cast %add3A_869 : i32 to index
        %swap3A_906 = arith.constant 48 : index
        %swap3A_907 = tpu.vector_load %arg15[%swap3A_905, %swap3A_906] {strides = array<i32>} : memref<128x128xf32, #tpu.memory_space<vmem>>, vector<1x16xf32>,
        %swap3A_908 = vector.shape_cast %swap3A_907 : vector<1x16xf32> to vector<16xf32>
        %swap3A_909 = vector.shape_cast %mul3A_904 : vector<16xf32> to vector<1x16xf32>
        tpu.vector_store %arg15[%swap3A_905, %swap3A_906], %swap3A_909 {strides = array<i32>} : memref<128x128xf32, #tpu.memory_space<vmem>>, vector<1x16xf32>,
        %get3A_910 = arith.index_cast %add3A_869 : i32 to index
        %get3A_911 = arith.constant 64 : index
        %get3A_912 = tpu.vector_load %arg15[%get3A_910, %get3A_911] {strides = array<i32>} : memref<128x128xf32, #tpu.memory_space<vmem>>, vector<1x16xf32>,
        %get3A_913 = vector.shape_cast %get3A_912 : vector<1x16xf32> to vector<16xf32>
        %mul3A_914 = arith.mulf %get3A_913, %broadcast_in_dim3A_865 : vector<16xf32>
        %swap3A_915 = arith.index_cast %add3A_869 : i32 to index
        %swap3A_916 = arith.constant 64 : index
        %swap3A_917 = tpu.vector_load %arg15[%swap3A_915, %swap3A_916] {strides = array<i32>} : memref<128x128xf32, #tpu.memory_space<vmem>>, vector<1x16xf32>,
        %swap3A_918 = vector.shape_cast %swap3A_917 : vector<1x16xf32> to vector<16xf32>
        %swap3A_919 = vector.shape_cast %mul3A_914 : vector<16xf32> to vector<1x16xf32>
        tpu.vector_store %arg15[%swap3A_915, %swap3A_916], %swap3A_919 {strides = array<i32>} : memref<128x128xf32, #tpu.memory_space<vmem>>, vector<1x16xf32>,
        %get3A_920 = arith.index_cast %add3A_869 : i32 to index
        %get3A_921 = arith.constant 80 : index
        %get3A_922 = tpu.vector_load %arg15[%get3A_920, %get3A_921] {strides = array<i32>} : memref<128x128xf32, #tpu.memory_space<vmem>>, vector<1x16xf32>,
        %get3A_923 = vector.shape_cast %get3A_922 : vector<1x16xf32> to vector<16xf32>
        %mul3A_924 = arith.mulf %get3A_923, %broadcast_in_dim3A_865 : vector<16xf32>
        %swap3A_925 = arith.index_cast %add3A_869 : i32 to index
        %swap3A_926 = arith.constant 80 : index
        %swap3A_927 = tpu.vector_load %arg15[%swap3A_925, %swap3A_926] {strides = array<i32>} : memref<128x128xf32, #tpu.memory_space<vmem>>, vector<1x16xf32>,
        %swap3A_928 = vector.shape_cast %swap3A_927 : vector<1x16xf32> to vector<16xf32>
        %swap3A_929 = vector.shape_cast %mul3A_924 : vector<16xf32> to vector<1x16xf32>
        tpu.vector_store %arg15[%swap3A_925, %swap3A_926], %swap3A_929 {strides = array<i32>} : memref<128x128xf32, #tpu.memory_space<vmem>>, vector<1x16xf32>,
        %get3A_930 = arith.index_cast %add3A_869 : i32 to index
        %get3A_931 = arith.constant 96 : index
        %get3A_932 = tpu.vector_load %arg15[%get3A_930, %get3A_931] {strides = array<i32>} : memref<128x128xf32, #tpu.memory_space<vmem>>, vector<1x16xf32>,
        %get3A_933 = vector.shape_cast %get3A_932 : vector<1x16xf32> to vector<16xf32>
        %mul3A_934 = arith.mulf %get3A_933, %broadcast_in_dim3A_865 : vector<16xf32>
        %swap3A_935 = arith.index_cast %add3A_869 : i32 to index
        %swap3A_936 = arith.constant 96 : index
        %swap3A_937 = tpu.vector_load %arg15[%swap3A_935, %swap3A_936] {strides = array<i32>} : memref<128x128xf32, #tpu.memory_space<vmem>>, vector<1x16xf32>,
        %swap3A_938 = vector.shape_cast %swap3A_937 : vector<1x16xf32> to vector<16xf32>
        %swap3A_939 = vector.shape_cast %mul3A_934 : vector<16xf32> to vector<1x16xf32>
        tpu.vector_store %arg15[%swap3A_935, %swap3A_936], %swap3A_939 {strides = array<i32>} : memref<128x128xf32, #tpu.memory_space<vmem>>, vector<1x16xf32>,
        %get3A_940 = arith.index_cast %add3A_869 : i32 to index
        %get3A_941 = arith.constant 112 : index
        %get3A_942 = tpu.vector_load %arg15[%get3A_940, %get3A_941] {strides = array<i32>} : memref<128x128xf32, #tpu.memory_space<vmem>>, vector<1x16xf32>,
        %get3A_943 = vector.shape_cast %get3A_942 : vector<1x16xf32> to vector<16xf32>
        %mul3A_944 = arith.mulf %get3A_943, %broadcast_in_dim3A_865 : vector<16xf32>
        %swap3A_945 = arith.index_cast %add3A_869 : i32 to index
        %swap3A_946 = arith.constant 112 : index
        %swap3A_947 = tpu.vector_load %arg15[%swap3A_945, %swap3A_946] {strides = array<i32>} : memref<128x128xf32, #tpu.memory_space<vmem>>, vector<1x16xf32>,
        %swap3A_948 = vector.shape_cast %swap3A_947 : vector<1x16xf32> to vector<16xf32>
        %swap3A_949 = vector.shape_cast %mul3A_944 : vector<16xf32> to vector<1x16xf32>
        tpu.vector_store %arg15[%swap3A_945, %swap3A_946], %swap3A_949 {strides = array<i32>} : memref<128x128xf32, #tpu.memory_space<vmem>>, vector<1x16xf32>,
        %slice3A_950 = vector.extract_strided_slice %exp3A {offsets = [7], sizes = [1], strides = [1]} : vector<16xf32> to vector<1xf32>
        %squeeze3A_951 = vector.extract %slice3A_950[0] : f32 from vector<1xf32>
        %broadcast_in_dim3A_952 = vector.broadcast %squeeze3A_951 : f32 to vector<16xf32>
        %mul3A_953 = arith.constant 16 : i32
        %mul3A_954 = arith.muli %scan3A_331, %mul3A_953 : i32
        %add3A_955 = arith.constant 7 : i32
        %add3A_956 = arith.addi %mul3A_954, %add3A_955 : i32
        %get3A_957 = arith.index_cast %add3A_956 : i32 to index
        %get3A_958 = arith.constant 0 : index
        %get3A_959 = tpu.vector_load %arg15[%get3A_957, %get3A_958] {strides = array<i32>} : memref<128x128xf32, #tpu.memory_space<vmem>>, vector<1x16xf32>,
        %get3A_960 = vector.shape_cast %get3A_959 : vector<1x16xf32> to vector<16xf32>
        %mul3A_961 = arith.mulf %get3A_960, %broadcast_in_dim3A_952 : vector<16xf32>
        %swap3A_962 = arith.index_cast %add3A_956 : i32 to index
        %swap3A_963 = arith.constant 0 : index
        %swap3A_964 = tpu.vector_load %arg15[%swap3A_962, %swap3A_963] {strides = array<i32>} : memref<128x128xf32, #tpu.memory_space<vmem>>, vector<1x16xf32>,
        %swap3A_965 = vector.shape_cast %swap3A_964 : vector<1x16xf32> to vector<16xf32>
        %swap3A_966 = vector.shape_cast %mul3A_961 : vector<16xf32> to vector<1x16xf32>
        tpu.vector_store %arg15[%swap3A_962, %swap3A_963], %swap3A_966 {strides = array<i32>} : memref<128x128xf32, #tpu.memory_space<vmem>>, vector<1x16xf32>,
        %get3A_967 = arith.index_cast %add3A_956 : i32 to index
        %get3A_968 = arith.constant 16 : index
        %get3A_969 = tpu.vector_load %arg15[%get3A_967, %get3A_968] {strides = array<i32>} : memref<128x128xf32, #tpu.memory_space<vmem>>, vector<1x16xf32>,
        %get3A_970 = vector.shape_cast %get3A_969 : vector<1x16xf32> to vector<16xf32>
        %mul3A_971 = arith.mulf %get3A_970, %broadcast_in_dim3A_952 : vector<16xf32>
        %swap3A_972 = arith.index_cast %add3A_956 : i32 to index
        %swap3A_973 = arith.constant 16 : index
        %swap3A_974 = tpu.vector_load %arg15[%swap3A_972, %swap3A_973] {strides = array<i32>} : memref<128x128xf32, #tpu.memory_space<vmem>>, vector<1x16xf32>,
        %swap3A_975 = vector.shape_cast %swap3A_974 : vector<1x16xf32> to vector<16xf32>
        %swap3A_976 = vector.shape_cast %mul3A_971 : vector<16xf32> to vector<1x16xf32>
        tpu.vector_store %arg15[%swap3A_972, %swap3A_973], %swap3A_976 {strides = array<i32>} : memref<128x128xf32, #tpu.memory_space<vmem>>, vector<1x16xf32>,
        %get3A_977 = arith.index_cast %add3A_956 : i32 to index
        %get3A_978 = arith.constant 32 : index
        %get3A_979 = tpu.vector_load %arg15[%get3A_977, %get3A_978] {strides = array<i32>} : memref<128x128xf32, #tpu.memory_space<vmem>>, vector<1x16xf32>,
        %get3A_980 = vector.shape_cast %get3A_979 : vector<1x16xf32> to vector<16xf32>
        %mul3A_981 = arith.mulf %get3A_980, %broadcast_in_dim3A_952 : vector<16xf32>
        %swap3A_982 = arith.index_cast %add3A_956 : i32 to index
        %swap3A_983 = arith.constant 32 : index
        %swap3A_984 = tpu.vector_load %arg15[%swap3A_982, %swap3A_983] {strides = array<i32>} : memref<128x128xf32, #tpu.memory_space<vmem>>, vector<1x16xf32>,
        %swap3A_985 = vector.shape_cast %swap3A_984 : vector<1x16xf32> to vector<16xf32>
        %swap3A_986 = vector.shape_cast %mul3A_981 : vector<16xf32> to vector<1x16xf32>
        tpu.vector_store %arg15[%swap3A_982, %swap3A_983], %swap3A_986 {strides = array<i32>} : memref<128x128xf32, #tpu.memory_space<vmem>>, vector<1x16xf32>,
        %get3A_987 = arith.index_cast %add3A_956 : i32 to index
        %get3A_988 = arith.constant 48 : index
        %get3A_989 = tpu.vector_load %arg15[%get3A_987, %get3A_988] {strides = array<i32>} : memref<128x128xf32, #tpu.memory_space<vmem>>, vector<1x16xf32>,
        %get3A_990 = vector.shape_cast %get3A_989 : vector<1x16xf32> to vector<16xf32>
        %mul3A_991 = arith.mulf %get3A_990, %broadcast_in_dim3A_952 : vector<16xf32>
        %swap3A_992 = arith.index_cast %add3A_956 : i32 to index
        %swap3A_993 = arith.constant 48 : index
        %swap3A_994 = tpu.vector_load %arg15[%swap3A_992, %swap3A_993] {strides = array<i32>} : memref<128x128xf32, #tpu.memory_space<vmem>>, vector<1x16xf32>,
        %swap3A_995 = vector.shape_cast %swap3A_994 : vector<1x16xf32> to vector<16xf32>
        %swap3A_996 = vector.shape_cast %mul3A_991 : vector<16xf32> to vector<1x16xf32>
        tpu.vector_store %arg15[%swap3A_992, %swap3A_993], %swap3A_996 {strides = array<i32>} : memref<128x128xf32, #tpu.memory_space<vmem>>, vector<1x16xf32>,
        %get3A_997 = arith.index_cast %add3A_956 : i32 to index
        %get3A_998 = arith.constant 64 : index
        %get3A_999 = tpu.vector_load %arg15[%get3A_997, %get3A_998] {strides = array<i32>} : memref<128x128xf32, #tpu.memory_space<vmem>>, vector<1x16xf32>,
        %get3A_1000 = vector.shape_cast %get3A_999 : vector<1x16xf32> to vector<16xf32>
        %mul3A_1001 = arith.mulf %get3A_1000, %broadcast_in_dim3A_952 : vector<16xf32>
        %swap3A_1002 = arith.index_cast %add3A_956 : i32 to index
        %swap3A_1003 = arith.constant 64 : index
        %swap3A_1004 = tpu.vector_load %arg15[%swap3A_1002, %swap3A_1003] {strides = array<i32>} : memref<128x128xf32, #tpu.memory_space<vmem>>, vector<1x16xf32>,
        %swap3A_1005 = vector.shape_cast %swap3A_1004 : vector<1x16xf32> to vector<16xf32>
        %swap3A_1006 = vector.shape_cast %mul3A_1001 : vector<16xf32> to vector<1x16xf32>
        tpu.vector_store %arg15[%swap3A_1002, %swap3A_1003], %swap3A_1006 {strides = array<i32>} : memref<128x128xf32, #tpu.memory_space<vmem>>, vector<1x16xf32>,
        %get3A_1007 = arith.index_cast %add3A_956 : i32 to index
        %get3A_1008 = arith.constant 80 : index
        %get3A_1009 = tpu.vector_load %arg15[%get3A_1007, %get3A_1008] {strides = array<i32>} : memref<128x128xf32, #tpu.memory_space<vmem>>, vector<1x16xf32>,
        %get3A_1010 = vector.shape_cast %get3A_1009 : vector<1x16xf32> to vector<16xf32>
        %mul3A_1011 = arith.mulf %get3A_1010, %broadcast_in_dim3A_952 : vector<16xf32>
        %swap3A_1012 = arith.index_cast %add3A_956 : i32 to index
        %swap3A_1013 = arith.constant 80 : index
        %swap3A_1014 = tpu.vector_load %arg15[%swap3A_1012, %swap3A_1013] {strides = array<i32>} : memref<128x128xf32, #tpu.memory_space<vmem>>, vector<1x16xf32>,
        %swap3A_1015 = vector.shape_cast %swap3A_1014 : vector<1x16xf32> to vector<16xf32>
        %swap3A_1016 = vector.shape_cast %mul3A_1011 : vector<16xf32> to vector<1x16xf32>
        tpu.vector_store %arg15[%swap3A_1012, %swap3A_1013], %swap3A_1016 {strides = array<i32>} : memref<128x128xf32, #tpu.memory_space<vmem>>, vector<1x16xf32>,
        %get3A_1017 = arith.index_cast %add3A_956 : i32 to index
        %get3A_1018 = arith.constant 96 : index
        %get3A_1019 = tpu.vector_load %arg15[%get3A_1017, %get3A_1018] {strides = array<i32>} : memref<128x128xf32, #tpu.memory_space<vmem>>, vector<1x16xf32>,
        %get3A_1020 = vector.shape_cast %get3A_1019 : vector<1x16xf32> to vector<16xf32>
        %mul3A_1021 = arith.mulf %get3A_1020, %broadcast_in_dim3A_952 : vector<16xf32>
        %swap3A_1022 = arith.index_cast %add3A_956 : i32 to index
        %swap3A_1023 = arith.constant 96 : index
        %swap3A_1024 = tpu.vector_load %arg15[%swap3A_1022, %swap3A_1023] {strides = array<i32>} : memref<128x128xf32, #tpu.memory_space<vmem>>, vector<1x16xf32>,
        %swap3A_1025 = vector.shape_cast %swap3A_1024 : vector<1x16xf32> to vector<16xf32>
        %swap3A_1026 = vector.shape_cast %mul3A_1021 : vector<16xf32> to vector<1x16xf32>
        tpu.vector_store %arg15[%swap3A_1022, %swap3A_1023], %swap3A_1026 {strides = array<i32>} : memref<128x128xf32, #tpu.memory_space<vmem>>, vector<1x16xf32>,
        %get3A_1027 = arith.index_cast %add3A_956 : i32 to index
        %get3A_1028 = arith.constant 112 : index
        %get3A_1029 = tpu.vector_load %arg15[%get3A_1027, %get3A_1028] {strides = array<i32>} : memref<128x128xf32, #tpu.memory_space<vmem>>, vector<1x16xf32>,
        %get3A_1030 = vector.shape_cast %get3A_1029 : vector<1x16xf32> to vector<16xf32>
        %mul3A_1031 = arith.mulf %get3A_1030, %broadcast_in_dim3A_952 : vector<16xf32>
        %swap3A_1032 = arith.index_cast %add3A_956 : i32 to index
        %swap3A_1033 = arith.constant 112 : index
        %swap3A_1034 = tpu.vector_load %arg15[%swap3A_1032, %swap3A_1033] {strides = array<i32>} : memref<128x128xf32, #tpu.memory_space<vmem>>, vector<1x16xf32>,
        %swap3A_1035 = vector.shape_cast %swap3A_1034 : vector<1x16xf32> to vector<16xf32>
        %swap3A_1036 = vector.shape_cast %mul3A_1031 : vector<16xf32> to vector<1x16xf32>
        tpu.vector_store %arg15[%swap3A_1032, %swap3A_1033], %swap3A_1036 {strides = array<i32>} : memref<128x128xf32, #tpu.memory_space<vmem>>, vector<1x16xf32>,
        %slice3A_1037 = vector.extract_strided_slice %exp3A {offsets = [8], sizes = [1], strides = [1]} : vector<16xf32> to vector<1xf32>
        %squeeze3A_1038 = vector.extract %slice3A_1037[0] : f32 from vector<1xf32>
        %broadcast_in_dim3A_1039 = vector.broadcast %squeeze3A_1038 : f32 to vector<16xf32>
        %mul3A_1040 = arith.constant 16 : i32
        %mul3A_1041 = arith.muli %scan3A_331, %mul3A_1040 : i32
        %add3A_1042 = arith.constant 8 : i32
        %add3A_1043 = arith.addi %mul3A_1041, %add3A_1042 : i32
        %get3A_1044 = arith.index_cast %add3A_1043 : i32 to index
        %get3A_1045 = arith.constant 0 : index
        %get3A_1046 = tpu.vector_load %arg15[%get3A_1044, %get3A_1045] {strides = array<i32>} : memref<128x128xf32, #tpu.memory_space<vmem>>, vector<1x16xf32>,
        %get3A_1047 = vector.shape_cast %get3A_1046 : vector<1x16xf32> to vector<16xf32>
        %mul3A_1048 = arith.mulf %get3A_1047, %broadcast_in_dim3A_1039 : vector<16xf32>
        %swap3A_1049 = arith.index_cast %add3A_1043 : i32 to index
        %swap3A_1050 = arith.constant 0 : index
        %swap3A_1051 = tpu.vector_load %arg15[%swap3A_1049, %swap3A_1050] {strides = array<i32>} : memref<128x128xf32, #tpu.memory_space<vmem>>, vector<1x16xf32>,
        %swap3A_1052 = vector.shape_cast %swap3A_1051 : vector<1x16xf32> to vector<16xf32>
        %swap3A_1053 = vector.shape_cast %mul3A_1048 : vector<16xf32> to vector<1x16xf32>
        tpu.vector_store %arg15[%swap3A_1049, %swap3A_1050], %swap3A_1053 {strides = array<i32>} : memref<128x128xf32, #tpu.memory_space<vmem>>, vector<1x16xf32>,
        %get3A_1054 = arith.index_cast %add3A_1043 : i32 to index
        %get3A_1055 = arith.constant 16 : index
        %get3A_1056 = tpu.vector_load %arg15[%get3A_1054, %get3A_1055] {strides = array<i32>} : memref<128x128xf32, #tpu.memory_space<vmem>>, vector<1x16xf32>,
        %get3A_1057 = vector.shape_cast %get3A_1056 : vector<1x16xf32> to vector<16xf32>
        %mul3A_1058 = arith.mulf %get3A_1057, %broadcast_in_dim3A_1039 : vector<16xf32>
        %swap3A_1059 = arith.index_cast %add3A_1043 : i32 to index
        %swap3A_1060 = arith.constant 16 : index
        %swap3A_1061 = tpu.vector_load %arg15[%swap3A_1059, %swap3A_1060] {strides = array<i32>} : memref<128x128xf32, #tpu.memory_space<vmem>>, vector<1x16xf32>,
        %swap3A_1062 = vector.shape_cast %swap3A_1061 : vector<1x16xf32> to vector<16xf32>
        %swap3A_1063 = vector.shape_cast %mul3A_1058 : vector<16xf32> to vector<1x16xf32>
        tpu.vector_store %arg15[%swap3A_1059, %swap3A_1060], %swap3A_1063 {strides = array<i32>} : memref<128x128xf32, #tpu.memory_space<vmem>>, vector<1x16xf32>,
        %get3A_1064 = arith.index_cast %add3A_1043 : i32 to index
        %get3A_1065 = arith.constant 32 : index
        %get3A_1066 = tpu.vector_load %arg15[%get3A_1064, %get3A_1065] {strides = array<i32>} : memref<128x128xf32, #tpu.memory_space<vmem>>, vector<1x16xf32>,
        %get3A_1067 = vector.shape_cast %get3A_1066 : vector<1x16xf32> to vector<16xf32>
        %mul3A_1068 = arith.mulf %get3A_1067, %broadcast_in_dim3A_1039 : vector<16xf32>
        %swap3A_1069 = arith.index_cast %add3A_1043 : i32 to index
        %swap3A_1070 = arith.constant 32 : index
        %swap3A_1071 = tpu.vector_load %arg15[%swap3A_1069, %swap3A_1070] {strides = array<i32>} : memref<128x128xf32, #tpu.memory_space<vmem>>, vector<1x16xf32>,
        %swap3A_1072 = vector.shape_cast %swap3A_1071 : vector<1x16xf32> to vector<16xf32>
        %swap3A_1073 = vector.shape_cast %mul3A_1068 : vector<16xf32> to vector<1x16xf32>
        tpu.vector_store %arg15[%swap3A_1069, %swap3A_1070], %swap3A_1073 {strides = array<i32>} : memref<128x128xf32, #tpu.memory_space<vmem>>, vector<1x16xf32>,
        %get3A_1074 = arith.index_cast %add3A_1043 : i32 to index
        %get3A_1075 = arith.constant 48 : index
        %get3A_1076 = tpu.vector_load %arg15[%get3A_1074, %get3A_1075] {strides = array<i32>} : memref<128x128xf32, #tpu.memory_space<vmem>>, vector<1x16xf32>,
        %get3A_1077 = vector.shape_cast %get3A_1076 : vector<1x16xf32> to vector<16xf32>
        %mul3A_1078 = arith.mulf %get3A_1077, %broadcast_in_dim3A_1039 : vector<16xf32>
        %swap3A_1079 = arith.index_cast %add3A_1043 : i32 to index
        %swap3A_1080 = arith.constant 48 : index
        %swap3A_1081 = tpu.vector_load %arg15[%swap3A_1079, %swap3A_1080] {strides = array<i32>} : memref<128x128xf32, #tpu.memory_space<vmem>>, vector<1x16xf32>,
        %swap3A_1082 = vector.shape_cast %swap3A_1081 : vector<1x16xf32> to vector<16xf32>
        %swap3A_1083 = vector.shape_cast %mul3A_1078 : vector<16xf32> to vector<1x16xf32>
        tpu.vector_store %arg15[%swap3A_1079, %swap3A_1080], %swap3A_1083 {strides = array<i32>} : memref<128x128xf32, #tpu.memory_space<vmem>>, vector<1x16xf32>,
        %get3A_1084 = arith.index_cast %add3A_1043 : i32 to index
        %get3A_1085 = arith.constant 64 : index
        %get3A_1086 = tpu.vector_load %arg15[%get3A_1084, %get3A_1085] {strides = array<i32>} : memref<128x128xf32, #tpu.memory_space<vmem>>, vector<1x16xf32>,
        %get3A_1087 = vector.shape_cast %get3A_1086 : vector<1x16xf32> to vector<16xf32>
        %mul3A_1088 = arith.mulf %get3A_1087, %broadcast_in_dim3A_1039 : vector<16xf32>
        %swap3A_1089 = arith.index_cast %add3A_1043 : i32 to index
        %swap3A_1090 = arith.constant 64 : index
        %swap3A_1091 = tpu.vector_load %arg15[%swap3A_1089, %swap3A_1090] {strides = array<i32>} : memref<128x128xf32, #tpu.memory_space<vmem>>, vector<1x16xf32>,
        %swap3A_1092 = vector.shape_cast %swap3A_1091 : vector<1x16xf32> to vector<16xf32>
        %swap3A_1093 = vector.shape_cast %mul3A_1088 : vector<16xf32> to vector<1x16xf32>
        tpu.vector_store %arg15[%swap3A_1089, %swap3A_1090], %swap3A_1093 {strides = array<i32>} : memref<128x128xf32, #tpu.memory_space<vmem>>, vector<1x16xf32>,
        %get3A_1094 = arith.index_cast %add3A_1043 : i32 to index
        %get3A_1095 = arith.constant 80 : index
        %get3A_1096 = tpu.vector_load %arg15[%get3A_1094, %get3A_1095] {strides = array<i32>} : memref<128x128xf32, #tpu.memory_space<vmem>>, vector<1x16xf32>,
        %get3A_1097 = vector.shape_cast %get3A_1096 : vector<1x16xf32> to vector<16xf32>
        %mul3A_1098 = arith.mulf %get3A_1097, %broadcast_in_dim3A_1039 : vector<16xf32>
        %swap3A_1099 = arith.index_cast %add3A_1043 : i32 to index
        %swap3A_1100 = arith.constant 80 : index
        %swap3A_1101 = tpu.vector_load %arg15[%swap3A_1099, %swap3A_1100] {strides = array<i32>} : memref<128x128xf32, #tpu.memory_space<vmem>>, vector<1x16xf32>,
        %swap3A_1102 = vector.shape_cast %swap3A_1101 : vector<1x16xf32> to vector<16xf32>
        %swap3A_1103 = vector.shape_cast %mul3A_1098 : vector<16xf32> to vector<1x16xf32>
        tpu.vector_store %arg15[%swap3A_1099, %swap3A_1100], %swap3A_1103 {strides = array<i32>} : memref<128x128xf32, #tpu.memory_space<vmem>>, vector<1x16xf32>,
        %get3A_1104 = arith.index_cast %add3A_1043 : i32 to index
        %get3A_1105 = arith.constant 96 : index
        %get3A_1106 = tpu.vector_load %arg15[%get3A_1104, %get3A_1105] {strides = array<i32>} : memref<128x128xf32, #tpu.memory_space<vmem>>, vector<1x16xf32>,
        %get3A_1107 = vector.shape_cast %get3A_1106 : vector<1x16xf32> to vector<16xf32>
        %mul3A_1108 = arith.mulf %get3A_1107, %broadcast_in_dim3A_1039 : vector<16xf32>
        %swap3A_1109 = arith.index_cast %add3A_1043 : i32 to index
        %swap3A_1110 = arith.constant 96 : index
        %swap3A_1111 = tpu.vector_load %arg15[%swap3A_1109, %swap3A_1110] {strides = array<i32>} : memref<128x128xf32, #tpu.memory_space<vmem>>, vector<1x16xf32>,
        %swap3A_1112 = vector.shape_cast %swap3A_1111 : vector<1x16xf32> to vector<16xf32>
        %swap3A_1113 = vector.shape_cast %mul3A_1108 : vector<16xf32> to vector<1x16xf32>
        tpu.vector_store %arg15[%swap3A_1109, %swap3A_1110], %swap3A_1113 {strides = array<i32>} : memref<128x128xf32, #tpu.memory_space<vmem>>, vector<1x16xf32>,
        %get3A_1114 = arith.index_cast %add3A_1043 : i32 to index
        %get3A_1115 = arith.constant 112 : index
        %get3A_1116 = tpu.vector_load %arg15[%get3A_1114, %get3A_1115] {strides = array<i32>} : memref<128x128xf32, #tpu.memory_space<vmem>>, vector<1x16xf32>,
        %get3A_1117 = vector.shape_cast %get3A_1116 : vector<1x16xf32> to vector<16xf32>
        %mul3A_1118 = arith.mulf %get3A_1117, %broadcast_in_dim3A_1039 : vector<16xf32>
        %swap3A_1119 = arith.index_cast %add3A_1043 : i32 to index
        %swap3A_1120 = arith.constant 112 : index
        %swap3A_1121 = tpu.vector_load %arg15[%swap3A_1119, %swap3A_1120] {strides = array<i32>} : memref<128x128xf32, #tpu.memory_space<vmem>>, vector<1x16xf32>,
        %swap3A_1122 = vector.shape_cast %swap3A_1121 : vector<1x16xf32> to vector<16xf32>
        %swap3A_1123 = vector.shape_cast %mul3A_1118 : vector<16xf32> to vector<1x16xf32>
        tpu.vector_store %arg15[%swap3A_1119, %swap3A_1120], %swap3A_1123 {strides = array<i32>} : memref<128x128xf32, #tpu.memory_space<vmem>>, vector<1x16xf32>,
        %slice3A_1124 = vector.extract_strided_slice %exp3A {offsets = [9], sizes = [1], strides = [1]} : vector<16xf32> to vector<1xf32>
        %squeeze3A_1125 = vector.extract %slice3A_1124[0] : f32 from vector<1xf32>
        %broadcast_in_dim3A_1126 = vector.broadcast %squeeze3A_1125 : f32 to vector<16xf32>
        %mul3A_1127 = arith.constant 16 : i32
        %mul3A_1128 = arith.muli %scan3A_331, %mul3A_1127 : i32
        %add3A_1129 = arith.constant 9 : i32
        %add3A_1130 = arith.addi %mul3A_1128, %add3A_1129 : i32
        %get3A_1131 = arith.index_cast %add3A_1130 : i32 to index
        %get3A_1132 = arith.constant 0 : index
        %get3A_1133 = tpu.vector_load %arg15[%get3A_1131, %get3A_1132] {strides = array<i32>} : memref<128x128xf32, #tpu.memory_space<vmem>>, vector<1x16xf32>,
        %get3A_1134 = vector.shape_cast %get3A_1133 : vector<1x16xf32> to vector<16xf32>
        %mul3A_1135 = arith.mulf %get3A_1134, %broadcast_in_dim3A_1126 : vector<16xf32>
        %swap3A_1136 = arith.index_cast %add3A_1130 : i32 to index
        %swap3A_1137 = arith.constant 0 : index
        %swap3A_1138 = tpu.vector_load %arg15[%swap3A_1136, %swap3A_1137] {strides = array<i32>} : memref<128x128xf32, #tpu.memory_space<vmem>>, vector<1x16xf32>,
        %swap3A_1139 = vector.shape_cast %swap3A_1138 : vector<1x16xf32> to vector<16xf32>
        %swap3A_1140 = vector.shape_cast %mul3A_1135 : vector<16xf32> to vector<1x16xf32>
        tpu.vector_store %arg15[%swap3A_1136, %swap3A_1137], %swap3A_1140 {strides = array<i32>} : memref<128x128xf32, #tpu.memory_space<vmem>>, vector<1x16xf32>,
        %get3A_1141 = arith.index_cast %add3A_1130 : i32 to index
        %get3A_1142 = arith.constant 16 : index
        %get3A_1143 = tpu.vector_load %arg15[%get3A_1141, %get3A_1142] {strides = array<i32>} : memref<128x128xf32, #tpu.memory_space<vmem>>, vector<1x16xf32>,
        %get3A_1144 = vector.shape_cast %get3A_1143 : vector<1x16xf32> to vector<16xf32>
        %mul3A_1145 = arith.mulf %get3A_1144, %broadcast_in_dim3A_1126 : vector<16xf32>
        %swap3A_1146 = arith.index_cast %add3A_1130 : i32 to index
        %swap3A_1147 = arith.constant 16 : index
        %swap3A_1148 = tpu.vector_load %arg15[%swap3A_1146, %swap3A_1147] {strides = array<i32>} : memref<128x128xf32, #tpu.memory_space<vmem>>, vector<1x16xf32>,
        %swap3A_1149 = vector.shape_cast %swap3A_1148 : vector<1x16xf32> to vector<16xf32>
        %swap3A_1150 = vector.shape_cast %mul3A_1145 : vector<16xf32> to vector<1x16xf32>
        tpu.vector_store %arg15[%swap3A_1146, %swap3A_1147], %swap3A_1150 {strides = array<i32>} : memref<128x128xf32, #tpu.memory_space<vmem>>, vector<1x16xf32>,
        %get3A_1151 = arith.index_cast %add3A_1130 : i32 to index
        %get3A_1152 = arith.constant 32 : index
        %get3A_1153 = tpu.vector_load %arg15[%get3A_1151, %get3A_1152] {strides = array<i32>} : memref<128x128xf32, #tpu.memory_space<vmem>>, vector<1x16xf32>,
        %get3A_1154 = vector.shape_cast %get3A_1153 : vector<1x16xf32> to vector<16xf32>
        %mul3A_1155 = arith.mulf %get3A_1154, %broadcast_in_dim3A_1126 : vector<16xf32>
        %swap3A_1156 = arith.index_cast %add3A_1130 : i32 to index
        %swap3A_1157 = arith.constant 32 : index
        %swap3A_1158 = tpu.vector_load %arg15[%swap3A_1156, %swap3A_1157] {strides = array<i32>} : memref<128x128xf32, #tpu.memory_space<vmem>>, vector<1x16xf32>,
        %swap3A_1159 = vector.shape_cast %swap3A_1158 : vector<1x16xf32> to vector<16xf32>
        %swap3A_1160 = vector.shape_cast %mul3A_1155 : vector<16xf32> to vector<1x16xf32>
        tpu.vector_store %arg15[%swap3A_1156, %swap3A_1157], %swap3A_1160 {strides = array<i32>} : memref<128x128xf32, #tpu.memory_space<vmem>>, vector<1x16xf32>,
        %get3A_1161 = arith.index_cast %add3A_1130 : i32 to index
        %get3A_1162 = arith.constant 48 : index
        %get3A_1163 = tpu.vector_load %arg15[%get3A_1161, %get3A_1162] {strides = array<i32>} : memref<128x128xf32, #tpu.memory_space<vmem>>, vector<1x16xf32>,
        %get3A_1164 = vector.shape_cast %get3A_1163 : vector<1x16xf32> to vector<16xf32>
        %mul3A_1165 = arith.mulf %get3A_1164, %broadcast_in_dim3A_1126 : vector<16xf32>
        %swap3A_1166 = arith.index_cast %add3A_1130 : i32 to index
        %swap3A_1167 = arith.constant 48 : index
        %swap3A_1168 = tpu.vector_load %arg15[%swap3A_1166, %swap3A_1167] {strides = array<i32>} : memref<128x128xf32, #tpu.memory_space<vmem>>, vector<1x16xf32>,
        %swap3A_1169 = vector.shape_cast %swap3A_1168 : vector<1x16xf32> to vector<16xf32>
        %swap3A_1170 = vector.shape_cast %mul3A_1165 : vector<16xf32> to vector<1x16xf32>
        tpu.vector_store %arg15[%swap3A_1166, %swap3A_1167], %swap3A_1170 {strides = array<i32>} : memref<128x128xf32, #tpu.memory_space<vmem>>, vector<1x16xf32>,
        %get3A_1171 = arith.index_cast %add3A_1130 : i32 to index
        %get3A_1172 = arith.constant 64 : index
        %get3A_1173 = tpu.vector_load %arg15[%get3A_1171, %get3A_1172] {strides = array<i32>} : memref<128x128xf32, #tpu.memory_space<vmem>>, vector<1x16xf32>,
        %get3A_1174 = vector.shape_cast %get3A_1173 : vector<1x16xf32> to vector<16xf32>
        %mul3A_1175 = arith.mulf %get3A_1174, %broadcast_in_dim3A_1126 : vector<16xf32>
        %swap3A_1176 = arith.index_cast %add3A_1130 : i32 to index
        %swap3A_1177 = arith.constant 64 : index
        %swap3A_1178 = tpu.vector_load %arg15[%swap3A_1176, %swap3A_1177] {strides = array<i32>} : memref<128x128xf32, #tpu.memory_space<vmem>>, vector<1x16xf32>,
        %swap3A_1179 = vector.shape_cast %swap3A_1178 : vector<1x16xf32> to vector<16xf32>
        %swap3A_1180 = vector.shape_cast %mul3A_1175 : vector<16xf32> to vector<1x16xf32>
        tpu.vector_store %arg15[%swap3A_1176, %swap3A_1177], %swap3A_1180 {strides = array<i32>} : memref<128x128xf32, #tpu.memory_space<vmem>>, vector<1x16xf32>,
        %get3A_1181 = arith.index_cast %add3A_1130 : i32 to index
        %get3A_1182 = arith.constant 80 : index
        %get3A_1183 = tpu.vector_load %arg15[%get3A_1181, %get3A_1182] {strides = array<i32>} : memref<128x128xf32, #tpu.memory_space<vmem>>, vector<1x16xf32>,
        %get3A_1184 = vector.shape_cast %get3A_1183 : vector<1x16xf32> to vector<16xf32>
        %mul3A_1185 = arith.mulf %get3A_1184, %broadcast_in_dim3A_1126 : vector<16xf32>
        %swap3A_1186 = arith.index_cast %add3A_1130 : i32 to index
        %swap3A_1187 = arith.constant 80 : index
        %swap3A_1188 = tpu.vector_load %arg15[%swap3A_1186, %swap3A_1187] {strides = array<i32>} : memref<128x128xf32, #tpu.memory_space<vmem>>, vector<1x16xf32>,
        %swap3A_1189 = vector.shape_cast %swap3A_1188 : vector<1x16xf32> to vector<16xf32>
        %swap3A_1190 = vector.shape_cast %mul3A_1185 : vector<16xf32> to vector<1x16xf32>
        tpu.vector_store %arg15[%swap3A_1186, %swap3A_1187], %swap3A_1190 {strides = array<i32>} : memref<128x128xf32, #tpu.memory_space<vmem>>, vector<1x16xf32>,
        %get3A_1191 = arith.index_cast %add3A_1130 : i32 to index
        %get3A_1192 = arith.constant 96 : index
        %get3A_1193 = tpu.vector_load %arg15[%get3A_1191, %get3A_1192] {strides = array<i32>} : memref<128x128xf32, #tpu.memory_space<vmem>>, vector<1x16xf32>,
        %get3A_1194 = vector.shape_cast %get3A_1193 : vector<1x16xf32> to vector<16xf32>
        %mul3A_1195 = arith.mulf %get3A_1194, %broadcast_in_dim3A_1126 : vector<16xf32>
        %swap3A_1196 = arith.index_cast %add3A_1130 : i32 to index
        %swap3A_1197 = arith.constant 96 : index
        %swap3A_1198 = tpu.vector_load %arg15[%swap3A_1196, %swap3A_1197] {strides = array<i32>} : memref<128x128xf32, #tpu.memory_space<vmem>>, vector<1x16xf32>,
        %swap3A_1199 = vector.shape_cast %swap3A_1198 : vector<1x16xf32> to vector<16xf32>
        %swap3A_1200 = vector.shape_cast %mul3A_1195 : vector<16xf32> to vector<1x16xf32>
        tpu.vector_store %arg15[%swap3A_1196, %swap3A_1197], %swap3A_1200 {strides = array<i32>} : memref<128x128xf32, #tpu.memory_space<vmem>>, vector<1x16xf32>,
        %get3A_1201 = arith.index_cast %add3A_1130 : i32 to index
        %get3A_1202 = arith.constant 112 : index
        %get3A_1203 = tpu.vector_load %arg15[%get3A_1201, %get3A_1202] {strides = array<i32>} : memref<128x128xf32, #tpu.memory_space<vmem>>, vector<1x16xf32>,
        %get3A_1204 = vector.shape_cast %get3A_1203 : vector<1x16xf32> to vector<16xf32>
        %mul3A_1205 = arith.mulf %get3A_1204, %broadcast_in_dim3A_1126 : vector<16xf32>
        %swap3A_1206 = arith.index_cast %add3A_1130 : i32 to index
        %swap3A_1207 = arith.constant 112 : index
        %swap3A_1208 = tpu.vector_load %arg15[%swap3A_1206, %swap3A_1207] {strides = array<i32>} : memref<128x128xf32, #tpu.memory_space<vmem>>, vector<1x16xf32>,
        %swap3A_1209 = vector.shape_cast %swap3A_1208 : vector<1x16xf32> to vector<16xf32>
        %swap3A_1210 = vector.shape_cast %mul3A_1205 : vector<16xf32> to vector<1x16xf32>
        tpu.vector_store %arg15[%swap3A_1206, %swap3A_1207], %swap3A_1210 {strides = array<i32>} : memref<128x128xf32, #tpu.memory_space<vmem>>, vector<1x16xf32>,
        %slice3A_1211 = vector.extract_strided_slice %exp3A {offsets = [10], sizes = [1], strides = [1]} : vector<16xf32> to vector<1xf32>
        %squeeze3A_1212 = vector.extract %slice3A_1211[0] : f32 from vector<1xf32>
        %broadcast_in_dim3A_1213 = vector.broadcast %squeeze3A_1212 : f32 to vector<16xf32>
        %mul3A_1214 = arith.constant 16 : i32
        %mul3A_1215 = arith.muli %scan3A_331, %mul3A_1214 : i32
        %add3A_1216 = arith.constant 10 : i32
        %add3A_1217 = arith.addi %mul3A_1215, %add3A_1216 : i32
        %get3A_1218 = arith.index_cast %add3A_1217 : i32 to index
        %get3A_1219 = arith.constant 0 : index
        %get3A_1220 = tpu.vector_load %arg15[%get3A_1218, %get3A_1219] {strides = array<i32>} : memref<128x128xf32, #tpu.memory_space<vmem>>, vector<1x16xf32>,
        %get3A_1221 = vector.shape_cast %get3A_1220 : vector<1x16xf32> to vector<16xf32>
        %mul3A_1222 = arith.mulf %get3A_1221, %broadcast_in_dim3A_1213 : vector<16xf32>
        %swap3A_1223 = arith.index_cast %add3A_1217 : i32 to index
        %swap3A_1224 = arith.constant 0 : index
        %swap3A_1225 = tpu.vector_load %arg15[%swap3A_1223, %swap3A_1224] {strides = array<i32>} : memref<128x128xf32, #tpu.memory_space<vmem>>, vector<1x16xf32>,
        %swap3A_1226 = vector.shape_cast %swap3A_1225 : vector<1x16xf32> to vector<16xf32>
        %swap3A_1227 = vector.shape_cast %mul3A_1222 : vector<16xf32> to vector<1x16xf32>
        tpu.vector_store %arg15[%swap3A_1223, %swap3A_1224], %swap3A_1227 {strides = array<i32>} : memref<128x128xf32, #tpu.memory_space<vmem>>, vector<1x16xf32>,
        %get3A_1228 = arith.index_cast %add3A_1217 : i32 to index
        %get3A_1229 = arith.constant 16 : index
        %get3A_1230 = tpu.vector_load %arg15[%get3A_1228, %get3A_1229] {strides = array<i32>} : memref<128x128xf32, #tpu.memory_space<vmem>>, vector<1x16xf32>,
        %get3A_1231 = vector.shape_cast %get3A_1230 : vector<1x16xf32> to vector<16xf32>
        %mul3A_1232 = arith.mulf %get3A_1231, %broadcast_in_dim3A_1213 : vector<16xf32>
        %swap3A_1233 = arith.index_cast %add3A_1217 : i32 to index
        %swap3A_1234 = arith.constant 16 : index
        %swap3A_1235 = tpu.vector_load %arg15[%swap3A_1233, %swap3A_1234] {strides = array<i32>} : memref<128x128xf32, #tpu.memory_space<vmem>>, vector<1x16xf32>,
        %swap3A_1236 = vector.shape_cast %swap3A_1235 : vector<1x16xf32> to vector<16xf32>
        %swap3A_1237 = vector.shape_cast %mul3A_1232 : vector<16xf32> to vector<1x16xf32>
        tpu.vector_store %arg15[%swap3A_1233, %swap3A_1234], %swap3A_1237 {strides = array<i32>} : memref<128x128xf32, #tpu.memory_space<vmem>>, vector<1x16xf32>,
        %get3A_1238 = arith.index_cast %add3A_1217 : i32 to index
        %get3A_1239 = arith.constant 32 : index
        %get3A_1240 = tpu.vector_load %arg15[%get3A_1238, %get3A_1239] {strides = array<i32>} : memref<128x128xf32, #tpu.memory_space<vmem>>, vector<1x16xf32>,
        %get3A_1241 = vector.shape_cast %get3A_1240 : vector<1x16xf32> to vector<16xf32>
        %mul3A_1242 = arith.mulf %get3A_1241, %broadcast_in_dim3A_1213 : vector<16xf32>
        %swap3A_1243 = arith.index_cast %add3A_1217 : i32 to index
        %swap3A_1244 = arith.constant 32 : index
        %swap3A_1245 = tpu.vector_load %arg15[%swap3A_1243, %swap3A_1244] {strides = array<i32>} : memref<128x128xf32, #tpu.memory_space<vmem>>, vector<1x16xf32>,
        %swap3A_1246 = vector.shape_cast %swap3A_1245 : vector<1x16xf32> to vector<16xf32>
        %swap3A_1247 = vector.shape_cast %mul3A_1242 : vector<16xf32> to vector<1x16xf32>
        tpu.vector_store %arg15[%swap3A_1243, %swap3A_1244], %swap3A_1247 {strides = array<i32>} : memref<128x128xf32, #tpu.memory_space<vmem>>, vector<1x16xf32>,
        %get3A_1248 = arith.index_cast %add3A_1217 : i32 to index
        %get3A_1249 = arith.constant 48 : index
        %get3A_1250 = tpu.vector_load %arg15[%get3A_1248, %get3A_1249] {strides = array<i32>} : memref<128x128xf32, #tpu.memory_space<vmem>>, vector<1x16xf32>,
        %get3A_1251 = vector.shape_cast %get3A_1250 : vector<1x16xf32> to vector<16xf32>
        %mul3A_1252 = arith.mulf %get3A_1251, %broadcast_in_dim3A_1213 : vector<16xf32>
        %swap3A_1253 = arith.index_cast %add3A_1217 : i32 to index
        %swap3A_1254 = arith.constant 48 : index
        %swap3A_1255 = tpu.vector_load %arg15[%swap3A_1253, %swap3A_1254] {strides = array<i32>} : memref<128x128xf32, #tpu.memory_space<vmem>>, vector<1x16xf32>,
        %swap3A_1256 = vector.shape_cast %swap3A_1255 : vector<1x16xf32> to vector<16xf32>
        %swap3A_1257 = vector.shape_cast %mul3A_1252 : vector<16xf32> to vector<1x16xf32>
        tpu.vector_store %arg15[%swap3A_1253, %swap3A_1254], %swap3A_1257 {strides = array<i32>} : memref<128x128xf32, #tpu.memory_space<vmem>>, vector<1x16xf32>,
        %get3A_1258 = arith.index_cast %add3A_1217 : i32 to index
        %get3A_1259 = arith.constant 64 : index
        %get3A_1260 = tpu.vector_load %arg15[%get3A_1258, %get3A_1259] {strides = array<i32>} : memref<128x128xf32, #tpu.memory_space<vmem>>, vector<1x16xf32>,
        %get3A_1261 = vector.shape_cast %get3A_1260 : vector<1x16xf32> to vector<16xf32>
        %mul3A_1262 = arith.mulf %get3A_1261, %broadcast_in_dim3A_1213 : vector<16xf32>
        %swap3A_1263 = arith.index_cast %add3A_1217 : i32 to index
        %swap3A_1264 = arith.constant 64 : index
        %swap3A_1265 = tpu.vector_load %arg15[%swap3A_1263, %swap3A_1264] {strides = array<i32>} : memref<128x128xf32, #tpu.memory_space<vmem>>, vector<1x16xf32>,
        %swap3A_1266 = vector.shape_cast %swap3A_1265 : vector<1x16xf32> to vector<16xf32>
        %swap3A_1267 = vector.shape_cast %mul3A_1262 : vector<16xf32> to vector<1x16xf32>
        tpu.vector_store %arg15[%swap3A_1263, %swap3A_1264], %swap3A_1267 {strides = array<i32>} : memref<128x128xf32, #tpu.memory_space<vmem>>, vector<1x16xf32>,
        %get3A_1268 = arith.index_cast %add3A_1217 : i32 to index
        %get3A_1269 = arith.constant 80 : index
        %get3A_1270 = tpu.vector_load %arg15[%get3A_1268, %get3A_1269] {strides = array<i32>} : memref<128x128xf32, #tpu.memory_space<vmem>>, vector<1x16xf32>,
        %get3A_1271 = vector.shape_cast %get3A_1270 : vector<1x16xf32> to vector<16xf32>
        %mul3A_1272 = arith.mulf %get3A_1271, %broadcast_in_dim3A_1213 : vector<16xf32>
        %swap3A_1273 = arith.index_cast %add3A_1217 : i32 to index
        %swap3A_1274 = arith.constant 80 : index
        %swap3A_1275 = tpu.vector_load %arg15[%swap3A_1273, %swap3A_1274] {strides = array<i32>} : memref<128x128xf32, #tpu.memory_space<vmem>>, vector<1x16xf32>,
        %swap3A_1276 = vector.shape_cast %swap3A_1275 : vector<1x16xf32> to vector<16xf32>
        %swap3A_1277 = vector.shape_cast %mul3A_1272 : vector<16xf32> to vector<1x16xf32>
        tpu.vector_store %arg15[%swap3A_1273, %swap3A_1274], %swap3A_1277 {strides = array<i32>} : memref<128x128xf32, #tpu.memory_space<vmem>>, vector<1x16xf32>,
        %get3A_1278 = arith.index_cast %add3A_1217 : i32 to index
        %get3A_1279 = arith.constant 96 : index
        %get3A_1280 = tpu.vector_load %arg15[%get3A_1278, %get3A_1279] {strides = array<i32>} : memref<128x128xf32, #tpu.memory_space<vmem>>, vector<1x16xf32>,
        %get3A_1281 = vector.shape_cast %get3A_1280 : vector<1x16xf32> to vector<16xf32>
        %mul3A_1282 = arith.mulf %get3A_1281, %broadcast_in_dim3A_1213 : vector<16xf32>
        %swap3A_1283 = arith.index_cast %add3A_1217 : i32 to index
        %swap3A_1284 = arith.constant 96 : index
        %swap3A_1285 = tpu.vector_load %arg15[%swap3A_1283, %swap3A_1284] {strides = array<i32>} : memref<128x128xf32, #tpu.memory_space<vmem>>, vector<1x16xf32>,
        %swap3A_1286 = vector.shape_cast %swap3A_1285 : vector<1x16xf32> to vector<16xf32>
        %swap3A_1287 = vector.shape_cast %mul3A_1282 : vector<16xf32> to vector<1x16xf32>
        tpu.vector_store %arg15[%swap3A_1283, %swap3A_1284], %swap3A_1287 {strides = array<i32>} : memref<128x128xf32, #tpu.memory_space<vmem>>, vector<1x16xf32>,
        %get3A_1288 = arith.index_cast %add3A_1217 : i32 to index
        %get3A_1289 = arith.constant 112 : index
        %get3A_1290 = tpu.vector_load %arg15[%get3A_1288, %get3A_1289] {strides = array<i32>} : memref<128x128xf32, #tpu.memory_space<vmem>>, vector<1x16xf32>,
        %get3A_1291 = vector.shape_cast %get3A_1290 : vector<1x16xf32> to vector<16xf32>
        %mul3A_1292 = arith.mulf %get3A_1291, %broadcast_in_dim3A_1213 : vector<16xf32>
        %swap3A_1293 = arith.index_cast %add3A_1217 : i32 to index
        %swap3A_1294 = arith.constant 112 : index
        %swap3A_1295 = tpu.vector_load %arg15[%swap3A_1293, %swap3A_1294] {strides = array<i32>} : memref<128x128xf32, #tpu.memory_space<vmem>>, vector<1x16xf32>,
        %swap3A_1296 = vector.shape_cast %swap3A_1295 : vector<1x16xf32> to vector<16xf32>
        %swap3A_1297 = vector.shape_cast %mul3A_1292 : vector<16xf32> to vector<1x16xf32>
        tpu.vector_store %arg15[%swap3A_1293, %swap3A_1294], %swap3A_1297 {strides = array<i32>} : memref<128x128xf32, #tpu.memory_space<vmem>>, vector<1x16xf32>,
        %slice3A_1298 = vector.extract_strided_slice %exp3A {offsets = [11], sizes = [1], strides = [1]} : vector<16xf32> to vector<1xf32>
        %squeeze3A_1299 = vector.extract %slice3A_1298[0] : f32 from vector<1xf32>
        %broadcast_in_dim3A_1300 = vector.broadcast %squeeze3A_1299 : f32 to vector<16xf32>
        %mul3A_1301 = arith.constant 16 : i32
        %mul3A_1302 = arith.muli %scan3A_331, %mul3A_1301 : i32
        %add3A_1303 = arith.constant 11 : i32
        %add3A_1304 = arith.addi %mul3A_1302, %add3A_1303 : i32
        %get3A_1305 = arith.index_cast %add3A_1304 : i32 to index
        %get3A_1306 = arith.constant 0 : index
        %get3A_1307 = tpu.vector_load %arg15[%get3A_1305, %get3A_1306] {strides = array<i32>} : memref<128x128xf32, #tpu.memory_space<vmem>>, vector<1x16xf32>,
        %get3A_1308 = vector.shape_cast %get3A_1307 : vector<1x16xf32> to vector<16xf32>
        %mul3A_1309 = arith.mulf %get3A_1308, %broadcast_in_dim3A_1300 : vector<16xf32>
        %swap3A_1310 = arith.index_cast %add3A_1304 : i32 to index
        %swap3A_1311 = arith.constant 0 : index
        %swap3A_1312 = tpu.vector_load %arg15[%swap3A_1310, %swap3A_1311] {strides = array<i32>} : memref<128x128xf32, #tpu.memory_space<vmem>>, vector<1x16xf32>,
        %swap3A_1313 = vector.shape_cast %swap3A_1312 : vector<1x16xf32> to vector<16xf32>
        %swap3A_1314 = vector.shape_cast %mul3A_1309 : vector<16xf32> to vector<1x16xf32>
        tpu.vector_store %arg15[%swap3A_1310, %swap3A_1311], %swap3A_1314 {strides = array<i32>} : memref<128x128xf32, #tpu.memory_space<vmem>>, vector<1x16xf32>,
        %get3A_1315 = arith.index_cast %add3A_1304 : i32 to index
        %get3A_1316 = arith.constant 16 : index
        %get3A_1317 = tpu.vector_load %arg15[%get3A_1315, %get3A_1316] {strides = array<i32>} : memref<128x128xf32, #tpu.memory_space<vmem>>, vector<1x16xf32>,
        %get3A_1318 = vector.shape_cast %get3A_1317 : vector<1x16xf32> to vector<16xf32>
        %mul3A_1319 = arith.mulf %get3A_1318, %broadcast_in_dim3A_1300 : vector<16xf32>
        %swap3A_1320 = arith.index_cast %add3A_1304 : i32 to index
        %swap3A_1321 = arith.constant 16 : index
        %swap3A_1322 = tpu.vector_load %arg15[%swap3A_1320, %swap3A_1321] {strides = array<i32>} : memref<128x128xf32, #tpu.memory_space<vmem>>, vector<1x16xf32>,
        %swap3A_1323 = vector.shape_cast %swap3A_1322 : vector<1x16xf32> to vector<16xf32>
        %swap3A_1324 = vector.shape_cast %mul3A_1319 : vector<16xf32> to vector<1x16xf32>
        tpu.vector_store %arg15[%swap3A_1320, %swap3A_1321], %swap3A_1324 {strides = array<i32>} : memref<128x128xf32, #tpu.memory_space<vmem>>, vector<1x16xf32>,
        %get3A_1325 = arith.index_cast %add3A_1304 : i32 to index
        %get3A_1326 = arith.constant 32 : index
        %get3A_1327 = tpu.vector_load %arg15[%get3A_1325, %get3A_1326] {strides = array<i32>} : memref<128x128xf32, #tpu.memory_space<vmem>>, vector<1x16xf32>,
        %get3A_1328 = vector.shape_cast %get3A_1327 : vector<1x16xf32> to vector<16xf32>
        %mul3A_1329 = arith.mulf %get3A_1328, %broadcast_in_dim3A_1300 : vector<16xf32>
        %swap3A_1330 = arith.index_cast %add3A_1304 : i32 to index
        %swap3A_1331 = arith.constant 32 : index
        %swap3A_1332 = tpu.vector_load %arg15[%swap3A_1330, %swap3A_1331] {strides = array<i32>} : memref<128x128xf32, #tpu.memory_space<vmem>>, vector<1x16xf32>,
        %swap3A_1333 = vector.shape_cast %swap3A_1332 : vector<1x16xf32> to vector<16xf32>
        %swap3A_1334 = vector.shape_cast %mul3A_1329 : vector<16xf32> to vector<1x16xf32>
        tpu.vector_store %arg15[%swap3A_1330, %swap3A_1331], %swap3A_1334 {strides = array<i32>} : memref<128x128xf32, #tpu.memory_space<vmem>>, vector<1x16xf32>,
        %get3A_1335 = arith.index_cast %add3A_1304 : i32 to index
        %get3A_1336 = arith.constant 48 : index
        %get3A_1337 = tpu.vector_load %arg15[%get3A_1335, %get3A_1336] {strides = array<i32>} : memref<128x128xf32, #tpu.memory_space<vmem>>, vector<1x16xf32>,
        %get3A_1338 = vector.shape_cast %get3A_1337 : vector<1x16xf32> to vector<16xf32>
        %mul3A_1339 = arith.mulf %get3A_1338, %broadcast_in_dim3A_1300 : vector<16xf32>
        %swap3A_1340 = arith.index_cast %add3A_1304 : i32 to index
        %swap3A_1341 = arith.constant 48 : index
        %swap3A_1342 = tpu.vector_load %arg15[%swap3A_1340, %swap3A_1341] {strides = array<i32>} : memref<128x128xf32, #tpu.memory_space<vmem>>, vector<1x16xf32>,
        %swap3A_1343 = vector.shape_cast %swap3A_1342 : vector<1x16xf32> to vector<16xf32>
        %swap3A_1344 = vector.shape_cast %mul3A_1339 : vector<16xf32> to vector<1x16xf32>
        tpu.vector_store %arg15[%swap3A_1340, %swap3A_1341], %swap3A_1344 {strides = array<i32>} : memref<128x128xf32, #tpu.memory_space<vmem>>, vector<1x16xf32>,
        %get3A_1345 = arith.index_cast %add3A_1304 : i32 to index
        %get3A_1346 = arith.constant 64 : index
        %get3A_1347 = tpu.vector_load %arg15[%get3A_1345, %get3A_1346] {strides = array<i32>} : memref<128x128xf32, #tpu.memory_space<vmem>>, vector<1x16xf32>,
        %get3A_1348 = vector.shape_cast %get3A_1347 : vector<1x16xf32> to vector<16xf32>
        %mul3A_1349 = arith.mulf %get3A_1348, %broadcast_in_dim3A_1300 : vector<16xf32>
        %swap3A_1350 = arith.index_cast %add3A_1304 : i32 to index
        %swap3A_1351 = arith.constant 64 : index
        %swap3A_1352 = tpu.vector_load %arg15[%swap3A_1350, %swap3A_1351] {strides = array<i32>} : memref<128x128xf32, #tpu.memory_space<vmem>>, vector<1x16xf32>,
        %swap3A_1353 = vector.shape_cast %swap3A_1352 : vector<1x16xf32> to vector<16xf32>
        %swap3A_1354 = vector.shape_cast %mul3A_1349 : vector<16xf32> to vector<1x16xf32>
        tpu.vector_store %arg15[%swap3A_1350, %swap3A_1351], %swap3A_1354 {strides = array<i32>} : memref<128x128xf32, #tpu.memory_space<vmem>>, vector<1x16xf32>,
        %get3A_1355 = arith.index_cast %add3A_1304 : i32 to index
        %get3A_1356 = arith.constant 80 : index
        %get3A_1357 = tpu.vector_load %arg15[%get3A_1355, %get3A_1356] {strides = array<i32>} : memref<128x128xf32, #tpu.memory_space<vmem>>, vector<1x16xf32>,
        %get3A_1358 = vector.shape_cast %get3A_1357 : vector<1x16xf32> to vector<16xf32>
        %mul3A_1359 = arith.mulf %get3A_1358, %broadcast_in_dim3A_1300 : vector<16xf32>
        %swap3A_1360 = arith.index_cast %add3A_1304 : i32 to index
        %swap3A_1361 = arith.constant 80 : index
        %swap3A_1362 = tpu.vector_load %arg15[%swap3A_1360, %swap3A_1361] {strides = array<i32>} : memref<128x128xf32, #tpu.memory_space<vmem>>, vector<1x16xf32>,
        %swap3A_1363 = vector.shape_cast %swap3A_1362 : vector<1x16xf32> to vector<16xf32>
        %swap3A_1364 = vector.shape_cast %mul3A_1359 : vector<16xf32> to vector<1x16xf32>
        tpu.vector_store %arg15[%swap3A_1360, %swap3A_1361], %swap3A_1364 {strides = array<i32>} : memref<128x128xf32, #tpu.memory_space<vmem>>, vector<1x16xf32>,
        %get3A_1365 = arith.index_cast %add3A_1304 : i32 to index
        %get3A_1366 = arith.constant 96 : index
        %get3A_1367 = tpu.vector_load %arg15[%get3A_1365, %get3A_1366] {strides = array<i32>} : memref<128x128xf32, #tpu.memory_space<vmem>>, vector<1x16xf32>,
        %get3A_1368 = vector.shape_cast %get3A_1367 : vector<1x16xf32> to vector<16xf32>
        %mul3A_1369 = arith.mulf %get3A_1368, %broadcast_in_dim3A_1300 : vector<16xf32>
        %swap3A_1370 = arith.index_cast %add3A_1304 : i32 to index
        %swap3A_1371 = arith.constant 96 : index
        %swap3A_1372 = tpu.vector_load %arg15[%swap3A_1370, %swap3A_1371] {strides = array<i32>} : memref<128x128xf32, #tpu.memory_space<vmem>>, vector<1x16xf32>,
        %swap3A_1373 = vector.shape_cast %swap3A_1372 : vector<1x16xf32> to vector<16xf32>
        %swap3A_1374 = vector.shape_cast %mul3A_1369 : vector<16xf32> to vector<1x16xf32>
        tpu.vector_store %arg15[%swap3A_1370, %swap3A_1371], %swap3A_1374 {strides = array<i32>} : memref<128x128xf32, #tpu.memory_space<vmem>>, vector<1x16xf32>,
        %get3A_1375 = arith.index_cast %add3A_1304 : i32 to index
        %get3A_1376 = arith.constant 112 : index
        %get3A_1377 = tpu.vector_load %arg15[%get3A_1375, %get3A_1376] {strides = array<i32>} : memref<128x128xf32, #tpu.memory_space<vmem>>, vector<1x16xf32>,
        %get3A_1378 = vector.shape_cast %get3A_1377 : vector<1x16xf32> to vector<16xf32>
        %mul3A_1379 = arith.mulf %get3A_1378, %broadcast_in_dim3A_1300 : vector<16xf32>
        %swap3A_1380 = arith.index_cast %add3A_1304 : i32 to index
        %swap3A_1381 = arith.constant 112 : index
        %swap3A_1382 = tpu.vector_load %arg15[%swap3A_1380, %swap3A_1381] {strides = array<i32>} : memref<128x128xf32, #tpu.memory_space<vmem>>, vector<1x16xf32>,
        %swap3A_1383 = vector.shape_cast %swap3A_1382 : vector<1x16xf32> to vector<16xf32>
        %swap3A_1384 = vector.shape_cast %mul3A_1379 : vector<16xf32> to vector<1x16xf32>
        tpu.vector_store %arg15[%swap3A_1380, %swap3A_1381], %swap3A_1384 {strides = array<i32>} : memref<128x128xf32, #tpu.memory_space<vmem>>, vector<1x16xf32>,
        %slice3A_1385 = vector.extract_strided_slice %exp3A {offsets = [12], sizes = [1], strides = [1]} : vector<16xf32> to vector<1xf32>
        %squeeze3A_1386 = vector.extract %slice3A_1385[0] : f32 from vector<1xf32>
        %broadcast_in_dim3A_1387 = vector.broadcast %squeeze3A_1386 : f32 to vector<16xf32>
        %mul3A_1388 = arith.constant 16 : i32
        %mul3A_1389 = arith.muli %scan3A_331, %mul3A_1388 : i32
        %add3A_1390 = arith.constant 12 : i32
        %add3A_1391 = arith.addi %mul3A_1389, %add3A_1390 : i32
        %get3A_1392 = arith.index_cast %add3A_1391 : i32 to index
        %get3A_1393 = arith.constant 0 : index
        %get3A_1394 = tpu.vector_load %arg15[%get3A_1392, %get3A_1393] {strides = array<i32>} : memref<128x128xf32, #tpu.memory_space<vmem>>, vector<1x16xf32>,
        %get3A_1395 = vector.shape_cast %get3A_1394 : vector<1x16xf32> to vector<16xf32>
        %mul3A_1396 = arith.mulf %get3A_1395, %broadcast_in_dim3A_1387 : vector<16xf32>
        %swap3A_1397 = arith.index_cast %add3A_1391 : i32 to index
        %swap3A_1398 = arith.constant 0 : index
        %swap3A_1399 = tpu.vector_load %arg15[%swap3A_1397, %swap3A_1398] {strides = array<i32>} : memref<128x128xf32, #tpu.memory_space<vmem>>, vector<1x16xf32>,
        %swap3A_1400 = vector.shape_cast %swap3A_1399 : vector<1x16xf32> to vector<16xf32>
        %swap3A_1401 = vector.shape_cast %mul3A_1396 : vector<16xf32> to vector<1x16xf32>
        tpu.vector_store %arg15[%swap3A_1397, %swap3A_1398], %swap3A_1401 {strides = array<i32>} : memref<128x128xf32, #tpu.memory_space<vmem>>, vector<1x16xf32>,
        %get3A_1402 = arith.index_cast %add3A_1391 : i32 to index
        %get3A_1403 = arith.constant 16 : index
        %get3A_1404 = tpu.vector_load %arg15[%get3A_1402, %get3A_1403] {strides = array<i32>} : memref<128x128xf32, #tpu.memory_space<vmem>>, vector<1x16xf32>,
        %get3A_1405 = vector.shape_cast %get3A_1404 : vector<1x16xf32> to vector<16xf32>
        %mul3A_1406 = arith.mulf %get3A_1405, %broadcast_in_dim3A_1387 : vector<16xf32>
        %swap3A_1407 = arith.index_cast %add3A_1391 : i32 to index
        %swap3A_1408 = arith.constant 16 : index
        %swap3A_1409 = tpu.vector_load %arg15[%swap3A_1407, %swap3A_1408] {strides = array<i32>} : memref<128x128xf32, #tpu.memory_space<vmem>>, vector<1x16xf32>,
        %swap3A_1410 = vector.shape_cast %swap3A_1409 : vector<1x16xf32> to vector<16xf32>
        %swap3A_1411 = vector.shape_cast %mul3A_1406 : vector<16xf32> to vector<1x16xf32>
        tpu.vector_store %arg15[%swap3A_1407, %swap3A_1408], %swap3A_1411 {strides = array<i32>} : memref<128x128xf32, #tpu.memory_space<vmem>>, vector<1x16xf32>,
        %get3A_1412 = arith.index_cast %add3A_1391 : i32 to index
        %get3A_1413 = arith.constant 32 : index
        %get3A_1414 = tpu.vector_load %arg15[%get3A_1412, %get3A_1413] {strides = array<i32>} : memref<128x128xf32, #tpu.memory_space<vmem>>, vector<1x16xf32>,
        %get3A_1415 = vector.shape_cast %get3A_1414 : vector<1x16xf32> to vector<16xf32>
        %mul3A_1416 = arith.mulf %get3A_1415, %broadcast_in_dim3A_1387 : vector<16xf32>
        %swap3A_1417 = arith.index_cast %add3A_1391 : i32 to index
        %swap3A_1418 = arith.constant 32 : index
        %swap3A_1419 = tpu.vector_load %arg15[%swap3A_1417, %swap3A_1418] {strides = array<i32>} : memref<128x128xf32, #tpu.memory_space<vmem>>, vector<1x16xf32>,
        %swap3A_1420 = vector.shape_cast %swap3A_1419 : vector<1x16xf32> to vector<16xf32>
        %swap3A_1421 = vector.shape_cast %mul3A_1416 : vector<16xf32> to vector<1x16xf32>
        tpu.vector_store %arg15[%swap3A_1417, %swap3A_1418], %swap3A_1421 {strides = array<i32>} : memref<128x128xf32, #tpu.memory_space<vmem>>, vector<1x16xf32>,
        %get3A_1422 = arith.index_cast %add3A_1391 : i32 to index
        %get3A_1423 = arith.constant 48 : index
        %get3A_1424 = tpu.vector_load %arg15[%get3A_1422, %get3A_1423] {strides = array<i32>} : memref<128x128xf32, #tpu.memory_space<vmem>>, vector<1x16xf32>,
        %get3A_1425 = vector.shape_cast %get3A_1424 : vector<1x16xf32> to vector<16xf32>
        %mul3A_1426 = arith.mulf %get3A_1425, %broadcast_in_dim3A_1387 : vector<16xf32>
        %swap3A_1427 = arith.index_cast %add3A_1391 : i32 to index
        %swap3A_1428 = arith.constant 48 : index
        %swap3A_1429 = tpu.vector_load %arg15[%swap3A_1427, %swap3A_1428] {strides = array<i32>} : memref<128x128xf32, #tpu.memory_space<vmem>>, vector<1x16xf32>,
        %swap3A_1430 = vector.shape_cast %swap3A_1429 : vector<1x16xf32> to vector<16xf32>
        %swap3A_1431 = vector.shape_cast %mul3A_1426 : vector<16xf32> to vector<1x16xf32>
        tpu.vector_store %arg15[%swap3A_1427, %swap3A_1428], %swap3A_1431 {strides = array<i32>} : memref<128x128xf32, #tpu.memory_space<vmem>>, vector<1x16xf32>,
        %get3A_1432 = arith.index_cast %add3A_1391 : i32 to index
        %get3A_1433 = arith.constant 64 : index
        %get3A_1434 = tpu.vector_load %arg15[%get3A_1432, %get3A_1433] {strides = array<i32>} : memref<128x128xf32, #tpu.memory_space<vmem>>, vector<1x16xf32>,
        %get3A_1435 = vector.shape_cast %get3A_1434 : vector<1x16xf32> to vector<16xf32>
        %mul3A_1436 = arith.mulf %get3A_1435, %broadcast_in_dim3A_1387 : vector<16xf32>
        %swap3A_1437 = arith.index_cast %add3A_1391 : i32 to index
        %swap3A_1438 = arith.constant 64 : index
        %swap3A_1439 = tpu.vector_load %arg15[%swap3A_1437, %swap3A_1438] {strides = array<i32>} : memref<128x128xf32, #tpu.memory_space<vmem>>, vector<1x16xf32>,
        %swap3A_1440 = vector.shape_cast %swap3A_1439 : vector<1x16xf32> to vector<16xf32>
        %swap3A_1441 = vector.shape_cast %mul3A_1436 : vector<16xf32> to vector<1x16xf32>
        tpu.vector_store %arg15[%swap3A_1437, %swap3A_1438], %swap3A_1441 {strides = array<i32>} : memref<128x128xf32, #tpu.memory_space<vmem>>, vector<1x16xf32>,
        %get3A_1442 = arith.index_cast %add3A_1391 : i32 to index
        %get3A_1443 = arith.constant 80 : index
        %get3A_1444 = tpu.vector_load %arg15[%get3A_1442, %get3A_1443] {strides = array<i32>} : memref<128x128xf32, #tpu.memory_space<vmem>>, vector<1x16xf32>,
        %get3A_1445 = vector.shape_cast %get3A_1444 : vector<1x16xf32> to vector<16xf32>
        %mul3A_1446 = arith.mulf %get3A_1445, %broadcast_in_dim3A_1387 : vector<16xf32>
        %swap3A_1447 = arith.index_cast %add3A_1391 : i32 to index
        %swap3A_1448 = arith.constant 80 : index
        %swap3A_1449 = tpu.vector_load %arg15[%swap3A_1447, %swap3A_1448] {strides = array<i32>} : memref<128x128xf32, #tpu.memory_space<vmem>>, vector<1x16xf32>,
        %swap3A_1450 = vector.shape_cast %swap3A_1449 : vector<1x16xf32> to vector<16xf32>
        %swap3A_1451 = vector.shape_cast %mul3A_1446 : vector<16xf32> to vector<1x16xf32>
        tpu.vector_store %arg15[%swap3A_1447, %swap3A_1448], %swap3A_1451 {strides = array<i32>} : memref<128x128xf32, #tpu.memory_space<vmem>>, vector<1x16xf32>,
        %get3A_1452 = arith.index_cast %add3A_1391 : i32 to index
        %get3A_1453 = arith.constant 96 : index
        %get3A_1454 = tpu.vector_load %arg15[%get3A_1452, %get3A_1453] {strides = array<i32>} : memref<128x128xf32, #tpu.memory_space<vmem>>, vector<1x16xf32>,
        %get3A_1455 = vector.shape_cast %get3A_1454 : vector<1x16xf32> to vector<16xf32>
        %mul3A_1456 = arith.mulf %get3A_1455, %broadcast_in_dim3A_1387 : vector<16xf32>
        %swap3A_1457 = arith.index_cast %add3A_1391 : i32 to index
        %swap3A_1458 = arith.constant 96 : index
        %swap3A_1459 = tpu.vector_load %arg15[%swap3A_1457, %swap3A_1458] {strides = array<i32>} : memref<128x128xf32, #tpu.memory_space<vmem>>, vector<1x16xf32>,
        %swap3A_1460 = vector.shape_cast %swap3A_1459 : vector<1x16xf32> to vector<16xf32>
        %swap3A_1461 = vector.shape_cast %mul3A_1456 : vector<16xf32> to vector<1x16xf32>
        tpu.vector_store %arg15[%swap3A_1457, %swap3A_1458], %swap3A_1461 {strides = array<i32>} : memref<128x128xf32, #tpu.memory_space<vmem>>, vector<1x16xf32>,
        %get3A_1462 = arith.index_cast %add3A_1391 : i32 to index
        %get3A_1463 = arith.constant 112 : index
        %get3A_1464 = tpu.vector_load %arg15[%get3A_1462, %get3A_1463] {strides = array<i32>} : memref<128x128xf32, #tpu.memory_space<vmem>>, vector<1x16xf32>,
        %get3A_1465 = vector.shape_cast %get3A_1464 : vector<1x16xf32> to vector<16xf32>
        %mul3A_1466 = arith.mulf %get3A_1465, %broadcast_in_dim3A_1387 : vector<16xf32>
        %swap3A_1467 = arith.index_cast %add3A_1391 : i32 to index
        %swap3A_1468 = arith.constant 112 : index
        %swap3A_1469 = tpu.vector_load %arg15[%swap3A_1467, %swap3A_1468] {strides = array<i32>} : memref<128x128xf32, #tpu.memory_space<vmem>>, vector<1x16xf32>,
        %swap3A_1470 = vector.shape_cast %swap3A_1469 : vector<1x16xf32> to vector<16xf32>
        %swap3A_1471 = vector.shape_cast %mul3A_1466 : vector<16xf32> to vector<1x16xf32>
        tpu.vector_store %arg15[%swap3A_1467, %swap3A_1468], %swap3A_1471 {strides = array<i32>} : memref<128x128xf32, #tpu.memory_space<vmem>>, vector<1x16xf32>,
        %slice3A_1472 = vector.extract_strided_slice %exp3A {offsets = [13], sizes = [1], strides = [1]} : vector<16xf32> to vector<1xf32>
        %squeeze3A_1473 = vector.extract %slice3A_1472[0] : f32 from vector<1xf32>
        %broadcast_in_dim3A_1474 = vector.broadcast %squeeze3A_1473 : f32 to vector<16xf32>
        %mul3A_1475 = arith.constant 16 : i32
        %mul3A_1476 = arith.muli %scan3A_331, %mul3A_1475 : i32
        %add3A_1477 = arith.constant 13 : i32
        %add3A_1478 = arith.addi %mul3A_1476, %add3A_1477 : i32
        %get3A_1479 = arith.index_cast %add3A_1478 : i32 to index
        %get3A_1480 = arith.constant 0 : index
        %get3A_1481 = tpu.vector_load %arg15[%get3A_1479, %get3A_1480] {strides = array<i32>} : memref<128x128xf32, #tpu.memory_space<vmem>>, vector<1x16xf32>,
        %get3A_1482 = vector.shape_cast %get3A_1481 : vector<1x16xf32> to vector<16xf32>
        %mul3A_1483 = arith.mulf %get3A_1482, %broadcast_in_dim3A_1474 : vector<16xf32>
        %swap3A_1484 = arith.index_cast %add3A_1478 : i32 to index
        %swap3A_1485 = arith.constant 0 : index
        %swap3A_1486 = tpu.vector_load %arg15[%swap3A_1484, %swap3A_1485] {strides = array<i32>} : memref<128x128xf32, #tpu.memory_space<vmem>>, vector<1x16xf32>,
        %swap3A_1487 = vector.shape_cast %swap3A_1486 : vector<1x16xf32> to vector<16xf32>
        %swap3A_1488 = vector.shape_cast %mul3A_1483 : vector<16xf32> to vector<1x16xf32>
        tpu.vector_store %arg15[%swap3A_1484, %swap3A_1485], %swap3A_1488 {strides = array<i32>} : memref<128x128xf32, #tpu.memory_space<vmem>>, vector<1x16xf32>,
        %get3A_1489 = arith.index_cast %add3A_1478 : i32 to index
        %get3A_1490 = arith.constant 16 : index
        %get3A_1491 = tpu.vector_load %arg15[%get3A_1489, %get3A_1490] {strides = array<i32>} : memref<128x128xf32, #tpu.memory_space<vmem>>, vector<1x16xf32>,
        %get3A_1492 = vector.shape_cast %get3A_1491 : vector<1x16xf32> to vector<16xf32>
        %mul3A_1493 = arith.mulf %get3A_1492, %broadcast_in_dim3A_1474 : vector<16xf32>
        %swap3A_1494 = arith.index_cast %add3A_1478 : i32 to index
        %swap3A_1495 = arith.constant 16 : index
        %swap3A_1496 = tpu.vector_load %arg15[%swap3A_1494, %swap3A_1495] {strides = array<i32>} : memref<128x128xf32, #tpu.memory_space<vmem>>, vector<1x16xf32>,
        %swap3A_1497 = vector.shape_cast %swap3A_1496 : vector<1x16xf32> to vector<16xf32>
        %swap3A_1498 = vector.shape_cast %mul3A_1493 : vector<16xf32> to vector<1x16xf32>
        tpu.vector_store %arg15[%swap3A_1494, %swap3A_1495], %swap3A_1498 {strides = array<i32>} : memref<128x128xf32, #tpu.memory_space<vmem>>, vector<1x16xf32>,
        %get3A_1499 = arith.index_cast %add3A_1478 : i32 to index
        %get3A_1500 = arith.constant 32 : index
        %get3A_1501 = tpu.vector_load %arg15[%get3A_1499, %get3A_1500] {strides = array<i32>} : memref<128x128xf32, #tpu.memory_space<vmem>>, vector<1x16xf32>,
        %get3A_1502 = vector.shape_cast %get3A_1501 : vector<1x16xf32> to vector<16xf32>
        %mul3A_1503 = arith.mulf %get3A_1502, %broadcast_in_dim3A_1474 : vector<16xf32>
        %swap3A_1504 = arith.index_cast %add3A_1478 : i32 to index
        %swap3A_1505 = arith.constant 32 : index
        %swap3A_1506 = tpu.vector_load %arg15[%swap3A_1504, %swap3A_1505] {strides = array<i32>} : memref<128x128xf32, #tpu.memory_space<vmem>>, vector<1x16xf32>,
        %swap3A_1507 = vector.shape_cast %swap3A_1506 : vector<1x16xf32> to vector<16xf32>
        %swap3A_1508 = vector.shape_cast %mul3A_1503 : vector<16xf32> to vector<1x16xf32>
        tpu.vector_store %arg15[%swap3A_1504, %swap3A_1505], %swap3A_1508 {strides = array<i32>} : memref<128x128xf32, #tpu.memory_space<vmem>>, vector<1x16xf32>,
        %get3A_1509 = arith.index_cast %add3A_1478 : i32 to index
        %get3A_1510 = arith.constant 48 : index
        %get3A_1511 = tpu.vector_load %arg15[%get3A_1509, %get3A_1510] {strides = array<i32>} : memref<128x128xf32, #tpu.memory_space<vmem>>, vector<1x16xf32>,
        %get3A_1512 = vector.shape_cast %get3A_1511 : vector<1x16xf32> to vector<16xf32>
        %mul3A_1513 = arith.mulf %get3A_1512, %broadcast_in_dim3A_1474 : vector<16xf32>
        %swap3A_1514 = arith.index_cast %add3A_1478 : i32 to index
        %swap3A_1515 = arith.constant 48 : index
        %swap3A_1516 = tpu.vector_load %arg15[%swap3A_1514, %swap3A_1515] {strides = array<i32>} : memref<128x128xf32, #tpu.memory_space<vmem>>, vector<1x16xf32>,
        %swap3A_1517 = vector.shape_cast %swap3A_1516 : vector<1x16xf32> to vector<16xf32>
        %swap3A_1518 = vector.shape_cast %mul3A_1513 : vector<16xf32> to vector<1x16xf32>
        tpu.vector_store %arg15[%swap3A_1514, %swap3A_1515], %swap3A_1518 {strides = array<i32>} : memref<128x128xf32, #tpu.memory_space<vmem>>, vector<1x16xf32>,
        %get3A_1519 = arith.index_cast %add3A_1478 : i32 to index
        %get3A_1520 = arith.constant 64 : index
        %get3A_1521 = tpu.vector_load %arg15[%get3A_1519, %get3A_1520] {strides = array<i32>} : memref<128x128xf32, #tpu.memory_space<vmem>>, vector<1x16xf32>,
        %get3A_1522 = vector.shape_cast %get3A_1521 : vector<1x16xf32> to vector<16xf32>
        %mul3A_1523 = arith.mulf %get3A_1522, %broadcast_in_dim3A_1474 : vector<16xf32>
        %swap3A_1524 = arith.index_cast %add3A_1478 : i32 to index
        %swap3A_1525 = arith.constant 64 : index
        %swap3A_1526 = tpu.vector_load %arg15[%swap3A_1524, %swap3A_1525] {strides = array<i32>} : memref<128x128xf32, #tpu.memory_space<vmem>>, vector<1x16xf32>,
        %swap3A_1527 = vector.shape_cast %swap3A_1526 : vector<1x16xf32> to vector<16xf32>
        %swap3A_1528 = vector.shape_cast %mul3A_1523 : vector<16xf32> to vector<1x16xf32>
        tpu.vector_store %arg15[%swap3A_1524, %swap3A_1525], %swap3A_1528 {strides = array<i32>} : memref<128x128xf32, #tpu.memory_space<vmem>>, vector<1x16xf32>,
        %get3A_1529 = arith.index_cast %add3A_1478 : i32 to index
        %get3A_1530 = arith.constant 80 : index
        %get3A_1531 = tpu.vector_load %arg15[%get3A_1529, %get3A_1530] {strides = array<i32>} : memref<128x128xf32, #tpu.memory_space<vmem>>, vector<1x16xf32>,
        %get3A_1532 = vector.shape_cast %get3A_1531 : vector<1x16xf32> to vector<16xf32>
        %mul3A_1533 = arith.mulf %get3A_1532, %broadcast_in_dim3A_1474 : vector<16xf32>
        %swap3A_1534 = arith.index_cast %add3A_1478 : i32 to index
        %swap3A_1535 = arith.constant 80 : index
        %swap3A_1536 = tpu.vector_load %arg15[%swap3A_1534, %swap3A_1535] {strides = array<i32>} : memref<128x128xf32, #tpu.memory_space<vmem>>, vector<1x16xf32>,
        %swap3A_1537 = vector.shape_cast %swap3A_1536 : vector<1x16xf32> to vector<16xf32>
        %swap3A_1538 = vector.shape_cast %mul3A_1533 : vector<16xf32> to vector<1x16xf32>
        tpu.vector_store %arg15[%swap3A_1534, %swap3A_1535], %swap3A_1538 {strides = array<i32>} : memref<128x128xf32, #tpu.memory_space<vmem>>, vector<1x16xf32>,
        %get3A_1539 = arith.index_cast %add3A_1478 : i32 to index
        %get3A_1540 = arith.constant 96 : index
        %get3A_1541 = tpu.vector_load %arg15[%get3A_1539, %get3A_1540] {strides = array<i32>} : memref<128x128xf32, #tpu.memory_space<vmem>>, vector<1x16xf32>,
        %get3A_1542 = vector.shape_cast %get3A_1541 : vector<1x16xf32> to vector<16xf32>
        %mul3A_1543 = arith.mulf %get3A_1542, %broadcast_in_dim3A_1474 : vector<16xf32>
        %swap3A_1544 = arith.index_cast %add3A_1478 : i32 to index
        %swap3A_1545 = arith.constant 96 : index
        %swap3A_1546 = tpu.vector_load %arg15[%swap3A_1544, %swap3A_1545] {strides = array<i32>} : memref<128x128xf32, #tpu.memory_space<vmem>>, vector<1x16xf32>,
        %swap3A_1547 = vector.shape_cast %swap3A_1546 : vector<1x16xf32> to vector<16xf32>
        %swap3A_1548 = vector.shape_cast %mul3A_1543 : vector<16xf32> to vector<1x16xf32>
        tpu.vector_store %arg15[%swap3A_1544, %swap3A_1545], %swap3A_1548 {strides = array<i32>} : memref<128x128xf32, #tpu.memory_space<vmem>>, vector<1x16xf32>,
        %get3A_1549 = arith.index_cast %add3A_1478 : i32 to index
        %get3A_1550 = arith.constant 112 : index
        %get3A_1551 = tpu.vector_load %arg15[%get3A_1549, %get3A_1550] {strides = array<i32>} : memref<128x128xf32, #tpu.memory_space<vmem>>, vector<1x16xf32>,
        %get3A_1552 = vector.shape_cast %get3A_1551 : vector<1x16xf32> to vector<16xf32>
        %mul3A_1553 = arith.mulf %get3A_1552, %broadcast_in_dim3A_1474 : vector<16xf32>
        %swap3A_1554 = arith.index_cast %add3A_1478 : i32 to index
        %swap3A_1555 = arith.constant 112 : index
        %swap3A_1556 = tpu.vector_load %arg15[%swap3A_1554, %swap3A_1555] {strides = array<i32>} : memref<128x128xf32, #tpu.memory_space<vmem>>, vector<1x16xf32>,
        %swap3A_1557 = vector.shape_cast %swap3A_1556 : vector<1x16xf32> to vector<16xf32>
        %swap3A_1558 = vector.shape_cast %mul3A_1553 : vector<16xf32> to vector<1x16xf32>
        tpu.vector_store %arg15[%swap3A_1554, %swap3A_1555], %swap3A_1558 {strides = array<i32>} : memref<128x128xf32, #tpu.memory_space<vmem>>, vector<1x16xf32>,
        %slice3A_1559 = vector.extract_strided_slice %exp3A {offsets = [14], sizes = [1], strides = [1]} : vector<16xf32> to vector<1xf32>
        %squeeze3A_1560 = vector.extract %slice3A_1559[0] : f32 from vector<1xf32>
        %broadcast_in_dim3A_1561 = vector.broadcast %squeeze3A_1560 : f32 to vector<16xf32>
        %mul3A_1562 = arith.constant 16 : i32
        %mul3A_1563 = arith.muli %scan3A_331, %mul3A_1562 : i32
        %add3A_1564 = arith.constant 14 : i32
        %add3A_1565 = arith.addi %mul3A_1563, %add3A_1564 : i32
        %get3A_1566 = arith.index_cast %add3A_1565 : i32 to index
        %get3A_1567 = arith.constant 0 : index
        %get3A_1568 = tpu.vector_load %arg15[%get3A_1566, %get3A_1567] {strides = array<i32>} : memref<128x128xf32, #tpu.memory_space<vmem>>, vector<1x16xf32>,
        %get3A_1569 = vector.shape_cast %get3A_1568 : vector<1x16xf32> to vector<16xf32>
        %mul3A_1570 = arith.mulf %get3A_1569, %broadcast_in_dim3A_1561 : vector<16xf32>
        %swap3A_1571 = arith.index_cast %add3A_1565 : i32 to index
        %swap3A_1572 = arith.constant 0 : index
        %swap3A_1573 = tpu.vector_load %arg15[%swap3A_1571, %swap3A_1572] {strides = array<i32>} : memref<128x128xf32, #tpu.memory_space<vmem>>, vector<1x16xf32>,
        %swap3A_1574 = vector.shape_cast %swap3A_1573 : vector<1x16xf32> to vector<16xf32>
        %swap3A_1575 = vector.shape_cast %mul3A_1570 : vector<16xf32> to vector<1x16xf32>
        tpu.vector_store %arg15[%swap3A_1571, %swap3A_1572], %swap3A_1575 {strides = array<i32>} : memref<128x128xf32, #tpu.memory_space<vmem>>, vector<1x16xf32>,
        %get3A_1576 = arith.index_cast %add3A_1565 : i32 to index
        %get3A_1577 = arith.constant 16 : index
        %get3A_1578 = tpu.vector_load %arg15[%get3A_1576, %get3A_1577] {strides = array<i32>} : memref<128x128xf32, #tpu.memory_space<vmem>>, vector<1x16xf32>,
        %get3A_1579 = vector.shape_cast %get3A_1578 : vector<1x16xf32> to vector<16xf32>
        %mul3A_1580 = arith.mulf %get3A_1579, %broadcast_in_dim3A_1561 : vector<16xf32>
        %swap3A_1581 = arith.index_cast %add3A_1565 : i32 to index
        %swap3A_1582 = arith.constant 16 : index
        %swap3A_1583 = tpu.vector_load %arg15[%swap3A_1581, %swap3A_1582] {strides = array<i32>} : memref<128x128xf32, #tpu.memory_space<vmem>>, vector<1x16xf32>,
        %swap3A_1584 = vector.shape_cast %swap3A_1583 : vector<1x16xf32> to vector<16xf32>
        %swap3A_1585 = vector.shape_cast %mul3A_1580 : vector<16xf32> to vector<1x16xf32>
        tpu.vector_store %arg15[%swap3A_1581, %swap3A_1582], %swap3A_1585 {strides = array<i32>} : memref<128x128xf32, #tpu.memory_space<vmem>>, vector<1x16xf32>,
        %get3A_1586 = arith.index_cast %add3A_1565 : i32 to index
        %get3A_1587 = arith.constant 32 : index
        %get3A_1588 = tpu.vector_load %arg15[%get3A_1586, %get3A_1587] {strides = array<i32>} : memref<128x128xf32, #tpu.memory_space<vmem>>, vector<1x16xf32>,
        %get3A_1589 = vector.shape_cast %get3A_1588 : vector<1x16xf32> to vector<16xf32>
        %mul3A_1590 = arith.mulf %get3A_1589, %broadcast_in_dim3A_1561 : vector<16xf32>
        %swap3A_1591 = arith.index_cast %add3A_1565 : i32 to index
        %swap3A_1592 = arith.constant 32 : index
        %swap3A_1593 = tpu.vector_load %arg15[%swap3A_1591, %swap3A_1592] {strides = array<i32>} : memref<128x128xf32, #tpu.memory_space<vmem>>, vector<1x16xf32>,
        %swap3A_1594 = vector.shape_cast %swap3A_1593 : vector<1x16xf32> to vector<16xf32>
        %swap3A_1595 = vector.shape_cast %mul3A_1590 : vector<16xf32> to vector<1x16xf32>
        tpu.vector_store %arg15[%swap3A_1591, %swap3A_1592], %swap3A_1595 {strides = array<i32>} : memref<128x128xf32, #tpu.memory_space<vmem>>, vector<1x16xf32>,
        %get3A_1596 = arith.index_cast %add3A_1565 : i32 to index
        %get3A_1597 = arith.constant 48 : index
        %get3A_1598 = tpu.vector_load %arg15[%get3A_1596, %get3A_1597] {strides = array<i32>} : memref<128x128xf32, #tpu.memory_space<vmem>>, vector<1x16xf32>,
        %get3A_1599 = vector.shape_cast %get3A_1598 : vector<1x16xf32> to vector<16xf32>
        %mul3A_1600 = arith.mulf %get3A_1599, %broadcast_in_dim3A_1561 : vector<16xf32>
        %swap3A_1601 = arith.index_cast %add3A_1565 : i32 to index
        %swap3A_1602 = arith.constant 48 : index
        %swap3A_1603 = tpu.vector_load %arg15[%swap3A_1601, %swap3A_1602] {strides = array<i32>} : memref<128x128xf32, #tpu.memory_space<vmem>>, vector<1x16xf32>,
        %swap3A_1604 = vector.shape_cast %swap3A_1603 : vector<1x16xf32> to vector<16xf32>
        %swap3A_1605 = vector.shape_cast %mul3A_1600 : vector<16xf32> to vector<1x16xf32>
        tpu.vector_store %arg15[%swap3A_1601, %swap3A_1602], %swap3A_1605 {strides = array<i32>} : memref<128x128xf32, #tpu.memory_space<vmem>>, vector<1x16xf32>,
        %get3A_1606 = arith.index_cast %add3A_1565 : i32 to index
        %get3A_1607 = arith.constant 64 : index
        %get3A_1608 = tpu.vector_load %arg15[%get3A_1606, %get3A_1607] {strides = array<i32>} : memref<128x128xf32, #tpu.memory_space<vmem>>, vector<1x16xf32>,
        %get3A_1609 = vector.shape_cast %get3A_1608 : vector<1x16xf32> to vector<16xf32>
        %mul3A_1610 = arith.mulf %get3A_1609, %broadcast_in_dim3A_1561 : vector<16xf32>
        %swap3A_1611 = arith.index_cast %add3A_1565 : i32 to index
        %swap3A_1612 = arith.constant 64 : index
        %swap3A_1613 = tpu.vector_load %arg15[%swap3A_1611, %swap3A_1612] {strides = array<i32>} : memref<128x128xf32, #tpu.memory_space<vmem>>, vector<1x16xf32>,
        %swap3A_1614 = vector.shape_cast %swap3A_1613 : vector<1x16xf32> to vector<16xf32>
        %swap3A_1615 = vector.shape_cast %mul3A_1610 : vector<16xf32> to vector<1x16xf32>
        tpu.vector_store %arg15[%swap3A_1611, %swap3A_1612], %swap3A_1615 {strides = array<i32>} : memref<128x128xf32, #tpu.memory_space<vmem>>, vector<1x16xf32>,
        %get3A_1616 = arith.index_cast %add3A_1565 : i32 to index
        %get3A_1617 = arith.constant 80 : index
        %get3A_1618 = tpu.vector_load %arg15[%get3A_1616, %get3A_1617] {strides = array<i32>} : memref<128x128xf32, #tpu.memory_space<vmem>>, vector<1x16xf32>,
        %get3A_1619 = vector.shape_cast %get3A_1618 : vector<1x16xf32> to vector<16xf32>
        %mul3A_1620 = arith.mulf %get3A_1619, %broadcast_in_dim3A_1561 : vector<16xf32>
        %swap3A_1621 = arith.index_cast %add3A_1565 : i32 to index
        %swap3A_1622 = arith.constant 80 : index
        %swap3A_1623 = tpu.vector_load %arg15[%swap3A_1621, %swap3A_1622] {strides = array<i32>} : memref<128x128xf32, #tpu.memory_space<vmem>>, vector<1x16xf32>,
        %swap3A_1624 = vector.shape_cast %swap3A_1623 : vector<1x16xf32> to vector<16xf32>
        %swap3A_1625 = vector.shape_cast %mul3A_1620 : vector<16xf32> to vector<1x16xf32>
        tpu.vector_store %arg15[%swap3A_1621, %swap3A_1622], %swap3A_1625 {strides = array<i32>} : memref<128x128xf32, #tpu.memory_space<vmem>>, vector<1x16xf32>,
        %get3A_1626 = arith.index_cast %add3A_1565 : i32 to index
        %get3A_1627 = arith.constant 96 : index
        %get3A_1628 = tpu.vector_load %arg15[%get3A_1626, %get3A_1627] {strides = array<i32>} : memref<128x128xf32, #tpu.memory_space<vmem>>, vector<1x16xf32>,
        %get3A_1629 = vector.shape_cast %get3A_1628 : vector<1x16xf32> to vector<16xf32>
        %mul3A_1630 = arith.mulf %get3A_1629, %broadcast_in_dim3A_1561 : vector<16xf32>
        %swap3A_1631 = arith.index_cast %add3A_1565 : i32 to index
        %swap3A_1632 = arith.constant 96 : index
        %swap3A_1633 = tpu.vector_load %arg15[%swap3A_1631, %swap3A_1632] {strides = array<i32>} : memref<128x128xf32, #tpu.memory_space<vmem>>, vector<1x16xf32>,
        %swap3A_1634 = vector.shape_cast %swap3A_1633 : vector<1x16xf32> to vector<16xf32>
        %swap3A_1635 = vector.shape_cast %mul3A_1630 : vector<16xf32> to vector<1x16xf32>
        tpu.vector_store %arg15[%swap3A_1631, %swap3A_1632], %swap3A_1635 {strides = array<i32>} : memref<128x128xf32, #tpu.memory_space<vmem>>, vector<1x16xf32>,
        %get3A_1636 = arith.index_cast %add3A_1565 : i32 to index
        %get3A_1637 = arith.constant 112 : index
        %get3A_1638 = tpu.vector_load %arg15[%get3A_1636, %get3A_1637] {strides = array<i32>} : memref<128x128xf32, #tpu.memory_space<vmem>>, vector<1x16xf32>,
        %get3A_1639 = vector.shape_cast %get3A_1638 : vector<1x16xf32> to vector<16xf32>
        %mul3A_1640 = arith.mulf %get3A_1639, %broadcast_in_dim3A_1561 : vector<16xf32>
        %swap3A_1641 = arith.index_cast %add3A_1565 : i32 to index
        %swap3A_1642 = arith.constant 112 : index
        %swap3A_1643 = tpu.vector_load %arg15[%swap3A_1641, %swap3A_1642] {strides = array<i32>} : memref<128x128xf32, #tpu.memory_space<vmem>>, vector<1x16xf32>,
        %swap3A_1644 = vector.shape_cast %swap3A_1643 : vector<1x16xf32> to vector<16xf32>
        %swap3A_1645 = vector.shape_cast %mul3A_1640 : vector<16xf32> to vector<1x16xf32>
        tpu.vector_store %arg15[%swap3A_1641, %swap3A_1642], %swap3A_1645 {strides = array<i32>} : memref<128x128xf32, #tpu.memory_space<vmem>>, vector<1x16xf32>,
        %slice3A_1646 = vector.extract_strided_slice %exp3A {offsets = [15], sizes = [1], strides = [1]} : vector<16xf32> to vector<1xf32>
        %squeeze3A_1647 = vector.extract %slice3A_1646[0] : f32 from vector<1xf32>
        %broadcast_in_dim3A_1648 = vector.broadcast %squeeze3A_1647 : f32 to vector<16xf32>
        %mul3A_1649 = arith.constant 16 : i32
        %mul3A_1650 = arith.muli %scan3A_331, %mul3A_1649 : i32
        %add3A_1651 = arith.constant 15 : i32
        %add3A_1652 = arith.addi %mul3A_1650, %add3A_1651 : i32
        %get3A_1653 = arith.index_cast %add3A_1652 : i32 to index
        %get3A_1654 = arith.constant 0 : index
        %get3A_1655 = tpu.vector_load %arg15[%get3A_1653, %get3A_1654] {strides = array<i32>} : memref<128x128xf32, #tpu.memory_space<vmem>>, vector<1x16xf32>,
        %get3A_1656 = vector.shape_cast %get3A_1655 : vector<1x16xf32> to vector<16xf32>
        %mul3A_1657 = arith.mulf %get3A_1656, %broadcast_in_dim3A_1648 : vector<16xf32>
        %swap3A_1658 = arith.index_cast %add3A_1652 : i32 to index
        %swap3A_1659 = arith.constant 0 : index
        %swap3A_1660 = tpu.vector_load %arg15[%swap3A_1658, %swap3A_1659] {strides = array<i32>} : memref<128x128xf32, #tpu.memory_space<vmem>>, vector<1x16xf32>,
        %swap3A_1661 = vector.shape_cast %swap3A_1660 : vector<1x16xf32> to vector<16xf32>
        %swap3A_1662 = vector.shape_cast %mul3A_1657 : vector<16xf32> to vector<1x16xf32>
        tpu.vector_store %arg15[%swap3A_1658, %swap3A_1659], %swap3A_1662 {strides = array<i32>} : memref<128x128xf32, #tpu.memory_space<vmem>>, vector<1x16xf32>,
        %get3A_1663 = arith.index_cast %add3A_1652 : i32 to index
        %get3A_1664 = arith.constant 16 : index
        %get3A_1665 = tpu.vector_load %arg15[%get3A_1663, %get3A_1664] {strides = array<i32>} : memref<128x128xf32, #tpu.memory_space<vmem>>, vector<1x16xf32>,
        %get3A_1666 = vector.shape_cast %get3A_1665 : vector<1x16xf32> to vector<16xf32>
        %mul3A_1667 = arith.mulf %get3A_1666, %broadcast_in_dim3A_1648 : vector<16xf32>
        %swap3A_1668 = arith.index_cast %add3A_1652 : i32 to index
        %swap3A_1669 = arith.constant 16 : index
        %swap3A_1670 = tpu.vector_load %arg15[%swap3A_1668, %swap3A_1669] {strides = array<i32>} : memref<128x128xf32, #tpu.memory_space<vmem>>, vector<1x16xf32>,
        %swap3A_1671 = vector.shape_cast %swap3A_1670 : vector<1x16xf32> to vector<16xf32>
        %swap3A_1672 = vector.shape_cast %mul3A_1667 : vector<16xf32> to vector<1x16xf32>
        tpu.vector_store %arg15[%swap3A_1668, %swap3A_1669], %swap3A_1672 {strides = array<i32>} : memref<128x128xf32, #tpu.memory_space<vmem>>, vector<1x16xf32>,
        %get3A_1673 = arith.index_cast %add3A_1652 : i32 to index
        %get3A_1674 = arith.constant 32 : index
        %get3A_1675 = tpu.vector_load %arg15[%get3A_1673, %get3A_1674] {strides = array<i32>} : memref<128x128xf32, #tpu.memory_space<vmem>>, vector<1x16xf32>,
        %get3A_1676 = vector.shape_cast %get3A_1675 : vector<1x16xf32> to vector<16xf32>
        %mul3A_1677 = arith.mulf %get3A_1676, %broadcast_in_dim3A_1648 : vector<16xf32>
        %swap3A_1678 = arith.index_cast %add3A_1652 : i32 to index
        %swap3A_1679 = arith.constant 32 : index
        %swap3A_1680 = tpu.vector_load %arg15[%swap3A_1678, %swap3A_1679] {strides = array<i32>} : memref<128x128xf32, #tpu.memory_space<vmem>>, vector<1x16xf32>,
        %swap3A_1681 = vector.shape_cast %swap3A_1680 : vector<1x16xf32> to vector<16xf32>
        %swap3A_1682 = vector.shape_cast %mul3A_1677 : vector<16xf32> to vector<1x16xf32>
        tpu.vector_store %arg15[%swap3A_1678, %swap3A_1679], %swap3A_1682 {strides = array<i32>} : memref<128x128xf32, #tpu.memory_space<vmem>>, vector<1x16xf32>,
        %get3A_1683 = arith.index_cast %add3A_1652 : i32 to index
        %get3A_1684 = arith.constant 48 : index
        %get3A_1685 = tpu.vector_load %arg15[%get3A_1683, %get3A_1684] {strides = array<i32>} : memref<128x128xf32, #tpu.memory_space<vmem>>, vector<1x16xf32>,
        %get3A_1686 = vector.shape_cast %get3A_1685 : vector<1x16xf32> to vector<16xf32>
        %mul3A_1687 = arith.mulf %get3A_1686, %broadcast_in_dim3A_1648 : vector<16xf32>
        %swap3A_1688 = arith.index_cast %add3A_1652 : i32 to index
        %swap3A_1689 = arith.constant 48 : index
        %swap3A_1690 = tpu.vector_load %arg15[%swap3A_1688, %swap3A_1689] {strides = array<i32>} : memref<128x128xf32, #tpu.memory_space<vmem>>, vector<1x16xf32>,
        %swap3A_1691 = vector.shape_cast %swap3A_1690 : vector<1x16xf32> to vector<16xf32>
        %swap3A_1692 = vector.shape_cast %mul3A_1687 : vector<16xf32> to vector<1x16xf32>
        tpu.vector_store %arg15[%swap3A_1688, %swap3A_1689], %swap3A_1692 {strides = array<i32>} : memref<128x128xf32, #tpu.memory_space<vmem>>, vector<1x16xf32>,
        %get3A_1693 = arith.index_cast %add3A_1652 : i32 to index
        %get3A_1694 = arith.constant 64 : index
        %get3A_1695 = tpu.vector_load %arg15[%get3A_1693, %get3A_1694] {strides = array<i32>} : memref<128x128xf32, #tpu.memory_space<vmem>>, vector<1x16xf32>,
        %get3A_1696 = vector.shape_cast %get3A_1695 : vector<1x16xf32> to vector<16xf32>
        %mul3A_1697 = arith.mulf %get3A_1696, %broadcast_in_dim3A_1648 : vector<16xf32>
        %swap3A_1698 = arith.index_cast %add3A_1652 : i32 to index
        %swap3A_1699 = arith.constant 64 : index
        %swap3A_1700 = tpu.vector_load %arg15[%swap3A_1698, %swap3A_1699] {strides = array<i32>} : memref<128x128xf32, #tpu.memory_space<vmem>>, vector<1x16xf32>,
        %swap3A_1701 = vector.shape_cast %swap3A_1700 : vector<1x16xf32> to vector<16xf32>
        %swap3A_1702 = vector.shape_cast %mul3A_1697 : vector<16xf32> to vector<1x16xf32>
        tpu.vector_store %arg15[%swap3A_1698, %swap3A_1699], %swap3A_1702 {strides = array<i32>} : memref<128x128xf32, #tpu.memory_space<vmem>>, vector<1x16xf32>,
        %get3A_1703 = arith.index_cast %add3A_1652 : i32 to index
        %get3A_1704 = arith.constant 80 : index
        %get3A_1705 = tpu.vector_load %arg15[%get3A_1703, %get3A_1704] {strides = array<i32>} : memref<128x128xf32, #tpu.memory_space<vmem>>, vector<1x16xf32>,
        %get3A_1706 = vector.shape_cast %get3A_1705 : vector<1x16xf32> to vector<16xf32>
        %mul3A_1707 = arith.mulf %get3A_1706, %broadcast_in_dim3A_1648 : vector<16xf32>
        %swap3A_1708 = arith.index_cast %add3A_1652 : i32 to index
        %swap3A_1709 = arith.constant 80 : index
        %swap3A_1710 = tpu.vector_load %arg15[%swap3A_1708, %swap3A_1709] {strides = array<i32>} : memref<128x128xf32, #tpu.memory_space<vmem>>, vector<1x16xf32>,
        %swap3A_1711 = vector.shape_cast %swap3A_1710 : vector<1x16xf32> to vector<16xf32>
        %swap3A_1712 = vector.shape_cast %mul3A_1707 : vector<16xf32> to vector<1x16xf32>
        tpu.vector_store %arg15[%swap3A_1708, %swap3A_1709], %swap3A_1712 {strides = array<i32>} : memref<128x128xf32, #tpu.memory_space<vmem>>, vector<1x16xf32>,
        %get3A_1713 = arith.index_cast %add3A_1652 : i32 to index
        %get3A_1714 = arith.constant 96 : index
        %get3A_1715 = tpu.vector_load %arg15[%get3A_1713, %get3A_1714] {strides = array<i32>} : memref<128x128xf32, #tpu.memory_space<vmem>>, vector<1x16xf32>,
        %get3A_1716 = vector.shape_cast %get3A_1715 : vector<1x16xf32> to vector<16xf32>
        %mul3A_1717 = arith.mulf %get3A_1716, %broadcast_in_dim3A_1648 : vector<16xf32>
        %swap3A_1718 = arith.index_cast %add3A_1652 : i32 to index
        %swap3A_1719 = arith.constant 96 : index
        %swap3A_1720 = tpu.vector_load %arg15[%swap3A_1718, %swap3A_1719] {strides = array<i32>} : memref<128x128xf32, #tpu.memory_space<vmem>>, vector<1x16xf32>,
        %swap3A_1721 = vector.shape_cast %swap3A_1720 : vector<1x16xf32> to vector<16xf32>
        %swap3A_1722 = vector.shape_cast %mul3A_1717 : vector<16xf32> to vector<1x16xf32>
        tpu.vector_store %arg15[%swap3A_1718, %swap3A_1719], %swap3A_1722 {strides = array<i32>} : memref<128x128xf32, #tpu.memory_space<vmem>>, vector<1x16xf32>,
        %get3A_1723 = arith.index_cast %add3A_1652 : i32 to index
        %get3A_1724 = arith.constant 112 : index
        %get3A_1725 = tpu.vector_load %arg15[%get3A_1723, %get3A_1724] {strides = array<i32>} : memref<128x128xf32, #tpu.memory_space<vmem>>, vector<1x16xf32>,
        %get3A_1726 = vector.shape_cast %get3A_1725 : vector<1x16xf32> to vector<16xf32>
        %mul3A_1727 = arith.mulf %get3A_1726, %broadcast_in_dim3A_1648 : vector<16xf32>
        %swap3A_1728 = arith.index_cast %add3A_1652 : i32 to index
        %swap3A_1729 = arith.constant 112 : index
        %swap3A_1730 = tpu.vector_load %arg15[%swap3A_1728, %swap3A_1729] {strides = array<i32>} : memref<128x128xf32, #tpu.memory_space<vmem>>, vector<1x16xf32>,
        %swap3A_1731 = vector.shape_cast %swap3A_1730 : vector<1x16xf32> to vector<16xf32>
        %swap3A_1732 = vector.shape_cast %mul3A_1727 : vector<16xf32> to vector<1x16xf32>
        tpu.vector_store %arg15[%swap3A_1728, %swap3A_1729], %swap3A_1732 {strides = array<i32>} : memref<128x128xf32, #tpu.memory_space<vmem>>, vector<1x16xf32>,
      }
      %scan3A_280 = arith.constant 8 : i32
      %add3A_281 = arith.constant 1 : i32
      %add3A_282 = arith.addi %mul3A_233, %add3A_281 : i32
      %dma_start3A_283 = arith.constant 0 : i32
      %dma_start3A_284 = tpu.memref_slice %arg11[%add3A_282, %dma_start3A_283] : memref<40x128xi32, #tpu.memory_space<vmem>> -> memref<1x128xi32, #tpu.memory_space<vmem>>
      %dma_start3A_285 = tpu.memref_squeeze %dma_start3A_284 : memref<1x128xi32, #tpu.memory_space<vmem>> -> memref<128xi32, #tpu.memory_space<vmem>>
      %dma_start3A_286 = arith.constant 0 : i32
      %dma_start3A_287 = arith.constant 0 : i32
      %dma_start3A_288 = tpu.memref_slice %arg8[%dma_start3A_286, %dma_start3A_287] : memref<8192x128xf32, #tpu.memory_space<vmem_shared>> -> memref<8192x128xf32, #tpu.memory_space<vmem_shared>>
      tpu.enqueue_indirect_dma source(%arg15 : memref<128x128xf32, #tpu.memory_space<vmem>>) target(%dma_start3A_288 : memref<8192x128xf32, #tpu.memory_space<vmem_shared>>) offsets(%dma_start3A_285 : memref<128xi32, #tpu.memory_space<vmem>>) semaphore(%arg22 : memref<!tpu.dma_semaphore, #tpu.memory_space<semaphore_mem>>) {add = true}
      %add3A_289 = arith.constant 1 : i32
      %add3A_290 = arith.addi %mul3A_233, %add3A_289 : i32
      %dma_start3A_291 = arith.constant 0 : i32
      %dma_start3A_292 = tpu.memref_slice %arg11[%add3A_290, %dma_start3A_291] : memref<40x128xi32, #tpu.memory_space<vmem>> -> memref<1x128xi32, #tpu.memory_space<vmem>>
      %dma_start3A_293 = tpu.memref_squeeze %dma_start3A_292 : memref<1x128xi32, #tpu.memory_space<vmem>> -> memref<128xi32, #tpu.memory_space<vmem>>
      %dma_start3A_294 = arith.constant 0 : i32
      %dma_start3A_295 = tpu.memref_slice %arg9[%dma_start3A_294] : memref<8192xf32, #tpu.memory_space<vmem_shared>> -> memref<8192xf32, #tpu.memory_space<vmem_shared>>
      tpu.enqueue_indirect_dma source(%arg17 : memref<128xf32, #tpu.memory_space<vmem>>) target(%dma_start3A_295 : memref<8192xf32, #tpu.memory_space<vmem_shared>>) offsets(%dma_start3A_293 : memref<128xi32, #tpu.memory_space<vmem>>) semaphore(%arg24 : memref<!tpu.dma_semaphore, #tpu.memory_space<semaphore_mem>>) {add = true}
      %dma_wait3A_296 = arith.constant 0 : i32
      %dma_wait3A_297 = tpu.memref_slice %arg11[%mul3A_233, %dma_wait3A_296] : memref<40x128xi32, #tpu.memory_space<vmem>> -> memref<1x128xi32, #tpu.memory_space<vmem>>
      %dma_wait3A_298 = tpu.memref_squeeze %dma_wait3A_297 : memref<1x128xi32, #tpu.memory_space<vmem>> -> memref<128xi32, #tpu.memory_space<vmem>>
      %dma_wait3A_299 = arith.constant 0 : i32
      %dma_wait3A_300 = arith.constant 0 : i32
      %dma_wait3A_301 = tpu.memref_slice %arg8[%dma_wait3A_299, %dma_wait3A_300] : memref<8192x128xf32, #tpu.memory_space<vmem_shared>> -> memref<8192x128xf32, #tpu.memory_space<vmem_shared>>
      tpu.wait_indirect_dma semaphore(%arg21 : memref<!tpu.dma_semaphore, #tpu.memory_space<semaphore_mem>>) src(%arg14 : memref<128x128xf32, #tpu.memory_space<vmem>>) dst(%dma_wait3A_301 : memref<8192x128xf32, #tpu.memory_space<vmem_shared>>)
      %add3A_302 = arith.constant 2 : i32
      %add3A_303 = arith.addi %mul3A_233, %add3A_302 : i32
      %min3A = arith.constant 39 : i32
      %min3A_304 = arith.minsi %add3A_303, %min3A : i32
      %dma_start3A_305 = arith.constant 0 : i32
      %dma_start3A_306 = tpu.memref_slice %arg12[%min3A_304, %dma_start3A_305] : memref<40x128xi32, #tpu.memory_space<vmem>> -> memref<1x128xi32, #tpu.memory_space<vmem>>
      %dma_start3A_307 = tpu.memref_squeeze %dma_start3A_306 : memref<1x128xi32, #tpu.memory_space<vmem>> -> memref<128xi32, #tpu.memory_space<vmem>>
      %dma_start3A_308 = arith.constant 0 : i32
      %dma_start3A_309 = arith.constant 0 : i32
      %dma_start3A_310 = tpu.memref_slice %arg10[%dma_start3A_308, %dma_start3A_309] : memref<2000x128xf32, #tpu.memory_space<vmem_shared>> -> memref<2000x128xf32, #tpu.memory_space<vmem_shared>>
      tpu.enqueue_indirect_dma source(%dma_start3A_310 : memref<2000x128xf32, #tpu.memory_space<vmem_shared>>) target(%arg14 : memref<128x128xf32, #tpu.memory_space<vmem>>) offsets(%dma_start3A_307 : memref<128xi32, #tpu.memory_space<vmem>>) semaphore(%arg19 : memref<!tpu.dma_semaphore, #tpu.memory_space<semaphore_mem>>)
      %add3A_311 = arith.constant 1 : i32
      %add3A_312 = arith.addi %mul3A_233, %add3A_311 : i32
      %dma_wait3A_313 = arith.constant 0 : i32
      %dma_wait3A_314 = tpu.memref_slice %arg11[%add3A_312, %dma_wait3A_313] : memref<40x128xi32, #tpu.memory_space<vmem>> -> memref<1x128xi32, #tpu.memory_space<vmem>>
      %dma_wait3A_315 = tpu.memref_squeeze %dma_wait3A_314 : memref<1x128xi32, #tpu.memory_space<vmem>> -> memref<128xi32, #tpu.memory_space<vmem>>
      %dma_wait3A_316 = arith.constant 0 : i32
      %dma_wait3A_317 = arith.constant 0 : i32
      %dma_wait3A_318 = tpu.memref_slice %arg8[%dma_wait3A_316, %dma_wait3A_317] : memref<8192x128xf32, #tpu.memory_space<vmem_shared>> -> memref<8192x128xf32, #tpu.memory_space<vmem_shared>>
      tpu.wait_indirect_dma semaphore(%arg22 : memref<!tpu.dma_semaphore, #tpu.memory_space<semaphore_mem>>) src(%arg15 : memref<128x128xf32, #tpu.memory_space<vmem>>) dst(%dma_wait3A_318 : memref<8192x128xf32, #tpu.memory_space<vmem_shared>>)
      %dma_wait3A_319 = arith.constant 0 : i32
      %dma_wait3A_320 = tpu.memref_slice %arg11[%mul3A_233, %dma_wait3A_319] : memref<40x128xi32, #tpu.memory_space<vmem>> -> memref<1x128xi32, #tpu.memory_space<vmem>>
      %dma_wait3A_321 = tpu.memref_squeeze %dma_wait3A_320 : memref<1x128xi32, #tpu.memory_space<vmem>> -> memref<128xi32, #tpu.memory_space<vmem>>
      %dma_wait3A_322 = arith.constant 0 : i32
      %dma_wait3A_323 = tpu.memref_slice %arg9[%dma_wait3A_322] : memref<8192xf32, #tpu.memory_space<vmem_shared>> -> memref<8192xf32, #tpu.memory_space<vmem_shared>>
      tpu.wait_indirect_dma semaphore(%arg23 : memref<!tpu.dma_semaphore, #tpu.memory_space<semaphore_mem>>) src(%arg16 : memref<128xf32, #tpu.memory_space<vmem>>) dst(%dma_wait3A_323 : memref<8192xf32, #tpu.memory_space<vmem_shared>>)
      %add3A_324 = arith.constant 1 : i32
      %add3A_325 = arith.addi %mul3A_233, %add3A_324 : i32
      %dma_wait3A_326 = arith.constant 0 : i32
      %dma_wait3A_327 = tpu.memref_slice %arg11[%add3A_325, %dma_wait3A_326] : memref<40x128xi32, #tpu.memory_space<vmem>> -> memref<1x128xi32, #tpu.memory_space<vmem>>
      %dma_wait3A_328 = tpu.memref_squeeze %dma_wait3A_327 : memref<1x128xi32, #tpu.memory_space<vmem>> -> memref<128xi32, #tpu.memory_space<vmem>>
      %dma_wait3A_329 = arith.constant 0 : i32
      %dma_wait3A_330 = tpu.memref_slice %arg9[%dma_wait3A_329] : memref<8192xf32, #tpu.memory_space<vmem_shared>> -> memref<8192xf32, #tpu.memory_space<vmem_shared>>
      tpu.wait_indirect_dma semaphore(%arg24 : memref<!tpu.dma_semaphore, #tpu.memory_space<semaphore_mem>>) src(%arg17 : memref<128xf32, #tpu.memory_space<vmem>>) dst(%dma_wait3A_330 : memref<8192xf32, #tpu.memory_space<vmem_shared>>)
    }
    %scan3A_214 = arith.constant 20 : i32
    %dma_wait3A_215 = arith.constant 39 : i32
    %dma_wait3A_216 = arith.constant 0 : i32
    %dma_wait3A_217 = tpu.memref_slice %arg12[%dma_wait3A_215, %dma_wait3A_216] : memref<40x128xi32, #tpu.memory_space<vmem>> -> memref<1x128xi32, #tpu.memory_space<vmem>>
    %dma_wait3A_218 = tpu.memref_squeeze %dma_wait3A_217 : memref<1x128xi32, #tpu.memory_space<vmem>> -> memref<128xi32, #tpu.memory_space<vmem>>
    %dma_wait3A_219 = arith.constant 0 : i32
    %dma_wait3A_220 = arith.constant 0 : i32
    %dma_wait3A_221 = tpu.memref_slice %arg10[%dma_wait3A_219, %dma_wait3A_220] : memref<2000x128xf32, #tpu.memory_space<vmem_shared>> -> memref<2000x128xf32, #tpu.memory_space<vmem_shared>>
    tpu.wait_indirect_dma semaphore(%arg19 : memref<!tpu.dma_semaphore, #tpu.memory_space<semaphore_mem>>) src(%dma_wait3A_221 : memref<2000x128xf32, #tpu.memory_space<vmem_shared>>) dst(%arg14 : memref<128x128xf32, #tpu.memory_space<vmem>>)
    %barrier3A_222 = arith.constant 0 : index
    tpu.barrier barrier_id(%barrier3A_222)
    %mul3A_223 = arith.constant 512 : i32
    %mul3A_224 = arith.muli %arg1, %mul3A_223 : i32
    %mul3A_225 = arith.constant 512 : i32
    %mul3A_226 = arith.muli %arg1, %mul3A_225 : i32
    "tpu.region"() ({
      %run_scoped3A = tpu.sem_alloc : memref<!tpu.dma_semaphore, #tpu.memory_space<semaphore_mem>>
      %dma_start3A_231 = arith.constant 0 : i32
      %dma_start3A_232 = tpu.memref_slice %arg6[%arg0, %mul3A_226, %dma_start3A_231] : memref<2x8192x128xf32, #tpu.memory_space<hbm>> -> memref<1x512x128xf32, #tpu.memory_space<hbm>>
      %dma_start3A_233 = tpu.memref_squeeze %dma_start3A_232 : memref<1x512x128xf32, #tpu.memory_space<hbm>> -> memref<512x128xf32, #tpu.memory_space<hbm>>
      %dma_start3A_234 = arith.constant 0 : i32
      %dma_start3A_235 = tpu.memref_slice %arg8[%mul3A_224, %dma_start3A_234] : memref<8192x128xf32, #tpu.memory_space<vmem_shared>> -> memref<512x128xf32, #tpu.memory_space<vmem_shared>>
      tpu.enqueue_dma source(%dma_start3A_235 : memref<512x128xf32, #tpu.memory_space<vmem_shared>>) target(%dma_start3A_233 : memref<512x128xf32, #tpu.memory_space<hbm>>) target_semaphore(%run_scoped3A : memref<!tpu.dma_semaphore, #tpu.memory_space<semaphore_mem>>)
      %dma_wait3A_236 = arith.constant 0 : i32
      %dma_wait3A_237 = tpu.memref_slice %arg6[%arg0, %mul3A_226, %dma_wait3A_236] : memref<2x8192x128xf32, #tpu.memory_space<hbm>> -> memref<1x512x128xf32, #tpu.memory_space<hbm>>
      %dma_wait3A_238 = tpu.memref_squeeze %dma_wait3A_237 : memref<1x512x128xf32, #tpu.memory_space<hbm>> -> memref<512x128xf32, #tpu.memory_space<hbm>>
      %dma_wait3A_239 = arith.constant 0 : i32
      %dma_wait3A_240 = tpu.memref_slice %arg8[%mul3A_224, %dma_wait3A_239] : memref<8192x128xf32, #tpu.memory_space<vmem_shared>> -> memref<512x128xf32, #tpu.memory_space<vmem_shared>>
      tpu.wait_dma2 semaphore(%run_scoped3A : memref<!tpu.dma_semaphore, #tpu.memory_space<semaphore_mem>>) src(%dma_wait3A_240 : memref<512x128xf32, #tpu.memory_space<vmem_shared>>) dst(%dma_wait3A_238 : memref<512x128xf32, #tpu.memory_space<hbm>>)
      tpu.yield
    }) : () -> ()
    %mul3A_227 = arith.constant 512 : i32
    %mul3A_228 = arith.muli %arg1, %mul3A_227 : i32
    %mul3A_229 = arith.constant 512 : i32
    %mul3A_230 = arith.muli %arg1, %mul3A_229 : i32
    "tpu.region"() ({
      %run_scoped3A = tpu.sem_alloc : memref<!tpu.dma_semaphore, #tpu.memory_space<semaphore_mem>>
      %dma_start3A_231 = tpu.memref_slice %arg7[%arg0, %mul3A_230] : memref<2x8192xf32, #tpu.memory_space<hbm>> -> memref<1x512xf32, #tpu.memory_space<hbm>>
      %dma_start3A_232 = tpu.memref_squeeze %dma_start3A_231 : memref<1x512xf32, #tpu.memory_space<hbm>> -> memref<512xf32, #tpu.memory_space<hbm>>
      %dma_start3A_233 = tpu.memref_slice %arg9[%mul3A_228] : memref<8192xf32, #tpu.memory_space<vmem_shared>> -> memref<512xf32, #tpu.memory_space<vmem_shared>>
      tpu.enqueue_dma source(%dma_start3A_233 : memref<512xf32, #tpu.memory_space<vmem_shared>>) target(%dma_start3A_232 : memref<512xf32, #tpu.memory_space<hbm>>) target_semaphore(%run_scoped3A : memref<!tpu.dma_semaphore, #tpu.memory_space<semaphore_mem>>)
      %dma_wait3A_234 = tpu.memref_slice %arg7[%arg0, %mul3A_230] : memref<2x8192xf32, #tpu.memory_space<hbm>> -> memref<1x512xf32, #tpu.memory_space<hbm>>
      %dma_wait3A_235 = tpu.memref_squeeze %dma_wait3A_234 : memref<1x512xf32, #tpu.memory_space<hbm>> -> memref<512xf32, #tpu.memory_space<hbm>>
      %dma_wait3A_236 = tpu.memref_slice %arg9[%mul3A_228] : memref<8192xf32, #tpu.memory_space<vmem_shared>> -> memref<512xf32, #tpu.memory_space<vmem_shared>>
      tpu.wait_dma2 semaphore(%run_scoped3A : memref<!tpu.dma_semaphore, #tpu.memory_space<semaphore_mem>>) src(%dma_wait3A_236 : memref<512xf32, #tpu.memory_space<vmem_shared>>) dst(%dma_wait3A_235 : memref<512xf32, #tpu.memory_space<hbm>>)
      tpu.yield
    }) : () -> ()
    return
  }
}

module attributes {stable_mosaic.version = 14 : i64} {
  func.func @_fusion_traj_body(%arg0: memref<2000x1xf32, #tpu.memory_space<vmem>>, %arg1: memref<2000x1xf32, #tpu.memory_space<vmem>>, %arg2: memref<1x128xf32, #tpu.memory_space<vmem>>, %arg3: memref<1x128xf32, #tpu.memory_space<vmem>>, %arg4: memref<1x128xf32, #tpu.memory_space<vmem>>, %arg5: memref<1x128xf32, #tpu.memory_space<vmem>>, %arg6: memref<1x128xf32, #tpu.memory_space<vmem>>, %arg7: memref<1x128xf32, #tpu.memory_space<vmem>>, %arg8: memref<2000x128xf32, #tpu.memory_space<vmem>>) attributes {dimension_semantics = [], scalar_prefetch = 0 : i64, scratch_operands = 0 : i64, tpu.core_type = #tpu.core_type<tc>} {
    %get3A = arith.constant 0 : index
    %get3A_0 = arith.constant 0 : index
    %get3A_1 = vector.load %arg0[%get3A, %get3A_0] : memref<2000x1xf32, #tpu.memory_space<vmem>>, vector<2000x1xf32>
    %mul3A = arith.constant 2.77777785E-4 : f32
    %mul3A_2 = vector.broadcast %mul3A : f32 to vector<2000x1xf32>
    %mul3A_3 = arith.mulf %get3A_1, %mul3A_2 : vector<2000x1xf32>
    %get3A_4 = arith.constant 0 : index
    %get3A_5 = arith.constant 0 : index
    %get3A_6 = vector.load %arg2[%get3A_4, %get3A_5] : memref<1x128xf32, #tpu.memory_space<vmem>>, vector<1x128xf32>
    %mul3A_7 = vector.broadcast %mul3A_3 : vector<2000x1xf32> to vector<2000x128xf32>
    %mul3A_8 = vector.broadcast %get3A_6 : vector<1x128xf32> to vector<2000x128xf32>
    %mul3A_9 = arith.mulf %mul3A_7, %mul3A_8 : vector<2000x128xf32>
    %get3A_10 = arith.constant 0 : index
    %get3A_11 = arith.constant 0 : index
    %get3A_12 = vector.load %arg3[%get3A_10, %get3A_11] : memref<1x128xf32, #tpu.memory_space<vmem>>, vector<1x128xf32>
    %add3A = vector.broadcast %get3A_12 : vector<1x128xf32> to vector<2000x128xf32>
    %add3A_13 = arith.addf %mul3A_9, %add3A : vector<2000x128xf32>
    %mul3A_14 = arith.constant 0.636619746 : f32
    %mul3A_15 = vector.broadcast %mul3A_14 : f32 to vector<2000x128xf32>
    %mul3A_16 = arith.mulf %add3A_13, %mul3A_15 : vector<2000x128xf32>
    %round3A = math.roundeven %mul3A_16 : vector<2000x128xf32>
    %mul3A_17 = arith.constant 1.57079601 : f32
    %mul3A_18 = vector.broadcast %mul3A_17 : f32 to vector<2000x128xf32>
    %mul3A_19 = arith.mulf %round3A, %mul3A_18 : vector<2000x128xf32>
    %sub3A = arith.subf %add3A_13, %mul3A_19 : vector<2000x128xf32>
    %mul3A_20 = arith.constant 3.13916473E-7 : f32
    %mul3A_21 = vector.broadcast %mul3A_20 : f32 to vector<2000x128xf32>
    %mul3A_22 = arith.mulf %round3A, %mul3A_21 : vector<2000x128xf32>
    %sub3A_23 = arith.subf %sub3A, %mul3A_22 : vector<2000x128xf32>
    %mul3A_24 = arith.constant 5.38975958E-15 : f32
    %mul3A_25 = vector.broadcast %mul3A_24 : f32 to vector<2000x128xf32>
    %mul3A_26 = arith.mulf %round3A, %mul3A_25 : vector<2000x128xf32>
    %sub3A_27 = arith.subf %sub3A_23, %mul3A_26 : vector<2000x128xf32>
    %mul3A_28 = arith.mulf %sub3A_27, %sub3A_27 : vector<2000x128xf32>
    %mul3A_29 = arith.mulf %sub3A_27, %mul3A_28 : vector<2000x128xf32>
    %mul3A_30 = arith.constant -1.95152956E-4 : f32
    %mul3A_31 = vector.broadcast %mul3A_30 : f32 to vector<2000x128xf32>
    %mul3A_32 = arith.mulf %mul3A_28, %mul3A_31 : vector<2000x128xf32>
    %add3A_33 = arith.constant 0.00833216123 : f32
    %add3A_34 = vector.broadcast %add3A_33 : f32 to vector<2000x128xf32>
    %add3A_35 = arith.addf %add3A_34, %mul3A_32 : vector<2000x128xf32>
    %mul3A_36 = arith.mulf %mul3A_28, %add3A_35 : vector<2000x128xf32>
    %add3A_37 = arith.constant -0.166666552 : f32
    %add3A_38 = vector.broadcast %add3A_37 : f32 to vector<2000x128xf32>
    %add3A_39 = arith.addf %add3A_38, %mul3A_36 : vector<2000x128xf32>
    %mul3A_40 = arith.mulf %mul3A_29, %add3A_39 : vector<2000x128xf32>
    %add3A_41 = arith.addf %sub3A_27, %mul3A_40 : vector<2000x128xf32>
    %mul3A_42 = arith.constant 5.000000e-01 : f32
    %mul3A_43 = vector.broadcast %mul3A_42 : f32 to vector<2000x128xf32>
    %mul3A_44 = arith.mulf %mul3A_43, %mul3A_28 : vector<2000x128xf32>
    %sub3A_45 = arith.constant 1.000000e+00 : f32
    %sub3A_46 = vector.broadcast %sub3A_45 : f32 to vector<2000x128xf32>
    %sub3A_47 = arith.subf %sub3A_46, %mul3A_44 : vector<2000x128xf32>
    %mul3A_48 = arith.mulf %mul3A_28, %mul3A_28 : vector<2000x128xf32>
    %mul3A_49 = arith.constant 2.44331568E-5 : f32
    %mul3A_50 = vector.broadcast %mul3A_49 : f32 to vector<2000x128xf32>
    %mul3A_51 = arith.mulf %mul3A_28, %mul3A_50 : vector<2000x128xf32>
    %add3A_52 = arith.constant -0.00138873165 : f32
    %add3A_53 = vector.broadcast %add3A_52 : f32 to vector<2000x128xf32>
    %add3A_54 = arith.addf %add3A_53, %mul3A_51 : vector<2000x128xf32>
    %mul3A_55 = arith.mulf %mul3A_28, %add3A_54 : vector<2000x128xf32>
    %add3A_56 = arith.constant 0.0416666456 : f32
    %add3A_57 = vector.broadcast %add3A_56 : f32 to vector<2000x128xf32>
    %add3A_58 = arith.addf %add3A_57, %mul3A_55 : vector<2000x128xf32>
    %mul3A_59 = arith.mulf %mul3A_48, %add3A_58 : vector<2000x128xf32>
    %add3A_60 = arith.addf %sub3A_47, %mul3A_59 : vector<2000x128xf32>
    %convert_element_type3A = arith.fptosi %round3A : vector<2000x128xf32> to vector<2000x128xi32>
    %and3A = arith.constant 1 : i32
    %and3A_61 = vector.broadcast %and3A : i32 to vector<2000x128xi32>
    %and3A_62 = arith.andi %convert_element_type3A, %and3A_61 : vector<2000x128xi32>
    %eq3A = arith.constant 1 : i32
    %eq3A_63 = vector.broadcast %eq3A : i32 to vector<2000x128xi32>
    %eq3A_64 = arith.cmpi eq, %and3A_62, %eq3A_63 : vector<2000x128xi32>
    %and3A_65 = arith.constant 1 : i32
    %and3A_66 = vector.broadcast %and3A_65 : i32 to vector<2000x128xi32>
    %and3A_67 = arith.andi %convert_element_type3A, %and3A_66 : vector<2000x128xi32>
    %add3A_68 = arith.addi %convert_element_type3A, %and3A_67 : vector<2000x128xi32>
    %and3A_69 = arith.constant 2 : i32
    %and3A_70 = vector.broadcast %and3A_69 : i32 to vector<2000x128xi32>
    %and3A_71 = arith.andi %add3A_68, %and3A_70 : vector<2000x128xi32>
    %ne3A = arith.constant 0 : i32
    %ne3A_72 = vector.broadcast %ne3A : i32 to vector<2000x128xi32>
    %ne3A_73 = arith.cmpi ne, %and3A_71, %ne3A_72 : vector<2000x128xi32>
    %select_n3A = arith.select %eq3A_64, %add3A_41, %add3A_60 : vector<2000x128xi1>, vector<2000x128xf32>
    %neg3A = arith.constant 0.000000e+00 : f32
    %neg3A_74 = vector.broadcast %neg3A : f32 to vector<2000x128xf32>
    %neg3A_75 = arith.subf %neg3A_74, %select_n3A : vector<2000x128xf32>
    %select_n3A_76 = arith.select %ne3A_73, %neg3A_75, %select_n3A : vector<2000x128xi1>, vector<2000x128xf32>
    %get3A_77 = arith.constant 0 : index
    %get3A_78 = arith.constant 0 : index
    %get3A_79 = vector.load %arg1[%get3A_77, %get3A_78] : memref<2000x1xf32, #tpu.memory_space<vmem>>, vector<2000x1xf32>
    %get3A_80 = arith.constant 0 : index
    %get3A_81 = arith.constant 0 : index
    %get3A_82 = vector.load %arg4[%get3A_80, %get3A_81] : memref<1x128xf32, #tpu.memory_space<vmem>>, vector<1x128xf32>
    %mul3A_83 = vector.broadcast %get3A_79 : vector<2000x1xf32> to vector<2000x128xf32>
    %mul3A_84 = vector.broadcast %get3A_82 : vector<1x128xf32> to vector<2000x128xf32>
    %mul3A_85 = arith.mulf %mul3A_83, %mul3A_84 : vector<2000x128xf32>
    %get3A_86 = arith.constant 0 : index
    %get3A_87 = arith.constant 0 : index
    %get3A_88 = vector.load %arg5[%get3A_86, %get3A_87] : memref<1x128xf32, #tpu.memory_space<vmem>>, vector<1x128xf32>
    %add3A_89 = vector.broadcast %get3A_88 : vector<1x128xf32> to vector<2000x128xf32>
    %add3A_90 = arith.addf %mul3A_85, %add3A_89 : vector<2000x128xf32>
    %max3A = arith.constant 0.000000e+00 : f32
    %max3A_91 = vector.broadcast %max3A : f32 to vector<2000x128xf32>
    %max3A_92 = arith.maximumf %add3A_90, %max3A_91 : vector<2000x128xf32>
    %get3A_93 = arith.constant 0 : index
    %get3A_94 = arith.constant 0 : index
    %get3A_95 = vector.load %arg6[%get3A_93, %get3A_94] : memref<1x128xf32, #tpu.memory_space<vmem>>, vector<1x128xf32>
    %mul3A_96 = vector.broadcast %get3A_95 : vector<1x128xf32> to vector<2000x128xf32>
    %mul3A_97 = arith.mulf %mul3A_96, %select_n3A_76 : vector<2000x128xf32>
    %get3A_98 = arith.constant 0 : index
    %get3A_99 = arith.constant 0 : index
    %get3A_100 = vector.load %arg7[%get3A_98, %get3A_99] : memref<1x128xf32, #tpu.memory_space<vmem>>, vector<1x128xf32>
    %mul3A_101 = vector.broadcast %get3A_100 : vector<1x128xf32> to vector<2000x128xf32>
    %mul3A_102 = arith.mulf %mul3A_101, %max3A_92 : vector<2000x128xf32>
    %add3A_103 = arith.addf %mul3A_97, %mul3A_102 : vector<2000x128xf32>
    %max3A_104 = arith.constant 0.000000e+00 : f32
    %max3A_105 = vector.broadcast %max3A_104 : f32 to vector<2000x128xf32>
    %max3A_106 = arith.maximumf %add3A_103, %max3A_105 : vector<2000x128xf32>
    %swap3A = arith.constant 0 : index
    %swap3A_107 = arith.constant 0 : index
    %swap3A_108 = vector.load %arg8[%swap3A, %swap3A_107] : memref<2000x128xf32, #tpu.memory_space<vmem>>, vector<2000x128xf32>
    tpu.vector_store %arg8[%swap3A, %swap3A_107], %max3A_106 {strides = array<i32>} : memref<2000x128xf32, #tpu.memory_space<vmem>>, vector<2000x128xf32>,
    return
  }
}

module attributes {stable_mosaic.version = 14 : i64} {
  func.func @_fusion_ci_body(%arg0: memref<8000x1xf32, #tpu.memory_space<vmem>>, %arg1: memref<8000x1xf32, #tpu.memory_space<vmem>>, %arg2: memref<8000x128xf32, #tpu.memory_space<vmem>>, %arg3: memref<1x128xf32, #tpu.memory_space<vmem>>, %arg4: memref<1x128xf32, #tpu.memory_space<vmem>>, %arg5: memref<1x128xf32, #tpu.memory_space<vmem>>, %arg6: memref<1x128xf32, #tpu.memory_space<vmem>>, %arg7: memref<1x128xf32, #tpu.memory_space<vmem>>, %arg8: memref<1x128xf32, #tpu.memory_space<vmem>>, %arg9: memref<8000x128xf32, #tpu.memory_space<vmem>>, %arg10: memref<8000x128xf32, #tpu.memory_space<vmem>>) attributes {dimension_semantics = [], scalar_prefetch = 0 : i64, scratch_operands = 0 : i64, tpu.core_type = #tpu.core_type<tc>} {
    %get3A = arith.constant 0 : index
    %get3A_0 = arith.constant 0 : index
    %get3A_1 = vector.load %arg0[%get3A, %get3A_0] : memref<8000x1xf32, #tpu.memory_space<vmem>>, vector<8000x1xf32>
    %mul3A = arith.constant 2.77777785E-4 : f32
    %mul3A_2 = vector.broadcast %mul3A : f32 to vector<8000x1xf32>
    %mul3A_3 = arith.mulf %get3A_1, %mul3A_2 : vector<8000x1xf32>
    %get3A_4 = arith.constant 0 : index
    %get3A_5 = arith.constant 0 : index
    %get3A_6 = vector.load %arg3[%get3A_4, %get3A_5] : memref<1x128xf32, #tpu.memory_space<vmem>>, vector<1x128xf32>
    %mul3A_7 = vector.broadcast %mul3A_3 : vector<8000x1xf32> to vector<8000x128xf32>
    %mul3A_8 = vector.broadcast %get3A_6 : vector<1x128xf32> to vector<8000x128xf32>
    %mul3A_9 = arith.mulf %mul3A_7, %mul3A_8 : vector<8000x128xf32>
    %get3A_10 = arith.constant 0 : index
    %get3A_11 = arith.constant 0 : index
    %get3A_12 = vector.load %arg4[%get3A_10, %get3A_11] : memref<1x128xf32, #tpu.memory_space<vmem>>, vector<1x128xf32>
    %add3A = vector.broadcast %get3A_12 : vector<1x128xf32> to vector<8000x128xf32>
    %add3A_13 = arith.addf %mul3A_9, %add3A : vector<8000x128xf32>
    %mul3A_14 = arith.constant 0.636619746 : f32
    %mul3A_15 = vector.broadcast %mul3A_14 : f32 to vector<8000x128xf32>
    %mul3A_16 = arith.mulf %add3A_13, %mul3A_15 : vector<8000x128xf32>
    %round3A = math.roundeven %mul3A_16 : vector<8000x128xf32>
    %mul3A_17 = arith.constant 1.57079601 : f32
    %mul3A_18 = vector.broadcast %mul3A_17 : f32 to vector<8000x128xf32>
    %mul3A_19 = arith.mulf %round3A, %mul3A_18 : vector<8000x128xf32>
    %sub3A = arith.subf %add3A_13, %mul3A_19 : vector<8000x128xf32>
    %mul3A_20 = arith.constant 3.13916473E-7 : f32
    %mul3A_21 = vector.broadcast %mul3A_20 : f32 to vector<8000x128xf32>
    %mul3A_22 = arith.mulf %round3A, %mul3A_21 : vector<8000x128xf32>
    %sub3A_23 = arith.subf %sub3A, %mul3A_22 : vector<8000x128xf32>
    %mul3A_24 = arith.constant 5.38975958E-15 : f32
    %mul3A_25 = vector.broadcast %mul3A_24 : f32 to vector<8000x128xf32>
    %mul3A_26 = arith.mulf %round3A, %mul3A_25 : vector<8000x128xf32>
    %sub3A_27 = arith.subf %sub3A_23, %mul3A_26 : vector<8000x128xf32>
    %mul3A_28 = arith.mulf %sub3A_27, %sub3A_27 : vector<8000x128xf32>
    %mul3A_29 = arith.mulf %sub3A_27, %mul3A_28 : vector<8000x128xf32>
    %mul3A_30 = arith.constant -1.95152956E-4 : f32
    %mul3A_31 = vector.broadcast %mul3A_30 : f32 to vector<8000x128xf32>
    %mul3A_32 = arith.mulf %mul3A_28, %mul3A_31 : vector<8000x128xf32>
    %add3A_33 = arith.constant 0.00833216123 : f32
    %add3A_34 = vector.broadcast %add3A_33 : f32 to vector<8000x128xf32>
    %add3A_35 = arith.addf %add3A_34, %mul3A_32 : vector<8000x128xf32>
    %mul3A_36 = arith.mulf %mul3A_28, %add3A_35 : vector<8000x128xf32>
    %add3A_37 = arith.constant -0.166666552 : f32
    %add3A_38 = vector.broadcast %add3A_37 : f32 to vector<8000x128xf32>
    %add3A_39 = arith.addf %add3A_38, %mul3A_36 : vector<8000x128xf32>
    %mul3A_40 = arith.mulf %mul3A_29, %add3A_39 : vector<8000x128xf32>
    %add3A_41 = arith.addf %sub3A_27, %mul3A_40 : vector<8000x128xf32>
    %mul3A_42 = arith.constant 5.000000e-01 : f32
    %mul3A_43 = vector.broadcast %mul3A_42 : f32 to vector<8000x128xf32>
    %mul3A_44 = arith.mulf %mul3A_43, %mul3A_28 : vector<8000x128xf32>
    %sub3A_45 = arith.constant 1.000000e+00 : f32
    %sub3A_46 = vector.broadcast %sub3A_45 : f32 to vector<8000x128xf32>
    %sub3A_47 = arith.subf %sub3A_46, %mul3A_44 : vector<8000x128xf32>
    %mul3A_48 = arith.mulf %mul3A_28, %mul3A_28 : vector<8000x128xf32>
    %mul3A_49 = arith.constant 2.44331568E-5 : f32
    %mul3A_50 = vector.broadcast %mul3A_49 : f32 to vector<8000x128xf32>
    %mul3A_51 = arith.mulf %mul3A_28, %mul3A_50 : vector<8000x128xf32>
    %add3A_52 = arith.constant -0.00138873165 : f32
    %add3A_53 = vector.broadcast %add3A_52 : f32 to vector<8000x128xf32>
    %add3A_54 = arith.addf %add3A_53, %mul3A_51 : vector<8000x128xf32>
    %mul3A_55 = arith.mulf %mul3A_28, %add3A_54 : vector<8000x128xf32>
    %add3A_56 = arith.constant 0.0416666456 : f32
    %add3A_57 = vector.broadcast %add3A_56 : f32 to vector<8000x128xf32>
    %add3A_58 = arith.addf %add3A_57, %mul3A_55 : vector<8000x128xf32>
    %mul3A_59 = arith.mulf %mul3A_48, %add3A_58 : vector<8000x128xf32>
    %add3A_60 = arith.addf %sub3A_47, %mul3A_59 : vector<8000x128xf32>
    %convert_element_type3A = arith.fptosi %round3A : vector<8000x128xf32> to vector<8000x128xi32>
    %and3A = arith.constant 1 : i32
    %and3A_61 = vector.broadcast %and3A : i32 to vector<8000x128xi32>
    %and3A_62 = arith.andi %convert_element_type3A, %and3A_61 : vector<8000x128xi32>
    %eq3A = arith.constant 1 : i32
    %eq3A_63 = vector.broadcast %eq3A : i32 to vector<8000x128xi32>
    %eq3A_64 = arith.cmpi eq, %and3A_62, %eq3A_63 : vector<8000x128xi32>
    %and3A_65 = arith.constant 1 : i32
    %and3A_66 = vector.broadcast %and3A_65 : i32 to vector<8000x128xi32>
    %and3A_67 = arith.andi %convert_element_type3A, %and3A_66 : vector<8000x128xi32>
    %add3A_68 = arith.addi %convert_element_type3A, %and3A_67 : vector<8000x128xi32>
    %and3A_69 = arith.constant 2 : i32
    %and3A_70 = vector.broadcast %and3A_69 : i32 to vector<8000x128xi32>
    %and3A_71 = arith.andi %add3A_68, %and3A_70 : vector<8000x128xi32>
    %ne3A = arith.constant 0 : i32
    %ne3A_72 = vector.broadcast %ne3A : i32 to vector<8000x128xi32>
    %ne3A_73 = arith.cmpi ne, %and3A_71, %ne3A_72 : vector<8000x128xi32>
    %select_n3A = arith.select %eq3A_64, %add3A_41, %add3A_60 : vector<8000x128xi1>, vector<8000x128xf32>
    %neg3A = arith.constant 0.000000e+00 : f32
    %neg3A_74 = vector.broadcast %neg3A : f32 to vector<8000x128xf32>
    %neg3A_75 = arith.subf %neg3A_74, %select_n3A : vector<8000x128xf32>
    %select_n3A_76 = arith.select %ne3A_73, %neg3A_75, %select_n3A : vector<8000x128xi1>, vector<8000x128xf32>
    %get3A_77 = arith.constant 0 : index
    %get3A_78 = arith.constant 0 : index
    %get3A_79 = vector.load %arg1[%get3A_77, %get3A_78] : memref<8000x1xf32, #tpu.memory_space<vmem>>, vector<8000x1xf32>
    %get3A_80 = arith.constant 0 : index
    %get3A_81 = arith.constant 0 : index
    %get3A_82 = vector.load %arg5[%get3A_80, %get3A_81] : memref<1x128xf32, #tpu.memory_space<vmem>>, vector<1x128xf32>
    %mul3A_83 = vector.broadcast %get3A_79 : vector<8000x1xf32> to vector<8000x128xf32>
    %mul3A_84 = vector.broadcast %get3A_82 : vector<1x128xf32> to vector<8000x128xf32>
    %mul3A_85 = arith.mulf %mul3A_83, %mul3A_84 : vector<8000x128xf32>
    %get3A_86 = arith.constant 0 : index
    %get3A_87 = arith.constant 0 : index
    %get3A_88 = vector.load %arg6[%get3A_86, %get3A_87] : memref<1x128xf32, #tpu.memory_space<vmem>>, vector<1x128xf32>
    %add3A_89 = vector.broadcast %get3A_88 : vector<1x128xf32> to vector<8000x128xf32>
    %add3A_90 = arith.addf %mul3A_85, %add3A_89 : vector<8000x128xf32>
    %max3A = arith.constant 0.000000e+00 : f32
    %max3A_91 = vector.broadcast %max3A : f32 to vector<8000x128xf32>
    %max3A_92 = arith.maximumf %add3A_90, %max3A_91 : vector<8000x128xf32>
    %get3A_93 = arith.constant 0 : index
    %get3A_94 = arith.constant 0 : index
    %get3A_95 = vector.load %arg7[%get3A_93, %get3A_94] : memref<1x128xf32, #tpu.memory_space<vmem>>, vector<1x128xf32>
    %mul3A_96 = vector.broadcast %get3A_95 : vector<1x128xf32> to vector<8000x128xf32>
    %mul3A_97 = arith.mulf %mul3A_96, %select_n3A_76 : vector<8000x128xf32>
    %get3A_98 = arith.constant 0 : index
    %get3A_99 = arith.constant 0 : index
    %get3A_100 = vector.load %arg8[%get3A_98, %get3A_99] : memref<1x128xf32, #tpu.memory_space<vmem>>, vector<1x128xf32>
    %mul3A_101 = vector.broadcast %get3A_100 : vector<1x128xf32> to vector<8000x128xf32>
    %mul3A_102 = arith.mulf %mul3A_101, %max3A_92 : vector<8000x128xf32>
    %add3A_103 = arith.addf %mul3A_97, %mul3A_102 : vector<8000x128xf32>
    %get3A_104 = arith.constant 0 : index
    %get3A_105 = arith.constant 0 : index
    %get3A_106 = vector.load %arg2[%get3A_104, %get3A_105] : memref<8000x128xf32, #tpu.memory_space<vmem>>, vector<8000x128xf32>
    %add3A_107 = arith.addf %get3A_106, %add3A_103 : vector<8000x128xf32>
    %max3A_108 = arith.constant 0.000000e+00 : f32
    %max3A_109 = vector.broadcast %max3A_108 : f32 to vector<8000x128xf32>
    %max3A_110 = arith.maximumf %add3A_107, %max3A_109 : vector<8000x128xf32>
    %swap3A = arith.constant 0 : index
    %swap3A_111 = arith.constant 0 : index
    %swap3A_112 = vector.load %arg9[%swap3A, %swap3A_111] : memref<8000x128xf32, #tpu.memory_space<vmem>>, vector<8000x128xf32>
    tpu.vector_store %arg9[%swap3A, %swap3A_111], %max3A_110 {strides = array<i32>} : memref<8000x128xf32, #tpu.memory_space<vmem>>, vector<8000x128xf32>,
    %swap3A_113 = arith.constant 0 : index
    %swap3A_114 = arith.constant 0 : index
    %swap3A_115 = vector.load %arg10[%swap3A_113, %swap3A_114] : memref<8000x128xf32, #tpu.memory_space<vmem>>, vector<8000x128xf32>
    tpu.vector_store %arg10[%swap3A_113, %swap3A_114], %add3A_103 {strides = array<i32>} : memref<8000x128xf32, #tpu.memory_space<vmem>>, vector<8000x128xf32>,
    return
  }
}

module attributes {stable_mosaic.version = 14 : i64} {
  func.func @_head_body(%arg0: i32, %arg1: i32, %arg2: memref<1024x128xf32, #tpu.memory_space<vmem>>, %arg3: memref<1024x128xf32, #tpu.memory_space<vmem>>, %arg4: memref<1024x128xf32, #tpu.memory_space<vmem>>, %arg5: memref<1024x128xf32, #tpu.memory_space<vmem>>, %arg6: memref<1024x1xf32, #tpu.memory_space<vmem>>, %arg7: memref<1024x1xf32, #tpu.memory_space<vmem>>, %arg8: memref<1x128xf32, #tpu.memory_space<vmem>>, %arg9: memref<1x128xf32, #tpu.memory_space<vmem>>, %arg10: memref<1024x128xbf16, #tpu.memory_space<vmem>>, %arg11: memref<1024x1xf32, #tpu.memory_space<vmem>>, %arg12: memref<1024x1024xf32, #tpu.memory_space<vmem>>, %arg13: memref<128x1024xbf16, #tpu.memory_space<vmem>>) attributes {dimension_semantics = [#tpu.dimension_semantics<arbitrary>, #tpu.dimension_semantics<arbitrary>], iteration_bounds = array<i64: 8, 5>, scalar_prefetch = 0 : i64, scratch_operands = 1 : i64, tpu.core_type = #tpu.core_type<tc>, window_params = [{transform_indices = @transform_0, window_bounds = array<i64: 1024, 128>}, {transform_indices = @transform_1, window_bounds = array<i64: 1024, 128>}, {transform_indices = @transform_2, window_bounds = array<i64: 1024, 128>}, {transform_indices = @transform_3, window_bounds = array<i64: 1024, 128>}, {transform_indices = @transform_4, window_bounds = array<i64: 1024, 1>}, {transform_indices = @transform_5, window_bounds = array<i64: 1024, 1>}, {pipeline_mode = #tpu.pipeline_mode<synchronous>, transform_indices = @transform_6, window_bounds = array<i64: 1, 128>}, {pipeline_mode = #tpu.pipeline_mode<synchronous>, transform_indices = @transform_7, window_bounds = array<i64: 1, 128>}, {transform_indices = @transform_8, window_bounds = array<i64: 1024, 128>}, {transform_indices = @transform_9, window_bounds = array<i64: 1024, 1>}, {transform_indices = @transform_10, window_bounds = array<i64: 1024, 1024>}]} {
    %eq3A = arith.constant 0 : i32
    %eq3A_0 = arith.cmpi eq, %arg1, %eq3A : i32
    %convert_element_type3A = arith.extui %eq3A_0 : i1 to i32
    %cond3A = arith.constant 0 : i32
    %cond3A_1 = arith.cmpi ne, %convert_element_type3A, %cond3A : i32
    scf.if %cond3A_1 {
      %get3A_14 = arith.constant 0 : index
      %get3A_15 = arith.constant 0 : index
      %get3A_16 = vector.load %arg6[%get3A_14, %get3A_15] : memref<1024x1xf32, #tpu.memory_space<vmem>>, vector<1024x1xf32>
      %get3A_17 = arith.constant 0 : index
      %get3A_18 = arith.constant 0 : index
      %get3A_19 = vector.load %arg7[%get3A_17, %get3A_18] : memref<1024x1xf32, #tpu.memory_space<vmem>>, vector<1024x1xf32>
      %add3A_20 = arith.addf %get3A_16, %get3A_19 : vector<1024x1xf32>
      %add3A_21 = arith.constant 1.000000e-30 : f32
      %add3A_22 = vector.broadcast %add3A_21 : f32 to vector<1024x1xf32>
      %add3A_23 = arith.addf %add3A_20, %add3A_22 : vector<1024x1xf32>
      %get3A_24 = arith.constant 0 : index
      %get3A_25 = arith.constant 0 : index
      %get3A_26 = vector.load %arg2[%get3A_24, %get3A_25] : memref<1024x128xf32, #tpu.memory_space<vmem>>, vector<1024x128xf32>
      %get3A_27 = arith.constant 0 : index
      %get3A_28 = arith.constant 0 : index
      %get3A_29 = vector.load %arg4[%get3A_27, %get3A_28] : memref<1024x128xf32, #tpu.memory_space<vmem>>, vector<1024x128xf32>
      %get3A_30 = arith.constant 0 : index
      %get3A_31 = arith.constant 0 : index
      %get3A_32 = vector.load %arg5[%get3A_30, %get3A_31] : memref<1024x128xf32, #tpu.memory_space<vmem>>, vector<1024x128xf32>
      %add3A_33 = arith.addf %get3A_29, %get3A_32 : vector<1024x128xf32>
      %div3A = vector.broadcast %add3A_23 : vector<1024x1xf32> to vector<1024x128xf32>
      %div3A_34 = arith.divf %add3A_33, %div3A : vector<1024x128xf32>
      %add3A_35 = arith.addf %get3A_26, %div3A_34 : vector<1024x128xf32>
      %reduce_sum3A = arith.constant dense<0.000000e+00> : vector<1024xf32>
      %reduce_sum3A_36 = vector.multi_reduction <add>, %add3A_35, %reduce_sum3A [1] : vector<1024x128xf32> to vector<1024xf32>
      %broadcast_in_dim3A = vector.shape_cast %reduce_sum3A_36 : vector<1024xf32> to vector<1024x1xf32>
      %div3A_37 = arith.constant 1.280000e+02 : f32
      %div3A_38 = vector.broadcast %div3A_37 : f32 to vector<1024x1xf32>
      %div3A_39 = arith.divf %broadcast_in_dim3A, %div3A_38 : vector<1024x1xf32>
      %sub3A = vector.broadcast %div3A_39 : vector<1024x1xf32> to vector<1024x128xf32>
      %sub3A_40 = arith.subf %add3A_35, %sub3A : vector<1024x128xf32>
      %sub3A_41 = vector.broadcast %div3A_39 : vector<1024x1xf32> to vector<1024x128xf32>
      %sub3A_42 = arith.subf %add3A_35, %sub3A_41 : vector<1024x128xf32>
      %mul3A = arith.mulf %sub3A_40, %sub3A_42 : vector<1024x128xf32>
      %reduce_sum3A_43 = arith.constant dense<0.000000e+00> : vector<1024xf32>
      %reduce_sum3A_44 = vector.multi_reduction <add>, %mul3A, %reduce_sum3A_43 [1] : vector<1024x128xf32> to vector<1024xf32>
      %broadcast_in_dim3A_45 = vector.shape_cast %reduce_sum3A_44 : vector<1024xf32> to vector<1024x1xf32>
      %div3A_46 = arith.constant 1.280000e+02 : f32
      %div3A_47 = vector.broadcast %div3A_46 : f32 to vector<1024x1xf32>
      %div3A_48 = arith.divf %broadcast_in_dim3A_45, %div3A_47 : vector<1024x1xf32>
      %sub3A_49 = vector.broadcast %div3A_39 : vector<1024x1xf32> to vector<1024x128xf32>
      %sub3A_50 = arith.subf %add3A_35, %sub3A_49 : vector<1024x128xf32>
      %add3A_51 = arith.constant 9.99999974E-6 : f32
      %add3A_52 = vector.broadcast %add3A_51 : f32 to vector<1024x1xf32>
      %add3A_53 = arith.addf %div3A_48, %add3A_52 : vector<1024x1xf32>
      %rsqrt3A = math.rsqrt %add3A_53 : vector<1024x1xf32>
      %mul3A_54 = vector.broadcast %rsqrt3A : vector<1024x1xf32> to vector<1024x128xf32>
      %mul3A_55 = arith.mulf %sub3A_50, %mul3A_54 : vector<1024x128xf32>
      %get3A_56 = arith.constant 0 : index
      %get3A_57 = arith.constant 0 : index
      %get3A_58 = vector.load %arg8[%get3A_56, %get3A_57] : memref<1x128xf32, #tpu.memory_space<vmem>>, vector<1x128xf32>
      %mul3A_59 = vector.broadcast %get3A_58 : vector<1x128xf32> to vector<1024x128xf32>
      %mul3A_60 = arith.mulf %mul3A_55, %mul3A_59 : vector<1024x128xf32>
      %get3A_61 = arith.constant 0 : index
      %get3A_62 = arith.constant 0 : index
      %get3A_63 = vector.load %arg9[%get3A_61, %get3A_62] : memref<1x128xf32, #tpu.memory_space<vmem>>, vector<1x128xf32>
      %add3A_64 = vector.broadcast %get3A_63 : vector<1x128xf32> to vector<1024x128xf32>
      %add3A_65 = arith.addf %mul3A_60, %add3A_64 : vector<1024x128xf32>
      %get3A_66 = arith.constant 0 : index
      %get3A_67 = arith.constant 0 : index
      %get3A_68 = vector.load %arg3[%get3A_66, %get3A_67] : memref<1024x128xf32, #tpu.memory_space<vmem>>, vector<1024x128xf32>
      %add3A_69 = arith.addf %add3A_65, %get3A_68 : vector<1024x128xf32>
      %transpose3A = tpu.transpose %add3A_69, [1, 0] : vector<1024x128xf32> -> vector<128x1024xf32>
      %convert_element_type3A_70 = arith.truncf %transpose3A : vector<128x1024xf32> to vector<128x1024xbf16>
      %swap3A_71 = arith.constant 0 : index
      %swap3A_72 = arith.constant 0 : index
      %swap3A_73 = vector.load %arg13[%swap3A_71, %swap3A_72] : memref<128x1024xbf16, #tpu.memory_space<vmem>>, vector<128x1024xbf16>
      tpu.vector_store %arg13[%swap3A_71, %swap3A_72], %convert_element_type3A_70 {strides = array<i32>} : memref<128x1024xbf16, #tpu.memory_space<vmem>>, vector<128x1024xbf16>,
    } else {
    }
    %get3A = arith.constant 0 : index
    %get3A_2 = arith.constant 0 : index
    %get3A_3 = vector.load %arg10[%get3A, %get3A_2] : memref<1024x128xbf16, #tpu.memory_space<vmem>>, vector<1024x128xbf16>
    %get3A_4 = arith.constant 0 : index
    %get3A_5 = arith.constant 0 : index
    %get3A_6 = vector.load %arg13[%get3A_4, %get3A_5] : memref<128x1024xbf16, #tpu.memory_space<vmem>>, vector<128x1024xbf16>
    %dot_general3A = arith.constant dense<0.000000e+00> : vector<1024x1024xf32>
    %dot_general3A_7 = tpu.matmul %get3A_3, %get3A_6, %dot_general3A {dimension_numbers = #tpu.dot_dimension_numbers<[1], [0], [0], [1], [0, 0, 1, 1], [], []>, transpose_lhs_hint = false} : vector<1024x128xbf16>, vector<128x1024xbf16>, vector<1024x1024xf32> -> vector<1024x1024xf32>
    %get3A_8 = arith.constant 0 : index
    %get3A_9 = arith.constant 0 : index
    %get3A_10 = vector.load %arg11[%get3A_8, %get3A_9] : memref<1024x1xf32, #tpu.memory_space<vmem>>, vector<1024x1xf32>
    %add3A = vector.broadcast %get3A_10 : vector<1024x1xf32> to vector<1024x1024xf32>
    %add3A_11 = arith.addf %dot_general3A_7, %add3A : vector<1024x1024xf32>
    %swap3A = arith.constant 0 : index
    %swap3A_12 = arith.constant 0 : index
    %swap3A_13 = vector.load %arg12[%swap3A, %swap3A_12] : memref<1024x1024xf32, #tpu.memory_space<vmem>>, vector<1024x1024xf32>
    tpu.vector_store %arg12[%swap3A, %swap3A_12], %add3A_11 {strides = array<i32>} : memref<1024x1024xf32, #tpu.memory_space<vmem>>, vector<1024x1024xf32>,
    return
  }
  func.func @transform_0(%arg0: i32, %arg1: i32) -> (i32, i32) {
    %c0_i32 = arith.constant 0 : i32
    %c0_i32_0 = arith.constant 0 : i32
    return %arg0, %c0_i32 : i32, i32
  }
  func.func @transform_1(%arg0: i32, %arg1: i32) -> (i32, i32) {
    %c0_i32 = arith.constant 0 : i32
    %c0_i32_0 = arith.constant 0 : i32
    return %arg0, %c0_i32 : i32, i32
  }
  func.func @transform_2(%arg0: i32, %arg1: i32) -> (i32, i32) {
    %c0_i32 = arith.constant 0 : i32
    %c0_i32_0 = arith.constant 0 : i32
    return %arg0, %c0_i32 : i32, i32
  }
  func.func @transform_3(%arg0: i32, %arg1: i32) -> (i32, i32) {
    %c0_i32 = arith.constant 0 : i32
    %c0_i32_0 = arith.constant 0 : i32
    return %arg0, %c0_i32 : i32, i32
  }
  func.func @transform_4(%arg0: i32, %arg1: i32) -> (i32, i32) {
    %c0_i32 = arith.constant 0 : i32
    %c0_i32_0 = arith.constant 0 : i32
    return %arg0, %c0_i32 : i32, i32
  }
  func.func @transform_5(%arg0: i32, %arg1: i32) -> (i32, i32) {
    %c0_i32 = arith.constant 0 : i32
    %c0_i32_0 = arith.constant 0 : i32
    return %arg0, %c0_i32 : i32, i32
  }
  func.func @transform_6(%arg0: i32, %arg1: i32) -> (i32, i32) {
    %c0_i32 = arith.constant 0 : i32
    %c0_i32_0 = arith.constant 0 : i32
    %c0_i32_1 = arith.constant 0 : i32
    return %c0_i32, %c0_i32_0 : i32, i32
  }
  func.func @transform_7(%arg0: i32, %arg1: i32) -> (i32, i32) {
    %c0_i32 = arith.constant 0 : i32
    %c0_i32_0 = arith.constant 0 : i32
    %c0_i32_1 = arith.constant 0 : i32
    return %c0_i32, %c0_i32_0 : i32, i32
  }
  func.func @transform_8(%arg0: i32, %arg1: i32) -> (i32, i32) {
    %c0_i32 = arith.constant 0 : i32
    %c0_i32_0 = arith.constant 0 : i32
    return %arg1, %c0_i32 : i32, i32
  }
  func.func @transform_9(%arg0: i32, %arg1: i32) -> (i32, i32) {
    %c0_i32 = arith.constant 0 : i32
    %c0_i32_0 = arith.constant 0 : i32
    return %arg1, %c0_i32 : i32, i32
  }
  func.func @transform_10(%arg0: i32, %arg1: i32) -> (i32, i32) {
    %c0_i32 = arith.constant 0 : i32
    return %arg1, %arg0 : i32, i32
  }
}

</mosaic_0001>

<sc_bundles>
// kernel: kernel.6.cloned.1.call-start
scs
__scs_entry_jumppad:
0x0: {  	(pc) =	sbr.rel $0x88, $3  }
0x1: {  	(tag) =	ssettag $0x0;
	lr =	simm.s32 $0x1  }
0x2: {  	[smem:$0x3F91] =	sst lr;
	_ =	strace $0xD0000000  }
0x3: {  	_ = 	snop  }
0x4: {  	_ = 	snop  }
0x5: {  	_ = 	snop  }
0x6: {  	_ = 	snop  }
0x7: {  	_ = 	snop  }
__scs_overlays_trampoline_lowered:
0x8: {  	[smem:$0x3FA0] =	sst s0  }
0x9: {  	[smem:$0x3FA1] =	sst s1  }
0xa: {  	[smem:$0x3FA2] =	sst s2  }
0xb: {  	[smem:$0x3FA3] =	sst s3  }
0xc: {  	[smem:$0x3FA4] =	sst s4  }
0xd: {  	[smem:$0x3FA5] =	sst s5  }
0xe: {  	[smem:$0x3FA6] =	sst s6  }
0xf: {  	[smem:$0x3FA7] =	sst s7  }
0x10: {  	[smem:$0x3FA8] =	sst s8  }
0x11: {  	[smem:$0x3FA9] =	sst s9;
	s0 =	simm.s32 @!p0 $0x0  }
0x12: {  	s1 =	sld [smem:$0x3F8F];
	s0 =	simm.s32 @p0 $0x1  }
0x13: {  	[smem:$0x3FAA] =	sst s0;
	s0 =	simm.s32 @!p1 $0x0  }
0x14: {  	s2 =	sld [smem:$0x3F8E];
	s0 =	simm.s32 @p1 $0x1  }
0x15: {  	[smem:$0x3FAB] =	sst s0;
	s0 =	simm.s32 @!p2 $0x0  }
0x16: {  	s3 =	sld [smem:$0x3FDB];
	s0 =	simm.s32 @p2 $0x1  }
0x17: {  	s4 =	simm.s32 $0x1BF5;
	[smem:$0x3FAD] =	sst s0  }
0x18: {  	s0 =	sld [smem:$0x3F90];
	_ =	swait.ge [sflag:s4], $0x0  }
0x19: {  	s7 =	sld [smem:$0x3F91]  }
0x1a: {  	s8 =	sadd.s32 $0xFFFFE003, lr  }
0x1b: {  	s9 =	sadd.s32 $0xFFFFFEF7, lr;
	s5 =	simm.s32 $0xFFFFFFFF;
	p2 =	slt.u32 s8, $0xFFFFF086  }
0x1c: {  	p1 =	slt.u32 s9, $0xF7A;
	s5 =	simm.s32 @!p2 $0x0  }
0x1d: {  	s5 =	simm.s32 @p1 $0x1;
	p0 =	seq.s32 s7, s2  }
0x1e: {  	s7 =	smul.u32 @!p0 $0xF7A, s2;
	p2 =	seq.s32 @!p0 s5, $0x0  }
0x1f: {  	s9 =	smul.u32 $0xF7A, s1;
	s8 =	simm.s32 @!p0 $0x1BF5;
	p2 =	por !p2, p0  }
0x20: {  	[sflag:s8] =	ssyncset.s32 @!p0 $0xFFFFF086;
	s6 =	sadd.s32 @!p0 s3, s7;
	s7 =	simm.s32 @!p0 $0x108  }
0x21: {  	s3 =	sadd.s32 s3, s9;
	s6 =	sadd.s32 @!p0 $0x88, s6;
	s7 =	simm.s32 @p2 $0x1082  }
0x22: {  	[simem:s7], [sflag:s8] =	dma.local @!p0 [hbm:s6], $0xF7A  }
0x23: {  	s9 =	sor.u32 $0xD0000000, s2;
	s6 =	simm.s32 $0x108;
	_ =	swait.ge @!p0 [sflag:s8], $0x0  }
0x24: {  	s3 =	sadd.s32 $0x88, s3;
	s6 =	simm.s32 @!p1 $0x1082;
	[sflag:s4] =	ssyncset.s32 $0xFFFFF086  }
0x25: {  	[simem:s6], [sflag:s4] =	dma.local [hbm:s3], $0xF7A  }
0x26: {  	[smem:$0x3F91] =	sst s1;
	(tag) =	ssettag s2;
	_ =	strace s9  }
0x27: {  	s1 =	sld [smem:$0x3FA1]  }
0x28: {  	s2 =	sld [smem:$0x3FA2]  }
0x29: {  	s4 =	sld [smem:$0x3FA4]  }
0x2a: {  	p0 =	seq.s32 s5, $0x0;
	s5 =	sld [smem:$0x3FA5]  }
0x2b: {  	s6 =	sld [smem:$0x3FA6]  }
0x2c: {  	s7 =	sld [smem:$0x3FA7]  }
0x2d: {  	s3 =	simm.s32 $0x108;
	s8 =	sld [smem:$0x3FA8]  }
0x2e: {  	s3 =	simm.s32 @!p0 $0x1082;
	s9 =	sld [smem:$0x3FA9]  }
0x2f: {  	lr =	sadd.s32 s0, s3;
	s0 =	sld [smem:$0x3FA0]  }
0x30: {  	s3 =	sld [smem:$0x3FA3]  }
0x31: {  	[smem:$0x3FAC] =	sst s10  }
0x32: {  	s10 =	sld [smem:$0x3FAA];
	_ =	sdelay $0x3  }
0x33: {  	p0 =	seq.s32 s10, $0x1;
	s10 =	sld [smem:$0x3FAC];
	_ =	sdelay $0x3  }
0x34: {  	[smem:$0x3FAC] =	sst s10  }
0x35: {  	s10 =	sld [smem:$0x3FAB];
	_ =	sdelay $0x3  }
0x36: {  	p1 =	seq.s32 s10, $0x1;
	s10 =	sld [smem:$0x3FAC];
	_ =	sdelay $0x3  }
0x37: {  	[smem:$0x3FAC] =	sst s10  }
0x38: {  	s10 =	sld [smem:$0x3FAD]  }
0x39: {  	_ = 	snop;
	(pc) =	sbr.ind lr, $3  }
0x3a: {  	_ = 	snop  }
0x3b: {  	_ = 	snop  }
0x3c: {  	p2 =	seq.s32 s10, $0x1;
	s10 =	sld [smem:$0x3FAC]  }
0x3d: {  	_ =	shalt  }
0x3e: {  	_ =	shalt  }
0x3f: {  	_ =	shalt  }
0x40: {  	_ =	shalt  }
0x41: {  	_ =	shalt  }
0x42: {  	_ =	shalt  }
0x43: {  	_ =	shalt  }
0x44: {  	_ =	shalt  }
0x45: {  	_ =	shalt  }
0x46: {  	_ =	shalt  }
0x47: {  	_ =	shalt  }
0x48: {  	_ =	shalt  }
0x49: {  	_ =	shalt  }
0x4a: {  	_ =	shalt  }
0x4b: {  	_ =	shalt  }
0x4c: {  	_ =	shalt  }
0x4d: {  	_ =	shalt  }
0x4e: {  	_ =	shalt  }
0x4f: {  	_ =	shalt  }
0x50: {  	_ =	shalt  }
0x51: {  	_ =	shalt  }
0x52: {  	_ =	shalt  }
0x53: {  	_ =	shalt  }
0x54: {  	_ =	shalt  }
0x55: {  	_ =	shalt  }
0x56: {  	_ =	shalt  }
0x57: {  	_ =	shalt  }
0x58: {  	_ =	shalt  }
0x59: {  	_ =	shalt  }
0x5a: {  	_ =	shalt  }
0x5b: {  	_ =	shalt  }
0x5c: {  	_ =	shalt  }
0x5d: {  	_ =	shalt  }
0x5e: {  	_ =	shalt  }
0x5f: {  	_ =	shalt  }
0x60: {  	_ =	shalt  }
0x61: {  	_ =	shalt  }
0x62: {  	_ =	shalt  }
0x63: {  	_ =	shalt  }
0x64: {  	_ =	shalt  }
0x65: {  	_ =	shalt  }
0x66: {  	_ =	shalt  }
0x67: {  	_ =	shalt  }
0x68: {  	_ =	shalt  }
0x69: {  	_ =	shalt  }
0x6a: {  	_ =	shalt  }
0x6b: {  	_ =	shalt  }
0x6c: {  	_ =	shalt  }
0x6d: {  	_ =	shalt  }
0x6e: {  	_ =	shalt  }
0x6f: {  	_ =	shalt  }
0x70: {  	_ =	shalt  }
0x71: {  	_ =	shalt  }
0x72: {  	_ =	shalt  }
0x73: {  	_ =	shalt  }
0x74: {  	_ =	shalt  }
0x75: {  	_ =	shalt  }
0x76: {  	_ =	shalt  }
0x77: {  	_ =	shalt  }
0x78: {  	_ =	shalt  }
0x79: {  	_ =	shalt  }
0x7a: {  	_ =	shalt  }
0x7b: {  	_ =	shalt  }
0x7c: {  	_ =	shalt  }
0x7d: {  	_ =	shalt  }
0x7e: {  	_ =	shalt  }
0x7f: {  	_ =	shalt  }
0x80: {  	_ =	shalt  }
0x81: {  	_ =	shalt  }
0x82: {  	_ =	shalt  }
0x83: {  	_ =	shalt  }
0x84: {  	_ =	shalt  }
0x85: {  	_ =	shalt  }
0x86: {  	_ =	shalt  }
0x87: {  	_ =	shalt  }
.Lfunc_end0:
.L_simem_size_0:
called_computation_lowered:
.L_overlay_start_0:
0x88: {  	s2 =	sld [smem:$0x3FD9]  }
0x89: {  	s3 =	sld [smem:$0x3FFE];
	_ =	sdelay $0x1  }
0x8a: {  	s1 =	srdreg.scid  }
0x8b: {  	s0 =	sand.u32 $0x1, s1  }
0x8c: {  	s17 =	sshll.u32 s0, $0xA;
	s2 =	sadd.s32 s3, s2  }
0x8d: {  	s2 =	sadd.s32 s2, s17  }
0x8e: {  	[smem:$0x3FB8] =	sst s2  }
0x8f: {  	_ = 	snop  }
0x90: {  	s2 =	sld [smem:$0x3FD0];
	(tm) =	ssettm $0x1  }
0x91: {  	s18 =	sld [smem:$0x3FFB];
	_ =	sdelay $0x3  }
0x92: {  	_ =	strace s18  }
0x93: {  	s3 =	sld [smem:$0x3FFC];
	_ =	sdelay $0x3  }
0x94: {  	_ =	strace s3  }
0x95: {  	s3 =	sld [smem:$0x3FFD];
	_ =	sdelay $0x3  }
0x96: {  	_ =	strace s3  }
0x97: {  	_ =	strace $0x8FFFFFFF  }
0x98: {  	s19 =	sld [smem:$0x3FDB];
	_ =	sdelay $0x1  }
0x99: {  	s4 =	simm.s32 $_scs_section_size  }
0x9a: {  	s5 =	simm.s32 $_size__tile_overlayer_lowered;
	s6 =	simm.s32 $_tile_overlayer_lowered  }
0x9b: {  	s22 =	simm.s32 $0x1BFF;
	s21 =	sshll.u32 s6, $0x1;
	s3 =	sadd.s32 s4, s19  }
0x9c: {  	s7 =	simm.s32 $0x0;
	s20 =	sshll.u32 s5, $0x1;
	s5 =	sadd.s32 s21, s3  }
0x9d: {  	[timem:s7], [sflag:s22] =	dma.local [hbm:s5], s20  }
0x9e: {  	_ =	swait.ge [sflag:s22], s20  }
0x9f: {  	s4 =	ssub.s32 $0x0, s20;
	[sflag:s22] =	ssyncset.done $0x0  }
0xa0: {  	[sflag:s22] =	ssyncadd.s32 s4;
	_ =	sdelay $0x1  }
0xa1: {  	s23 =	simm.s32 $0x1B8B  }
0xa2: {  	_ =	swait.ge [sflag:s23], $0x1  }
0xa3: {  	[sflag:s23] =	ssyncset.done $0x0  }
0xa4: {  	s25 =	simm.s32 $0x1B8E;
	s24 =	sld [smem:$0x3FFE];
	[sflag:s23] =	ssyncadd.s32 $0xFFFFFFFF  }
0xa5: {  	s26 =	simm.s32 $execute0_lowered;
	[smem:$0x3FD2] =	sst s25  }
0xa6: {  	s5 =	sshll.u32 s26, $0x1;
	_ =	strace $0x80000046;
	[dreg:$0x1] =	wrdreg $0xFFFFFFFF  }
0xa7: {  	s28 =	simm.s32 $_size_execute0_lowered;
	s3 =	sadd.s32 s3, s5;
	[dreg:$0x0] =	wrdreg $0x0  }
0xa8: {  	s5 =	sshll.u32 s28, $0x1;
	[dreg:$0x2] =	wrdreg s3  }
0xa9: {  	[dreg:$0x3] =	wrdreg s5  }
0xaa: {  	[dreg:$0x4] =	wrdreg $0xC0  }
0xab: {  	_ =	task [dreg:s7], $0x5FFFF  }
0xac: {  	[dreg:$0x1] =	wrdreg $0xFFFFFFFF  }
0xad: {  	[dreg:$0x0] =	wrdreg $0x60  }
0xae: {  	[dreg:$0x2] =	wrdreg s24  }
0xaf: {  	[dreg:$0x3] =	wrdreg s2  }
0xb0: {  	[dreg:$0x4] =	wrdreg $0x0  }
0xb1: {  	[dreg:$0x5] =	wrdreg $0x102000  }
0xb2: {  	[dreg:$0x6] =	wrdreg $0x100000  }
0xb3: {  	[dreg:$0x7] =	wrdreg $0x9  }
0xb4: {  	_ =	task.clear_ibuf [dreg:s7], $0x8FFFF;
	_ =	strace $0x90000046  }
0xb5: {  	s29 =	simm.s32 $0x9;
	_ =	strace $0x80000048  }
0xb6: {  	_ =	swait.ge [sflag:s29], $0x1  }
0xb7: {  	[sflag:s29] =	ssyncadd.s32 $0xFFFFFFFF  }
0xb8: {  	_ =	strace $0x90000048  }
0xb9: {  	_ =	sfence  }
0xba: {  	s30 =	sld [smem:$0x0];
	_ =	sdelay $0x2  }
0xbb: {  	s31 =	sshll.u32 s1, $0xD;
	s1 =	sshrl.u32 s1, $0x2  }
0xbc: {  	s3 =	sand.u32 $0x4000, s31;
	s1 =	sadd.s32 s1, s30  }
0xbd: {  	s0 =	sor.u32 s3, s0;
	s1 =	sshll.u32 s1, $0x11  }
0xbe: {  	s0 =	sor.u32 s1, s0  }
0xbf: {  	s0 =	sadd.s32 $0x8F2B, s0  }
0xc0: {  	[sflag:s0] =	ssyncadd.remote.s32 $0x1  }
0xc1: {  	_ =	sfence.sel $0xFFFF  }
0xc2: {  	[dreg:$0x0] =	wrdreg $0xFFFFFFFF;
	(pc) =	sbr.abs _section_cstart, $3  }
0xc3: {  	[dreg:$0x1] =	wrdreg $0xFFFFFFFF  }
0xc4: {  	_ =	task.clear_ibuf [dreg:s7], $0x2FFFF;
	_ =	strace $0x9FFFFFFF  }
0xc5: {  	(tm) =	ssettm $0x7FFFFFFF  }
tec
execute0_lowered:
.L_overlay_start_1:
0x0: {  	(tag) =	ssettag $0x1  }
0x1: {  	s1 =	rddreg [dreg:$0x0]  }
0x2: {  	s2 =	rddreg [dreg:$0x1]  }
0x3: {  	s0 =	rddreg [dreg:$0x2];
	s4 =	srdreg.scid  }
0x4: {  	s3 =	rddreg [dreg:$0x3];
	s13 =	stileid.u32  }
0x5: {  	s5 =	simm.s32 $0x0;
	s28 =	simm.s32 $0x1;
	s29 =	simm.s32 $0x3  }
0x6: {  	s30 =	simm.s32 $0x4;
	s6 =	sand.u32 $0x1, s4;
	s4 =	rddreg [dreg:$0x4]  }
0x7: {  	s31 =	simm.s32 $0x80;
	[smem:$0x7FF] =	sst s5;
	s9 =	sshll.u32 s13, $0xB  }
0x8: {  	s19 =	sshll.u32 s13, $0x10;
	s23 =	sshll.u32 s13, $0xE;
	s24 =	sshll.u32 s13, $0xD  }
0x9: {  	s25 =	sshll.u32 s13, $0x7;
	p0 =	seq.s32 s13, $0xF;
	s7 =	sshll.u32 s6, $0x4  }
0xa: {  	_ =	strace $0x80000047;
	s10 =	ssub.s32 $0x2, s6;
	s11 =	sadd.s32 s9, s1  }
0xb: {  	s22 =	sshrl.u32 s9, $0x2;
	s16 =	sadd.s32 s23, s3;
	s6 =	sshll.u32 s6, $0x11  }
0xc: {  	s23 =	simm.s32 $0x2;
	s8 =	sor.u32 s13, s7;
	s12 =	sshrl.u32 s10, $0x1  }
0xd: {  	s7 =	sadd.s32 s7, s1;
	s11 =	sadd.s32 $0x11E00, s11;
	s15 =	sadd.s32 s22, s4  }
0xe: {  	s8 =	smul.u32 $0x280, s8;
	s10 =	ssub.s32 s10, s12;
	[dreg:$0x9] =	wrdreg s11  }
0xf: {  	s11 =	sadd.s32 s19, s0;
	s26 =	sadd.s32 s25, s7;
	s12 =	simm.s32 $0x15480  }
0x10: {  	s25 =	simm.s32 $0x7;
	s7 =	simm.s32 $0x0;
	s20 =	sadd.s32 $0x4000, s11  }
0x11: {  	s21 =	sadd.s32 $0x8000, s11;
	s14 =	sadd.s32 $0xC000, s11;
	s19 =	sadd.s32 $0x19C00, s26  }
0x12: {  	s26 =	simm.s32 $0x1FD00;
	s8 =	sadd.s32 s8, s1;
	[dreg:$0xb] =	wrdreg s20  }
0x13: {  	s1 =	sadd.s32 $0x19600, s1;
	[dreg:$0xc] =	wrdreg s21;
	s20 =	smax.u32 s10, $0x1  }
0x14: {  	s21 =	simm.s32 $0x1FC80;
	s17 =	sadd.s32 $0xCE00, s8;
	[dreg:$0xa] =	wrdreg s1  }
0x15: {  	s18 =	sadd.s32 $0x7E00, s8;
	s8 =	sadd.s32 $0x2E00, s8;
	[dreg:$0x6] =	wrdreg s17  }
0x16: {  	s1 =	sadd.s32 s2, s24;
	s24 =	simm.s32 $0x17C80;
	[dreg:$0x7] =	wrdreg s18  }
0x17: {  	s2 =	simm.s32 $0x5;
	[dreg:$0x8] =	wrdreg s8;
	s17 =	sadd.s32 $0x3C000, s3  }
0x18: {  	v0 =	vimm.f32 $0.0e+00;
	s18 =	sadd.s32 s6, s1;
	s1 =	simm.s32 $0x1BC80;
	s6 =	simm.s32 $0x6  }
.LBB2_1:
0x19: {  	s8 =	rddreg [dreg:$0x6];
	s9 =	simm.s32 $0x14080  }
0x1a: {  	[tilespmem:s9], [sflag:$0x1] =	stream.linear.gather [hbm4b:s8+s5], $0x1400, $0x38;
	[tilespmem:$0x1FF80] =	vst v63  }
0x1b: {  	s10 =	rddreg [dreg:$0x7]  }
0x1c: {  	[tilespmem:s12], [sflag:$0x3] =	stream.linear.gather [hbm4b:s10+s5], $0x1400, $0x38;
	[tilespmem:$0x1FF80] =	vst v63  }
0x1d: {  	s13 =	rddreg [dreg:$0x8];
	s22 =	simm.s32 $0x16880  }
0x1e: {  	[tilespmem:s22], [sflag:$0x4] =	stream.linear.gather [hbm4b:s13+s5], $0x1400, $0x38;
	[tilespmem:$0x1FF80] =	vst v63  }
0x1f: {  	s8 =	simm.s32 @p0 $0x0;
	s9 =	simm.s32 @p0 $0x1BC80;
	s10 =	rddreg [dreg:$0xa]  }
0x20: {  	[tilespmem:s9], [sflag:$0x2] =	stream.linear.gather @p0 [hbm4b:s10+s8], $0x2800, $0x38;
	[tilespmem:$0x1FF80] =	vst v63  }
0x21: {  	s8 =	simm.s32 @!p0 $0x0;
	s9 =	simm.s32 @!p0 $0x1BC80;
	s10 =	rddreg [dreg:$0x9]  }
0x22: {  	[tilespmem:s9], [sflag:$0x2] =	stream.linear.gather @!p0 [hbm4b:s10+s8], $0x4000, $0x38;
	[tilespmem:$0x1FF80] =	vst v63  }
0x23: {  	s8 =	simm.s32 $0x0;
	s9 =	simm.s32 $0x200  }
.LBB2_2:
0x24: {  	p1 =	sne.s32 s9, $0xFE00;
	[tilespmem:s8+$0x17CF0] =	vst v0  }
0x25: {  	[tilespmem:s8+$0x17C80] =	vst v0  }
0x26: {  	[tilespmem:s8+$0x17C90] =	vst v0  }
.Ltmp0:
0x27: {  	[tilespmem:s8+$0x17CA0] =	vst v0;
	(pc) =	sbr.rel @p1 .LBB2_2-.Ltmp0, $4  }
0x28: {  	[tilespmem:s8+$0x17CB0] =	vst v0  }
0x29: {  	[tilespmem:s8+$0x17CC0] =	vst v0  }
0x2a: {  	[tilespmem:s8+$0x17CD0] =	vst v0  }
0x2b: {  	[tilespmem:s8+$0x17CE0] =	vst v0;
	s8 =	sshra.s32 s9, $0x2;
	s9 =	sadd.s32 $0x200, s9  }
0x2c: {  	[tilespmem:s8+$0x17CF0] =	vst v0  }
0x2d: {  	[tilespmem:s8+$0x17C80] =	vst v0  }
0x2e: {  	[tilespmem:s8+$0x17C90] =	vst v0  }
0x2f: {  	[tilespmem:s8+$0x17CA0] =	vst v0  }
0x30: {  	[tilespmem:s8+$0x17CB0] =	vst v0  }
0x31: {  	[tilespmem:s8+$0x17CC0] =	vst v0  }
0x32: {  	[tilespmem:s8+$0x17CD0] =	vst v0  }
0x33: {  	[tilespmem:s8+$0x17CE0] =	vst v0  }
0x34: {  	[tilespmem:$0x1FD80] =	vst v0  }
0x35: {  	[tilespmem:$0x1FD90] =	vst v0  }
0x36: {  	[tilespmem:$0x1FDA0] =	vst v0  }
0x37: {  	[tilespmem:$0x1FDB0] =	vst v0  }
0x38: {  	[tilespmem:$0x1FDC0] =	vst v0  }
0x39: {  	[tilespmem:$0x1FDD0] =	vst v0  }
0x3a: {  	[tilespmem:$0x1FDE0] =	vst v0  }
0x3b: {  	[tilespmem:$0x1FDF0] =	vst v0  }
0x3c: {  	[tilespmem:$0x1FE00] =	vst v0  }
0x3d: {  	[tilespmem:$0x1FE10] =	vst v0  }
0x3e: {  	[tilespmem:$0x1FE20] =	vst v0  }
0x3f: {  	[tilespmem:$0x1FE30] =	vst v0  }
0x40: {  	[tilespmem:$0x1FE40] =	vst v0  }
0x41: {  	[tilespmem:$0x1FE50] =	vst v0  }
0x42: {  	[tilespmem:$0x1FE60] =	vst v0  }
0x43: {  	[tilespmem:$0x1FE70] =	vst v0  }
0x44: {  	[tilespmem:$0x1FE80] =	vst v0  }
0x45: {  	[tilespmem:$0x1FE90] =	vst v0  }
0x46: {  	[tilespmem:$0x1FEA0] =	vst v0  }
0x47: {  	[tilespmem:$0x1FEB0] =	vst v0  }
0x48: {  	[tilespmem:$0x1FEC0] =	vst v0  }
0x49: {  	[tilespmem:$0x1FED0] =	vst v0  }
0x4a: {  	[tilespmem:$0x1FEE0] =	vst v0  }
0x4b: {  	[tilespmem:$0x1FEF0] =	vst v0  }
0x4c: {  	[tilespmem:$0x1FF00] =	vst v0  }
0x4d: {  	[tilespmem:$0x1FF10] =	vst v0  }
0x4e: {  	[tilespmem:$0x1FF20] =	vst v0  }
0x4f: {  	[tilespmem:$0x1FF30] =	vst v0  }
0x50: {  	[tilespmem:$0x1FF40] =	vst v0  }
0x51: {  	[tilespmem:$0x1FF50] =	vst v0  }
0x52: {  	[tilespmem:$0x1FF60] =	vst v0  }
0x53: {  	[tilespmem:$0x1FF70] =	vst v0  }
0x54: {  	[spmem:s11] =	stream.linear.scatter [tilespmem:s24], [sflag:$0x7], $0x4000, $0x38;
	[tilespmem:$0x1FF80] =	vst v63  }
0x55: {  	_ =	swait.ge [sflag:s25], $0x4000  }
0x56: {  	[sflag:s25] =	ssyncset.done $0x0  }
0x57: {  	s10 =	rddreg [dreg:$0xb];
	[sflag:s25] =	ssyncadd.s32 $0xFFFFC000  }
0x58: {  	[spmem:s10] =	stream.linear.scatter [tilespmem:s24], [sflag:$0x7], $0x4000, $0x38;
	[tilespmem:$0x1FF80] =	vst v63  }
0x59: {  	_ =	swait.ge [sflag:s25], $0x4000  }
0x5a: {  	[sflag:s25] =	ssyncset.done $0x0  }
0x5b: {  	s13 =	rddreg [dreg:$0xc];
	[sflag:s25] =	ssyncadd.s32 $0xFFFFC000  }
0x5c: {  	[spmem:s13] =	stream.linear.scatter [tilespmem:s24], [sflag:$0x7], $0x4000, $0x38;
	[tilespmem:$0x1FF80] =	vst v63  }
0x5d: {  	_ =	swait.ge [sflag:s25], $0x4000  }
0x5e: {  	[sflag:s25] =	ssyncset.done $0x0  }
0x5f: {  	[sflag:s25] =	ssyncadd.s32 $0xFFFFC000  }
0x60: {  	[spmem:s14] =	stream.linear.scatter [tilespmem:s24], [sflag:$0x7], $0x4000, $0x38;
	[tilespmem:$0x1FF80] =	vst v63  }
0x61: {  	_ =	swait.ge [sflag:s25], $0x4000  }
0x62: {  	[sflag:s25] =	ssyncset.done $0x0  }
0x63: {  	s22 =	simm.s32 $0x1FD80;
	[sflag:s25] =	ssyncadd.s32 $0xFFFFC000  }
0x64: {  	[spmem:s15] =	stream.linear.scatter [tilespmem:s22], [sflag:$0x7], $0x200, $0x38;
	[tilespmem:$0x1FF80] =	vst v63  }
0x65: {  	_ =	swait.ge [sflag:s25], $0x200  }
0x66: {  	[sflag:s25] =	ssyncset.done $0x0  }
0x67: {  	s8 =	simm.s32 @p0 $0x2;
	[sflag:s25] =	ssyncadd.s32 $0xFFFFFE00  }
0x68: {  	_ =	swait.ge @p0 [sflag:s8], $0x2800  }
0x69: {  	[sflag:s8] =	ssyncset.done @p0 $0x0  }
0x6a: {  	[sflag:s8] =	ssyncadd.s32 @p0 $0xFFFFD800;
	s8 =	simm.s32 @p0 $0x1BC80  }
0x6b: {  	[spmem:s17] =	stream.linear.scatter @p0 [tilespmem:s8], [sflag:$0x7], $0x2800, $0x38;
	[tilespmem:$0x1FF80] =	vst v63  }
0x6c: {  	s8 =	simm.s32 @p0 $0x7  }
0x6d: {  	_ =	swait.ge @p0 [sflag:s8], $0x2800  }
0x6e: {  	[sflag:s8] =	ssyncset.done @p0 $0x0  }
0x6f: {  	[sflag:s8] =	ssyncadd.s32 @p0 $0xFFFFD800;
	s8 =	simm.s32 @!p0 $0x2  }
0x70: {  	_ =	swait.ge @!p0 [sflag:s8], $0x4000  }
0x71: {  	[sflag:s8] =	ssyncset.done @!p0 $0x0  }
0x72: {  	[sflag:s8] =	ssyncadd.s32 @!p0 $0xFFFFC000;
	s8 =	simm.s32 @!p0 $0x1BC80  }
0x73: {  	[spmem:s16] =	stream.linear.scatter @!p0 [tilespmem:s8], [sflag:$0x7], $0x4000, $0x38;
	[tilespmem:$0x1FF80] =	vst v63  }
0x74: {  	s8 =	simm.s32 @!p0 $0x7  }
0x75: {  	_ =	swait.ge @!p0 [sflag:s8], $0x4000  }
0x76: {  	[sflag:s8] =	ssyncset.done @!p0 $0x0  }
0x77: {  	[sflag:s8] =	ssyncadd.s32 @!p0 $0xFFFFC000  }
0x78: {  	_ =	swait.ge [sflag:s28], $0x1400  }
0x79: {  	[sflag:s28] =	ssyncset.done $0x0  }
0x7a: {  	[sflag:s28] =	ssyncadd.s32 $0xFFFFEC00  }
0x7b: {  	_ =	swait.ge [sflag:s29], $0x1400  }
0x7c: {  	[sflag:s29] =	ssyncset.done $0x0  }
0x7d: {  	[sflag:s29] =	ssyncadd.s32 $0xFFFFEC00  }
0x7e: {  	_ =	swait.ge [sflag:s30], $0x1400  }
0x7f: {  	[sflag:s30] =	ssyncset.done $0x0  }
0x80: {  	[sflag:s30] =	ssyncadd.s32 $0xFFFFEC00  }
0x81: {  	s8 =	simm.s32 $0x0;
	[bflag:$0x0] =	sbarrier.arrive $0xFFFF  }
0x82: {  	[tilespmem:s24], [sflag:$0x1] =	stream.indirect.gather [spmem:s3], $0x80, s12, s31, $0xb8;
	[tilespmem:$0x1FF80] =	vst v63  }
.LBB2_4:
0x83: {  	_ =	swait.ge [sflag:s28], $0x4000  }
0x84: {  	s9 =	sshll.u32 s8, $0x8;
	[sflag:s28] =	ssyncset.done $0x0  }
0x85: {  	s22 =	sshll.u32 s8, $0xA;
	s10 =	sadd.s32 $0x15500, s9;
	[sflag:s28] =	ssyncadd.s32 $0xFFFFC000  }
0x86: {  	[tilespmem:s1], [sflag:$0x2] =	stream.indirect.gather [spmem:s3], $0x80, s10, s31, $0xb8;
	[tilespmem:$0x1FF80] =	vst v63  }
0x87: {  	s10 =	sshrl.u32 s22, $0x2  }
0x88: {  	s12 =	sadd.s32 $0x16880, s10  }
0x89: {  	v1 =	vmov s12;
	_ =	sdelay $0x2  }
0x8a: {  	s9 =	sor.u32 $0x80, s9;
	s12 =	simm.s32 $0x0  }
.LBB2_5:
0x8b: {  	s13 =	sshll.u32 s12, $0x4  }
0x8c: {  	v2 =	vld.idx.msk [tilespmem:v1+s13+$0x0 ss:$0x1], $0xffff;
	_ =	sdelay $0x4  }
0x8d: {  	v2 =	vmul.f32 $1.442695020e+00, v2;
	_ =	sdelay $0x1  }
0x8e: {  	(erf) = vpow2.f32 v2;
	_ =	sdelay $0x8  }
0x8f: {  	s22 =	sshll.u32 s12, $0xB;
	v2 =	vpop (erf)  }
0x90: {  	s22 =	sand.u32 $0x3FFFF800, s22;
	[tilespmem:s13+$0x1FC80] =	vst v2  }
0x91: {  	v3 =	vld [tilespmem:s22+$0x17C80]  }
0x92: {  	v4 =	vld [tilespmem:s22+$0x17C90]  }
0x93: {  	v5 =	vld [tilespmem:s22+$0x17CA0]  }
0x94: {  	v6 =	vbroadcast v2, $0x0;
	v7 =	vld [tilespmem:s22+$0x17CB0]  }
0x95: {  	v8 =	vld [tilespmem:s22+$0x17CC0]  }
0x96: {  	v9 =	vld [tilespmem:s22+$0x17CD0];
	v3 =	vmul.f32 v6, v3  }
0x97: {  	v10 =	vld [tilespmem:s22+$0x17CE0];
	v4 =	vmul.f32 v4, v6  }
0x98: {  	v24 =	vld [tilespmem:s22+$0x17CF0];
	[tilespmem:s22+$0x17C80] =	vst v3;
	v3 =	vmul.f32 v5, v6  }
0x99: {  	v26 =	vld [tilespmem:s22+$0x17D00];
	v25 =	vmul.f32 v7, v6;
	[tilespmem:s22+$0x17C90] =	vst v4  }
0x9a: {  	v27 =	vld [tilespmem:s22+$0x17D10];
	[tilespmem:s22+$0x17CA0] =	vst v3;
	v3 =	vmul.f32 v8, v6  }
0x9b: {  	v29 =	vld [tilespmem:s22+$0x17D20];
	v28 =	vmul.f32 v9, v6;
	[tilespmem:s22+$0x17CB0] =	vst v25  }
0x9c: {  	v30 =	vbroadcast v2, $0x1;
	v11 =	vld [tilespmem:s22+$0x17D30];
	[tilespmem:s22+$0x17CC0] =	vst v3;
	v3 =	vmul.f32 v10, v6  }
0x9d: {  	v32 =	vld [tilespmem:s22+$0x17D40];
	v31 =	vmul.f32 v24, v6;
	[tilespmem:s22+$0x17CD0] =	vst v28  }
0x9e: {  	v33 =	vld [tilespmem:s22+$0x17D50];
	[tilespmem:s22+$0x17CE0] =	vst v3;
	v3 =	vmul.f32 v26, v30  }
0x9f: {  	v35 =	vld [tilespmem:s22+$0x17D60];
	v34 =	vmul.f32 v27, v30;
	[tilespmem:s22+$0x17CF0] =	vst v31  }
0xa0: {  	v36 =	vld [tilespmem:s22+$0x17D70];
	[tilespmem:s22+$0x17D00] =	vst v3;
	v3 =	vmul.f32 v29, v30  }
0xa1: {  	v38 =	vld [tilespmem:s22+$0x17D80];
	v37 =	vmul.f32 v11, v30;
	[tilespmem:s22+$0x17D10] =	vst v34  }
0xa2: {  	v39 =	vld [tilespmem:s22+$0x17D90];
	[tilespmem:s22+$0x17D20] =	vst v3;
	v3 =	vmul.f32 v32, v30  }
0xa3: {  	v41 =	vld [tilespmem:s22+$0x17DA0];
	v40 =	vmul.f32 v33, v30;
	[tilespmem:s22+$0x17D30] =	vst v37  }
0xa4: {  	v42 =	vbroadcast v2, $0x2;
	v43 =	vld [tilespmem:s22+$0x17DB0];
	[tilespmem:s22+$0x17D40] =	vst v3;
	v3 =	vmul.f32 v35, v30  }
0xa5: {  	v45 =	vld [tilespmem:s22+$0x17DC0];
	v44 =	vmul.f32 v36, v30;
	[tilespmem:s22+$0x17D50] =	vst v40  }
0xa6: {  	v46 =	vld [tilespmem:s22+$0x17DD0];
	[tilespmem:s22+$0x17D60] =	vst v3;
	v3 =	vmul.f32 v38, v42  }
0xa7: {  	v48 =	vld [tilespmem:s22+$0x17DE0];
	v47 =	vmul.f32 v39, v42;
	[tilespmem:s22+$0x17D70] =	vst v44  }
0xa8: {  	v49 =	vld [tilespmem:s22+$0x17DF0];
	[tilespmem:s22+$0x17D80] =	vst v3;
	v3 =	vmul.f32 v41, v42  }
0xa9: {  	v51 =	vld [tilespmem:s22+$0x17E00];
	v50 =	vmul.f32 v43, v42;
	[tilespmem:s22+$0x17D90] =	vst v47  }
0xaa: {  	v52 =	vld [tilespmem:s22+$0x17E10];
	[tilespmem:s22+$0x17DA0] =	vst v3;
	v3 =	vmul.f32 v45, v42  }
0xab: {  	v54 =	vld [tilespmem:s22+$0x17E20];
	v53 =	vmul.f32 v46, v42;
	[tilespmem:s22+$0x17DB0] =	vst v50  }
0xac: {  	v55 =	vbroadcast v2, $0x3;
	v56 =	vld [tilespmem:s22+$0x17E30];
	[tilespmem:s22+$0x17DC0] =	vst v3;
	v3 =	vmul.f32 v48, v42  }
0xad: {  	v58 =	vld [tilespmem:s22+$0x17E40];
	v57 =	vmul.f32 v49, v42;
	[tilespmem:s22+$0x17DD0] =	vst v53  }
0xae: {  	v59 =	vld [tilespmem:s22+$0x17E50];
	[tilespmem:s22+$0x17DE0] =	vst v3;
	v3 =	vmul.f32 v51, v55  }
0xaf: {  	v61 =	vld [tilespmem:s22+$0x17E60];
	v60 =	vmul.f32 v52, v55;
	[tilespmem:s22+$0x17DF0] =	vst v57  }
0xb0: {  	v62 =	vld [tilespmem:s22+$0x17E70];
	[tilespmem:s22+$0x17E00] =	vst v3;
	v3 =	vmul.f32 v54, v55  }
0xb1: {  	v12 =	vld [tilespmem:s22+$0x17E80];
	v63 =	vmul.f32 v56, v55;
	[tilespmem:s22+$0x17E10] =	vst v60  }
0xb2: {  	v13 =	vld [tilespmem:s22+$0x17E90];
	[tilespmem:s22+$0x17E20] =	vst v3;
	v3 =	vmul.f32 v58, v55  }
0xb3: {  	v15 =	vld [tilespmem:s22+$0x17EA0];
	v14 =	vmul.f32 v59, v55;
	[tilespmem:s22+$0x17E30] =	vst v63  }
0xb4: {  	v16 =	vbroadcast v2, $0x4;
	v17 =	vld [tilespmem:s22+$0x17EB0];
	[tilespmem:s22+$0x17E40] =	vst v3;
	v3 =	vmul.f32 v61, v55  }
0xb5: {  	v19 =	vld [tilespmem:s22+$0x17EC0];
	v18 =	vmul.f32 v62, v55;
	[tilespmem:s22+$0x17E50] =	vst v14  }
0xb6: {  	v20 =	vld [tilespmem:s22+$0x17ED0];
	[tilespmem:s22+$0x17E60] =	vst v3;
	v3 =	vmul.f32 v12, v16  }
0xb7: {  	v22 =	vld [tilespmem:s22+$0x17EE0];
	v21 =	vmul.f32 v13, v16;
	[tilespmem:s22+$0x17E70] =	vst v18  }
0xb8: {  	v23 =	vld [tilespmem:s22+$0x17EF0];
	[tilespmem:s22+$0x17E80] =	vst v3;
	v3 =	vmul.f32 v15, v16  }
0xb9: {  	v24 =	vmul.f32 v17, v16;
	[tilespmem:s22+$0x17E90] =	vst v21;
	v25 =	vld [tilespmem:s22+$0x17F00]  }
0xba: {  	v33 =	vld [tilespmem:s22+$0x17F50];
	[tilespmem:s22+$0x17EA0] =	vst v3;
	v3 =	vmul.f32 v19, v16  }
0xbb: {  	v27 =	vmul.f32 v20, v16;
	[tilespmem:s22+$0x17EB0] =	vst v24;
	v28 =	vld [tilespmem:s22+$0x17F20]  }
0xbc: {  	v36 =	vld [tilespmem:s22+$0x17F70];
	v29 =	vbroadcast v2, $0x5;
	[tilespmem:s22+$0x17EC0] =	vst v3;
	v3 =	vmul.f32 v22, v16  }
0xbd: {  	[tilespmem:s22+$0x17ED0] =	vst v27;
	v31 =	vmul.f32 v23, v16;
	v32 =	vld [tilespmem:s22+$0x17F40]  }
0xbe: {  	v26 =	vld [tilespmem:s22+$0x17F10];
	[tilespmem:s22+$0x17EE0] =	vst v3;
	v3 =	vmul.f32 v25, v29  }
0xbf: {  	[tilespmem:s22+$0x17EF0] =	vst v31;
	v40 =	vmul.f32 v33, v29;
	v35 =	vld [tilespmem:s22+$0x17F60]  }
0xc0: {  	v30 =	vld [tilespmem:s22+$0x17F30];
	[tilespmem:s22+$0x17F00] =	vst v3;
	v3 =	vmul.f32 v28, v29  }
0xc1: {  	v44 =	vmul.f32 v36, v29;
	[tilespmem:s22+$0x17F50] =	vst v40;
	v38 =	vld [tilespmem:s22+$0x17F80]  }
0xc2: {  	v39 =	vld [tilespmem:s22+$0x17F90];
	[tilespmem:s22+$0x17F20] =	vst v3;
	v3 =	vmul.f32 v32, v29  }
0xc3: {  	v34 =	vmul.f32 v26, v29;
	[tilespmem:s22+$0x17F70] =	vst v44;
	v41 =	vld [tilespmem:s22+$0x17FA0]  }
0xc4: {  	v43 =	vld [tilespmem:s22+$0x17FB0];
	v42 =	vbroadcast v2, $0x6;
	[tilespmem:s22+$0x17F40] =	vst v3;
	v3 =	vmul.f32 v35, v29  }
0xc5: {  	[tilespmem:s22+$0x17F10] =	vst v34;
	v37 =	vmul.f32 v30, v29;
	v45 =	vld [tilespmem:s22+$0x17FC0]  }
0xc6: {  	v46 =	vld [tilespmem:s22+$0x17FD0];
	[tilespmem:s22+$0x17F60] =	vst v3;
	v3 =	vmul.f32 v38, v42  }
0xc7: {  	[tilespmem:s22+$0x17F30] =	vst v37;
	v48 =	vld [tilespmem:s22+$0x17FE0];
	v47 =	vmul.f32 v39, v42  }
0xc8: {  	v49 =	vld [tilespmem:s22+$0x17FF0];
	[tilespmem:s22+$0x17F80] =	vst v3;
	v3 =	vmul.f32 v41, v42  }
0xc9: {  	v50 =	vmul.f32 v43, v42;
	v51 =	vld [tilespmem:s22+$0x18000];
	[tilespmem:s22+$0x17F90] =	vst v47  }
0xca: {  	v52 =	vld [tilespmem:s22+$0x18010];
	[tilespmem:s22+$0x17FA0] =	vst v3;
	v3 =	vmul.f32 v45, v42  }
0xcb: {  	v53 =	vmul.f32 v46, v42;
	[tilespmem:s22+$0x17FB0] =	vst v50;
	v54 =	vld [tilespmem:s22+$0x18020]  }
0xcc: {  	v56 =	vld [tilespmem:s22+$0x18030];
	v55 =	vbroadcast v2, $0x7;
	[tilespmem:s22+$0x17FC0] =	vst v3;
	v3 =	vmul.f32 v48, v42  }
0xcd: {  	v57 =	vmul.f32 v49, v42;
	[tilespmem:s22+$0x17FD0] =	vst v53;
	v58 =	vld [tilespmem:s22+$0x18040]  }
0xce: {  	v59 =	vld [tilespmem:s22+$0x18050];
	[tilespmem:s22+$0x17FE0] =	vst v3;
	v3 =	vmul.f32 v51, v55  }
0xcf: {  	[tilespmem:s22+$0x17FF0] =	vst v57;
	v61 =	vld [tilespmem:s22+$0x18060];
	v60 =	vmul.f32 v52, v55  }
0xd0: {  	v62 =	vld [tilespmem:s22+$0x18070];
	[tilespmem:s22+$0x18000] =	vst v3;
	v3 =	vmul.f32 v54, v55  }
0xd1: {  	v63 =	vmul.f32 v56, v55;
	v12 =	vld [tilespmem:s22+$0x18080];
	[tilespmem:s22+$0x18010] =	vst v60  }
0xd2: {  	v13 =	vld [tilespmem:s22+$0x18090];
	[tilespmem:s22+$0x18020] =	vst v3;
	v3 =	vmul.f32 v58, v55  }
0xd3: {  	v14 =	vmul.f32 v59, v55;
	[tilespmem:s22+$0x18030] =	vst v63;
	v15 =	vld [tilespmem:s22+$0x180A0]  }
0xd4: {  	v17 =	vld [tilespmem:s22+$0x180B0];
	v16 =	vbroadcast v2, $0x8;
	[tilespmem:s22+$0x18040] =	vst v3;
	v3 =	vmul.f32 v61, v55  }
0xd5: {  	v18 =	vmul.f32 v62, v55;
	[tilespmem:s22+$0x18050] =	vst v14;
	v19 =	vld [tilespmem:s22+$0x180C0]  }
0xd6: {  	v20 =	vld [tilespmem:s22+$0x180D0];
	[tilespmem:s22+$0x18060] =	vst v3;
	v3 =	vmul.f32 v12, v16  }
0xd7: {  	[tilespmem:s22+$0x18070] =	vst v18;
	v22 =	vld [tilespmem:s22+$0x180E0];
	v21 =	vmul.f32 v13, v16  }
0xd8: {  	v23 =	vld [tilespmem:s22+$0x180F0];
	[tilespmem:s22+$0x18080] =	vst v3;
	v3 =	vmul.f32 v15, v16  }
0xd9: {  	v24 =	vmul.f32 v17, v16;
	v25 =	vld [tilespmem:s22+$0x18100];
	[tilespmem:s22+$0x18090] =	vst v21  }
0xda: {  	v26 =	vld [tilespmem:s22+$0x18110];
	[tilespmem:s22+$0x180A0] =	vst v3;
	v3 =	vmul.f32 v19, v16  }
0xdb: {  	v27 =	vmul.f32 v20, v16;
	[tilespmem:s22+$0x180B0] =	vst v24;
	v28 =	vld [tilespmem:s22+$0x18120]  }
0xdc: {  	v30 =	vld [tilespmem:s22+$0x18130];
	v29 =	vbroadcast v2, $0x9;
	[tilespmem:s22+$0x180C0] =	vst v3;
	v3 =	vmul.f32 v22, v16  }
0xdd: {  	v31 =	vmul.f32 v23, v16;
	[tilespmem:s22+$0x180D0] =	vst v27;
	v32 =	vld [tilespmem:s22+$0x18140]  }
0xde: {  	v33 =	vld [tilespmem:s22+$0x18150];
	[tilespmem:s22+$0x180E0] =	vst v3;
	v3 =	vmul.f32 v25, v29  }
0xdf: {  	[tilespmem:s22+$0x180F0] =	vst v31;
	v35 =	vld [tilespmem:s22+$0x18160];
	v34 =	vmul.f32 v26, v29  }
0xe0: {  	v36 =	vld [tilespmem:s22+$0x18170];
	[tilespmem:s22+$0x18100] =	vst v3;
	v3 =	vmul.f32 v28, v29  }
0xe1: {  	v37 =	vmul.f32 v30, v29;
	v38 =	vld [tilespmem:s22+$0x18180];
	[tilespmem:s22+$0x18110] =	vst v34  }
0xe2: {  	v39 =	vld [tilespmem:s22+$0x18190];
	[tilespmem:s22+$0x18120] =	vst v3;
	v3 =	vmul.f32 v32, v29  }
0xe3: {  	v40 =	vmul.f32 v33, v29;
	[tilespmem:s22+$0x18130] =	vst v37;
	v41 =	vld [tilespmem:s22+$0x181A0]  }
0xe4: {  	v43 =	vld [tilespmem:s22+$0x181B0];
	v42 =	vbroadcast v2, $0xA;
	[tilespmem:s22+$0x18140] =	vst v3;
	v3 =	vmul.f32 v35, v29  }
0xe5: {  	v44 =	vmul.f32 v36, v29;
	[tilespmem:s22+$0x18150] =	vst v40;
	v45 =	vld [tilespmem:s22+$0x181C0]  }
0xe6: {  	v46 =	vld [tilespmem:s22+$0x181D0];
	[tilespmem:s22+$0x18160] =	vst v3;
	v3 =	vmul.f32 v38, v42  }
0xe7: {  	[tilespmem:s22+$0x18170] =	vst v44;
	v48 =	vld [tilespmem:s22+$0x181E0];
	v47 =	vmul.f32 v39, v42  }
0xe8: {  	v49 =	vld [tilespmem:s22+$0x181F0];
	[tilespmem:s22+$0x18180] =	vst v3;
	v3 =	vmul.f32 v41, v42  }
0xe9: {  	v50 =	vmul.f32 v43, v42;
	v51 =	vld [tilespmem:s22+$0x18200];
	[tilespmem:s22+$0x18190] =	vst v47  }
0xea: {  	v52 =	vld [tilespmem:s22+$0x18210];
	[tilespmem:s22+$0x181A0] =	vst v3;
	v3 =	vmul.f32 v45, v42  }
0xeb: {  	v53 =	vmul.f32 v46, v42;
	[tilespmem:s22+$0x181B0] =	vst v50;
	v54 =	vld [tilespmem:s22+$0x18220]  }
0xec: {  	v56 =	vld [tilespmem:s22+$0x18230];
	v55 =	vbroadcast v2, $0xB;
	[tilespmem:s22+$0x181C0] =	vst v3;
	v3 =	vmul.f32 v48, v42  }
0xed: {  	v57 =	vmul.f32 v49, v42;
	[tilespmem:s22+$0x181D0] =	vst v53;
	v58 =	vld [tilespmem:s22+$0x18240]  }
0xee: {  	v59 =	vld [tilespmem:s22+$0x18250];
	[tilespmem:s22+$0x181E0] =	vst v3;
	v3 =	vmul.f32 v51, v55  }
0xef: {  	[tilespmem:s22+$0x181F0] =	vst v57;
	v61 =	vld [tilespmem:s22+$0x18260];
	v60 =	vmul.f32 v52, v55  }
0xf0: {  	v62 =	vld [tilespmem:s22+$0x18270];
	[tilespmem:s22+$0x18200] =	vst v3;
	v3 =	vmul.f32 v54, v55  }
0xf1: {  	v63 =	vmul.f32 v56, v55;
	v12 =	vld [tilespmem:s22+$0x18280];
	[tilespmem:s22+$0x18210] =	vst v60  }
0xf2: {  	v13 =	vld [tilespmem:s22+$0x18290];
	[tilespmem:s22+$0x18220] =	vst v3;
	v3 =	vmul.f32 v58, v55  }
0xf3: {  	v14 =	vmul.f32 v59, v55;
	[tilespmem:s22+$0x18230] =	vst v63;
	v15 =	vld [tilespmem:s22+$0x182A0]  }
0xf4: {  	v17 =	vld [tilespmem:s22+$0x182B0];
	v16 =	vbroadcast v2, $0xC;
	[tilespmem:s22+$0x18240] =	vst v3;
	v3 =	vmul.f32 v61, v55  }
0xf5: {  	v18 =	vmul.f32 v62, v55;
	[tilespmem:s22+$0x18250] =	vst v14;
	v19 =	vld [tilespmem:s22+$0x182C0]  }
0xf6: {  	v20 =	vld [tilespmem:s22+$0x182D0];
	[tilespmem:s22+$0x18260] =	vst v3;
	v3 =	vmul.f32 v12, v16  }
0xf7: {  	[tilespmem:s22+$0x18270] =	vst v18;
	v22 =	vld [tilespmem:s22+$0x182E0];
	v21 =	vmul.f32 v13, v16  }
0xf8: {  	v23 =	vld [tilespmem:s22+$0x182F0];
	[tilespmem:s22+$0x18280] =	vst v3;
	v3 =	vmul.f32 v15, v16  }
0xf9: {  	v24 =	vmul.f32 v17, v16;
	v25 =	vld [tilespmem:s22+$0x18300];
	[tilespmem:s22+$0x18290] =	vst v21  }
0xfa: {  	v26 =	vld [tilespmem:s22+$0x18310];
	[tilespmem:s22+$0x182A0] =	vst v3;
	v3 =	vmul.f32 v19, v16  }
0xfb: {  	v27 =	vmul.f32 v20, v16;
	[tilespmem:s22+$0x182B0] =	vst v24;
	v28 =	vld [tilespmem:s22+$0x18320]  }
0xfc: {  	v30 =	vld [tilespmem:s22+$0x18330];
	v29 =	vbroadcast v2, $0xD;
	[tilespmem:s22+$0x182C0] =	vst v3;
	v3 =	vmul.f32 v22, v16  }
0xfd: {  	v31 =	vmul.f32 v23, v16;
	[tilespmem:s22+$0x182D0] =	vst v27;
	v32 =	vld [tilespmem:s22+$0x18340]  }
0xfe: {  	v33 =	vld [tilespmem:s22+$0x18350];
	[tilespmem:s22+$0x182E0] =	vst v3;
	v3 =	vmul.f32 v25, v29  }
0xff: {  	[tilespmem:s22+$0x182F0] =	vst v31;
	v35 =	vld [tilespmem:s22+$0x18360];
	v34 =	vmul.f32 v26, v29  }
0x100: {  	v36 =	vld [tilespmem:s22+$0x18370];
	[tilespmem:s22+$0x18300] =	vst v3;
	v3 =	vmul.f32 v28, v29  }
0x101: {  	v37 =	vmul.f32 v30, v29;
	v38 =	vld [tilespmem:s22+$0x18380];
	[tilespmem:s22+$0x18310] =	vst v34  }
0x102: {  	v39 =	vld [tilespmem:s22+$0x18390];
	[tilespmem:s22+$0x18320] =	vst v3;
	v3 =	vmul.f32 v32, v29  }
0x103: {  	v40 =	vmul.f32 v33, v29;
	[tilespmem:s22+$0x18330] =	vst v37;
	v41 =	vld [tilespmem:s22+$0x183A0]  }
0x104: {  	v43 =	vld [tilespmem:s22+$0x183B0];
	v42 =	vbroadcast v2, $0xE;
	[tilespmem:s22+$0x18340] =	vst v3;
	v3 =	vmul.f32 v35, v29  }
0x105: {  	v44 =	vmul.f32 v36, v29;
	[tilespmem:s22+$0x18350] =	vst v40;
	v45 =	vld [tilespmem:s22+$0x183C0]  }
0x106: {  	v46 =	vld [tilespmem:s22+$0x183D0];
	[tilespmem:s22+$0x18360] =	vst v3;
	v3 =	vmul.f32 v38, v42  }
0x107: {  	[tilespmem:s22+$0x18370] =	vst v44;
	v48 =	vld [tilespmem:s22+$0x183E0];
	v47 =	vmul.f32 v39, v42  }
0x108: {  	v49 =	vld [tilespmem:s22+$0x183F0];
	[tilespmem:s22+$0x18380] =	vst v3;
	v3 =	vmul.f32 v41, v42  }
0x109: {  	v50 =	vmul.f32 v43, v42;
	v51 =	vld [tilespmem:s22+$0x18400];
	[tilespmem:s22+$0x18390] =	vst v47  }
0x10a: {  	v52 =	vld [tilespmem:s22+$0x18410];
	[tilespmem:s22+$0x183A0] =	vst v3;
	v3 =	vmul.f32 v45, v42  }
0x10b: {  	v53 =	vmul.f32 v46, v42;
	[tilespmem:s22+$0x183B0] =	vst v50;
	v54 =	vld [tilespmem:s22+$0x18420]  }
0x10c: {  	v2 =	vbroadcast v2, $0xF;
	v58 =	vld [tilespmem:s22+$0x18450];
	[tilespmem:s22+$0x183C0] =	vst v3;
	v3 =	vmul.f32 v48, v42  }
0x10d: {  	v57 =	vld [tilespmem:s22+$0x18440];
	v56 =	vmul.f32 v49, v42;
	[tilespmem:s22+$0x183D0] =	vst v53  }
0x10e: {  	v55 =	vld [tilespmem:s22+$0x18430];
	[tilespmem:s22+$0x183E0] =	vst v3;
	v3 =	vmul.f32 v51, v2  }
0x10f: {  	v60 =	vld [tilespmem:s22+$0x18460];
	v59 =	vmul.f32 v52, v2;
	[tilespmem:s22+$0x183F0] =	vst v56  }
0x110: {  	v61 =	vld [tilespmem:s22+$0x18470];
	[tilespmem:s22+$0x18400] =	vst v3;
	v3 =	vmul.f32 v54, v2  }
0x111: {  	[tilespmem:s22+$0x18410] =	vst v59;
	v63 =	vmul.f32 v58, v2  }
0x112: {  	p1 =	sne.s32 s12, $0x7;
	[tilespmem:s22+$0x18420] =	vst v3;
	v3 =	vmul.f32 v57, v2  }
.Ltmp1:
0x113: {  	v62 =	vmul.f32 v55, v2;
	[tilespmem:s22+$0x18450] =	vst v63;
	(pc) =	sbr.rel @p1 .LBB2_5-.Ltmp1, $4  }
0x114: {  	[tilespmem:s22+$0x18440] =	vst v3;
	v3 =	vmul.f32 v60, v2  }
0x115: {  	[tilespmem:s22+$0x18430] =	vst v62;
	v2 =	vmul.f32 v61, v2  }
0x116: {  	[tilespmem:s22+$0x18460] =	vst v3  }
0x117: {  	s12 =	sadd.s32 $0x1, s12;
	[tilespmem:s22+$0x18470] =	vst v2  }
0x118: {  	s10 =	sadd.s32 $0x14080, s10  }
0x119: {  	[spmem:s0] =	stream.indirect.scatter.add.f32 [tilespmem:s24], [sflag:$0x3], $0x80, s10, s31, $0xb8;
	[tilespmem:$0x1FF80] =	vst v63  }
0x11a: {  	s12 =	sadd.s32 $0x16880, s9  }
0x11b: {  	v1 =	vmov s12;
	[spmem:s4] =	stream.indirect.scatter.add.f32 [tilespmem:s21], [sflag:$0x5], $0x1, s10, s31, $0xb8;
	[tilespmem:$0x1FF80] =	vst v63  }
0x11c: {  	_ =	swait.ge [sflag:s23], $0x4000  }
0x11d: {  	[sflag:s23] =	ssyncset.done $0x0  }
0x11e: {  	s10 =	simm.s32 $0x0;
	[sflag:s23] =	ssyncadd.s32 $0xFFFFC000  }
.LBB2_7:
0x11f: {  	s12 =	sshll.u32 s10, $0x4  }
0x120: {  	v2 =	vld.idx.msk [tilespmem:v1+s12+$0x0 ss:$0x1], $0xffff;
	_ =	sdelay $0x4  }
0x121: {  	v2 =	vmul.f32 $1.442695020e+00, v2;
	_ =	sdelay $0x1  }
0x122: {  	(erf) = vpow2.f32 v2;
	_ =	sdelay $0x8  }
0x123: {  	s13 =	sshll.u32 s10, $0xB;
	v2 =	vpop (erf)  }
0x124: {  	s22 =	sand.u32 $0x3FFFF800, s13;
	[tilespmem:s12+$0x1FD00] =	vst v2  }
0x125: {  	v3 =	vld [tilespmem:s22+$0x1BC80]  }
0x126: {  	v4 =	vld [tilespmem:s22+$0x1BC90]  }
0x127: {  	v5 =	vld [tilespmem:s22+$0x1BCA0]  }
0x128: {  	v6 =	vbroadcast v2, $0x0;
	v7 =	vld [tilespmem:s22+$0x1BCB0]  }
0x129: {  	v8 =	vld [tilespmem:s22+$0x1BCC0]  }
0x12a: {  	v9 =	vld [tilespmem:s22+$0x1BCD0];
	v3 =	vmul.f32 v6, v3  }
0x12b: {  	v10 =	vld [tilespmem:s22+$0x1BCE0];
	v4 =	vmul.f32 v4, v6  }
0x12c: {  	v24 =	vld [tilespmem:s22+$0x1BCF0];
	[tilespmem:s22+$0x1BC80] =	vst v3;
	v3 =	vmul.f32 v5, v6  }
0x12d: {  	v26 =	vld [tilespmem:s22+$0x1BD00];
	v25 =	vmul.f32 v7, v6;
	[tilespmem:s22+$0x1BC90] =	vst v4  }
0x12e: {  	v27 =	vld [tilespmem:s22+$0x1BD10];
	[tilespmem:s22+$0x1BCA0] =	vst v3;
	v3 =	vmul.f32 v8, v6  }
0x12f: {  	v29 =	vld [tilespmem:s22+$0x1BD20];
	v28 =	vmul.f32 v9, v6;
	[tilespmem:s22+$0x1BCB0] =	vst v25  }
0x130: {  	v30 =	vbroadcast v2, $0x1;
	v11 =	vld [tilespmem:s22+$0x1BD30];
	[tilespmem:s22+$0x1BCC0] =	vst v3;
	v3 =	vmul.f32 v10, v6  }
0x131: {  	v32 =	vld [tilespmem:s22+$0x1BD40];
	v31 =	vmul.f32 v24, v6;
	[tilespmem:s22+$0x1BCD0] =	vst v28  }
0x132: {  	v33 =	vld [tilespmem:s22+$0x1BD50];
	[tilespmem:s22+$0x1BCE0] =	vst v3;
	v3 =	vmul.f32 v26, v30  }
0x133: {  	v35 =	vld [tilespmem:s22+$0x1BD60];
	v34 =	vmul.f32 v27, v30;
	[tilespmem:s22+$0x1BCF0] =	vst v31  }
0x134: {  	v36 =	vld [tilespmem:s22+$0x1BD70];
	[tilespmem:s22+$0x1BD00] =	vst v3;
	v3 =	vmul.f32 v29, v30  }
0x135: {  	v38 =	vld [tilespmem:s22+$0x1BD80];
	v37 =	vmul.f32 v11, v30;
	[tilespmem:s22+$0x1BD10] =	vst v34  }
0x136: {  	v39 =	vld [tilespmem:s22+$0x1BD90];
	[tilespmem:s22+$0x1BD20] =	vst v3;
	v3 =	vmul.f32 v32, v30  }
0x137: {  	v41 =	vld [tilespmem:s22+$0x1BDA0];
	v40 =	vmul.f32 v33, v30;
	[tilespmem:s22+$0x1BD30] =	vst v37  }
0x138: {  	v42 =	vbroadcast v2, $0x2;
	v43 =	vld [tilespmem:s22+$0x1BDB0];
	[tilespmem:s22+$0x1BD40] =	vst v3;
	v3 =	vmul.f32 v35, v30  }
0x139: {  	v45 =	vld [tilespmem:s22+$0x1BDC0];
	v44 =	vmul.f32 v36, v30;
	[tilespmem:s22+$0x1BD50] =	vst v40  }
0x13a: {  	v46 =	vld [tilespmem:s22+$0x1BDD0];
	[tilespmem:s22+$0x1BD60] =	vst v3;
	v3 =	vmul.f32 v38, v42  }
0x13b: {  	v48 =	vld [tilespmem:s22+$0x1BDE0];
	v47 =	vmul.f32 v39, v42;
	[tilespmem:s22+$0x1BD70] =	vst v44  }
0x13c: {  	v49 =	vld [tilespmem:s22+$0x1BDF0];
	[tilespmem:s22+$0x1BD80] =	vst v3;
	v3 =	vmul.f32 v41, v42  }
0x13d: {  	v51 =	vld [tilespmem:s22+$0x1BE00];
	v50 =	vmul.f32 v43, v42;
	[tilespmem:s22+$0x1BD90] =	vst v47  }
0x13e: {  	v52 =	vld [tilespmem:s22+$0x1BE10];
	[tilespmem:s22+$0x1BDA0] =	vst v3;
	v3 =	vmul.f32 v45, v42  }
0x13f: {  	v54 =	vld [tilespmem:s22+$0x1BE20];
	v53 =	vmul.f32 v46, v42;
	[tilespmem:s22+$0x1BDB0] =	vst v50  }
0x140: {  	v55 =	vbroadcast v2, $0x3;
	v56 =	vld [tilespmem:s22+$0x1BE30];
	[tilespmem:s22+$0x1BDC0] =	vst v3;
	v3 =	vmul.f32 v48, v42  }
0x141: {  	v58 =	vld [tilespmem:s22+$0x1BE40];
	v57 =	vmul.f32 v49, v42;
	[tilespmem:s22+$0x1BDD0] =	vst v53  }
0x142: {  	v59 =	vld [tilespmem:s22+$0x1BE50];
	[tilespmem:s22+$0x1BDE0] =	vst v3;
	v3 =	vmul.f32 v51, v55  }
0x143: {  	v61 =	vld [tilespmem:s22+$0x1BE60];
	v60 =	vmul.f32 v52, v55;
	[tilespmem:s22+$0x1BDF0] =	vst v57  }
0x144: {  	v62 =	vld [tilespmem:s22+$0x1BE70];
	[tilespmem:s22+$0x1BE00] =	vst v3;
	v3 =	vmul.f32 v54, v55  }
0x145: {  	v12 =	vld [tilespmem:s22+$0x1BE80];
	v63 =	vmul.f32 v56, v55;
	[tilespmem:s22+$0x1BE10] =	vst v60  }
0x146: {  	v13 =	vld [tilespmem:s22+$0x1BE90];
	[tilespmem:s22+$0x1BE20] =	vst v3;
	v3 =	vmul.f32 v58, v55  }
0x147: {  	v15 =	vld [tilespmem:s22+$0x1BEA0];
	v14 =	vmul.f32 v59, v55;
	[tilespmem:s22+$0x1BE30] =	vst v63  }
0x148: {  	v16 =	vbroadcast v2, $0x4;
	v17 =	vld [tilespmem:s22+$0x1BEB0];
	[tilespmem:s22+$0x1BE40] =	vst v3;
	v3 =	vmul.f32 v61, v55  }
0x149: {  	v19 =	vld [tilespmem:s22+$0x1BEC0];
	v18 =	vmul.f32 v62, v55;
	[tilespmem:s22+$0x1BE50] =	vst v14  }
0x14a: {  	v20 =	vld [tilespmem:s22+$0x1BED0];
	[tilespmem:s22+$0x1BE60] =	vst v3;
	v3 =	vmul.f32 v12, v16  }
0x14b: {  	v22 =	vld [tilespmem:s22+$0x1BEE0];
	v21 =	vmul.f32 v13, v16;
	[tilespmem:s22+$0x1BE70] =	vst v18  }
0x14c: {  	v23 =	vld [tilespmem:s22+$0x1BEF0];
	[tilespmem:s22+$0x1BE80] =	vst v3;
	v3 =	vmul.f32 v15, v16  }
0x14d: {  	v24 =	vmul.f32 v17, v16;
	[tilespmem:s22+$0x1BE90] =	vst v21;
	v25 =	vld [tilespmem:s22+$0x1BF00]  }
0x14e: {  	v33 =	vld [tilespmem:s22+$0x1BF50];
	[tilespmem:s22+$0x1BEA0] =	vst v3;
	v3 =	vmul.f32 v19, v16  }
0x14f: {  	v27 =	vmul.f32 v20, v16;
	[tilespmem:s22+$0x1BEB0] =	vst v24;
	v28 =	vld [tilespmem:s22+$0x1BF20]  }
0x150: {  	v36 =	vld [tilespmem:s22+$0x1BF70];
	v29 =	vbroadcast v2, $0x5;
	[tilespmem:s22+$0x1BEC0] =	vst v3;
	v3 =	vmul.f32 v22, v16  }
0x151: {  	[tilespmem:s22+$0x1BED0] =	vst v27;
	v31 =	vmul.f32 v23, v16;
	v32 =	vld [tilespmem:s22+$0x1BF40]  }
0x152: {  	v26 =	vld [tilespmem:s22+$0x1BF10];
	[tilespmem:s22+$0x1BEE0] =	vst v3;
	v3 =	vmul.f32 v25, v29  }
0x153: {  	[tilespmem:s22+$0x1BEF0] =	vst v31;
	v40 =	vmul.f32 v33, v29;
	v35 =	vld [tilespmem:s22+$0x1BF60]  }
0x154: {  	v30 =	vld [tilespmem:s22+$0x1BF30];
	[tilespmem:s22+$0x1BF00] =	vst v3;
	v3 =	vmul.f32 v28, v29  }
0x155: {  	v44 =	vmul.f32 v36, v29;
	[tilespmem:s22+$0x1BF50] =	vst v40;
	v38 =	vld [tilespmem:s22+$0x1BF80]  }
0x156: {  	v39 =	vld [tilespmem:s22+$0x1BF90];
	[tilespmem:s22+$0x1BF20] =	vst v3;
	v3 =	vmul.f32 v32, v29  }
0x157: {  	v34 =	vmul.f32 v26, v29;
	[tilespmem:s22+$0x1BF70] =	vst v44;
	v41 =	vld [tilespmem:s22+$0x1BFA0]  }
0x158: {  	v43 =	vld [tilespmem:s22+$0x1BFB0];
	v42 =	vbroadcast v2, $0x6;
	[tilespmem:s22+$0x1BF40] =	vst v3;
	v3 =	vmul.f32 v35, v29  }
0x159: {  	[tilespmem:s22+$0x1BF10] =	vst v34;
	v37 =	vmul.f32 v30, v29;
	v45 =	vld [tilespmem:s22+$0x1BFC0]  }
0x15a: {  	v46 =	vld [tilespmem:s22+$0x1BFD0];
	[tilespmem:s22+$0x1BF60] =	vst v3;
	v3 =	vmul.f32 v38, v42  }
0x15b: {  	[tilespmem:s22+$0x1BF30] =	vst v37;
	v48 =	vld [tilespmem:s22+$0x1BFE0];
	v47 =	vmul.f32 v39, v42  }
0x15c: {  	v49 =	vld [tilespmem:s22+$0x1BFF0];
	[tilespmem:s22+$0x1BF80] =	vst v3;
	v3 =	vmul.f32 v41, v42  }
0x15d: {  	v50 =	vmul.f32 v43, v42;
	v51 =	vld [tilespmem:s22+$0x1C000];
	[tilespmem:s22+$0x1BF90] =	vst v47  }
0x15e: {  	v52 =	vld [tilespmem:s22+$0x1C010];
	[tilespmem:s22+$0x1BFA0] =	vst v3;
	v3 =	vmul.f32 v45, v42  }
0x15f: {  	v53 =	vmul.f32 v46, v42;
	[tilespmem:s22+$0x1BFB0] =	vst v50;
	v54 =	vld [tilespmem:s22+$0x1C020]  }
0x160: {  	v56 =	vld [tilespmem:s22+$0x1C030];
	v55 =	vbroadcast v2, $0x7;
	[tilespmem:s22+$0x1BFC0] =	vst v3;
	v3 =	vmul.f32 v48, v42  }
0x161: {  	v57 =	vmul.f32 v49, v42;
	[tilespmem:s22+$0x1BFD0] =	vst v53;
	v58 =	vld [tilespmem:s22+$0x1C040]  }
0x162: {  	v59 =	vld [tilespmem:s22+$0x1C050];
	[tilespmem:s22+$0x1BFE0] =	vst v3;
	v3 =	vmul.f32 v51, v55  }
0x163: {  	[tilespmem:s22+$0x1BFF0] =	vst v57;
	v61 =	vld [tilespmem:s22+$0x1C060];
	v60 =	vmul.f32 v52, v55  }
0x164: {  	v62 =	vld [tilespmem:s22+$0x1C070];
	[tilespmem:s22+$0x1C000] =	vst v3;
	v3 =	vmul.f32 v54, v55  }
0x165: {  	v63 =	vmul.f32 v56, v55;
	v12 =	vld [tilespmem:s22+$0x1C080];
	[tilespmem:s22+$0x1C010] =	vst v60  }
0x166: {  	v13 =	vld [tilespmem:s22+$0x1C090];
	[tilespmem:s22+$0x1C020] =	vst v3;
	v3 =	vmul.f32 v58, v55  }
0x167: {  	v14 =	vmul.f32 v59, v55;
	[tilespmem:s22+$0x1C030] =	vst v63;
	v15 =	vld [tilespmem:s22+$0x1C0A0]  }
0x168: {  	v17 =	vld [tilespmem:s22+$0x1C0B0];
	v16 =	vbroadcast v2, $0x8;
	[tilespmem:s22+$0x1C040] =	vst v3;
	v3 =	vmul.f32 v61, v55  }
0x169: {  	v18 =	vmul.f32 v62, v55;
	[tilespmem:s22+$0x1C050] =	vst v14;
	v19 =	vld [tilespmem:s22+$0x1C0C0]  }
0x16a: {  	v20 =	vld [tilespmem:s22+$0x1C0D0];
	[tilespmem:s22+$0x1C060] =	vst v3;
	v3 =	vmul.f32 v12, v16  }
0x16b: {  	[tilespmem:s22+$0x1C070] =	vst v18;
	v22 =	vld [tilespmem:s22+$0x1C0E0];
	v21 =	vmul.f32 v13, v16  }
0x16c: {  	v23 =	vld [tilespmem:s22+$0x1C0F0];
	[tilespmem:s22+$0x1C080] =	vst v3;
	v3 =	vmul.f32 v15, v16  }
0x16d: {  	v24 =	vmul.f32 v17, v16;
	v25 =	vld [tilespmem:s22+$0x1C100];
	[tilespmem:s22+$0x1C090] =	vst v21  }
0x16e: {  	v26 =	vld [tilespmem:s22+$0x1C110];
	[tilespmem:s22+$0x1C0A0] =	vst v3;
	v3 =	vmul.f32 v19, v16  }
0x16f: {  	v27 =	vmul.f32 v20, v16;
	[tilespmem:s22+$0x1C0B0] =	vst v24;
	v28 =	vld [tilespmem:s22+$0x1C120]  }
0x170: {  	v30 =	vld [tilespmem:s22+$0x1C130];
	v29 =	vbroadcast v2, $0x9;
	[tilespmem:s22+$0x1C0C0] =	vst v3;
	v3 =	vmul.f32 v22, v16  }
0x171: {  	v31 =	vmul.f32 v23, v16;
	[tilespmem:s22+$0x1C0D0] =	vst v27;
	v32 =	vld [tilespmem:s22+$0x1C140]  }
0x172: {  	v33 =	vld [tilespmem:s22+$0x1C150];
	[tilespmem:s22+$0x1C0E0] =	vst v3;
	v3 =	vmul.f32 v25, v29  }
0x173: {  	[tilespmem:s22+$0x1C0F0] =	vst v31;
	v35 =	vld [tilespmem:s22+$0x1C160];
	v34 =	vmul.f32 v26, v29  }
0x174: {  	v36 =	vld [tilespmem:s22+$0x1C170];
	[tilespmem:s22+$0x1C100] =	vst v3;
	v3 =	vmul.f32 v28, v29  }
0x175: {  	v37 =	vmul.f32 v30, v29;
	v38 =	vld [tilespmem:s22+$0x1C180];
	[tilespmem:s22+$0x1C110] =	vst v34  }
0x176: {  	v39 =	vld [tilespmem:s22+$0x1C190];
	[tilespmem:s22+$0x1C120] =	vst v3;
	v3 =	vmul.f32 v32, v29  }
0x177: {  	v40 =	vmul.f32 v33, v29;
	[tilespmem:s22+$0x1C130] =	vst v37;
	v41 =	vld [tilespmem:s22+$0x1C1A0]  }
0x178: {  	v43 =	vld [tilespmem:s22+$0x1C1B0];
	v42 =	vbroadcast v2, $0xA;
	[tilespmem:s22+$0x1C140] =	vst v3;
	v3 =	vmul.f32 v35, v29  }
0x179: {  	v44 =	vmul.f32 v36, v29;
	[tilespmem:s22+$0x1C150] =	vst v40;
	v45 =	vld [tilespmem:s22+$0x1C1C0]  }
0x17a: {  	v46 =	vld [tilespmem:s22+$0x1C1D0];
	[tilespmem:s22+$0x1C160] =	vst v3;
	v3 =	vmul.f32 v38, v42  }
0x17b: {  	[tilespmem:s22+$0x1C170] =	vst v44;
	v48 =	vld [tilespmem:s22+$0x1C1E0];
	v47 =	vmul.f32 v39, v42  }
0x17c: {  	v49 =	vld [tilespmem:s22+$0x1C1F0];
	[tilespmem:s22+$0x1C180] =	vst v3;
	v3 =	vmul.f32 v41, v42  }
0x17d: {  	v50 =	vmul.f32 v43, v42;
	v51 =	vld [tilespmem:s22+$0x1C200];
	[tilespmem:s22+$0x1C190] =	vst v47  }
0x17e: {  	v52 =	vld [tilespmem:s22+$0x1C210];
	[tilespmem:s22+$0x1C1A0] =	vst v3;
	v3 =	vmul.f32 v45, v42  }
0x17f: {  	v53 =	vmul.f32 v46, v42;
	[tilespmem:s22+$0x1C1B0] =	vst v50;
	v54 =	vld [tilespmem:s22+$0x1C220]  }
0x180: {  	v56 =	vld [tilespmem:s22+$0x1C230];
	v55 =	vbroadcast v2, $0xB;
	[tilespmem:s22+$0x1C1C0] =	vst v3;
	v3 =	vmul.f32 v48, v42  }
0x181: {  	v57 =	vmul.f32 v49, v42;
	[tilespmem:s22+$0x1C1D0] =	vst v53;
	v58 =	vld [tilespmem:s22+$0x1C240]  }
0x182: {  	v59 =	vld [tilespmem:s22+$0x1C250];
	[tilespmem:s22+$0x1C1E0] =	vst v3;
	v3 =	vmul.f32 v51, v55  }
0x183: {  	[tilespmem:s22+$0x1C1F0] =	vst v57;
	v61 =	vld [tilespmem:s22+$0x1C260];
	v60 =	vmul.f32 v52, v55  }
0x184: {  	v62 =	vld [tilespmem:s22+$0x1C270];
	[tilespmem:s22+$0x1C200] =	vst v3;
	v3 =	vmul.f32 v54, v55  }
0x185: {  	v63 =	vmul.f32 v56, v55;
	v12 =	vld [tilespmem:s22+$0x1C280];
	[tilespmem:s22+$0x1C210] =	vst v60  }
0x186: {  	v13 =	vld [tilespmem:s22+$0x1C290];
	[tilespmem:s22+$0x1C220] =	vst v3;
	v3 =	vmul.f32 v58, v55  }
0x187: {  	v14 =	vmul.f32 v59, v55;
	[tilespmem:s22+$0x1C230] =	vst v63;
	v15 =	vld [tilespmem:s22+$0x1C2A0]  }
0x188: {  	v17 =	vld [tilespmem:s22+$0x1C2B0];
	v16 =	vbroadcast v2, $0xC;
	[tilespmem:s22+$0x1C240] =	vst v3;
	v3 =	vmul.f32 v61, v55  }
0x189: {  	v18 =	vmul.f32 v62, v55;
	[tilespmem:s22+$0x1C250] =	vst v14;
	v19 =	vld [tilespmem:s22+$0x1C2C0]  }
0x18a: {  	v20 =	vld [tilespmem:s22+$0x1C2D0];
	[tilespmem:s22+$0x1C260] =	vst v3;
	v3 =	vmul.f32 v12, v16  }
0x18b: {  	[tilespmem:s22+$0x1C270] =	vst v18;
	v22 =	vld [tilespmem:s22+$0x1C2E0];
	v21 =	vmul.f32 v13, v16  }
0x18c: {  	v23 =	vld [tilespmem:s22+$0x1C2F0];
	[tilespmem:s22+$0x1C280] =	vst v3;
	v3 =	vmul.f32 v15, v16  }
0x18d: {  	v24 =	vmul.f32 v17, v16;
	v25 =	vld [tilespmem:s22+$0x1C300];
	[tilespmem:s22+$0x1C290] =	vst v21  }
0x18e: {  	v26 =	vld [tilespmem:s22+$0x1C310];
	[tilespmem:s22+$0x1C2A0] =	vst v3;
	v3 =	vmul.f32 v19, v16  }
0x18f: {  	v27 =	vmul.f32 v20, v16;
	[tilespmem:s22+$0x1C2B0] =	vst v24;
	v28 =	vld [tilespmem:s22+$0x1C320]  }
0x190: {  	v30 =	vld [tilespmem:s22+$0x1C330];
	v29 =	vbroadcast v2, $0xD;
	[tilespmem:s22+$0x1C2C0] =	vst v3;
	v3 =	vmul.f32 v22, v16  }
0x191: {  	v31 =	vmul.f32 v23, v16;
	[tilespmem:s22+$0x1C2D0] =	vst v27;
	v32 =	vld [tilespmem:s22+$0x1C340]  }
0x192: {  	v33 =	vld [tilespmem:s22+$0x1C350];
	[tilespmem:s22+$0x1C2E0] =	vst v3;
	v3 =	vmul.f32 v25, v29  }
0x193: {  	[tilespmem:s22+$0x1C2F0] =	vst v31;
	v35 =	vld [tilespmem:s22+$0x1C360];
	v34 =	vmul.f32 v26, v29  }
0x194: {  	v36 =	vld [tilespmem:s22+$0x1C370];
	[tilespmem:s22+$0x1C300] =	vst v3;
	v3 =	vmul.f32 v28, v29  }
0x195: {  	v37 =	vmul.f32 v30, v29;
	v38 =	vld [tilespmem:s22+$0x1C380];
	[tilespmem:s22+$0x1C310] =	vst v34  }
0x196: {  	v39 =	vld [tilespmem:s22+$0x1C390];
	[tilespmem:s22+$0x1C320] =	vst v3;
	v3 =	vmul.f32 v32, v29  }
0x197: {  	v40 =	vmul.f32 v33, v29;
	[tilespmem:s22+$0x1C330] =	vst v37;
	v41 =	vld [tilespmem:s22+$0x1C3A0]  }
0x198: {  	v43 =	vld [tilespmem:s22+$0x1C3B0];
	v42 =	vbroadcast v2, $0xE;
	[tilespmem:s22+$0x1C340] =	vst v3;
	v3 =	vmul.f32 v35, v29  }
0x199: {  	v44 =	vmul.f32 v36, v29;
	[tilespmem:s22+$0x1C350] =	vst v40;
	v45 =	vld [tilespmem:s22+$0x1C3C0]  }
0x19a: {  	v46 =	vld [tilespmem:s22+$0x1C3D0];
	[tilespmem:s22+$0x1C360] =	vst v3;
	v3 =	vmul.f32 v38, v42  }
0x19b: {  	[tilespmem:s22+$0x1C370] =	vst v44;
	v48 =	vld [tilespmem:s22+$0x1C3E0];
	v47 =	vmul.f32 v39, v42  }
0x19c: {  	v49 =	vld [tilespmem:s22+$0x1C3F0];
	[tilespmem:s22+$0x1C380] =	vst v3;
	v3 =	vmul.f32 v41, v42  }
0x19d: {  	v50 =	vmul.f32 v43, v42;
	v51 =	vld [tilespmem:s22+$0x1C400];
	[tilespmem:s22+$0x1C390] =	vst v47  }
0x19e: {  	v52 =	vld [tilespmem:s22+$0x1C410];
	[tilespmem:s22+$0x1C3A0] =	vst v3;
	v3 =	vmul.f32 v45, v42  }
0x19f: {  	v53 =	vmul.f32 v46, v42;
	[tilespmem:s22+$0x1C3B0] =	vst v50;
	v54 =	vld [tilespmem:s22+$0x1C420]  }
0x1a0: {  	v2 =	vbroadcast v2, $0xF;
	v58 =	vld [tilespmem:s22+$0x1C450];
	[tilespmem:s22+$0x1C3C0] =	vst v3;
	v3 =	vmul.f32 v48, v42  }
0x1a1: {  	v57 =	vld [tilespmem:s22+$0x1C440];
	v56 =	vmul.f32 v49, v42;
	[tilespmem:s22+$0x1C3D0] =	vst v53  }
0x1a2: {  	v55 =	vld [tilespmem:s22+$0x1C430];
	[tilespmem:s22+$0x1C3E0] =	vst v3;
	v3 =	vmul.f32 v51, v2  }
0x1a3: {  	v60 =	vld [tilespmem:s22+$0x1C460];
	v59 =	vmul.f32 v52, v2;
	[tilespmem:s22+$0x1C3F0] =	vst v56  }
0x1a4: {  	v61 =	vld [tilespmem:s22+$0x1C470];
	[tilespmem:s22+$0x1C400] =	vst v3;
	v3 =	vmul.f32 v54, v2  }
0x1a5: {  	[tilespmem:s22+$0x1C410] =	vst v59;
	v63 =	vmul.f32 v58, v2  }
0x1a6: {  	p1 =	sne.s32 s10, $0x7;
	[tilespmem:s22+$0x1C420] =	vst v3;
	v3 =	vmul.f32 v57, v2  }
.Ltmp2:
0x1a7: {  	v62 =	vmul.f32 v55, v2;
	[tilespmem:s22+$0x1C450] =	vst v63;
	(pc) =	sbr.rel @p1 .LBB2_7-.Ltmp2, $4  }
0x1a8: {  	[tilespmem:s22+$0x1C440] =	vst v3;
	v3 =	vmul.f32 v60, v2  }
0x1a9: {  	[tilespmem:s22+$0x1C430] =	vst v62;
	v2 =	vmul.f32 v61, v2  }
0x1aa: {  	[tilespmem:s22+$0x1C460] =	vst v3  }
0x1ab: {  	s10 =	sadd.s32 $0x1, s10;
	[tilespmem:s22+$0x1C470] =	vst v2  }
0x1ac: {  	s9 =	sadd.s32 $0x14080, s9  }
0x1ad: {  	[spmem:s0] =	stream.indirect.scatter.add.f32 [tilespmem:s1], [sflag:$0x4], $0x80, s9, s31, $0xb8;
	[tilespmem:$0x1FF80] =	vst v63  }
0x1ae: {  	s10 =	sshll.u32 s8, $0x1  }
0x1af: {  	[spmem:s4] =	stream.indirect.scatter.add.f32 [tilespmem:s26], [sflag:$0x6], $0x1, s9, s31, $0xb8;
	[tilespmem:$0x1FF80] =	vst v63  }
0x1b0: {  	s22 =	smin.u32 s10, $0x25;
	_ =	swait.ge [sflag:s29], $0x4000  }
0x1b1: {  	s9 =	sshll.u32 s22, $0x7;
	[sflag:s29] =	ssyncset.done $0x0  }
0x1b2: {  	s9 =	sadd.s32 $0x15580, s9;
	[sflag:s29] =	ssyncadd.s32 $0xFFFFC000  }
0x1b3: {  	[tilespmem:s24], [sflag:$0x1] =	stream.indirect.gather [spmem:s3], $0x80, s9, s31, $0xb8;
	[tilespmem:$0x1FF80] =	vst v63  }
0x1b4: {  	_ =	swait.ge [sflag:s30], $0x4000  }
0x1b5: {  	[sflag:s30] =	ssyncset.done $0x0  }
0x1b6: {  	s8 =	sadd.s32 $0x1, s8;
	[sflag:s30] =	ssyncadd.s32 $0xFFFFC000  }
0x1b7: {  	p1 =	sne.s32 s8, $0x14;
	_ =	swait.ge [sflag:s2], $0x80  }
.Ltmp3:
0x1b8: {  	[sflag:s2] =	ssyncset.done $0x0;
	(pc) =	sbr.rel @p1 .LBB2_4-.Ltmp3, $4  }
0x1b9: {  	[sflag:s2] =	ssyncadd.s32 $0xFFFFFF80  }
0x1ba: {  	_ =	swait.ge [sflag:s6], $0x80  }
0x1bb: {  	[sflag:s6] =	ssyncset.done $0x0  }
0x1bc: {  	[sflag:s6] =	ssyncadd.s32 $0xFFFFFF80  }
0x1bd: {  	_ =	swait.ge [sflag:s28], $0x4000  }
0x1be: {  	s8 =	stileid.u32;
	[sflag:s28] =	ssyncset.done $0x0  }
0x1bf: {  	s8 =	sshll.u32 s8, $0x6;
	[sflag:s28] =	ssyncadd.s32 $0xFFFFC000  }
0x1c0: {  	s9 =	sshrl.u32 s11, $0x3;
	s8 =	sor.u32 $0x1C07, s8;
	[bflag:$0x0] =	sbarrier.arrive $0xFFFF  }
0x1c1: {  	[hbm:s18], [sflag:s8] =	dma.local [spmem:s9], $0x2000  }
0x1c2: {  	s22 =	sshrl.u32 s15, $0x3;
	s7 =	sadd.s32 $0x1, s7;
	_ =	swait.ge [sflag:s25], $0x2000  }
0x1c3: {  	s10 =	simm.s32 $0x20;
	p1 =	sne.s32 s7, s20;
	[sflag:s25] =	ssyncset.done $0x0  }
.Ltmp4:
0x1c4: {  	s12 =	simm.s32 $0x10;
	[sflag:s25] =	ssyncadd.s32 $0xFFFFE000;
	(pc) =	sbr.rel @p1 .LBB2_1-.Ltmp4, $4  }
0x1c5: {  	[hbm:s19@s10], [sflag:s8] =	dma.strided [spmem:s22@s12], $0x40, s28, $0x10   }
0x1c6: {  	_ =	swait.ge [sflag:s25], $0x40  }
0x1c7: {  	[sflag:s25] =	ssyncset.done $0x0  }
0x1c8: {  	s12 =	simm.s32 $0x15480;
	[sflag:s25] =	ssyncadd.s32 $0xFFFFFFC0  }
0x1c9: {  	_ =	sfence.sel $0x180000  }
0x1ca: {  	[bflag:$0x0] =	sbarrier.arrive $0xFFFF  }
0x1cb: {  	_ =	strace $0x90000047  }
0x1cc: {  	s0 =	stileid.u32;
	[bflag:$0x2] =	sbarrier.arrive $0xFFFF  }
0x1cd: {  	p0 =	sne.s32 s0, $0x0;
	s0 =	rddreg [dreg:$0x5]  }
0x1ce: {  	s0 =	sadd.s32 @!p0 $0x100000, s0  }
0x1cf: {  	[sflag:s0] =	ssyncadd.tile.s32 @!p0 $0x1;
	_ =	shalt  }
.Lfunc_end2:
_tile_overlayer_lowered:
.L_overlay_start_2:
0x1d0: {  	(tag) =	ssettag $0x2  }
0x1d1: {  	s0 =	rddreg [dreg:$0x0];
	s2 =	stileid.u32  }
0x1d2: {  	s1 =	rddreg [dreg:$0x1];
	p0 =	sne.s32 s2, $0x0  }
0x1d3: {  	s3 =	rddreg [dreg:$0x2];
	[bflag:$0x3] =	sbarrier.arrive $0xFFFF;
	s2 =	simm.s32 @!p0 $0x1C07  }
0x1d4: {  	[timem:s3], [sflag:s2] =	dma.local @!p0 [hbm:s0], s1  }
0x1d5: {  	s0 =	simm.s32 @!p0 $0x7  }
0x1d6: {  	_ =	swait.ge @!p0 [sflag:s0], s1  }
0x1d7: {  	s1 =	ssub.s32 @!p0 $0x0, s1;
	[sflag:s0] =	ssyncset.done @!p0 $0x0  }
0x1d8: {  	[sflag:s0] =	ssyncadd.s32 @!p0 s1  }
0x1d9: {  	[bflag:$0x3] =	sbarrier.arrive $0xFFFF  }
0x1da: {  	_ =	shalt  }

</sc_bundles>
